<compile_context>
chip_gen: v7x
topology: tpu7x:2x2x1
jax: 0.10.2.dev20260603
libtpu: 0.0.44.dev20260713+nightly
codegen_flags: <defaults>
</compile_context>

<pallas_src>
import functools

import jax
import jax.numpy as jnp
from jax import lax
from jax.experimental import pallas as pl
from jax.experimental.pallas import tpu as pltpu
from jax.experimental.pallas import tpu_sc as plsc

N_USERS = 25000
N_NODES = 50000
DIM = 64
N_EDGES = 800000
HALF = 25000
ACC_ROWS = 25008
DUMMY = HALF
NC, NS = 2, 16
EPW = N_EDGES // NS
OUTER = 2000
SUB = 80
RPW = ACC_ROWS // NS
OCH = 50
NSUB = EPW // SUB
SPO = OUTER // SUB
NOCH = HALF // OCH
PAIRS = 4096
PPW = PAIRS // (NC * NS)

_mesh = plsc.VectorSubcoreMesh(core_axis_name="c", subcore_axis_name="s")

_BCAST_DNUMS = lax.GatherDimensionNumbers(
    offset_dims=(), collapsed_slice_dims=(0,), start_index_map=(0,))


def _bcast(v, j):
    idx = jnp.full((16,), j, dtype=jnp.int32)
    return lax.gather(v, idx[:, None], _BCAST_DNUMS, (1,),
                      mode=lax.GatherScatterMode.PROMISE_IN_BOUNDS)


@functools.partial(
    pl.kernel,
    out_type=jax.ShapeDtypeStruct((N_NODES, DIM), jnp.float32),
    mesh=_mesh,
    compiler_params=pltpu.CompilerParams(use_tc_tiling_on_sc=False, needs_layout_passes=False),
    scratch_types=[
        pltpu.VMEM_SHARED((ACC_ROWS, DIM), jnp.float32),
        pltpu.VMEM((OUTER,), jnp.int32),
        pltpu.VMEM((OUTER,), jnp.int32),
        pltpu.VMEM((OUTER,), jnp.float32),
        pltpu.VMEM((2, SUB), jnp.int32),
        pltpu.VMEM((2, SUB, DIM), jnp.float32),
        pltpu.VMEM((OCH, DIM), jnp.float32),
        pltpu.VMEM((OCH, DIM), jnp.float32),
        pltpu.SemaphoreType.DMA,
        pltpu.SemaphoreType.DMA,
    ],
)
def _spmm(emb_in, src_hbm, dst_hbm, val_hbm, zeros_hbm, out,
          acc, srcst, dstst, valst, idx2, rows2, inbuf, accbuf, gsem, ssem):
    c = lax.axis_index("c")
    s = lax.axis_index("s")
    pltpu.sync_copy(zeros_hbm, acc.at[pl.ds(s * RPW, RPW)])
    plsc.subcore_barrier()

    base_w = s * EPW

    def stage(o):
        ob = base_w + o * OUTER
        pltpu.sync_copy(src_hbm.at[pl.ds(ob, OUTER)], srcst)
        pltpu.sync_copy(dst_hbm.at[pl.ds(ob, OUTER)], dstst)
        pltpu.sync_copy(val_hbm.at[pl.ds(ob, OUTER)], valst)

    def issue_gather(u, b):
        w0 = lax.rem(u, SPO) * SUB
        pltpu.async_copy(emb_in.at[srcst.at[pl.ds(w0, SUB)]], rows2.at[b], gsem)

    def wait_gather(b):
        pltpu.make_async_copy(emb_in.at[srcst.at[pl.ds(0, SUB)]],
                              rows2.at[b], gsem).wait()

    def wait_scatter(b):
        pltpu.make_async_copy(rows2.at[b], acc.at[idx2.at[b]], ssem).wait()

    stage(0)
    issue_gather(0, 0)

    def body(u, _):
        b = lax.rem(u, 2)
        nb = 1 - b
        wait_gather(b)
        boundary = lax.rem(u + 1, SPO) == 0
        notlast = u + 1 < NSUB

        @pl.when(u > 0)
        def _():
            wait_scatter(nb)

        @pl.when(notlast & jnp.logical_not(boundary))
        def _():
            issue_gather(u + 1, nb)

        w0 = lax.rem(u, SPO) * SUB

        def grp(q, _):
            go = w0 + q * 16
            dv = dstst[pl.ds(go, 16)]
            rel = dv - c * HALF
            ok = (rel >= 0) & (rel < HALF)
            idx2[b, pl.ds(q * 16, 16)] = jnp.where(ok, rel, DUMMY)
            vv = valst[pl.ds(go, 16)]
            for j in range(16):
                vb = _bcast(vv, j)
                r = q * 16 + j
                for k in range(4):
                    sl = pl.ds(k * 16, 16)
                    rows2[b, r, sl] = rows2[b, r, sl] * vb
            return 0

        lax.fori_loop(0, SUB // 16, grp, 0)

        @pl.when(boundary & notlast)
        def _():
            stage((u + 1) // SPO)
            issue_gather(u + 1, nb)

        pltpu.async_copy(rows2.at[b], acc.at[idx2.at[b]], ssem, add=True)
        return 0

    lax.fori_loop(0, NSUB, body, 0)
    wait_scatter((NSUB - 1) % 2)
    plsc.subcore_barrier()

    nch = (NOCH - s + NS - 1) // NS

    def och_body(t, _):
        ch = s + t * NS
        rel0 = ch * OCH
        row0 = c * HALF + rel0
        pltpu.sync_copy(emb_in.at[pl.ds(row0, OCH)], inbuf)
        pltpu.sync_copy(acc.at[pl.ds(rel0, OCH)], accbuf)

        def rowb(r, _):
            for k in range(4):
                sl = pl.ds(k * 16, 16)
                accbuf[r, sl] = 0.2 * inbuf[r, sl] + 0.8 * accbuf[r, sl]
            return 0

        lax.fori_loop(0, OCH, rowb, 0)
        pltpu.sync_copy(accbuf, out.at[pl.ds(row0, OCH)])
        return 0

    lax.fori_loop(0, nch, och_body, 0)


@functools.partial(
    pl.kernel,
    out_type=jax.ShapeDtypeStruct((PAIRS,), jnp.float32),
    mesh=_mesh,
    compiler_params=pltpu.CompilerParams(use_tc_tiling_on_sc=False, needs_layout_passes=False),
    scratch_types=[
        pltpu.VMEM((PPW,), jnp.int32),
        pltpu.VMEM((PPW,), jnp.int32),
        pltpu.VMEM((PPW, DIM), jnp.float32),
        pltpu.VMEM((PPW, DIM), jnp.float32),
        pltpu.VMEM((PPW,), jnp.float32),
        pltpu.SemaphoreType.DMA,
    ],
)
def _pairdot(e0, e1, e2, e3, users, items, out,
             uidx, iidx, ubuf, ibuf, gbuf, sem):
    c = lax.axis_index("c")
    s = lax.axis_index("s")
    w = s * NC + c
    pb = w * PPW
    pltpu.sync_copy(users.at[pl.ds(pb, PPW)], uidx)
    pltpu.sync_copy(items.at[pl.ds(pb, PPW)], iidx)

    def addoff(q, _):
        sl = pl.ds(q * 16, 16)
        iidx[sl] = iidx[sl] + N_USERS
        return 0

    lax.fori_loop(0, PPW // 16, addoff, 0)

    pltpu.async_copy(e0.at[uidx], ubuf, sem).wait()
    pltpu.async_copy(e1.at[uidx], ubuf, sem, add=True).wait()
    pltpu.async_copy(e2.at[uidx], ubuf, sem, add=True).wait()
    pltpu.async_copy(e3.at[uidx], ubuf, sem, add=True).wait()
    pltpu.async_copy(e0.at[iidx], ibuf, sem).wait()
    pltpu.async_copy(e1.at[iidx], ibuf, sem, add=True).wait()
    pltpu.async_copy(e2.at[iidx], ibuf, sem, add=True).wait()
    pltpu.async_copy(e3.at[iidx], ibuf, sem, add=True).wait()

    lanes = lax.broadcasted_iota(jnp.int32, (16,), 0)

    def gloop(g, _):
        rows16 = lanes + g * 16

        def dloop(d, a):
            dd = jnp.full((16,), 0, jnp.int32) + d
            uu = plsc.load_gather(ubuf, [rows16, dd])
            ii = plsc.load_gather(ibuf, [rows16, dd])
            return a + uu * ii

        a = lax.fori_loop(0, DIM, dloop, jnp.zeros((16,), jnp.float32))
        gbuf[pl.ds(g * 16, 16)] = a * 0.0625
        return 0

    lax.fori_loop(0, PPW // 16, gloop, 0)
    pltpu.sync_copy(gbuf, out.at[pl.ds(pb, PPW)])


def kernel(users, items, edge_index, edge_vals, user_emb, item_emb):
    all0 = jnp.concatenate([user_emb, item_emb], axis=0)
    dst = edge_index[0]
    src = edge_index[1]
    zeros = jnp.zeros((RPW, DIM), jnp.float32)
    e1 = _spmm(all0, src, dst, edge_vals, zeros)
    e2 = _spmm(e1, src, dst, edge_vals, zeros)
    e3 = _spmm(e2, src, dst, edge_vals, zeros)
    return _pairdot(all0, e1, e2, e3, users, items)

# --- scband reference (transcript-rebuilt; emitter-appended) ---
"""Pipeline reference for scband-eghg-13134009991424 (READ-ONLY COPY).

The authoritative reference and input builder live on the scoring server;
editing this copy changes nothing except your own understanding.
"""

import jax, jax.numpy as jnp
import numpy as np

NUM_USERS = 25000
NUM_ITEMS = 25000
N_EDGES = 800000
DIM = 64
N_LAYERS = 3
K = 0.8
B = 4096


def setup_inputs(seed: int = 0):
    key = jax.random.key(seed)
    k1, k2, k3, k4, k5, k6 = jax.random.split(key, 6)
    users = jax.random.randint(k1, (B,), 0, NUM_USERS)
    items = jax.random.randint(k2, (B,), 0, NUM_ITEMS)
    edge_index = jax.random.randint(k3, (2, N_EDGES), 0, NUM_USERS + NUM_ITEMS)
    # normalized adjacency values (D^-1/2 A D^-1/2 style), small positive
    edge_vals = jax.random.uniform(k4, (N_EDGES,), dtype=jnp.float32) * 0.01
    # xavier-style init embedding tables (learned parameters)
    user_emb = jax.random.normal(k5, (NUM_USERS, DIM), dtype=jnp.float32) * 0.1
    item_emb = jax.random.normal(k6, (NUM_ITEMS, DIM), dtype=jnp.float32) * 0.1
    return {"users": users, "items": items, "edge_index": edge_index,
            "edge_vals": edge_vals, "user_emb": user_emb, "item_emb": item_emb}


def reference(users, items, edge_index, edge_vals, user_emb, item_emb):
    # EGHG.forward with config: mlp=0, cache=0, dropout=0, A_split=False.
    # Graph = (1-k)*I + k*A  =>  sparse.mm(Graph, E) = (1-k)*E + k*A@E
    N = NUM_USERS + NUM_ITEMS
    all_emb = jnp.concatenate([user_emb, item_emb], axis=0)
    embs = [all_emb]
    dst = edge_index[0]
    src = edge_index[1]
    for _ in range(N_LAYERS):
        msg = jnp.take(all_emb, src, axis=0) * edge_vals[:, None]  # gather
        agg = jax.ops.segment_sum(msg, dst, num_segments=N)        # scatter-add
        all_emb = (1.0 - K) * all_emb + K * agg
        embs.append(all_emb)
    stacked = jnp.stack(embs, axis=1)
    light_out = jnp.mean(stacked, axis=1)
    all_users = light_out[:NUM_USERS]
    all_items = light_out[NUM_USERS:]
    users_emb = jnp.take(all_users, users, axis=0)
    items_emb = jnp.take(all_items, items, axis=0)
    gamma = jnp.sum(users_emb * items_emb, axis=1)
    return gamma

if __name__ == "__main__":
    import jax
    _d = setup_inputs()
    print(jax.jit(kernel)(*tuple(_d.values())))

</pallas_src>

<mosaic_0001>
#map = affine_map<(d0, d1) -> (0, 0)>
#map1 = affine_map<(d0, d1) -> (0)>
module attributes {stable_mosaic.version = 14 : i64} {
  func.func @_spmm(%arg0: i32, %arg1: i32, %arg2: memref<50000x64xf32, #tpu.memory_space<hbm>>, %arg3: memref<800000xi32, #tpu.memory_space<hbm>>, %arg4: memref<800000xi32, #tpu.memory_space<hbm>>, %arg5: memref<800000xf32, #tpu.memory_space<hbm>>, %arg6: memref<1563x64xf32, #tpu.memory_space<hbm>>, %arg7: memref<50000x64xf32, #tpu.memory_space<hbm>>, %arg8: memref<25008x64xf32, #tpu.memory_space<vmem_shared>>, %arg9: memref<2000xi32, #tpu.memory_space<vmem>>, %arg10: memref<2000xi32, #tpu.memory_space<vmem>>, %arg11: memref<2000xf32, #tpu.memory_space<vmem>>, %arg12: memref<2x80xi32, #tpu.memory_space<vmem>>, %arg13: memref<2x80x64xf32, #tpu.memory_space<vmem>>, %arg14: memref<50x64xf32, #tpu.memory_space<vmem>>, %arg15: memref<50x64xf32, #tpu.memory_space<vmem>>, %arg16: memref<!tpu.dma_semaphore, #tpu.memory_space<semaphore_mem>>, %arg17: memref<!tpu.dma_semaphore, #tpu.memory_space<semaphore_mem>>) attributes {dimension_semantics = [#tpu.dimension_semantics<core_parallel>, #tpu.dimension_semantics<subcore_parallel>], iteration_bounds = array<i64: 2, 16>, scalar_prefetch = 0 : i64, scratch_operands = 10 : i64, tpu.core_type = #tpu.core_type<sc_vector_subcore>, window_params = [{transform_indices = #map}, {transform_indices = #map1}, {transform_indices = #map1}, {transform_indices = #map1}, {transform_indices = #map}, {transform_indices = #map}]} {
    %mul3A = arith.constant 1563 : i32
    %mul3A_0 = arith.muli %arg1, %mul3A : i32
    "tpu.region"() ({
      %run_scoped3A = tpu.sem_alloc : memref<!tpu.dma_semaphore, #tpu.memory_space<semaphore_mem>>
      %dma_start3A_68 = arith.constant 0 : i32
      %dma_start3A_69 = tpu.memref_slice %arg8[%mul3A_0, %dma_start3A_68] : memref<25008x64xf32, #tpu.memory_space<vmem_shared>> -> memref<1563x64xf32, #tpu.memory_space<vmem_shared>>
      tpu.enqueue_dma source(%arg6 : memref<1563x64xf32, #tpu.memory_space<hbm>>) target(%dma_start3A_69 : memref<1563x64xf32, #tpu.memory_space<vmem_shared>>) target_semaphore(%run_scoped3A : memref<!tpu.dma_semaphore, #tpu.memory_space<semaphore_mem>>)
      %dma_wait3A_70 = arith.constant 0 : i32
      %dma_wait3A_71 = tpu.memref_slice %arg8[%mul3A_0, %dma_wait3A_70] : memref<25008x64xf32, #tpu.memory_space<vmem_shared>> -> memref<1563x64xf32, #tpu.memory_space<vmem_shared>>
      tpu.wait_dma2 semaphore(%run_scoped3A : memref<!tpu.dma_semaphore, #tpu.memory_space<semaphore_mem>>) src(%arg6 : memref<1563x64xf32, #tpu.memory_space<hbm>>) dst(%dma_wait3A_71 : memref<1563x64xf32, #tpu.memory_space<vmem_shared>>)
      tpu.yield
    }) : () -> ()
    %barrier3A = arith.constant 0 : index
    tpu.barrier barrier_id(%barrier3A)
    %mul3A_1 = arith.constant 50000 : i32
    %mul3A_2 = arith.muli %arg1, %mul3A_1 : i32
    %add3A = arith.constant 0 : i32
    %add3A_3 = arith.addi %mul3A_2, %add3A : i32
    "tpu.region"() ({
      %run_scoped3A = tpu.sem_alloc : memref<!tpu.dma_semaphore, #tpu.memory_space<semaphore_mem>>
      %dma_start3A_68 = tpu.memref_slice %arg3[%add3A_3] : memref<800000xi32, #tpu.memory_space<hbm>> -> memref<2000xi32, #tpu.memory_space<hbm>>
      %dma_start3A_69 = tpu.memref_slice %arg3[%add3A_3] : memref<800000xi32, #tpu.memory_space<hbm>> -> memref<2000xi32, #tpu.memory_space<hbm>>
      tpu.enqueue_dma source(%dma_start3A_69 : memref<2000xi32, #tpu.memory_space<hbm>>) target(%arg9 : memref<2000xi32, #tpu.memory_space<vmem>>) target_semaphore(%run_scoped3A : memref<!tpu.dma_semaphore, #tpu.memory_space<semaphore_mem>>)
      %dma_wait3A_70 = tpu.memref_slice %arg3[%add3A_3] : memref<800000xi32, #tpu.memory_space<hbm>> -> memref<2000xi32, #tpu.memory_space<hbm>>
      %dma_wait3A_71 = tpu.memref_slice %arg3[%add3A_3] : memref<800000xi32, #tpu.memory_space<hbm>> -> memref<2000xi32, #tpu.memory_space<hbm>>
      tpu.wait_dma2 semaphore(%run_scoped3A : memref<!tpu.dma_semaphore, #tpu.memory_space<semaphore_mem>>) src(%dma_wait3A_71 : memref<2000xi32, #tpu.memory_space<hbm>>) dst(%arg9 : memref<2000xi32, #tpu.memory_space<vmem>>)
      tpu.yield
    }) : () -> ()
    "tpu.region"() ({
      %run_scoped3A = tpu.sem_alloc : memref<!tpu.dma_semaphore, #tpu.memory_space<semaphore_mem>>
      %dma_start3A_68 = tpu.memref_slice %arg4[%add3A_3] : memref<800000xi32, #tpu.memory_space<hbm>> -> memref<2000xi32, #tpu.memory_space<hbm>>
      %dma_start3A_69 = tpu.memref_slice %arg4[%add3A_3] : memref<800000xi32, #tpu.memory_space<hbm>> -> memref<2000xi32, #tpu.memory_space<hbm>>
      tpu.enqueue_dma source(%dma_start3A_69 : memref<2000xi32, #tpu.memory_space<hbm>>) target(%arg10 : memref<2000xi32, #tpu.memory_space<vmem>>) target_semaphore(%run_scoped3A : memref<!tpu.dma_semaphore, #tpu.memory_space<semaphore_mem>>)
      %dma_wait3A_70 = tpu.memref_slice %arg4[%add3A_3] : memref<800000xi32, #tpu.memory_space<hbm>> -> memref<2000xi32, #tpu.memory_space<hbm>>
      %dma_wait3A_71 = tpu.memref_slice %arg4[%add3A_3] : memref<800000xi32, #tpu.memory_space<hbm>> -> memref<2000xi32, #tpu.memory_space<hbm>>
      tpu.wait_dma2 semaphore(%run_scoped3A : memref<!tpu.dma_semaphore, #tpu.memory_space<semaphore_mem>>) src(%dma_wait3A_71 : memref<2000xi32, #tpu.memory_space<hbm>>) dst(%arg10 : memref<2000xi32, #tpu.memory_space<vmem>>)
      tpu.yield
    }) : () -> ()
    "tpu.region"() ({
      %run_scoped3A = tpu.sem_alloc : memref<!tpu.dma_semaphore, #tpu.memory_space<semaphore_mem>>
      %dma_start3A_68 = tpu.memref_slice %arg5[%add3A_3] : memref<800000xf32, #tpu.memory_space<hbm>> -> memref<2000xf32, #tpu.memory_space<hbm>>
      %dma_start3A_69 = tpu.memref_slice %arg5[%add3A_3] : memref<800000xf32, #tpu.memory_space<hbm>> -> memref<2000xf32, #tpu.memory_space<hbm>>
      tpu.enqueue_dma source(%dma_start3A_69 : memref<2000xf32, #tpu.memory_space<hbm>>) target(%arg11 : memref<2000xf32, #tpu.memory_space<vmem>>) target_semaphore(%run_scoped3A : memref<!tpu.dma_semaphore, #tpu.memory_space<semaphore_mem>>)
      %dma_wait3A_70 = tpu.memref_slice %arg5[%add3A_3] : memref<800000xf32, #tpu.memory_space<hbm>> -> memref<2000xf32, #tpu.memory_space<hbm>>
      %dma_wait3A_71 = tpu.memref_slice %arg5[%add3A_3] : memref<800000xf32, #tpu.memory_space<hbm>> -> memref<2000xf32, #tpu.memory_space<hbm>>
      tpu.wait_dma2 semaphore(%run_scoped3A : memref<!tpu.dma_semaphore, #tpu.memory_space<semaphore_mem>>) src(%dma_wait3A_71 : memref<2000xf32, #tpu.memory_space<hbm>>) dst(%arg11 : memref<2000xf32, #tpu.memory_space<vmem>>)
      tpu.yield
    }) : () -> ()
    %rem3A = arith.constant 0 : i32
    %rem3A_4 = arith.constant 25 : i32
    %rem3A_5 = arith.remsi %rem3A, %rem3A_4 : i32
    %mul3A_6 = arith.constant 80 : i32
    %mul3A_7 = arith.muli %rem3A_5, %mul3A_6 : i32
    %dma_start3A = arith.constant 0 : i32
    %dma_start3A_8 = arith.constant 0 : i32
    %dma_start3A_9 = arith.constant 0 : i32
    %dma_start3A_10 = tpu.memref_slice %arg13[%dma_start3A, %dma_start3A_8, %dma_start3A_9] : memref<2x80x64xf32, #tpu.memory_space<vmem>> -> memref<1x80x64xf32, #tpu.memory_space<vmem>>
    %dma_start3A_11 = tpu.memref_squeeze %dma_start3A_10 : memref<1x80x64xf32, #tpu.memory_space<vmem>> -> memref<80x64xf32, #tpu.memory_space<vmem>>
    %dma_start3A_12 = tpu.memref_slice %arg9[%mul3A_7] : memref<2000xi32, #tpu.memory_space<vmem>> -> memref<80xi32, #tpu.memory_space<vmem>>
    %dma_start3A_13 = arith.constant 0 : i32
    %dma_start3A_14 = arith.constant 0 : i32
    %dma_start3A_15 = tpu.memref_slice %arg2[%dma_start3A_13, %dma_start3A_14] : memref<50000x64xf32, #tpu.memory_space<hbm>> -> memref<50000x64xf32, #tpu.memory_space<hbm>>
    tpu.enqueue_indirect_dma source(%dma_start3A_15 : memref<50000x64xf32, #tpu.memory_space<hbm>>) target(%dma_start3A_11 : memref<80x64xf32, #tpu.memory_space<vmem>>) offsets(%dma_start3A_12 : memref<80xi32, #tpu.memory_space<vmem>>) semaphore(%arg16 : memref<!tpu.dma_semaphore, #tpu.memory_space<semaphore_mem>>)
    %scan3A = arith.constant 0 : i32
    %scan3A_16 = arith.constant 0 : i32
    %scan3A_17 = arith.constant 625 : i32
    %scan3A_18 = arith.addi %scan3A_16, %scan3A_17 : i32
    %scan3A_19 = arith.constant 1 : i32
    %scan3A_20 = scf.for %scan3A_68 = %scan3A_16 to %scan3A_18 step %scan3A_19 iter_args(%scan3A_69 = %scan3A) -> (i32)  : i32 {
      %rem3A_70 = arith.constant 2 : i32
      %rem3A_71 = arith.remsi %scan3A_68, %rem3A_70 : i32
      %sub3A_72 = arith.constant 1 : i32
      %sub3A_73 = arith.subi %sub3A_72, %rem3A_71 : i32
      %dma_wait3A_74 = arith.constant 0 : i32
      %dma_wait3A_75 = arith.constant 0 : i32
      %dma_wait3A_76 = tpu.memref_slice %arg13[%rem3A_71, %dma_wait3A_74, %dma_wait3A_75] : memref<2x80x64xf32, #tpu.memory_space<vmem>> -> memref<1x80x64xf32, #tpu.memory_space<vmem>>
      %dma_wait3A_77 = tpu.memref_squeeze %dma_wait3A_76 : memref<1x80x64xf32, #tpu.memory_space<vmem>> -> memref<80x64xf32, #tpu.memory_space<vmem>>
      %dma_wait3A_78 = arith.constant 0 : i32
      %dma_wait3A_79 = tpu.memref_slice %arg9[%dma_wait3A_78] : memref<2000xi32, #tpu.memory_space<vmem>> -> memref<80xi32, #tpu.memory_space<vmem>>
      %dma_wait3A_80 = arith.constant 0 : i32
      %dma_wait3A_81 = arith.constant 0 : i32
      %dma_wait3A_82 = tpu.memref_slice %arg2[%dma_wait3A_80, %dma_wait3A_81] : memref<50000x64xf32, #tpu.memory_space<hbm>> -> memref<50000x64xf32, #tpu.memory_space<hbm>>
      tpu.wait_indirect_dma semaphore(%arg16 : memref<!tpu.dma_semaphore, #tpu.memory_space<semaphore_mem>>) src(%dma_wait3A_82 : memref<50000x64xf32, #tpu.memory_space<hbm>>) dst(%dma_wait3A_77 : memref<80x64xf32, #tpu.memory_space<vmem>>)
      %add3A_83 = arith.constant 1 : i32
      %add3A_84 = arith.addi %scan3A_68, %add3A_83 : i32
      %rem3A_85 = arith.constant 25 : i32
      %rem3A_86 = arith.remsi %add3A_84, %rem3A_85 : i32
      %eq3A = arith.constant 0 : i32
      %eq3A_87 = arith.cmpi eq, %rem3A_86, %eq3A : i32
      %add3A_88 = arith.constant 1 : i32
      %add3A_89 = arith.addi %scan3A_68, %add3A_88 : i32
      %lt3A = arith.constant 625 : i32
      %lt3A_90 = arith.cmpi slt, %add3A_89, %lt3A : i32
      %gt3A = arith.constant 0 : i32
      %gt3A_91 = arith.cmpi sgt, %scan3A_68, %gt3A : i32
      %convert_element_type3A = arith.extui %gt3A_91 : i1 to i32
      %cond3A = arith.constant 0 : i32
      %cond3A_92 = arith.cmpi ne, %convert_element_type3A, %cond3A : i32
      scf.if %cond3A_92 {
        %dma_wait3A_124 = arith.constant 0 : i32
        %dma_wait3A_125 = arith.constant 0 : i32
        %dma_wait3A_126 = tpu.memref_slice %arg13[%sub3A_73, %dma_wait3A_124, %dma_wait3A_125] : memref<2x80x64xf32, #tpu.memory_space<vmem>> -> memref<1x80x64xf32, #tpu.memory_space<vmem>>
        %dma_wait3A_127 = tpu.memref_squeeze %dma_wait3A_126 : memref<1x80x64xf32, #tpu.memory_space<vmem>> -> memref<80x64xf32, #tpu.memory_space<vmem>>
        %dma_wait3A_128 = arith.constant 0 : i32
        %dma_wait3A_129 = tpu.memref_slice %arg12[%sub3A_73, %dma_wait3A_128] : memref<2x80xi32, #tpu.memory_space<vmem>> -> memref<1x80xi32, #tpu.memory_space<vmem>>
        %dma_wait3A_130 = tpu.memref_squeeze %dma_wait3A_129 : memref<1x80xi32, #tpu.memory_space<vmem>> -> memref<80xi32, #tpu.memory_space<vmem>>
        %dma_wait3A_131 = arith.constant 0 : i32
        %dma_wait3A_132 = arith.constant 0 : i32
        %dma_wait3A_133 = tpu.memref_slice %arg8[%dma_wait3A_131, %dma_wait3A_132] : memref<25008x64xf32, #tpu.memory_space<vmem_shared>> -> memref<25008x64xf32, #tpu.memory_space<vmem_shared>>
        tpu.wait_indirect_dma semaphore(%arg17 : memref<!tpu.dma_semaphore, #tpu.memory_space<semaphore_mem>>) src(%dma_wait3A_127 : memref<80x64xf32, #tpu.memory_space<vmem>>) dst(%dma_wait3A_133 : memref<25008x64xf32, #tpu.memory_space<vmem_shared>>)
      } else {
      }
      %not3A = arith.constant true
      %not3A_93 = arith.xori %eq3A_87, %not3A : i1
      %and3A_94 = arith.andi %lt3A_90, %not3A_93 : i1
      %convert_element_type3A_95 = arith.extui %and3A_94 : i1 to i32
      %cond3A_96 = arith.constant 0 : i32
      %cond3A_97 = arith.cmpi ne, %convert_element_type3A_95, %cond3A_96 : i32
      scf.if %cond3A_97 {
        %add3A_124 = arith.constant 1 : i32
        %add3A_125 = arith.addi %scan3A_68, %add3A_124 : i32
        %rem3A_126 = arith.constant 25 : i32
        %rem3A_127 = arith.remsi %add3A_125, %rem3A_126 : i32
        %mul3A_128 = arith.constant 80 : i32
        %mul3A_129 = arith.muli %rem3A_127, %mul3A_128 : i32
        %dma_start3A_130 = arith.constant 0 : i32
        %dma_start3A_131 = arith.constant 0 : i32
        %dma_start3A_132 = tpu.memref_slice %arg13[%sub3A_73, %dma_start3A_130, %dma_start3A_131] : memref<2x80x64xf32, #tpu.memory_space<vmem>> -> memref<1x80x64xf32, #tpu.memory_space<vmem>>
        %dma_start3A_133 = tpu.memref_squeeze %dma_start3A_132 : memref<1x80x64xf32, #tpu.memory_space<vmem>> -> memref<80x64xf32, #tpu.memory_space<vmem>>
        %dma_start3A_134 = tpu.memref_slice %arg9[%mul3A_129] : memref<2000xi32, #tpu.memory_space<vmem>> -> memref<80xi32, #tpu.memory_space<vmem>>
        %dma_start3A_135 = arith.constant 0 : i32
        %dma_start3A_136 = arith.constant 0 : i32
        %dma_start3A_137 = tpu.memref_slice %arg2[%dma_start3A_135, %dma_start3A_136] : memref<50000x64xf32, #tpu.memory_space<hbm>> -> memref<50000x64xf32, #tpu.memory_space<hbm>>
        tpu.enqueue_indirect_dma source(%dma_start3A_137 : memref<50000x64xf32, #tpu.memory_space<hbm>>) target(%dma_start3A_133 : memref<80x64xf32, #tpu.memory_space<vmem>>) offsets(%dma_start3A_134 : memref<80xi32, #tpu.memory_space<vmem>>) semaphore(%arg16 : memref<!tpu.dma_semaphore, #tpu.memory_space<semaphore_mem>>)
      } else {
      }
      %rem3A_98 = arith.constant 25 : i32
      %rem3A_99 = arith.remsi %scan3A_68, %rem3A_98 : i32
      %mul3A_100 = arith.constant 80 : i32
      %mul3A_101 = arith.muli %rem3A_99, %mul3A_100 : i32
      %scan3A_102 = arith.constant 0 : i32
      %scan3A_103 = arith.constant 0 : i32
      %scan3A_104 = arith.constant 5 : i32
      %scan3A_105 = arith.addi %scan3A_103, %scan3A_104 : i32
      %scan3A_106 = arith.constant 1 : i32
      %scan3A_107 = scf.for %scan3A_124 = %scan3A_103 to %scan3A_105 step %scan3A_106 iter_args(%scan3A_125 = %scan3A_102) -> (i32)  : i32 {
        %mul3A_126 = arith.constant 16 : i32
        %mul3A_127 = arith.muli %scan3A_124, %mul3A_126 : i32
        %add3A_128 = arith.addi %mul3A_101, %mul3A_127 : i32
        %get3A = arith.index_cast %add3A_128 : i32 to index
        %get3A_129 = tpu.vector_load %arg10[%get3A] {strides = array<i32>} : memref<2000xi32, #tpu.memory_space<vmem>>, vector<16xi32>,
        %mul3A_130 = arith.constant 25000 : i32
        %mul3A_131 = arith.muli %arg0, %mul3A_130 : i32
        %sub3A_132 = vector.broadcast %mul3A_131 : i32 to vector<16xi32>
        %sub3A_133 = arith.subi %get3A_129, %sub3A_132 : vector<16xi32>
        %ge3A = arith.constant 0 : i32
        %ge3A_134 = vector.broadcast %ge3A : i32 to vector<16xi32>
        %ge3A_135 = arith.cmpi sge, %sub3A_133, %ge3A_134 : vector<16xi32>
        %lt3A_136 = arith.constant 25000 : i32
        %lt3A_137 = vector.broadcast %lt3A_136 : i32 to vector<16xi32>
        %lt3A_138 = arith.cmpi slt, %sub3A_133, %lt3A_137 : vector<16xi32>
        %and3A_139 = arith.andi %ge3A_135, %lt3A_138 : vector<16xi1>
        %jit3A_140 = arith.constant 25000 : i32
        %broadcast_in_dim3A = vector.broadcast %jit3A_140 : i32 to vector<16xi32>
        %select_n3A_141 = arith.select %and3A_139, %sub3A_133, %broadcast_in_dim3A : vector<16xi1>, vector<16xi32>
        %mul3A_142 = arith.constant 16 : i32
        %mul3A_143 = arith.muli %scan3A_124, %mul3A_142 : i32
        %swap3A = arith.index_cast %rem3A_71 : i32 to index
        %swap3A_144 = arith.index_cast %mul3A_143 : i32 to index
        %swap3A_145 = tpu.vector_load %arg12[%swap3A, %swap3A_144] {strides = array<i32>} : memref<2x80xi32, #tpu.memory_space<vmem>>, vector<16xi32>,
        tpu.vector_store %arg12[%swap3A, %swap3A_144], %select_n3A_141 {strides = array<i32>} : memref<2x80xi32, #tpu.memory_space<vmem>>, vector<16xi32>,
        %get3A_146 = arith.index_cast %add3A_128 : i32 to index
        %get3A_147 = tpu.vector_load %arg11[%get3A_146] {strides = array<i32>} : memref<2000xf32, #tpu.memory_space<vmem>>, vector<16xf32>,
        %broadcast_in_dim3A_148 = arith.constant 0 : i32
        %broadcast_in_dim3A_149 = vector.broadcast %broadcast_in_dim3A_148 : i32 to vector<16xi32>
        %broadcast_in_dim3A_150 = vector.shape_cast %broadcast_in_dim3A_149 : vector<16xi32> to vector<16x1xi32>
        %gather3A = vector.shape_cast %broadcast_in_dim3A_150 : vector<16x1xi32> to vector<16xi32>
        %gather3A_151 = tpu.dynamic_gather %get3A_147[%gather3A] in [0] : vector<16xf32>, vector<16xi32> -> vector<16xf32>
        %mul3A_152 = arith.constant 16 : i32
        %mul3A_153 = arith.muli %scan3A_124, %mul3A_152 : i32
        %add3A_154 = arith.constant 0 : i32
        %add3A_155 = arith.addi %mul3A_153, %add3A_154 : i32
        %get3A_156 = arith.index_cast %rem3A_71 : i32 to index
        %get3A_157 = arith.index_cast %add3A_155 : i32 to index
        %get3A_158 = arith.constant 0 : index
        %get3A_159 = tpu.vector_load %arg13[%get3A_156, %get3A_157, %get3A_158] {strides = array<i32>} : memref<2x80x64xf32, #tpu.memory_space<vmem>>, vector<16xf32>,
        %mul3A_160 = arith.mulf %get3A_159, %gather3A_151 : vector<16xf32>
        %swap3A_161 = arith.index_cast %rem3A_71 : i32 to index
        %swap3A_162 = arith.index_cast %add3A_155 : i32 to index
        %swap3A_163 = arith.constant 0 : index
        %swap3A_164 = tpu.vector_load %arg13[%swap3A_161, %swap3A_162, %swap3A_163] {strides = array<i32>} : memref<2x80x64xf32, #tpu.memory_space<vmem>>, vector<16xf32>,
        tpu.vector_store %arg13[%swap3A_161, %swap3A_162, %swap3A_163], %mul3A_160 {strides = array<i32>} : memref<2x80x64xf32, #tpu.memory_space<vmem>>, vector<16xf32>,
        %get3A_165 = arith.index_cast %rem3A_71 : i32 to index
        %get3A_166 = arith.index_cast %add3A_155 : i32 to index
        %get3A_167 = arith.constant 16 : index
        %get3A_168 = tpu.vector_load %arg13[%get3A_165, %get3A_166, %get3A_167] {strides = array<i32>} : memref<2x80x64xf32, #tpu.memory_space<vmem>>, vector<16xf32>,
        %mul3A_169 = arith.mulf %get3A_168, %gather3A_151 : vector<16xf32>
        %swap3A_170 = arith.index_cast %rem3A_71 : i32 to index
        %swap3A_171 = arith.index_cast %add3A_155 : i32 to index
        %swap3A_172 = arith.constant 16 : index
        %swap3A_173 = tpu.vector_load %arg13[%swap3A_170, %swap3A_171, %swap3A_172] {strides = array<i32>} : memref<2x80x64xf32, #tpu.memory_space<vmem>>, vector<16xf32>,
        tpu.vector_store %arg13[%swap3A_170, %swap3A_171, %swap3A_172], %mul3A_169 {strides = array<i32>} : memref<2x80x64xf32, #tpu.memory_space<vmem>>, vector<16xf32>,
        %get3A_174 = arith.index_cast %rem3A_71 : i32 to index
        %get3A_175 = arith.index_cast %add3A_155 : i32 to index
        %get3A_176 = arith.constant 32 : index
        %get3A_177 = tpu.vector_load %arg13[%get3A_174, %get3A_175, %get3A_176] {strides = array<i32>} : memref<2x80x64xf32, #tpu.memory_space<vmem>>, vector<16xf32>,
        %mul3A_178 = arith.mulf %get3A_177, %gather3A_151 : vector<16xf32>
        %swap3A_179 = arith.index_cast %rem3A_71 : i32 to index
        %swap3A_180 = arith.index_cast %add3A_155 : i32 to index
        %swap3A_181 = arith.constant 32 : index
        %swap3A_182 = tpu.vector_load %arg13[%swap3A_179, %swap3A_180, %swap3A_181] {strides = array<i32>} : memref<2x80x64xf32, #tpu.memory_space<vmem>>, vector<16xf32>,
        tpu.vector_store %arg13[%swap3A_179, %swap3A_180, %swap3A_181], %mul3A_178 {strides = array<i32>} : memref<2x80x64xf32, #tpu.memory_space<vmem>>, vector<16xf32>,
        %get3A_183 = arith.index_cast %rem3A_71 : i32 to index
        %get3A_184 = arith.index_cast %add3A_155 : i32 to index
        %get3A_185 = arith.constant 48 : index
        %get3A_186 = tpu.vector_load %arg13[%get3A_183, %get3A_184, %get3A_185] {strides = array<i32>} : memref<2x80x64xf32, #tpu.memory_space<vmem>>, vector<16xf32>,
        %mul3A_187 = arith.mulf %get3A_186, %gather3A_151 : vector<16xf32>
        %swap3A_188 = arith.index_cast %rem3A_71 : i32 to index
        %swap3A_189 = arith.index_cast %add3A_155 : i32 to index
        %swap3A_190 = arith.constant 48 : index
        %swap3A_191 = tpu.vector_load %arg13[%swap3A_188, %swap3A_189, %swap3A_190] {strides = array<i32>} : memref<2x80x64xf32, #tpu.memory_space<vmem>>, vector<16xf32>,
        tpu.vector_store %arg13[%swap3A_188, %swap3A_189, %swap3A_190], %mul3A_187 {strides = array<i32>} : memref<2x80x64xf32, #tpu.memory_space<vmem>>, vector<16xf32>,
        %broadcast_in_dim3A_192 = arith.constant 1 : i32
        %broadcast_in_dim3A_193 = vector.broadcast %broadcast_in_dim3A_192 : i32 to vector<16xi32>
        %broadcast_in_dim3A_194 = vector.shape_cast %broadcast_in_dim3A_193 : vector<16xi32> to vector<16x1xi32>
        %gather3A_195 = vector.shape_cast %broadcast_in_dim3A_194 : vector<16x1xi32> to vector<16xi32>
        %gather3A_196 = tpu.dynamic_gather %get3A_147[%gather3A_195] in [0] : vector<16xf32>, vector<16xi32> -> vector<16xf32>
        %mul3A_197 = arith.constant 16 : i32
        %mul3A_198 = arith.muli %scan3A_124, %mul3A_197 : i32
        %add3A_199 = arith.constant 1 : i32
        %add3A_200 = arith.addi %mul3A_198, %add3A_199 : i32
        %get3A_201 = arith.index_cast %rem3A_71 : i32 to index
        %get3A_202 = arith.index_cast %add3A_200 : i32 to index
        %get3A_203 = arith.constant 0 : index
        %get3A_204 = tpu.vector_load %arg13[%get3A_201, %get3A_202, %get3A_203] {strides = array<i32>} : memref<2x80x64xf32, #tpu.memory_space<vmem>>, vector<16xf32>,
        %mul3A_205 = arith.mulf %get3A_204, %gather3A_196 : vector<16xf32>
        %swap3A_206 = arith.index_cast %rem3A_71 : i32 to index
        %swap3A_207 = arith.index_cast %add3A_200 : i32 to index
        %swap3A_208 = arith.constant 0 : index
        %swap3A_209 = tpu.vector_load %arg13[%swap3A_206, %swap3A_207, %swap3A_208] {strides = array<i32>} : memref<2x80x64xf32, #tpu.memory_space<vmem>>, vector<16xf32>,
        tpu.vector_store %arg13[%swap3A_206, %swap3A_207, %swap3A_208], %mul3A_205 {strides = array<i32>} : memref<2x80x64xf32, #tpu.memory_space<vmem>>, vector<16xf32>,
        %get3A_210 = arith.index_cast %rem3A_71 : i32 to index
        %get3A_211 = arith.index_cast %add3A_200 : i32 to index
        %get3A_212 = arith.constant 16 : index
        %get3A_213 = tpu.vector_load %arg13[%get3A_210, %get3A_211, %get3A_212] {strides = array<i32>} : memref<2x80x64xf32, #tpu.memory_space<vmem>>, vector<16xf32>,
        %mul3A_214 = arith.mulf %get3A_213, %gather3A_196 : vector<16xf32>
        %swap3A_215 = arith.index_cast %rem3A_71 : i32 to index
        %swap3A_216 = arith.index_cast %add3A_200 : i32 to index
        %swap3A_217 = arith.constant 16 : index
        %swap3A_218 = tpu.vector_load %arg13[%swap3A_215, %swap3A_216, %swap3A_217] {strides = array<i32>} : memref<2x80x64xf32, #tpu.memory_space<vmem>>, vector<16xf32>,
        tpu.vector_store %arg13[%swap3A_215, %swap3A_216, %swap3A_217], %mul3A_214 {strides = array<i32>} : memref<2x80x64xf32, #tpu.memory_space<vmem>>, vector<16xf32>,
        %get3A_219 = arith.index_cast %rem3A_71 : i32 to index
        %get3A_220 = arith.index_cast %add3A_200 : i32 to index
        %get3A_221 = arith.constant 32 : index
        %get3A_222 = tpu.vector_load %arg13[%get3A_219, %get3A_220, %get3A_221] {strides = array<i32>} : memref<2x80x64xf32, #tpu.memory_space<vmem>>, vector<16xf32>,
        %mul3A_223 = arith.mulf %get3A_222, %gather3A_196 : vector<16xf32>
        %swap3A_224 = arith.index_cast %rem3A_71 : i32 to index
        %swap3A_225 = arith.index_cast %add3A_200 : i32 to index
        %swap3A_226 = arith.constant 32 : index
        %swap3A_227 = tpu.vector_load %arg13[%swap3A_224, %swap3A_225, %swap3A_226] {strides = array<i32>} : memref<2x80x64xf32, #tpu.memory_space<vmem>>, vector<16xf32>,
        tpu.vector_store %arg13[%swap3A_224, %swap3A_225, %swap3A_226], %mul3A_223 {strides = array<i32>} : memref<2x80x64xf32, #tpu.memory_space<vmem>>, vector<16xf32>,
        %get3A_228 = arith.index_cast %rem3A_71 : i32 to index
        %get3A_229 = arith.index_cast %add3A_200 : i32 to index
        %get3A_230 = arith.constant 48 : index
        %get3A_231 = tpu.vector_load %arg13[%get3A_228, %get3A_229, %get3A_230] {strides = array<i32>} : memref<2x80x64xf32, #tpu.memory_space<vmem>>, vector<16xf32>,
        %mul3A_232 = arith.mulf %get3A_231, %gather3A_196 : vector<16xf32>
        %swap3A_233 = arith.index_cast %rem3A_71 : i32 to index
        %swap3A_234 = arith.index_cast %add3A_200 : i32 to index
        %swap3A_235 = arith.constant 48 : index
        %swap3A_236 = tpu.vector_load %arg13[%swap3A_233, %swap3A_234, %swap3A_235] {strides = array<i32>} : memref<2x80x64xf32, #tpu.memory_space<vmem>>, vector<16xf32>,
        tpu.vector_store %arg13[%swap3A_233, %swap3A_234, %swap3A_235], %mul3A_232 {strides = array<i32>} : memref<2x80x64xf32, #tpu.memory_space<vmem>>, vector<16xf32>,
        %broadcast_in_dim3A_237 = arith.constant 2 : i32
        %broadcast_in_dim3A_238 = vector.broadcast %broadcast_in_dim3A_237 : i32 to vector<16xi32>
        %broadcast_in_dim3A_239 = vector.shape_cast %broadcast_in_dim3A_238 : vector<16xi32> to vector<16x1xi32>
        %gather3A_240 = vector.shape_cast %broadcast_in_dim3A_239 : vector<16x1xi32> to vector<16xi32>
        %gather3A_241 = tpu.dynamic_gather %get3A_147[%gather3A_240] in [0] : vector<16xf32>, vector<16xi32> -> vector<16xf32>
        %mul3A_242 = arith.constant 16 : i32
        %mul3A_243 = arith.muli %scan3A_124, %mul3A_242 : i32
        %add3A_244 = arith.constant 2 : i32
        %add3A_245 = arith.addi %mul3A_243, %add3A_244 : i32
        %get3A_246 = arith.index_cast %rem3A_71 : i32 to index
        %get3A_247 = arith.index_cast %add3A_245 : i32 to index
        %get3A_248 = arith.constant 0 : index
        %get3A_249 = tpu.vector_load %arg13[%get3A_246, %get3A_247, %get3A_248] {strides = array<i32>} : memref<2x80x64xf32, #tpu.memory_space<vmem>>, vector<16xf32>,
        %mul3A_250 = arith.mulf %get3A_249, %gather3A_241 : vector<16xf32>
        %swap3A_251 = arith.index_cast %rem3A_71 : i32 to index
        %swap3A_252 = arith.index_cast %add3A_245 : i32 to index
        %swap3A_253 = arith.constant 0 : index
        %swap3A_254 = tpu.vector_load %arg13[%swap3A_251, %swap3A_252, %swap3A_253] {strides = array<i32>} : memref<2x80x64xf32, #tpu.memory_space<vmem>>, vector<16xf32>,
        tpu.vector_store %arg13[%swap3A_251, %swap3A_252, %swap3A_253], %mul3A_250 {strides = array<i32>} : memref<2x80x64xf32, #tpu.memory_space<vmem>>, vector<16xf32>,
        %get3A_255 = arith.index_cast %rem3A_71 : i32 to index
        %get3A_256 = arith.index_cast %add3A_245 : i32 to index
        %get3A_257 = arith.constant 16 : index
        %get3A_258 = tpu.vector_load %arg13[%get3A_255, %get3A_256, %get3A_257] {strides = array<i32>} : memref<2x80x64xf32, #tpu.memory_space<vmem>>, vector<16xf32>,
        %mul3A_259 = arith.mulf %get3A_258, %gather3A_241 : vector<16xf32>
        %swap3A_260 = arith.index_cast %rem3A_71 : i32 to index
        %swap3A_261 = arith.index_cast %add3A_245 : i32 to index
        %swap3A_262 = arith.constant 16 : index
        %swap3A_263 = tpu.vector_load %arg13[%swap3A_260, %swap3A_261, %swap3A_262] {strides = array<i32>} : memref<2x80x64xf32, #tpu.memory_space<vmem>>, vector<16xf32>,
        tpu.vector_store %arg13[%swap3A_260, %swap3A_261, %swap3A_262], %mul3A_259 {strides = array<i32>} : memref<2x80x64xf32, #tpu.memory_space<vmem>>, vector<16xf32>,
        %get3A_264 = arith.index_cast %rem3A_71 : i32 to index
        %get3A_265 = arith.index_cast %add3A_245 : i32 to index
        %get3A_266 = arith.constant 32 : index
        %get3A_267 = tpu.vector_load %arg13[%get3A_264, %get3A_265, %get3A_266] {strides = array<i32>} : memref<2x80x64xf32, #tpu.memory_space<vmem>>, vector<16xf32>,
        %mul3A_268 = arith.mulf %get3A_267, %gather3A_241 : vector<16xf32>
        %swap3A_269 = arith.index_cast %rem3A_71 : i32 to index
        %swap3A_270 = arith.index_cast %add3A_245 : i32 to index
        %swap3A_271 = arith.constant 32 : index
        %swap3A_272 = tpu.vector_load %arg13[%swap3A_269, %swap3A_270, %swap3A_271] {strides = array<i32>} : memref<2x80x64xf32, #tpu.memory_space<vmem>>, vector<16xf32>,
        tpu.vector_store %arg13[%swap3A_269, %swap3A_270, %swap3A_271], %mul3A_268 {strides = array<i32>} : memref<2x80x64xf32, #tpu.memory_space<vmem>>, vector<16xf32>,
        %get3A_273 = arith.index_cast %rem3A_71 : i32 to index
        %get3A_274 = arith.index_cast %add3A_245 : i32 to index
        %get3A_275 = arith.constant 48 : index
        %get3A_276 = tpu.vector_load %arg13[%get3A_273, %get3A_274, %get3A_275] {strides = array<i32>} : memref<2x80x64xf32, #tpu.memory_space<vmem>>, vector<16xf32>,
        %mul3A_277 = arith.mulf %get3A_276, %gather3A_241 : vector<16xf32>
        %swap3A_278 = arith.index_cast %rem3A_71 : i32 to index
        %swap3A_279 = arith.index_cast %add3A_245 : i32 to index
        %swap3A_280 = arith.constant 48 : index
        %swap3A_281 = tpu.vector_load %arg13[%swap3A_278, %swap3A_279, %swap3A_280] {strides = array<i32>} : memref<2x80x64xf32, #tpu.memory_space<vmem>>, vector<16xf32>,
        tpu.vector_store %arg13[%swap3A_278, %swap3A_279, %swap3A_280], %mul3A_277 {strides = array<i32>} : memref<2x80x64xf32, #tpu.memory_space<vmem>>, vector<16xf32>,
        %broadcast_in_dim3A_282 = arith.constant 3 : i32
        %broadcast_in_dim3A_283 = vector.broadcast %broadcast_in_dim3A_282 : i32 to vector<16xi32>
        %broadcast_in_dim3A_284 = vector.shape_cast %broadcast_in_dim3A_283 : vector<16xi32> to vector<16x1xi32>
        %gather3A_285 = vector.shape_cast %broadcast_in_dim3A_284 : vector<16x1xi32> to vector<16xi32>
        %gather3A_286 = tpu.dynamic_gather %get3A_147[%gather3A_285] in [0] : vector<16xf32>, vector<16xi32> -> vector<16xf32>
        %mul3A_287 = arith.constant 16 : i32
        %mul3A_288 = arith.muli %scan3A_124, %mul3A_287 : i32
        %add3A_289 = arith.constant 3 : i32
        %add3A_290 = arith.addi %mul3A_288, %add3A_289 : i32
        %get3A_291 = arith.index_cast %rem3A_71 : i32 to index
        %get3A_292 = arith.index_cast %add3A_290 : i32 to index
        %get3A_293 = arith.constant 0 : index
        %get3A_294 = tpu.vector_load %arg13[%get3A_291, %get3A_292, %get3A_293] {strides = array<i32>} : memref<2x80x64xf32, #tpu.memory_space<vmem>>, vector<16xf32>,
        %mul3A_295 = arith.mulf %get3A_294, %gather3A_286 : vector<16xf32>
        %swap3A_296 = arith.index_cast %rem3A_71 : i32 to index
        %swap3A_297 = arith.index_cast %add3A_290 : i32 to index
        %swap3A_298 = arith.constant 0 : index
        %swap3A_299 = tpu.vector_load %arg13[%swap3A_296, %swap3A_297, %swap3A_298] {strides = array<i32>} : memref<2x80x64xf32, #tpu.memory_space<vmem>>, vector<16xf32>,
        tpu.vector_store %arg13[%swap3A_296, %swap3A_297, %swap3A_298], %mul3A_295 {strides = array<i32>} : memref<2x80x64xf32, #tpu.memory_space<vmem>>, vector<16xf32>,
        %get3A_300 = arith.index_cast %rem3A_71 : i32 to index
        %get3A_301 = arith.index_cast %add3A_290 : i32 to index
        %get3A_302 = arith.constant 16 : index
        %get3A_303 = tpu.vector_load %arg13[%get3A_300, %get3A_301, %get3A_302] {strides = array<i32>} : memref<2x80x64xf32, #tpu.memory_space<vmem>>, vector<16xf32>,
        %mul3A_304 = arith.mulf %get3A_303, %gather3A_286 : vector<16xf32>
        %swap3A_305 = arith.index_cast %rem3A_71 : i32 to index
        %swap3A_306 = arith.index_cast %add3A_290 : i32 to index
        %swap3A_307 = arith.constant 16 : index
        %swap3A_308 = tpu.vector_load %arg13[%swap3A_305, %swap3A_306, %swap3A_307] {strides = array<i32>} : memref<2x80x64xf32, #tpu.memory_space<vmem>>, vector<16xf32>,
        tpu.vector_store %arg13[%swap3A_305, %swap3A_306, %swap3A_307], %mul3A_304 {strides = array<i32>} : memref<2x80x64xf32, #tpu.memory_space<vmem>>, vector<16xf32>,
        %get3A_309 = arith.index_cast %rem3A_71 : i32 to index
        %get3A_310 = arith.index_cast %add3A_290 : i32 to index
        %get3A_311 = arith.constant 32 : index
        %get3A_312 = tpu.vector_load %arg13[%get3A_309, %get3A_310, %get3A_311] {strides = array<i32>} : memref<2x80x64xf32, #tpu.memory_space<vmem>>, vector<16xf32>,
        %mul3A_313 = arith.mulf %get3A_312, %gather3A_286 : vector<16xf32>
        %swap3A_314 = arith.index_cast %rem3A_71 : i32 to index
        %swap3A_315 = arith.index_cast %add3A_290 : i32 to index
        %swap3A_316 = arith.constant 32 : index
        %swap3A_317 = tpu.vector_load %arg13[%swap3A_314, %swap3A_315, %swap3A_316] {strides = array<i32>} : memref<2x80x64xf32, #tpu.memory_space<vmem>>, vector<16xf32>,
        tpu.vector_store %arg13[%swap3A_314, %swap3A_315, %swap3A_316], %mul3A_313 {strides = array<i32>} : memref<2x80x64xf32, #tpu.memory_space<vmem>>, vector<16xf32>,
        %get3A_318 = arith.index_cast %rem3A_71 : i32 to index
        %get3A_319 = arith.index_cast %add3A_290 : i32 to index
        %get3A_320 = arith.constant 48 : index
        %get3A_321 = tpu.vector_load %arg13[%get3A_318, %get3A_319, %get3A_320] {strides = array<i32>} : memref<2x80x64xf32, #tpu.memory_space<vmem>>, vector<16xf32>,
        %mul3A_322 = arith.mulf %get3A_321, %gather3A_286 : vector<16xf32>
        %swap3A_323 = arith.index_cast %rem3A_71 : i32 to index
        %swap3A_324 = arith.index_cast %add3A_290 : i32 to index
        %swap3A_325 = arith.constant 48 : index
        %swap3A_326 = tpu.vector_load %arg13[%swap3A_323, %swap3A_324, %swap3A_325] {strides = array<i32>} : memref<2x80x64xf32, #tpu.memory_space<vmem>>, vector<16xf32>,
        tpu.vector_store %arg13[%swap3A_323, %swap3A_324, %swap3A_325], %mul3A_322 {strides = array<i32>} : memref<2x80x64xf32, #tpu.memory_space<vmem>>, vector<16xf32>,
        %broadcast_in_dim3A_327 = arith.constant 4 : i32
        %broadcast_in_dim3A_328 = vector.broadcast %broadcast_in_dim3A_327 : i32 to vector<16xi32>
        %broadcast_in_dim3A_329 = vector.shape_cast %broadcast_in_dim3A_328 : vector<16xi32> to vector<16x1xi32>
        %gather3A_330 = vector.shape_cast %broadcast_in_dim3A_329 : vector<16x1xi32> to vector<16xi32>
        %gather3A_331 = tpu.dynamic_gather %get3A_147[%gather3A_330] in [0] : vector<16xf32>, vector<16xi32> -> vector<16xf32>
        %mul3A_332 = arith.constant 16 : i32
        %mul3A_333 = arith.muli %scan3A_124, %mul3A_332 : i32
        %add3A_334 = arith.constant 4 : i32
        %add3A_335 = arith.addi %mul3A_333, %add3A_334 : i32
        %get3A_336 = arith.index_cast %rem3A_71 : i32 to index
        %get3A_337 = arith.index_cast %add3A_335 : i32 to index
        %get3A_338 = arith.constant 0 : index
        %get3A_339 = tpu.vector_load %arg13[%get3A_336, %get3A_337, %get3A_338] {strides = array<i32>} : memref<2x80x64xf32, #tpu.memory_space<vmem>>, vector<16xf32>,
        %mul3A_340 = arith.mulf %get3A_339, %gather3A_331 : vector<16xf32>
        %swap3A_341 = arith.index_cast %rem3A_71 : i32 to index
        %swap3A_342 = arith.index_cast %add3A_335 : i32 to index
        %swap3A_343 = arith.constant 0 : index
        %swap3A_344 = tpu.vector_load %arg13[%swap3A_341, %swap3A_342, %swap3A_343] {strides = array<i32>} : memref<2x80x64xf32, #tpu.memory_space<vmem>>, vector<16xf32>,
        tpu.vector_store %arg13[%swap3A_341, %swap3A_342, %swap3A_343], %mul3A_340 {strides = array<i32>} : memref<2x80x64xf32, #tpu.memory_space<vmem>>, vector<16xf32>,
        %get3A_345 = arith.index_cast %rem3A_71 : i32 to index
        %get3A_346 = arith.index_cast %add3A_335 : i32 to index
        %get3A_347 = arith.constant 16 : index
        %get3A_348 = tpu.vector_load %arg13[%get3A_345, %get3A_346, %get3A_347] {strides = array<i32>} : memref<2x80x64xf32, #tpu.memory_space<vmem>>, vector<16xf32>,
        %mul3A_349 = arith.mulf %get3A_348, %gather3A_331 : vector<16xf32>
        %swap3A_350 = arith.index_cast %rem3A_71 : i32 to index
        %swap3A_351 = arith.index_cast %add3A_335 : i32 to index
        %swap3A_352 = arith.constant 16 : index
        %swap3A_353 = tpu.vector_load %arg13[%swap3A_350, %swap3A_351, %swap3A_352] {strides = array<i32>} : memref<2x80x64xf32, #tpu.memory_space<vmem>>, vector<16xf32>,
        tpu.vector_store %arg13[%swap3A_350, %swap3A_351, %swap3A_352], %mul3A_349 {strides = array<i32>} : memref<2x80x64xf32, #tpu.memory_space<vmem>>, vector<16xf32>,
        %get3A_354 = arith.index_cast %rem3A_71 : i32 to index
        %get3A_355 = arith.index_cast %add3A_335 : i32 to index
        %get3A_356 = arith.constant 32 : index
        %get3A_357 = tpu.vector_load %arg13[%get3A_354, %get3A_355, %get3A_356] {strides = array<i32>} : memref<2x80x64xf32, #tpu.memory_space<vmem>>, vector<16xf32>,
        %mul3A_358 = arith.mulf %get3A_357, %gather3A_331 : vector<16xf32>
        %swap3A_359 = arith.index_cast %rem3A_71 : i32 to index
        %swap3A_360 = arith.index_cast %add3A_335 : i32 to index
        %swap3A_361 = arith.constant 32 : index
        %swap3A_362 = tpu.vector_load %arg13[%swap3A_359, %swap3A_360, %swap3A_361] {strides = array<i32>} : memref<2x80x64xf32, #tpu.memory_space<vmem>>, vector<16xf32>,
        tpu.vector_store %arg13[%swap3A_359, %swap3A_360, %swap3A_361], %mul3A_358 {strides = array<i32>} : memref<2x80x64xf32, #tpu.memory_space<vmem>>, vector<16xf32>,
        %get3A_363 = arith.index_cast %rem3A_71 : i32 to index
        %get3A_364 = arith.index_cast %add3A_335 : i32 to index
        %get3A_365 = arith.constant 48 : index
        %get3A_366 = tpu.vector_load %arg13[%get3A_363, %get3A_364, %get3A_365] {strides = array<i32>} : memref<2x80x64xf32, #tpu.memory_space<vmem>>, vector<16xf32>,
        %mul3A_367 = arith.mulf %get3A_366, %gather3A_331 : vector<16xf32>
        %swap3A_368 = arith.index_cast %rem3A_71 : i32 to index
        %swap3A_369 = arith.index_cast %add3A_335 : i32 to index
        %swap3A_370 = arith.constant 48 : index
        %swap3A_371 = tpu.vector_load %arg13[%swap3A_368, %swap3A_369, %swap3A_370] {strides = array<i32>} : memref<2x80x64xf32, #tpu.memory_space<vmem>>, vector<16xf32>,
        tpu.vector_store %arg13[%swap3A_368, %swap3A_369, %swap3A_370], %mul3A_367 {strides = array<i32>} : memref<2x80x64xf32, #tpu.memory_space<vmem>>, vector<16xf32>,
        %broadcast_in_dim3A_372 = arith.constant 5 : i32
        %broadcast_in_dim3A_373 = vector.broadcast %broadcast_in_dim3A_372 : i32 to vector<16xi32>
        %broadcast_in_dim3A_374 = vector.shape_cast %broadcast_in_dim3A_373 : vector<16xi32> to vector<16x1xi32>
        %gather3A_375 = vector.shape_cast %broadcast_in_dim3A_374 : vector<16x1xi32> to vector<16xi32>
        %gather3A_376 = tpu.dynamic_gather %get3A_147[%gather3A_375] in [0] : vector<16xf32>, vector<16xi32> -> vector<16xf32>
        %mul3A_377 = arith.constant 16 : i32
        %mul3A_378 = arith.muli %scan3A_124, %mul3A_377 : i32
        %add3A_379 = arith.constant 5 : i32
        %add3A_380 = arith.addi %mul3A_378, %add3A_379 : i32
        %get3A_381 = arith.index_cast %rem3A_71 : i32 to index
        %get3A_382 = arith.index_cast %add3A_380 : i32 to index
        %get3A_383 = arith.constant 0 : index
        %get3A_384 = tpu.vector_load %arg13[%get3A_381, %get3A_382, %get3A_383] {strides = array<i32>} : memref<2x80x64xf32, #tpu.memory_space<vmem>>, vector<16xf32>,
        %mul3A_385 = arith.mulf %get3A_384, %gather3A_376 : vector<16xf32>
        %swap3A_386 = arith.index_cast %rem3A_71 : i32 to index
        %swap3A_387 = arith.index_cast %add3A_380 : i32 to index
        %swap3A_388 = arith.constant 0 : index
        %swap3A_389 = tpu.vector_load %arg13[%swap3A_386, %swap3A_387, %swap3A_388] {strides = array<i32>} : memref<2x80x64xf32, #tpu.memory_space<vmem>>, vector<16xf32>,
        tpu.vector_store %arg13[%swap3A_386, %swap3A_387, %swap3A_388], %mul3A_385 {strides = array<i32>} : memref<2x80x64xf32, #tpu.memory_space<vmem>>, vector<16xf32>,
        %get3A_390 = arith.index_cast %rem3A_71 : i32 to index
        %get3A_391 = arith.index_cast %add3A_380 : i32 to index
        %get3A_392 = arith.constant 16 : index
        %get3A_393 = tpu.vector_load %arg13[%get3A_390, %get3A_391, %get3A_392] {strides = array<i32>} : memref<2x80x64xf32, #tpu.memory_space<vmem>>, vector<16xf32>,
        %mul3A_394 = arith.mulf %get3A_393, %gather3A_376 : vector<16xf32>
        %swap3A_395 = arith.index_cast %rem3A_71 : i32 to index
        %swap3A_396 = arith.index_cast %add3A_380 : i32 to index
        %swap3A_397 = arith.constant 16 : index
        %swap3A_398 = tpu.vector_load %arg13[%swap3A_395, %swap3A_396, %swap3A_397] {strides = array<i32>} : memref<2x80x64xf32, #tpu.memory_space<vmem>>, vector<16xf32>,
        tpu.vector_store %arg13[%swap3A_395, %swap3A_396, %swap3A_397], %mul3A_394 {strides = array<i32>} : memref<2x80x64xf32, #tpu.memory_space<vmem>>, vector<16xf32>,
        %get3A_399 = arith.index_cast %rem3A_71 : i32 to index
        %get3A_400 = arith.index_cast %add3A_380 : i32 to index
        %get3A_401 = arith.constant 32 : index
        %get3A_402 = tpu.vector_load %arg13[%get3A_399, %get3A_400, %get3A_401] {strides = array<i32>} : memref<2x80x64xf32, #tpu.memory_space<vmem>>, vector<16xf32>,
        %mul3A_403 = arith.mulf %get3A_402, %gather3A_376 : vector<16xf32>
        %swap3A_404 = arith.index_cast %rem3A_71 : i32 to index
        %swap3A_405 = arith.index_cast %add3A_380 : i32 to index
        %swap3A_406 = arith.constant 32 : index
        %swap3A_407 = tpu.vector_load %arg13[%swap3A_404, %swap3A_405, %swap3A_406] {strides = array<i32>} : memref<2x80x64xf32, #tpu.memory_space<vmem>>, vector<16xf32>,
        tpu.vector_store %arg13[%swap3A_404, %swap3A_405, %swap3A_406], %mul3A_403 {strides = array<i32>} : memref<2x80x64xf32, #tpu.memory_space<vmem>>, vector<16xf32>,
        %get3A_408 = arith.index_cast %rem3A_71 : i32 to index
        %get3A_409 = arith.index_cast %add3A_380 : i32 to index
        %get3A_410 = arith.constant 48 : index
        %get3A_411 = tpu.vector_load %arg13[%get3A_408, %get3A_409, %get3A_410] {strides = array<i32>} : memref<2x80x64xf32, #tpu.memory_space<vmem>>, vector<16xf32>,
        %mul3A_412 = arith.mulf %get3A_411, %gather3A_376 : vector<16xf32>
        %swap3A_413 = arith.index_cast %rem3A_71 : i32 to index
        %swap3A_414 = arith.index_cast %add3A_380 : i32 to index
        %swap3A_415 = arith.constant 48 : index
        %swap3A_416 = tpu.vector_load %arg13[%swap3A_413, %swap3A_414, %swap3A_415] {strides = array<i32>} : memref<2x80x64xf32, #tpu.memory_space<vmem>>, vector<16xf32>,
        tpu.vector_store %arg13[%swap3A_413, %swap3A_414, %swap3A_415], %mul3A_412 {strides = array<i32>} : memref<2x80x64xf32, #tpu.memory_space<vmem>>, vector<16xf32>,
        %broadcast_in_dim3A_417 = arith.constant 6 : i32
        %broadcast_in_dim3A_418 = vector.broadcast %broadcast_in_dim3A_417 : i32 to vector<16xi32>
        %broadcast_in_dim3A_419 = vector.shape_cast %broadcast_in_dim3A_418 : vector<16xi32> to vector<16x1xi32>
        %gather3A_420 = vector.shape_cast %broadcast_in_dim3A_419 : vector<16x1xi32> to vector<16xi32>
        %gather3A_421 = tpu.dynamic_gather %get3A_147[%gather3A_420] in [0] : vector<16xf32>, vector<16xi32> -> vector<16xf32>
        %mul3A_422 = arith.constant 16 : i32
        %mul3A_423 = arith.muli %scan3A_124, %mul3A_422 : i32
        %add3A_424 = arith.constant 6 : i32
        %add3A_425 = arith.addi %mul3A_423, %add3A_424 : i32
        %get3A_426 = arith.index_cast %rem3A_71 : i32 to index
        %get3A_427 = arith.index_cast %add3A_425 : i32 to index
        %get3A_428 = arith.constant 0 : index
        %get3A_429 = tpu.vector_load %arg13[%get3A_426, %get3A_427, %get3A_428] {strides = array<i32>} : memref<2x80x64xf32, #tpu.memory_space<vmem>>, vector<16xf32>,
        %mul3A_430 = arith.mulf %get3A_429, %gather3A_421 : vector<16xf32>
        %swap3A_431 = arith.index_cast %rem3A_71 : i32 to index
        %swap3A_432 = arith.index_cast %add3A_425 : i32 to index
        %swap3A_433 = arith.constant 0 : index
        %swap3A_434 = tpu.vector_load %arg13[%swap3A_431, %swap3A_432, %swap3A_433] {strides = array<i32>} : memref<2x80x64xf32, #tpu.memory_space<vmem>>, vector<16xf32>,
        tpu.vector_store %arg13[%swap3A_431, %swap3A_432, %swap3A_433], %mul3A_430 {strides = array<i32>} : memref<2x80x64xf32, #tpu.memory_space<vmem>>, vector<16xf32>,
        %get3A_435 = arith.index_cast %rem3A_71 : i32 to index
        %get3A_436 = arith.index_cast %add3A_425 : i32 to index
        %get3A_437 = arith.constant 16 : index
        %get3A_438 = tpu.vector_load %arg13[%get3A_435, %get3A_436, %get3A_437] {strides = array<i32>} : memref<2x80x64xf32, #tpu.memory_space<vmem>>, vector<16xf32>,
        %mul3A_439 = arith.mulf %get3A_438, %gather3A_421 : vector<16xf32>
        %swap3A_440 = arith.index_cast %rem3A_71 : i32 to index
        %swap3A_441 = arith.index_cast %add3A_425 : i32 to index
        %swap3A_442 = arith.constant 16 : index
        %swap3A_443 = tpu.vector_load %arg13[%swap3A_440, %swap3A_441, %swap3A_442] {strides = array<i32>} : memref<2x80x64xf32, #tpu.memory_space<vmem>>, vector<16xf32>,
        tpu.vector_store %arg13[%swap3A_440, %swap3A_441, %swap3A_442], %mul3A_439 {strides = array<i32>} : memref<2x80x64xf32, #tpu.memory_space<vmem>>, vector<16xf32>,
        %get3A_444 = arith.index_cast %rem3A_71 : i32 to index
        %get3A_445 = arith.index_cast %add3A_425 : i32 to index
        %get3A_446 = arith.constant 32 : index
        %get3A_447 = tpu.vector_load %arg13[%get3A_444, %get3A_445, %get3A_446] {strides = array<i32>} : memref<2x80x64xf32, #tpu.memory_space<vmem>>, vector<16xf32>,
        %mul3A_448 = arith.mulf %get3A_447, %gather3A_421 : vector<16xf32>
        %swap3A_449 = arith.index_cast %rem3A_71 : i32 to index
        %swap3A_450 = arith.index_cast %add3A_425 : i32 to index
        %swap3A_451 = arith.constant 32 : index
        %swap3A_452 = tpu.vector_load %arg13[%swap3A_449, %swap3A_450, %swap3A_451] {strides = array<i32>} : memref<2x80x64xf32, #tpu.memory_space<vmem>>, vector<16xf32>,
        tpu.vector_store %arg13[%swap3A_449, %swap3A_450, %swap3A_451], %mul3A_448 {strides = array<i32>} : memref<2x80x64xf32, #tpu.memory_space<vmem>>, vector<16xf32>,
        %get3A_453 = arith.index_cast %rem3A_71 : i32 to index
        %get3A_454 = arith.index_cast %add3A_425 : i32 to index
        %get3A_455 = arith.constant 48 : index
        %get3A_456 = tpu.vector_load %arg13[%get3A_453, %get3A_454, %get3A_455] {strides = array<i32>} : memref<2x80x64xf32, #tpu.memory_space<vmem>>, vector<16xf32>,
        %mul3A_457 = arith.mulf %get3A_456, %gather3A_421 : vector<16xf32>
        %swap3A_458 = arith.index_cast %rem3A_71 : i32 to index
        %swap3A_459 = arith.index_cast %add3A_425 : i32 to index
        %swap3A_460 = arith.constant 48 : index
        %swap3A_461 = tpu.vector_load %arg13[%swap3A_458, %swap3A_459, %swap3A_460] {strides = array<i32>} : memref<2x80x64xf32, #tpu.memory_space<vmem>>, vector<16xf32>,
        tpu.vector_store %arg13[%swap3A_458, %swap3A_459, %swap3A_460], %mul3A_457 {strides = array<i32>} : memref<2x80x64xf32, #tpu.memory_space<vmem>>, vector<16xf32>,
        %broadcast_in_dim3A_462 = arith.constant 7 : i32
        %broadcast_in_dim3A_463 = vector.broadcast %broadcast_in_dim3A_462 : i32 to vector<16xi32>
        %broadcast_in_dim3A_464 = vector.shape_cast %broadcast_in_dim3A_463 : vector<16xi32> to vector<16x1xi32>
        %gather3A_465 = vector.shape_cast %broadcast_in_dim3A_464 : vector<16x1xi32> to vector<16xi32>
        %gather3A_466 = tpu.dynamic_gather %get3A_147[%gather3A_465] in [0] : vector<16xf32>, vector<16xi32> -> vector<16xf32>
        %mul3A_467 = arith.constant 16 : i32
        %mul3A_468 = arith.muli %scan3A_124, %mul3A_467 : i32
        %add3A_469 = arith.constant 7 : i32
        %add3A_470 = arith.addi %mul3A_468, %add3A_469 : i32
        %get3A_471 = arith.index_cast %rem3A_71 : i32 to index
        %get3A_472 = arith.index_cast %add3A_470 : i32 to index
        %get3A_473 = arith.constant 0 : index
        %get3A_474 = tpu.vector_load %arg13[%get3A_471, %get3A_472, %get3A_473] {strides = array<i32>} : memref<2x80x64xf32, #tpu.memory_space<vmem>>, vector<16xf32>,
        %mul3A_475 = arith.mulf %get3A_474, %gather3A_466 : vector<16xf32>
        %swap3A_476 = arith.index_cast %rem3A_71 : i32 to index
        %swap3A_477 = arith.index_cast %add3A_470 : i32 to index
        %swap3A_478 = arith.constant 0 : index
        %swap3A_479 = tpu.vector_load %arg13[%swap3A_476, %swap3A_477, %swap3A_478] {strides = array<i32>} : memref<2x80x64xf32, #tpu.memory_space<vmem>>, vector<16xf32>,
        tpu.vector_store %arg13[%swap3A_476, %swap3A_477, %swap3A_478], %mul3A_475 {strides = array<i32>} : memref<2x80x64xf32, #tpu.memory_space<vmem>>, vector<16xf32>,
        %get3A_480 = arith.index_cast %rem3A_71 : i32 to index
        %get3A_481 = arith.index_cast %add3A_470 : i32 to index
        %get3A_482 = arith.constant 16 : index
        %get3A_483 = tpu.vector_load %arg13[%get3A_480, %get3A_481, %get3A_482] {strides = array<i32>} : memref<2x80x64xf32, #tpu.memory_space<vmem>>, vector<16xf32>,
        %mul3A_484 = arith.mulf %get3A_483, %gather3A_466 : vector<16xf32>
        %swap3A_485 = arith.index_cast %rem3A_71 : i32 to index
        %swap3A_486 = arith.index_cast %add3A_470 : i32 to index
        %swap3A_487 = arith.constant 16 : index
        %swap3A_488 = tpu.vector_load %arg13[%swap3A_485, %swap3A_486, %swap3A_487] {strides = array<i32>} : memref<2x80x64xf32, #tpu.memory_space<vmem>>, vector<16xf32>,
        tpu.vector_store %arg13[%swap3A_485, %swap3A_486, %swap3A_487], %mul3A_484 {strides = array<i32>} : memref<2x80x64xf32, #tpu.memory_space<vmem>>, vector<16xf32>,
        %get3A_489 = arith.index_cast %rem3A_71 : i32 to index
        %get3A_490 = arith.index_cast %add3A_470 : i32 to index
        %get3A_491 = arith.constant 32 : index
        %get3A_492 = tpu.vector_load %arg13[%get3A_489, %get3A_490, %get3A_491] {strides = array<i32>} : memref<2x80x64xf32, #tpu.memory_space<vmem>>, vector<16xf32>,
        %mul3A_493 = arith.mulf %get3A_492, %gather3A_466 : vector<16xf32>
        %swap3A_494 = arith.index_cast %rem3A_71 : i32 to index
        %swap3A_495 = arith.index_cast %add3A_470 : i32 to index
        %swap3A_496 = arith.constant 32 : index
        %swap3A_497 = tpu.vector_load %arg13[%swap3A_494, %swap3A_495, %swap3A_496] {strides = array<i32>} : memref<2x80x64xf32, #tpu.memory_space<vmem>>, vector<16xf32>,
        tpu.vector_store %arg13[%swap3A_494, %swap3A_495, %swap3A_496], %mul3A_493 {strides = array<i32>} : memref<2x80x64xf32, #tpu.memory_space<vmem>>, vector<16xf32>,
        %get3A_498 = arith.index_cast %rem3A_71 : i32 to index
        %get3A_499 = arith.index_cast %add3A_470 : i32 to index
        %get3A_500 = arith.constant 48 : index
        %get3A_501 = tpu.vector_load %arg13[%get3A_498, %get3A_499, %get3A_500] {strides = array<i32>} : memref<2x80x64xf32, #tpu.memory_space<vmem>>, vector<16xf32>,
        %mul3A_502 = arith.mulf %get3A_501, %gather3A_466 : vector<16xf32>
        %swap3A_503 = arith.index_cast %rem3A_71 : i32 to index
        %swap3A_504 = arith.index_cast %add3A_470 : i32 to index
        %swap3A_505 = arith.constant 48 : index
        %swap3A_506 = tpu.vector_load %arg13[%swap3A_503, %swap3A_504, %swap3A_505] {strides = array<i32>} : memref<2x80x64xf32, #tpu.memory_space<vmem>>, vector<16xf32>,
        tpu.vector_store %arg13[%swap3A_503, %swap3A_504, %swap3A_505], %mul3A_502 {strides = array<i32>} : memref<2x80x64xf32, #tpu.memory_space<vmem>>, vector<16xf32>,
        %broadcast_in_dim3A_507 = arith.constant 8 : i32
        %broadcast_in_dim3A_508 = vector.broadcast %broadcast_in_dim3A_507 : i32 to vector<16xi32>
        %broadcast_in_dim3A_509 = vector.shape_cast %broadcast_in_dim3A_508 : vector<16xi32> to vector<16x1xi32>
        %gather3A_510 = vector.shape_cast %broadcast_in_dim3A_509 : vector<16x1xi32> to vector<16xi32>
        %gather3A_511 = tpu.dynamic_gather %get3A_147[%gather3A_510] in [0] : vector<16xf32>, vector<16xi32> -> vector<16xf32>
        %mul3A_512 = arith.constant 16 : i32
        %mul3A_513 = arith.muli %scan3A_124, %mul3A_512 : i32
        %add3A_514 = arith.constant 8 : i32
        %add3A_515 = arith.addi %mul3A_513, %add3A_514 : i32
        %get3A_516 = arith.index_cast %rem3A_71 : i32 to index
        %get3A_517 = arith.index_cast %add3A_515 : i32 to index
        %get3A_518 = arith.constant 0 : index
        %get3A_519 = tpu.vector_load %arg13[%get3A_516, %get3A_517, %get3A_518] {strides = array<i32>} : memref<2x80x64xf32, #tpu.memory_space<vmem>>, vector<16xf32>,
        %mul3A_520 = arith.mulf %get3A_519, %gather3A_511 : vector<16xf32>
        %swap3A_521 = arith.index_cast %rem3A_71 : i32 to index
        %swap3A_522 = arith.index_cast %add3A_515 : i32 to index
        %swap3A_523 = arith.constant 0 : index
        %swap3A_524 = tpu.vector_load %arg13[%swap3A_521, %swap3A_522, %swap3A_523] {strides = array<i32>} : memref<2x80x64xf32, #tpu.memory_space<vmem>>, vector<16xf32>,
        tpu.vector_store %arg13[%swap3A_521, %swap3A_522, %swap3A_523], %mul3A_520 {strides = array<i32>} : memref<2x80x64xf32, #tpu.memory_space<vmem>>, vector<16xf32>,
        %get3A_525 = arith.index_cast %rem3A_71 : i32 to index
        %get3A_526 = arith.index_cast %add3A_515 : i32 to index
        %get3A_527 = arith.constant 16 : index
        %get3A_528 = tpu.vector_load %arg13[%get3A_525, %get3A_526, %get3A_527] {strides = array<i32>} : memref<2x80x64xf32, #tpu.memory_space<vmem>>, vector<16xf32>,
        %mul3A_529 = arith.mulf %get3A_528, %gather3A_511 : vector<16xf32>
        %swap3A_530 = arith.index_cast %rem3A_71 : i32 to index
        %swap3A_531 = arith.index_cast %add3A_515 : i32 to index
        %swap3A_532 = arith.constant 16 : index
        %swap3A_533 = tpu.vector_load %arg13[%swap3A_530, %swap3A_531, %swap3A_532] {strides = array<i32>} : memref<2x80x64xf32, #tpu.memory_space<vmem>>, vector<16xf32>,
        tpu.vector_store %arg13[%swap3A_530, %swap3A_531, %swap3A_532], %mul3A_529 {strides = array<i32>} : memref<2x80x64xf32, #tpu.memory_space<vmem>>, vector<16xf32>,
        %get3A_534 = arith.index_cast %rem3A_71 : i32 to index
        %get3A_535 = arith.index_cast %add3A_515 : i32 to index
        %get3A_536 = arith.constant 32 : index
        %get3A_537 = tpu.vector_load %arg13[%get3A_534, %get3A_535, %get3A_536] {strides = array<i32>} : memref<2x80x64xf32, #tpu.memory_space<vmem>>, vector<16xf32>,
        %mul3A_538 = arith.mulf %get3A_537, %gather3A_511 : vector<16xf32>
        %swap3A_539 = arith.index_cast %rem3A_71 : i32 to index
        %swap3A_540 = arith.index_cast %add3A_515 : i32 to index
        %swap3A_541 = arith.constant 32 : index
        %swap3A_542 = tpu.vector_load %arg13[%swap3A_539, %swap3A_540, %swap3A_541] {strides = array<i32>} : memref<2x80x64xf32, #tpu.memory_space<vmem>>, vector<16xf32>,
        tpu.vector_store %arg13[%swap3A_539, %swap3A_540, %swap3A_541], %mul3A_538 {strides = array<i32>} : memref<2x80x64xf32, #tpu.memory_space<vmem>>, vector<16xf32>,
        %get3A_543 = arith.index_cast %rem3A_71 : i32 to index
        %get3A_544 = arith.index_cast %add3A_515 : i32 to index
        %get3A_545 = arith.constant 48 : index
        %get3A_546 = tpu.vector_load %arg13[%get3A_543, %get3A_544, %get3A_545] {strides = array<i32>} : memref<2x80x64xf32, #tpu.memory_space<vmem>>, vector<16xf32>,
        %mul3A_547 = arith.mulf %get3A_546, %gather3A_511 : vector<16xf32>
        %swap3A_548 = arith.index_cast %rem3A_71 : i32 to index
        %swap3A_549 = arith.index_cast %add3A_515 : i32 to index
        %swap3A_550 = arith.constant 48 : index
        %swap3A_551 = tpu.vector_load %arg13[%swap3A_548, %swap3A_549, %swap3A_550] {strides = array<i32>} : memref<2x80x64xf32, #tpu.memory_space<vmem>>, vector<16xf32>,
        tpu.vector_store %arg13[%swap3A_548, %swap3A_549, %swap3A_550], %mul3A_547 {strides = array<i32>} : memref<2x80x64xf32, #tpu.memory_space<vmem>>, vector<16xf32>,
        %broadcast_in_dim3A_552 = arith.constant 9 : i32
        %broadcast_in_dim3A_553 = vector.broadcast %broadcast_in_dim3A_552 : i32 to vector<16xi32>
        %broadcast_in_dim3A_554 = vector.shape_cast %broadcast_in_dim3A_553 : vector<16xi32> to vector<16x1xi32>
        %gather3A_555 = vector.shape_cast %broadcast_in_dim3A_554 : vector<16x1xi32> to vector<16xi32>
        %gather3A_556 = tpu.dynamic_gather %get3A_147[%gather3A_555] in [0] : vector<16xf32>, vector<16xi32> -> vector<16xf32>
        %mul3A_557 = arith.constant 16 : i32
        %mul3A_558 = arith.muli %scan3A_124, %mul3A_557 : i32
        %add3A_559 = arith.constant 9 : i32
        %add3A_560 = arith.addi %mul3A_558, %add3A_559 : i32
        %get3A_561 = arith.index_cast %rem3A_71 : i32 to index
        %get3A_562 = arith.index_cast %add3A_560 : i32 to index
        %get3A_563 = arith.constant 0 : index
        %get3A_564 = tpu.vector_load %arg13[%get3A_561, %get3A_562, %get3A_563] {strides = array<i32>} : memref<2x80x64xf32, #tpu.memory_space<vmem>>, vector<16xf32>,
        %mul3A_565 = arith.mulf %get3A_564, %gather3A_556 : vector<16xf32>
        %swap3A_566 = arith.index_cast %rem3A_71 : i32 to index
        %swap3A_567 = arith.index_cast %add3A_560 : i32 to index
        %swap3A_568 = arith.constant 0 : index
        %swap3A_569 = tpu.vector_load %arg13[%swap3A_566, %swap3A_567, %swap3A_568] {strides = array<i32>} : memref<2x80x64xf32, #tpu.memory_space<vmem>>, vector<16xf32>,
        tpu.vector_store %arg13[%swap3A_566, %swap3A_567, %swap3A_568], %mul3A_565 {strides = array<i32>} : memref<2x80x64xf32, #tpu.memory_space<vmem>>, vector<16xf32>,
        %get3A_570 = arith.index_cast %rem3A_71 : i32 to index
        %get3A_571 = arith.index_cast %add3A_560 : i32 to index
        %get3A_572 = arith.constant 16 : index
        %get3A_573 = tpu.vector_load %arg13[%get3A_570, %get3A_571, %get3A_572] {strides = array<i32>} : memref<2x80x64xf32, #tpu.memory_space<vmem>>, vector<16xf32>,
        %mul3A_574 = arith.mulf %get3A_573, %gather3A_556 : vector<16xf32>
        %swap3A_575 = arith.index_cast %rem3A_71 : i32 to index
        %swap3A_576 = arith.index_cast %add3A_560 : i32 to index
        %swap3A_577 = arith.constant 16 : index
        %swap3A_578 = tpu.vector_load %arg13[%swap3A_575, %swap3A_576, %swap3A_577] {strides = array<i32>} : memref<2x80x64xf32, #tpu.memory_space<vmem>>, vector<16xf32>,
        tpu.vector_store %arg13[%swap3A_575, %swap3A_576, %swap3A_577], %mul3A_574 {strides = array<i32>} : memref<2x80x64xf32, #tpu.memory_space<vmem>>, vector<16xf32>,
        %get3A_579 = arith.index_cast %rem3A_71 : i32 to index
        %get3A_580 = arith.index_cast %add3A_560 : i32 to index
        %get3A_581 = arith.constant 32 : index
        %get3A_582 = tpu.vector_load %arg13[%get3A_579, %get3A_580, %get3A_581] {strides = array<i32>} : memref<2x80x64xf32, #tpu.memory_space<vmem>>, vector<16xf32>,
        %mul3A_583 = arith.mulf %get3A_582, %gather3A_556 : vector<16xf32>
        %swap3A_584 = arith.index_cast %rem3A_71 : i32 to index
        %swap3A_585 = arith.index_cast %add3A_560 : i32 to index
        %swap3A_586 = arith.constant 32 : index
        %swap3A_587 = tpu.vector_load %arg13[%swap3A_584, %swap3A_585, %swap3A_586] {strides = array<i32>} : memref<2x80x64xf32, #tpu.memory_space<vmem>>, vector<16xf32>,
        tpu.vector_store %arg13[%swap3A_584, %swap3A_585, %swap3A_586], %mul3A_583 {strides = array<i32>} : memref<2x80x64xf32, #tpu.memory_space<vmem>>, vector<16xf32>,
        %get3A_588 = arith.index_cast %rem3A_71 : i32 to index
        %get3A_589 = arith.index_cast %add3A_560 : i32 to index
        %get3A_590 = arith.constant 48 : index
        %get3A_591 = tpu.vector_load %arg13[%get3A_588, %get3A_589, %get3A_590] {strides = array<i32>} : memref<2x80x64xf32, #tpu.memory_space<vmem>>, vector<16xf32>,
        %mul3A_592 = arith.mulf %get3A_591, %gather3A_556 : vector<16xf32>
        %swap3A_593 = arith.index_cast %rem3A_71 : i32 to index
        %swap3A_594 = arith.index_cast %add3A_560 : i32 to index
        %swap3A_595 = arith.constant 48 : index
        %swap3A_596 = tpu.vector_load %arg13[%swap3A_593, %swap3A_594, %swap3A_595] {strides = array<i32>} : memref<2x80x64xf32, #tpu.memory_space<vmem>>, vector<16xf32>,
        tpu.vector_store %arg13[%swap3A_593, %swap3A_594, %swap3A_595], %mul3A_592 {strides = array<i32>} : memref<2x80x64xf32, #tpu.memory_space<vmem>>, vector<16xf32>,
        %broadcast_in_dim3A_597 = arith.constant 10 : i32
        %broadcast_in_dim3A_598 = vector.broadcast %broadcast_in_dim3A_597 : i32 to vector<16xi32>
        %broadcast_in_dim3A_599 = vector.shape_cast %broadcast_in_dim3A_598 : vector<16xi32> to vector<16x1xi32>
        %gather3A_600 = vector.shape_cast %broadcast_in_dim3A_599 : vector<16x1xi32> to vector<16xi32>
        %gather3A_601 = tpu.dynamic_gather %get3A_147[%gather3A_600] in [0] : vector<16xf32>, vector<16xi32> -> vector<16xf32>
        %mul3A_602 = arith.constant 16 : i32
        %mul3A_603 = arith.muli %scan3A_124, %mul3A_602 : i32
        %add3A_604 = arith.constant 10 : i32
        %add3A_605 = arith.addi %mul3A_603, %add3A_604 : i32
        %get3A_606 = arith.index_cast %rem3A_71 : i32 to index
        %get3A_607 = arith.index_cast %add3A_605 : i32 to index
        %get3A_608 = arith.constant 0 : index
        %get3A_609 = tpu.vector_load %arg13[%get3A_606, %get3A_607, %get3A_608] {strides = array<i32>} : memref<2x80x64xf32, #tpu.memory_space<vmem>>, vector<16xf32>,
        %mul3A_610 = arith.mulf %get3A_609, %gather3A_601 : vector<16xf32>
        %swap3A_611 = arith.index_cast %rem3A_71 : i32 to index
        %swap3A_612 = arith.index_cast %add3A_605 : i32 to index
        %swap3A_613 = arith.constant 0 : index
        %swap3A_614 = tpu.vector_load %arg13[%swap3A_611, %swap3A_612, %swap3A_613] {strides = array<i32>} : memref<2x80x64xf32, #tpu.memory_space<vmem>>, vector<16xf32>,
        tpu.vector_store %arg13[%swap3A_611, %swap3A_612, %swap3A_613], %mul3A_610 {strides = array<i32>} : memref<2x80x64xf32, #tpu.memory_space<vmem>>, vector<16xf32>,
        %get3A_615 = arith.index_cast %rem3A_71 : i32 to index
        %get3A_616 = arith.index_cast %add3A_605 : i32 to index
        %get3A_617 = arith.constant 16 : index
        %get3A_618 = tpu.vector_load %arg13[%get3A_615, %get3A_616, %get3A_617] {strides = array<i32>} : memref<2x80x64xf32, #tpu.memory_space<vmem>>, vector<16xf32>,
        %mul3A_619 = arith.mulf %get3A_618, %gather3A_601 : vector<16xf32>
        %swap3A_620 = arith.index_cast %rem3A_71 : i32 to index
        %swap3A_621 = arith.index_cast %add3A_605 : i32 to index
        %swap3A_622 = arith.constant 16 : index
        %swap3A_623 = tpu.vector_load %arg13[%swap3A_620, %swap3A_621, %swap3A_622] {strides = array<i32>} : memref<2x80x64xf32, #tpu.memory_space<vmem>>, vector<16xf32>,
        tpu.vector_store %arg13[%swap3A_620, %swap3A_621, %swap3A_622], %mul3A_619 {strides = array<i32>} : memref<2x80x64xf32, #tpu.memory_space<vmem>>, vector<16xf32>,
        %get3A_624 = arith.index_cast %rem3A_71 : i32 to index
        %get3A_625 = arith.index_cast %add3A_605 : i32 to index
        %get3A_626 = arith.constant 32 : index
        %get3A_627 = tpu.vector_load %arg13[%get3A_624, %get3A_625, %get3A_626] {strides = array<i32>} : memref<2x80x64xf32, #tpu.memory_space<vmem>>, vector<16xf32>,
        %mul3A_628 = arith.mulf %get3A_627, %gather3A_601 : vector<16xf32>
        %swap3A_629 = arith.index_cast %rem3A_71 : i32 to index
        %swap3A_630 = arith.index_cast %add3A_605 : i32 to index
        %swap3A_631 = arith.constant 32 : index
        %swap3A_632 = tpu.vector_load %arg13[%swap3A_629, %swap3A_630, %swap3A_631] {strides = array<i32>} : memref<2x80x64xf32, #tpu.memory_space<vmem>>, vector<16xf32>,
        tpu.vector_store %arg13[%swap3A_629, %swap3A_630, %swap3A_631], %mul3A_628 {strides = array<i32>} : memref<2x80x64xf32, #tpu.memory_space<vmem>>, vector<16xf32>,
        %get3A_633 = arith.index_cast %rem3A_71 : i32 to index
        %get3A_634 = arith.index_cast %add3A_605 : i32 to index
        %get3A_635 = arith.constant 48 : index
        %get3A_636 = tpu.vector_load %arg13[%get3A_633, %get3A_634, %get3A_635] {strides = array<i32>} : memref<2x80x64xf32, #tpu.memory_space<vmem>>, vector<16xf32>,
        %mul3A_637 = arith.mulf %get3A_636, %gather3A_601 : vector<16xf32>
        %swap3A_638 = arith.index_cast %rem3A_71 : i32 to index
        %swap3A_639 = arith.index_cast %add3A_605 : i32 to index
        %swap3A_640 = arith.constant 48 : index
        %swap3A_641 = tpu.vector_load %arg13[%swap3A_638, %swap3A_639, %swap3A_640] {strides = array<i32>} : memref<2x80x64xf32, #tpu.memory_space<vmem>>, vector<16xf32>,
        tpu.vector_store %arg13[%swap3A_638, %swap3A_639, %swap3A_640], %mul3A_637 {strides = array<i32>} : memref<2x80x64xf32, #tpu.memory_space<vmem>>, vector<16xf32>,
        %broadcast_in_dim3A_642 = arith.constant 11 : i32
        %broadcast_in_dim3A_643 = vector.broadcast %broadcast_in_dim3A_642 : i32 to vector<16xi32>
        %broadcast_in_dim3A_644 = vector.shape_cast %broadcast_in_dim3A_643 : vector<16xi32> to vector<16x1xi32>
        %gather3A_645 = vector.shape_cast %broadcast_in_dim3A_644 : vector<16x1xi32> to vector<16xi32>
        %gather3A_646 = tpu.dynamic_gather %get3A_147[%gather3A_645] in [0] : vector<16xf32>, vector<16xi32> -> vector<16xf32>
        %mul3A_647 = arith.constant 16 : i32
        %mul3A_648 = arith.muli %scan3A_124, %mul3A_647 : i32
        %add3A_649 = arith.constant 11 : i32
        %add3A_650 = arith.addi %mul3A_648, %add3A_649 : i32
        %get3A_651 = arith.index_cast %rem3A_71 : i32 to index
        %get3A_652 = arith.index_cast %add3A_650 : i32 to index
        %get3A_653 = arith.constant 0 : index
        %get3A_654 = tpu.vector_load %arg13[%get3A_651, %get3A_652, %get3A_653] {strides = array<i32>} : memref<2x80x64xf32, #tpu.memory_space<vmem>>, vector<16xf32>,
        %mul3A_655 = arith.mulf %get3A_654, %gather3A_646 : vector<16xf32>
        %swap3A_656 = arith.index_cast %rem3A_71 : i32 to index
        %swap3A_657 = arith.index_cast %add3A_650 : i32 to index
        %swap3A_658 = arith.constant 0 : index
        %swap3A_659 = tpu.vector_load %arg13[%swap3A_656, %swap3A_657, %swap3A_658] {strides = array<i32>} : memref<2x80x64xf32, #tpu.memory_space<vmem>>, vector<16xf32>,
        tpu.vector_store %arg13[%swap3A_656, %swap3A_657, %swap3A_658], %mul3A_655 {strides = array<i32>} : memref<2x80x64xf32, #tpu.memory_space<vmem>>, vector<16xf32>,
        %get3A_660 = arith.index_cast %rem3A_71 : i32 to index
        %get3A_661 = arith.index_cast %add3A_650 : i32 to index
        %get3A_662 = arith.constant 16 : index
        %get3A_663 = tpu.vector_load %arg13[%get3A_660, %get3A_661, %get3A_662] {strides = array<i32>} : memref<2x80x64xf32, #tpu.memory_space<vmem>>, vector<16xf32>,
        %mul3A_664 = arith.mulf %get3A_663, %gather3A_646 : vector<16xf32>
        %swap3A_665 = arith.index_cast %rem3A_71 : i32 to index
        %swap3A_666 = arith.index_cast %add3A_650 : i32 to index
        %swap3A_667 = arith.constant 16 : index
        %swap3A_668 = tpu.vector_load %arg13[%swap3A_665, %swap3A_666, %swap3A_667] {strides = array<i32>} : memref<2x80x64xf32, #tpu.memory_space<vmem>>, vector<16xf32>,
        tpu.vector_store %arg13[%swap3A_665, %swap3A_666, %swap3A_667], %mul3A_664 {strides = array<i32>} : memref<2x80x64xf32, #tpu.memory_space<vmem>>, vector<16xf32>,
        %get3A_669 = arith.index_cast %rem3A_71 : i32 to index
        %get3A_670 = arith.index_cast %add3A_650 : i32 to index
        %get3A_671 = arith.constant 32 : index
        %get3A_672 = tpu.vector_load %arg13[%get3A_669, %get3A_670, %get3A_671] {strides = array<i32>} : memref<2x80x64xf32, #tpu.memory_space<vmem>>, vector<16xf32>,
        %mul3A_673 = arith.mulf %get3A_672, %gather3A_646 : vector<16xf32>
        %swap3A_674 = arith.index_cast %rem3A_71 : i32 to index
        %swap3A_675 = arith.index_cast %add3A_650 : i32 to index
        %swap3A_676 = arith.constant 32 : index
        %swap3A_677 = tpu.vector_load %arg13[%swap3A_674, %swap3A_675, %swap3A_676] {strides = array<i32>} : memref<2x80x64xf32, #tpu.memory_space<vmem>>, vector<16xf32>,
        tpu.vector_store %arg13[%swap3A_674, %swap3A_675, %swap3A_676], %mul3A_673 {strides = array<i32>} : memref<2x80x64xf32, #tpu.memory_space<vmem>>, vector<16xf32>,
        %get3A_678 = arith.index_cast %rem3A_71 : i32 to index
        %get3A_679 = arith.index_cast %add3A_650 : i32 to index
        %get3A_680 = arith.constant 48 : index
        %get3A_681 = tpu.vector_load %arg13[%get3A_678, %get3A_679, %get3A_680] {strides = array<i32>} : memref<2x80x64xf32, #tpu.memory_space<vmem>>, vector<16xf32>,
        %mul3A_682 = arith.mulf %get3A_681, %gather3A_646 : vector<16xf32>
        %swap3A_683 = arith.index_cast %rem3A_71 : i32 to index
        %swap3A_684 = arith.index_cast %add3A_650 : i32 to index
        %swap3A_685 = arith.constant 48 : index
        %swap3A_686 = tpu.vector_load %arg13[%swap3A_683, %swap3A_684, %swap3A_685] {strides = array<i32>} : memref<2x80x64xf32, #tpu.memory_space<vmem>>, vector<16xf32>,
        tpu.vector_store %arg13[%swap3A_683, %swap3A_684, %swap3A_685], %mul3A_682 {strides = array<i32>} : memref<2x80x64xf32, #tpu.memory_space<vmem>>, vector<16xf32>,
        %broadcast_in_dim3A_687 = arith.constant 12 : i32
        %broadcast_in_dim3A_688 = vector.broadcast %broadcast_in_dim3A_687 : i32 to vector<16xi32>
        %broadcast_in_dim3A_689 = vector.shape_cast %broadcast_in_dim3A_688 : vector<16xi32> to vector<16x1xi32>
        %gather3A_690 = vector.shape_cast %broadcast_in_dim3A_689 : vector<16x1xi32> to vector<16xi32>
        %gather3A_691 = tpu.dynamic_gather %get3A_147[%gather3A_690] in [0] : vector<16xf32>, vector<16xi32> -> vector<16xf32>
        %mul3A_692 = arith.constant 16 : i32
        %mul3A_693 = arith.muli %scan3A_124, %mul3A_692 : i32
        %add3A_694 = arith.constant 12 : i32
        %add3A_695 = arith.addi %mul3A_693, %add3A_694 : i32
        %get3A_696 = arith.index_cast %rem3A_71 : i32 to index
        %get3A_697 = arith.index_cast %add3A_695 : i32 to index
        %get3A_698 = arith.constant 0 : index
        %get3A_699 = tpu.vector_load %arg13[%get3A_696, %get3A_697, %get3A_698] {strides = array<i32>} : memref<2x80x64xf32, #tpu.memory_space<vmem>>, vector<16xf32>,
        %mul3A_700 = arith.mulf %get3A_699, %gather3A_691 : vector<16xf32>
        %swap3A_701 = arith.index_cast %rem3A_71 : i32 to index
        %swap3A_702 = arith.index_cast %add3A_695 : i32 to index
        %swap3A_703 = arith.constant 0 : index
        %swap3A_704 = tpu.vector_load %arg13[%swap3A_701, %swap3A_702, %swap3A_703] {strides = array<i32>} : memref<2x80x64xf32, #tpu.memory_space<vmem>>, vector<16xf32>,
        tpu.vector_store %arg13[%swap3A_701, %swap3A_702, %swap3A_703], %mul3A_700 {strides = array<i32>} : memref<2x80x64xf32, #tpu.memory_space<vmem>>, vector<16xf32>,
        %get3A_705 = arith.index_cast %rem3A_71 : i32 to index
        %get3A_706 = arith.index_cast %add3A_695 : i32 to index
        %get3A_707 = arith.constant 16 : index
        %get3A_708 = tpu.vector_load %arg13[%get3A_705, %get3A_706, %get3A_707] {strides = array<i32>} : memref<2x80x64xf32, #tpu.memory_space<vmem>>, vector<16xf32>,
        %mul3A_709 = arith.mulf %get3A_708, %gather3A_691 : vector<16xf32>
        %swap3A_710 = arith.index_cast %rem3A_71 : i32 to index
        %swap3A_711 = arith.index_cast %add3A_695 : i32 to index
        %swap3A_712 = arith.constant 16 : index
        %swap3A_713 = tpu.vector_load %arg13[%swap3A_710, %swap3A_711, %swap3A_712] {strides = array<i32>} : memref<2x80x64xf32, #tpu.memory_space<vmem>>, vector<16xf32>,
        tpu.vector_store %arg13[%swap3A_710, %swap3A_711, %swap3A_712], %mul3A_709 {strides = array<i32>} : memref<2x80x64xf32, #tpu.memory_space<vmem>>, vector<16xf32>,
        %get3A_714 = arith.index_cast %rem3A_71 : i32 to index
        %get3A_715 = arith.index_cast %add3A_695 : i32 to index
        %get3A_716 = arith.constant 32 : index
        %get3A_717 = tpu.vector_load %arg13[%get3A_714, %get3A_715, %get3A_716] {strides = array<i32>} : memref<2x80x64xf32, #tpu.memory_space<vmem>>, vector<16xf32>,
        %mul3A_718 = arith.mulf %get3A_717, %gather3A_691 : vector<16xf32>
        %swap3A_719 = arith.index_cast %rem3A_71 : i32 to index
        %swap3A_720 = arith.index_cast %add3A_695 : i32 to index
        %swap3A_721 = arith.constant 32 : index
        %swap3A_722 = tpu.vector_load %arg13[%swap3A_719, %swap3A_720, %swap3A_721] {strides = array<i32>} : memref<2x80x64xf32, #tpu.memory_space<vmem>>, vector<16xf32>,
        tpu.vector_store %arg13[%swap3A_719, %swap3A_720, %swap3A_721], %mul3A_718 {strides = array<i32>} : memref<2x80x64xf32, #tpu.memory_space<vmem>>, vector<16xf32>,
        %get3A_723 = arith.index_cast %rem3A_71 : i32 to index
        %get3A_724 = arith.index_cast %add3A_695 : i32 to index
        %get3A_725 = arith.constant 48 : index
        %get3A_726 = tpu.vector_load %arg13[%get3A_723, %get3A_724, %get3A_725] {strides = array<i32>} : memref<2x80x64xf32, #tpu.memory_space<vmem>>, vector<16xf32>,
        %mul3A_727 = arith.mulf %get3A_726, %gather3A_691 : vector<16xf32>
        %swap3A_728 = arith.index_cast %rem3A_71 : i32 to index
        %swap3A_729 = arith.index_cast %add3A_695 : i32 to index
        %swap3A_730 = arith.constant 48 : index
        %swap3A_731 = tpu.vector_load %arg13[%swap3A_728, %swap3A_729, %swap3A_730] {strides = array<i32>} : memref<2x80x64xf32, #tpu.memory_space<vmem>>, vector<16xf32>,
        tpu.vector_store %arg13[%swap3A_728, %swap3A_729, %swap3A_730], %mul3A_727 {strides = array<i32>} : memref<2x80x64xf32, #tpu.memory_space<vmem>>, vector<16xf32>,
        %broadcast_in_dim3A_732 = arith.constant 13 : i32
        %broadcast_in_dim3A_733 = vector.broadcast %broadcast_in_dim3A_732 : i32 to vector<16xi32>
        %broadcast_in_dim3A_734 = vector.shape_cast %broadcast_in_dim3A_733 : vector<16xi32> to vector<16x1xi32>
        %gather3A_735 = vector.shape_cast %broadcast_in_dim3A_734 : vector<16x1xi32> to vector<16xi32>
        %gather3A_736 = tpu.dynamic_gather %get3A_147[%gather3A_735] in [0] : vector<16xf32>, vector<16xi32> -> vector<16xf32>
        %mul3A_737 = arith.constant 16 : i32
        %mul3A_738 = arith.muli %scan3A_124, %mul3A_737 : i32
        %add3A_739 = arith.constant 13 : i32
        %add3A_740 = arith.addi %mul3A_738, %add3A_739 : i32
        %get3A_741 = arith.index_cast %rem3A_71 : i32 to index
        %get3A_742 = arith.index_cast %add3A_740 : i32 to index
        %get3A_743 = arith.constant 0 : index
        %get3A_744 = tpu.vector_load %arg13[%get3A_741, %get3A_742, %get3A_743] {strides = array<i32>} : memref<2x80x64xf32, #tpu.memory_space<vmem>>, vector<16xf32>,
        %mul3A_745 = arith.mulf %get3A_744, %gather3A_736 : vector<16xf32>
        %swap3A_746 = arith.index_cast %rem3A_71 : i32 to index
        %swap3A_747 = arith.index_cast %add3A_740 : i32 to index
        %swap3A_748 = arith.constant 0 : index
        %swap3A_749 = tpu.vector_load %arg13[%swap3A_746, %swap3A_747, %swap3A_748] {strides = array<i32>} : memref<2x80x64xf32, #tpu.memory_space<vmem>>, vector<16xf32>,
        tpu.vector_store %arg13[%swap3A_746, %swap3A_747, %swap3A_748], %mul3A_745 {strides = array<i32>} : memref<2x80x64xf32, #tpu.memory_space<vmem>>, vector<16xf32>,
        %get3A_750 = arith.index_cast %rem3A_71 : i32 to index
        %get3A_751 = arith.index_cast %add3A_740 : i32 to index
        %get3A_752 = arith.constant 16 : index
        %get3A_753 = tpu.vector_load %arg13[%get3A_750, %get3A_751, %get3A_752] {strides = array<i32>} : memref<2x80x64xf32, #tpu.memory_space<vmem>>, vector<16xf32>,
        %mul3A_754 = arith.mulf %get3A_753, %gather3A_736 : vector<16xf32>
        %swap3A_755 = arith.index_cast %rem3A_71 : i32 to index
        %swap3A_756 = arith.index_cast %add3A_740 : i32 to index
        %swap3A_757 = arith.constant 16 : index
        %swap3A_758 = tpu.vector_load %arg13[%swap3A_755, %swap3A_756, %swap3A_757] {strides = array<i32>} : memref<2x80x64xf32, #tpu.memory_space<vmem>>, vector<16xf32>,
        tpu.vector_store %arg13[%swap3A_755, %swap3A_756, %swap3A_757], %mul3A_754 {strides = array<i32>} : memref<2x80x64xf32, #tpu.memory_space<vmem>>, vector<16xf32>,
        %get3A_759 = arith.index_cast %rem3A_71 : i32 to index
        %get3A_760 = arith.index_cast %add3A_740 : i32 to index
        %get3A_761 = arith.constant 32 : index
        %get3A_762 = tpu.vector_load %arg13[%get3A_759, %get3A_760, %get3A_761] {strides = array<i32>} : memref<2x80x64xf32, #tpu.memory_space<vmem>>, vector<16xf32>,
        %mul3A_763 = arith.mulf %get3A_762, %gather3A_736 : vector<16xf32>
        %swap3A_764 = arith.index_cast %rem3A_71 : i32 to index
        %swap3A_765 = arith.index_cast %add3A_740 : i32 to index
        %swap3A_766 = arith.constant 32 : index
        %swap3A_767 = tpu.vector_load %arg13[%swap3A_764, %swap3A_765, %swap3A_766] {strides = array<i32>} : memref<2x80x64xf32, #tpu.memory_space<vmem>>, vector<16xf32>,
        tpu.vector_store %arg13[%swap3A_764, %swap3A_765, %swap3A_766], %mul3A_763 {strides = array<i32>} : memref<2x80x64xf32, #tpu.memory_space<vmem>>, vector<16xf32>,
        %get3A_768 = arith.index_cast %rem3A_71 : i32 to index
        %get3A_769 = arith.index_cast %add3A_740 : i32 to index
        %get3A_770 = arith.constant 48 : index
        %get3A_771 = tpu.vector_load %arg13[%get3A_768, %get3A_769, %get3A_770] {strides = array<i32>} : memref<2x80x64xf32, #tpu.memory_space<vmem>>, vector<16xf32>,
        %mul3A_772 = arith.mulf %get3A_771, %gather3A_736 : vector<16xf32>
        %swap3A_773 = arith.index_cast %rem3A_71 : i32 to index
        %swap3A_774 = arith.index_cast %add3A_740 : i32 to index
        %swap3A_775 = arith.constant 48 : index
        %swap3A_776 = tpu.vector_load %arg13[%swap3A_773, %swap3A_774, %swap3A_775] {strides = array<i32>} : memref<2x80x64xf32, #tpu.memory_space<vmem>>, vector<16xf32>,
        tpu.vector_store %arg13[%swap3A_773, %swap3A_774, %swap3A_775], %mul3A_772 {strides = array<i32>} : memref<2x80x64xf32, #tpu.memory_space<vmem>>, vector<16xf32>,
        %broadcast_in_dim3A_777 = arith.constant 14 : i32
        %broadcast_in_dim3A_778 = vector.broadcast %broadcast_in_dim3A_777 : i32 to vector<16xi32>
        %broadcast_in_dim3A_779 = vector.shape_cast %broadcast_in_dim3A_778 : vector<16xi32> to vector<16x1xi32>
        %gather3A_780 = vector.shape_cast %broadcast_in_dim3A_779 : vector<16x1xi32> to vector<16xi32>
        %gather3A_781 = tpu.dynamic_gather %get3A_147[%gather3A_780] in [0] : vector<16xf32>, vector<16xi32> -> vector<16xf32>
        %mul3A_782 = arith.constant 16 : i32
        %mul3A_783 = arith.muli %scan3A_124, %mul3A_782 : i32
        %add3A_784 = arith.constant 14 : i32
        %add3A_785 = arith.addi %mul3A_783, %add3A_784 : i32
        %get3A_786 = arith.index_cast %rem3A_71 : i32 to index
        %get3A_787 = arith.index_cast %add3A_785 : i32 to index
        %get3A_788 = arith.constant 0 : index
        %get3A_789 = tpu.vector_load %arg13[%get3A_786, %get3A_787, %get3A_788] {strides = array<i32>} : memref<2x80x64xf32, #tpu.memory_space<vmem>>, vector<16xf32>,
        %mul3A_790 = arith.mulf %get3A_789, %gather3A_781 : vector<16xf32>
        %swap3A_791 = arith.index_cast %rem3A_71 : i32 to index
        %swap3A_792 = arith.index_cast %add3A_785 : i32 to index
        %swap3A_793 = arith.constant 0 : index
        %swap3A_794 = tpu.vector_load %arg13[%swap3A_791, %swap3A_792, %swap3A_793] {strides = array<i32>} : memref<2x80x64xf32, #tpu.memory_space<vmem>>, vector<16xf32>,
        tpu.vector_store %arg13[%swap3A_791, %swap3A_792, %swap3A_793], %mul3A_790 {strides = array<i32>} : memref<2x80x64xf32, #tpu.memory_space<vmem>>, vector<16xf32>,
        %get3A_795 = arith.index_cast %rem3A_71 : i32 to index
        %get3A_796 = arith.index_cast %add3A_785 : i32 to index
        %get3A_797 = arith.constant 16 : index
        %get3A_798 = tpu.vector_load %arg13[%get3A_795, %get3A_796, %get3A_797] {strides = array<i32>} : memref<2x80x64xf32, #tpu.memory_space<vmem>>, vector<16xf32>,
        %mul3A_799 = arith.mulf %get3A_798, %gather3A_781 : vector<16xf32>
        %swap3A_800 = arith.index_cast %rem3A_71 : i32 to index
        %swap3A_801 = arith.index_cast %add3A_785 : i32 to index
        %swap3A_802 = arith.constant 16 : index
        %swap3A_803 = tpu.vector_load %arg13[%swap3A_800, %swap3A_801, %swap3A_802] {strides = array<i32>} : memref<2x80x64xf32, #tpu.memory_space<vmem>>, vector<16xf32>,
        tpu.vector_store %arg13[%swap3A_800, %swap3A_801, %swap3A_802], %mul3A_799 {strides = array<i32>} : memref<2x80x64xf32, #tpu.memory_space<vmem>>, vector<16xf32>,
        %get3A_804 = arith.index_cast %rem3A_71 : i32 to index
        %get3A_805 = arith.index_cast %add3A_785 : i32 to index
        %get3A_806 = arith.constant 32 : index
        %get3A_807 = tpu.vector_load %arg13[%get3A_804, %get3A_805, %get3A_806] {strides = array<i32>} : memref<2x80x64xf32, #tpu.memory_space<vmem>>, vector<16xf32>,
        %mul3A_808 = arith.mulf %get3A_807, %gather3A_781 : vector<16xf32>
        %swap3A_809 = arith.index_cast %rem3A_71 : i32 to index
        %swap3A_810 = arith.index_cast %add3A_785 : i32 to index
        %swap3A_811 = arith.constant 32 : index
        %swap3A_812 = tpu.vector_load %arg13[%swap3A_809, %swap3A_810, %swap3A_811] {strides = array<i32>} : memref<2x80x64xf32, #tpu.memory_space<vmem>>, vector<16xf32>,
        tpu.vector_store %arg13[%swap3A_809, %swap3A_810, %swap3A_811], %mul3A_808 {strides = array<i32>} : memref<2x80x64xf32, #tpu.memory_space<vmem>>, vector<16xf32>,
        %get3A_813 = arith.index_cast %rem3A_71 : i32 to index
        %get3A_814 = arith.index_cast %add3A_785 : i32 to index
        %get3A_815 = arith.constant 48 : index
        %get3A_816 = tpu.vector_load %arg13[%get3A_813, %get3A_814, %get3A_815] {strides = array<i32>} : memref<2x80x64xf32, #tpu.memory_space<vmem>>, vector<16xf32>,
        %mul3A_817 = arith.mulf %get3A_816, %gather3A_781 : vector<16xf32>
        %swap3A_818 = arith.index_cast %rem3A_71 : i32 to index
        %swap3A_819 = arith.index_cast %add3A_785 : i32 to index
        %swap3A_820 = arith.constant 48 : index
        %swap3A_821 = tpu.vector_load %arg13[%swap3A_818, %swap3A_819, %swap3A_820] {strides = array<i32>} : memref<2x80x64xf32, #tpu.memory_space<vmem>>, vector<16xf32>,
        tpu.vector_store %arg13[%swap3A_818, %swap3A_819, %swap3A_820], %mul3A_817 {strides = array<i32>} : memref<2x80x64xf32, #tpu.memory_space<vmem>>, vector<16xf32>,
        %broadcast_in_dim3A_822 = arith.constant 15 : i32
        %broadcast_in_dim3A_823 = vector.broadcast %broadcast_in_dim3A_822 : i32 to vector<16xi32>
        %broadcast_in_dim3A_824 = vector.shape_cast %broadcast_in_dim3A_823 : vector<16xi32> to vector<16x1xi32>
        %gather3A_825 = vector.shape_cast %broadcast_in_dim3A_824 : vector<16x1xi32> to vector<16xi32>
        %gather3A_826 = tpu.dynamic_gather %get3A_147[%gather3A_825] in [0] : vector<16xf32>, vector<16xi32> -> vector<16xf32>
        %mul3A_827 = arith.constant 16 : i32
        %mul3A_828 = arith.muli %scan3A_124, %mul3A_827 : i32
        %add3A_829 = arith.constant 15 : i32
        %add3A_830 = arith.addi %mul3A_828, %add3A_829 : i32
        %get3A_831 = arith.index_cast %rem3A_71 : i32 to index
        %get3A_832 = arith.index_cast %add3A_830 : i32 to index
        %get3A_833 = arith.constant 0 : index
        %get3A_834 = tpu.vector_load %arg13[%get3A_831, %get3A_832, %get3A_833] {strides = array<i32>} : memref<2x80x64xf32, #tpu.memory_space<vmem>>, vector<16xf32>,
        %mul3A_835 = arith.mulf %get3A_834, %gather3A_826 : vector<16xf32>
        %swap3A_836 = arith.index_cast %rem3A_71 : i32 to index
        %swap3A_837 = arith.index_cast %add3A_830 : i32 to index
        %swap3A_838 = arith.constant 0 : index
        %swap3A_839 = tpu.vector_load %arg13[%swap3A_836, %swap3A_837, %swap3A_838] {strides = array<i32>} : memref<2x80x64xf32, #tpu.memory_space<vmem>>, vector<16xf32>,
        tpu.vector_store %arg13[%swap3A_836, %swap3A_837, %swap3A_838], %mul3A_835 {strides = array<i32>} : memref<2x80x64xf32, #tpu.memory_space<vmem>>, vector<16xf32>,
        %get3A_840 = arith.index_cast %rem3A_71 : i32 to index
        %get3A_841 = arith.index_cast %add3A_830 : i32 to index
        %get3A_842 = arith.constant 16 : index
        %get3A_843 = tpu.vector_load %arg13[%get3A_840, %get3A_841, %get3A_842] {strides = array<i32>} : memref<2x80x64xf32, #tpu.memory_space<vmem>>, vector<16xf32>,
        %mul3A_844 = arith.mulf %get3A_843, %gather3A_826 : vector<16xf32>
        %swap3A_845 = arith.index_cast %rem3A_71 : i32 to index
        %swap3A_846 = arith.index_cast %add3A_830 : i32 to index
        %swap3A_847 = arith.constant 16 : index
        %swap3A_848 = tpu.vector_load %arg13[%swap3A_845, %swap3A_846, %swap3A_847] {strides = array<i32>} : memref<2x80x64xf32, #tpu.memory_space<vmem>>, vector<16xf32>,
        tpu.vector_store %arg13[%swap3A_845, %swap3A_846, %swap3A_847], %mul3A_844 {strides = array<i32>} : memref<2x80x64xf32, #tpu.memory_space<vmem>>, vector<16xf32>,
        %get3A_849 = arith.index_cast %rem3A_71 : i32 to index
        %get3A_850 = arith.index_cast %add3A_830 : i32 to index
        %get3A_851 = arith.constant 32 : index
        %get3A_852 = tpu.vector_load %arg13[%get3A_849, %get3A_850, %get3A_851] {strides = array<i32>} : memref<2x80x64xf32, #tpu.memory_space<vmem>>, vector<16xf32>,
        %mul3A_853 = arith.mulf %get3A_852, %gather3A_826 : vector<16xf32>
        %swap3A_854 = arith.index_cast %rem3A_71 : i32 to index
        %swap3A_855 = arith.index_cast %add3A_830 : i32 to index
        %swap3A_856 = arith.constant 32 : index
        %swap3A_857 = tpu.vector_load %arg13[%swap3A_854, %swap3A_855, %swap3A_856] {strides = array<i32>} : memref<2x80x64xf32, #tpu.memory_space<vmem>>, vector<16xf32>,
        tpu.vector_store %arg13[%swap3A_854, %swap3A_855, %swap3A_856], %mul3A_853 {strides = array<i32>} : memref<2x80x64xf32, #tpu.memory_space<vmem>>, vector<16xf32>,
        %get3A_858 = arith.index_cast %rem3A_71 : i32 to index
        %get3A_859 = arith.index_cast %add3A_830 : i32 to index
        %get3A_860 = arith.constant 48 : index
        %get3A_861 = tpu.vector_load %arg13[%get3A_858, %get3A_859, %get3A_860] {strides = array<i32>} : memref<2x80x64xf32, #tpu.memory_space<vmem>>, vector<16xf32>,
        %mul3A_862 = arith.mulf %get3A_861, %gather3A_826 : vector<16xf32>
        %swap3A_863 = arith.index_cast %rem3A_71 : i32 to index
        %swap3A_864 = arith.index_cast %add3A_830 : i32 to index
        %swap3A_865 = arith.constant 48 : index
        %swap3A_866 = tpu.vector_load %arg13[%swap3A_863, %swap3A_864, %swap3A_865] {strides = array<i32>} : memref<2x80x64xf32, #tpu.memory_space<vmem>>, vector<16xf32>,
        tpu.vector_store %arg13[%swap3A_863, %swap3A_864, %swap3A_865], %mul3A_862 {strides = array<i32>} : memref<2x80x64xf32, #tpu.memory_space<vmem>>, vector<16xf32>,
        %scan3A_867 = arith.constant 0 : i32
        scf.yield %scan3A_867 : i32
      }
      %scan3A_108 = arith.constant 5 : i32
      %and3A_109 = arith.andi %eq3A_87, %lt3A_90 : i1
      %convert_element_type3A_110 = arith.extui %and3A_109 : i1 to i32
      %cond3A_111 = arith.constant 0 : i32
      %cond3A_112 = arith.cmpi ne, %convert_element_type3A_110, %cond3A_111 : i32
      scf.if %cond3A_112 {
        %add3A_124 = arith.constant 1 : i32
        %add3A_125 = arith.addi %scan3A_68, %add3A_124 : i32
        %jit3A_126 = arith.constant 25 : i32
        %div3A_127 = arith.divsi %add3A_125, %jit3A_126 : i32
        %sign3A_128 = arith.constant 0 : i32
        %sign3A_129 = arith.cmpi sgt, %add3A_125, %sign3A_128 : i32
        %sign3A_130 = arith.extui %sign3A_129 : i1 to i32
        %sign3A_131 = arith.constant 0 : i32
        %sign3A_132 = arith.cmpi slt, %add3A_125, %sign3A_131 : i32
        %sign3A_133 = arith.extui %sign3A_132 : i1 to i32
        %sign3A_134 = arith.subi %sign3A_130, %sign3A_133 : i32
        %sign3A_135 = arith.constant 0 : i32
        %sign3A_136 = arith.cmpi sgt, %jit3A_126, %sign3A_135 : i32
        %sign3A_137 = arith.extui %sign3A_136 : i1 to i32
        %sign3A_138 = arith.constant 0 : i32
        %sign3A_139 = arith.cmpi slt, %jit3A_126, %sign3A_138 : i32
        %sign3A_140 = arith.extui %sign3A_139 : i1 to i32
        %sign3A_141 = arith.subi %sign3A_137, %sign3A_140 : i32
        %ne3A_142 = arith.cmpi ne, %sign3A_134, %sign3A_141 : i32
        %rem3A_143 = arith.remsi %add3A_125, %jit3A_126 : i32
        %ne3A_144 = arith.constant 0 : i32
        %ne3A_145 = arith.cmpi ne, %rem3A_143, %ne3A_144 : i32
        %and3A_146 = arith.andi %ne3A_142, %ne3A_145 : i1
        %sub3A_147 = arith.constant 1 : i32
        %sub3A_148 = arith.subi %div3A_127, %sub3A_147 : i32
        %select_n3A_149 = arith.select %and3A_146, %sub3A_148, %div3A_127 : i32
        %mul3A_150 = arith.constant 2000 : i32
        %mul3A_151 = arith.muli %select_n3A_149, %mul3A_150 : i32
        %add3A_152 = arith.addi %mul3A_2, %mul3A_151 : i32
        "tpu.region"() ({
          %run_scoped3A = tpu.sem_alloc : memref<!tpu.dma_semaphore, #tpu.memory_space<semaphore_mem>>
          %dma_start3A_167 = tpu.memref_slice %arg3[%add3A_152] : memref<800000xi32, #tpu.memory_space<hbm>> -> memref<2000xi32, #tpu.memory_space<hbm>>
          %dma_start3A_168 = tpu.memref_slice %arg3[%add3A_152] : memref<800000xi32, #tpu.memory_space<hbm>> -> memref<2000xi32, #tpu.memory_space<hbm>>
          tpu.enqueue_dma source(%dma_start3A_168 : memref<2000xi32, #tpu.memory_space<hbm>>) target(%arg9 : memref<2000xi32, #tpu.memory_space<vmem>>) target_semaphore(%run_scoped3A : memref<!tpu.dma_semaphore, #tpu.memory_space<semaphore_mem>>)
          %dma_wait3A_169 = tpu.memref_slice %arg3[%add3A_152] : memref<800000xi32, #tpu.memory_space<hbm>> -> memref<2000xi32, #tpu.memory_space<hbm>>
          %dma_wait3A_170 = tpu.memref_slice %arg3[%add3A_152] : memref<800000xi32, #tpu.memory_space<hbm>> -> memref<2000xi32, #tpu.memory_space<hbm>>
          tpu.wait_dma2 semaphore(%run_scoped3A : memref<!tpu.dma_semaphore, #tpu.memory_space<semaphore_mem>>) src(%dma_wait3A_170 : memref<2000xi32, #tpu.memory_space<hbm>>) dst(%arg9 : memref<2000xi32, #tpu.memory_space<vmem>>)
          tpu.yield
        }) : () -> ()
        "tpu.region"() ({
          %run_scoped3A = tpu.sem_alloc : memref<!tpu.dma_semaphore, #tpu.memory_space<semaphore_mem>>
          %dma_start3A_167 = tpu.memref_slice %arg4[%add3A_152] : memref<800000xi32, #tpu.memory_space<hbm>> -> memref<2000xi32, #tpu.memory_space<hbm>>
          %dma_start3A_168 = tpu.memref_slice %arg4[%add3A_152] : memref<800000xi32, #tpu.memory_space<hbm>> -> memref<2000xi32, #tpu.memory_space<hbm>>
          tpu.enqueue_dma source(%dma_start3A_168 : memref<2000xi32, #tpu.memory_space<hbm>>) target(%arg10 : memref<2000xi32, #tpu.memory_space<vmem>>) target_semaphore(%run_scoped3A : memref<!tpu.dma_semaphore, #tpu.memory_space<semaphore_mem>>)
          %dma_wait3A_169 = tpu.memref_slice %arg4[%add3A_152] : memref<800000xi32, #tpu.memory_space<hbm>> -> memref<2000xi32, #tpu.memory_space<hbm>>
          %dma_wait3A_170 = tpu.memref_slice %arg4[%add3A_152] : memref<800000xi32, #tpu.memory_space<hbm>> -> memref<2000xi32, #tpu.memory_space<hbm>>
          tpu.wait_dma2 semaphore(%run_scoped3A : memref<!tpu.dma_semaphore, #tpu.memory_space<semaphore_mem>>) src(%dma_wait3A_170 : memref<2000xi32, #tpu.memory_space<hbm>>) dst(%arg10 : memref<2000xi32, #tpu.memory_space<vmem>>)
          tpu.yield
        }) : () -> ()
        "tpu.region"() ({
          %run_scoped3A = tpu.sem_alloc : memref<!tpu.dma_semaphore, #tpu.memory_space<semaphore_mem>>
          %dma_start3A_167 = tpu.memref_slice %arg5[%add3A_152] : memref<800000xf32, #tpu.memory_space<hbm>> -> memref<2000xf32, #tpu.memory_space<hbm>>
          %dma_start3A_168 = tpu.memref_slice %arg5[%add3A_152] : memref<800000xf32, #tpu.memory_space<hbm>> -> memref<2000xf32, #tpu.memory_space<hbm>>
          tpu.enqueue_dma source(%dma_start3A_168 : memref<2000xf32, #tpu.memory_space<hbm>>) target(%arg11 : memref<2000xf32, #tpu.memory_space<vmem>>) target_semaphore(%run_scoped3A : memref<!tpu.dma_semaphore, #tpu.memory_space<semaphore_mem>>)
          %dma_wait3A_169 = tpu.memref_slice %arg5[%add3A_152] : memref<800000xf32, #tpu.memory_space<hbm>> -> memref<2000xf32, #tpu.memory_space<hbm>>
          %dma_wait3A_170 = tpu.memref_slice %arg5[%add3A_152] : memref<800000xf32, #tpu.memory_space<hbm>> -> memref<2000xf32, #tpu.memory_space<hbm>>
          tpu.wait_dma2 semaphore(%run_scoped3A : memref<!tpu.dma_semaphore, #tpu.memory_space<semaphore_mem>>) src(%dma_wait3A_170 : memref<2000xf32, #tpu.memory_space<hbm>>) dst(%arg11 : memref<2000xf32, #tpu.memory_space<vmem>>)
          tpu.yield
        }) : () -> ()
        %add3A_153 = arith.constant 1 : i32
        %add3A_154 = arith.addi %scan3A_68, %add3A_153 : i32
        %rem3A_155 = arith.constant 25 : i32
        %rem3A_156 = arith.remsi %add3A_154, %rem3A_155 : i32
        %mul3A_157 = arith.constant 80 : i32
        %mul3A_158 = arith.muli %rem3A_156, %mul3A_157 : i32
        %dma_start3A_159 = arith.constant 0 : i32
        %dma_start3A_160 = arith.constant 0 : i32
        %dma_start3A_161 = tpu.memref_slice %arg13[%sub3A_73, %dma_start3A_159, %dma_start3A_160] : memref<2x80x64xf32, #tpu.memory_space<vmem>> -> memref<1x80x64xf32, #tpu.memory_space<vmem>>
        %dma_start3A_162 = tpu.memref_squeeze %dma_start3A_161 : memref<1x80x64xf32, #tpu.memory_space<vmem>> -> memref<80x64xf32, #tpu.memory_space<vmem>>
        %dma_start3A_163 = tpu.memref_slice %arg9[%mul3A_158] : memref<2000xi32, #tpu.memory_space<vmem>> -> memref<80xi32, #tpu.memory_space<vmem>>
        %dma_start3A_164 = arith.constant 0 : i32
        %dma_start3A_165 = arith.constant 0 : i32
        %dma_start3A_166 = tpu.memref_slice %arg2[%dma_start3A_164, %dma_start3A_165] : memref<50000x64xf32, #tpu.memory_space<hbm>> -> memref<50000x64xf32, #tpu.memory_space<hbm>>
        tpu.enqueue_indirect_dma source(%dma_start3A_166 : memref<50000x64xf32, #tpu.memory_space<hbm>>) target(%dma_start3A_162 : memref<80x64xf32, #tpu.memory_space<vmem>>) offsets(%dma_start3A_163 : memref<80xi32, #tpu.memory_space<vmem>>) semaphore(%arg16 : memref<!tpu.dma_semaphore, #tpu.memory_space<semaphore_mem>>)
      } else {
      }
      %dma_start3A_113 = arith.constant 0 : i32
      %dma_start3A_114 = arith.constant 0 : i32
      %dma_start3A_115 = tpu.memref_slice %arg13[%rem3A_71, %dma_start3A_113, %dma_start3A_114] : memref<2x80x64xf32, #tpu.memory_space<vmem>> -> memref<1x80x64xf32, #tpu.memory_space<vmem>>
      %dma_start3A_116 = tpu.memref_squeeze %dma_start3A_115 : memref<1x80x64xf32, #tpu.memory_space<vmem>> -> memref<80x64xf32, #tpu.memory_space<vmem>>
      %dma_start3A_117 = arith.constant 0 : i32
      %dma_start3A_118 = tpu.memref_slice %arg12[%rem3A_71, %dma_start3A_117] : memref<2x80xi32, #tpu.memory_space<vmem>> -> memref<1x80xi32, #tpu.memory_space<vmem>>
      %dma_start3A_119 = tpu.memref_squeeze %dma_start3A_118 : memref<1x80xi32, #tpu.memory_space<vmem>> -> memref<80xi32, #tpu.memory_space<vmem>>
      %dma_start3A_120 = arith.constant 0 : i32
      %dma_start3A_121 = arith.constant 0 : i32
      %dma_start3A_122 = tpu.memref_slice %arg8[%dma_start3A_120, %dma_start3A_121] : memref<25008x64xf32, #tpu.memory_space<vmem_shared>> -> memref<25008x64xf32, #tpu.memory_space<vmem_shared>>
      tpu.enqueue_indirect_dma source(%dma_start3A_116 : memref<80x64xf32, #tpu.memory_space<vmem>>) target(%dma_start3A_122 : memref<25008x64xf32, #tpu.memory_space<vmem_shared>>) offsets(%dma_start3A_119 : memref<80xi32, #tpu.memory_space<vmem>>) semaphore(%arg17 : memref<!tpu.dma_semaphore, #tpu.memory_space<semaphore_mem>>) {add = true}
      %scan3A_123 = arith.constant 0 : i32
      scf.yield %scan3A_123 : i32
    }
    %scan3A_21 = arith.constant 625 : i32
    %dma_wait3A = arith.constant 0 : i32
    %dma_wait3A_22 = arith.constant 0 : i32
    %dma_wait3A_23 = arith.constant 0 : i32
    %dma_wait3A_24 = arith.constant 0 : i32
    %dma_wait3A_25 = tpu.memref_slice %arg13[%dma_wait3A, %dma_wait3A_23, %dma_wait3A_24] : memref<2x80x64xf32, #tpu.memory_space<vmem>> -> memref<1x80x64xf32, #tpu.memory_space<vmem>>
    %dma_wait3A_26 = tpu.memref_squeeze %dma_wait3A_25 : memref<1x80x64xf32, #tpu.memory_space<vmem>> -> memref<80x64xf32, #tpu.memory_space<vmem>>
    %dma_wait3A_27 = arith.constant 0 : i32
    %dma_wait3A_28 = tpu.memref_slice %arg12[%dma_wait3A_22, %dma_wait3A_27] : memref<2x80xi32, #tpu.memory_space<vmem>> -> memref<1x80xi32, #tpu.memory_space<vmem>>
    %dma_wait3A_29 = tpu.memref_squeeze %dma_wait3A_28 : memref<1x80xi32, #tpu.memory_space<vmem>> -> memref<80xi32, #tpu.memory_space<vmem>>
    %dma_wait3A_30 = arith.constant 0 : i32
    %dma_wait3A_31 = arith.constant 0 : i32
    %dma_wait3A_32 = tpu.memref_slice %arg8[%dma_wait3A_30, %dma_wait3A_31] : memref<25008x64xf32, #tpu.memory_space<vmem_shared>> -> memref<25008x64xf32, #tpu.memory_space<vmem_shared>>
    tpu.wait_indirect_dma semaphore(%arg17 : memref<!tpu.dma_semaphore, #tpu.memory_space<semaphore_mem>>) src(%dma_wait3A_26 : memref<80x64xf32, #tpu.memory_space<vmem>>) dst(%dma_wait3A_32 : memref<25008x64xf32, #tpu.memory_space<vmem_shared>>)
    %barrier3A_33 = arith.constant 0 : index
    tpu.barrier barrier_id(%barrier3A_33)
    %sub3A = arith.constant 500 : i32
    %sub3A_34 = arith.subi %sub3A, %arg1 : i32
    %add3A_35 = arith.constant 16 : i32
    %add3A_36 = arith.addi %sub3A_34, %add3A_35 : i32
    %sub3A_37 = arith.constant 1 : i32
    %sub3A_38 = arith.subi %add3A_36, %sub3A_37 : i32
    %jit3A = arith.constant 16 : i32
    %div3A = arith.divsi %sub3A_38, %jit3A : i32
    %sign3A = arith.constant 0 : i32
    %sign3A_39 = arith.cmpi sgt, %sub3A_38, %sign3A : i32
    %sign3A_40 = arith.extui %sign3A_39 : i1 to i32
    %sign3A_41 = arith.constant 0 : i32
    %sign3A_42 = arith.cmpi slt, %sub3A_38, %sign3A_41 : i32
    %sign3A_43 = arith.extui %sign3A_42 : i1 to i32
    %sign3A_44 = arith.subi %sign3A_40, %sign3A_43 : i32
    %sign3A_45 = arith.constant 0 : i32
    %sign3A_46 = arith.cmpi sgt, %jit3A, %sign3A_45 : i32
    %sign3A_47 = arith.extui %sign3A_46 : i1 to i32
    %sign3A_48 = arith.constant 0 : i32
    %sign3A_49 = arith.cmpi slt, %jit3A, %sign3A_48 : i32
    %sign3A_50 = arith.extui %sign3A_49 : i1 to i32
    %sign3A_51 = arith.subi %sign3A_47, %sign3A_50 : i32
    %ne3A = arith.cmpi ne, %sign3A_44, %sign3A_51 : i32
    %rem3A_52 = arith.remsi %sub3A_38, %jit3A : i32
    %ne3A_53 = arith.constant 0 : i32
    %ne3A_54 = arith.cmpi ne, %rem3A_52, %ne3A_53 : i32
    %and3A = arith.andi %ne3A, %ne3A_54 : i1
    %sub3A_55 = arith.constant 1 : i32
    %sub3A_56 = arith.subi %div3A, %sub3A_55 : i32
    %select_n3A = arith.select %and3A, %sub3A_56, %div3A : i32
    %while3A = arith.constant 0 : i32
    %while3A_57 = arith.constant 0 : i32
    %while3A_58 = arith.subi %select_n3A, %while3A : i32
    %while3A_59 = arith.addi %while3A, %while3A_58 : i32
    %while3A_60 = arith.constant 1 : i32
    %while3A_61 = arith.divsi %while3A_58, %while3A_60 : i32
    %while3A_62 = arith.muli %while3A_61, %while3A_60 : i32
    %while3A_63 = arith.addi %while3A, %while3A_62 : i32
    %while3A_64 = arith.constant 1 : i32
    %while3A_65 = scf.for %while3A_68 = %while3A to %while3A_63 step %while3A_64 iter_args(%while3A_69 = %while3A_57) -> (i32)  : i32 {
      %mul3A_70 = arith.constant 16 : i32
      %mul3A_71 = arith.muli %while3A_68, %mul3A_70 : i32
      %add3A_72 = arith.addi %arg1, %mul3A_71 : i32
      %mul3A_73 = arith.constant 50 : i32
      %mul3A_74 = arith.muli %add3A_72, %mul3A_73 : i32
      %mul3A_75 = arith.constant 25000 : i32
      %mul3A_76 = arith.muli %arg0, %mul3A_75 : i32
      %add3A_77 = arith.addi %mul3A_76, %mul3A_74 : i32
      "tpu.region"() ({
        %run_scoped3A = tpu.sem_alloc : memref<!tpu.dma_semaphore, #tpu.memory_space<semaphore_mem>>
        %dma_start3A_86 = arith.constant 0 : i32
        %dma_start3A_87 = tpu.memref_slice %arg2[%add3A_77, %dma_start3A_86] : memref<50000x64xf32, #tpu.memory_space<hbm>> -> memref<50x64xf32, #tpu.memory_space<hbm>>
        %dma_start3A_88 = arith.constant 0 : i32
        %dma_start3A_89 = tpu.memref_slice %arg2[%add3A_77, %dma_start3A_88] : memref<50000x64xf32, #tpu.memory_space<hbm>> -> memref<50x64xf32, #tpu.memory_space<hbm>>
        tpu.enqueue_dma source(%dma_start3A_89 : memref<50x64xf32, #tpu.memory_space<hbm>>) target(%arg14 : memref<50x64xf32, #tpu.memory_space<vmem>>) target_semaphore(%run_scoped3A : memref<!tpu.dma_semaphore, #tpu.memory_space<semaphore_mem>>)
        %dma_wait3A_90 = arith.constant 0 : i32
        %dma_wait3A_91 = tpu.memref_slice %arg2[%add3A_77, %dma_wait3A_90] : memref<50000x64xf32, #tpu.memory_space<hbm>> -> memref<50x64xf32, #tpu.memory_space<hbm>>
        %dma_wait3A_92 = arith.constant 0 : i32
        %dma_wait3A_93 = tpu.memref_slice %arg2[%add3A_77, %dma_wait3A_92] : memref<50000x64xf32, #tpu.memory_space<hbm>> -> memref<50x64xf32, #tpu.memory_space<hbm>>
        tpu.wait_dma2 semaphore(%run_scoped3A : memref<!tpu.dma_semaphore, #tpu.memory_space<semaphore_mem>>) src(%dma_wait3A_93 : memref<50x64xf32, #tpu.memory_space<hbm>>) dst(%arg14 : memref<50x64xf32, #tpu.memory_space<vmem>>)
        tpu.yield
      }) : () -> ()
      "tpu.region"() ({
        %run_scoped3A = tpu.sem_alloc : memref<!tpu.dma_semaphore, #tpu.memory_space<semaphore_mem>>
        %dma_start3A_86 = arith.constant 0 : i32
        %dma_start3A_87 = tpu.memref_slice %arg8[%mul3A_74, %dma_start3A_86] : memref<25008x64xf32, #tpu.memory_space<vmem_shared>> -> memref<50x64xf32, #tpu.memory_space<vmem_shared>>
        %dma_start3A_88 = arith.constant 0 : i32
        %dma_start3A_89 = tpu.memref_slice %arg8[%mul3A_74, %dma_start3A_88] : memref<25008x64xf32, #tpu.memory_space<vmem_shared>> -> memref<50x64xf32, #tpu.memory_space<vmem_shared>>
        tpu.enqueue_dma source(%dma_start3A_89 : memref<50x64xf32, #tpu.memory_space<vmem_shared>>) target(%arg15 : memref<50x64xf32, #tpu.memory_space<vmem>>) target_semaphore(%run_scoped3A : memref<!tpu.dma_semaphore, #tpu.memory_space<semaphore_mem>>)
        %dma_wait3A_90 = arith.constant 0 : i32
        %dma_wait3A_91 = tpu.memref_slice %arg8[%mul3A_74, %dma_wait3A_90] : memref<25008x64xf32, #tpu.memory_space<vmem_shared>> -> memref<50x64xf32, #tpu.memory_space<vmem_shared>>
        %dma_wait3A_92 = arith.constant 0 : i32
        %dma_wait3A_93 = tpu.memref_slice %arg8[%mul3A_74, %dma_wait3A_92] : memref<25008x64xf32, #tpu.memory_space<vmem_shared>> -> memref<50x64xf32, #tpu.memory_space<vmem_shared>>
        tpu.wait_dma2 semaphore(%run_scoped3A : memref<!tpu.dma_semaphore, #tpu.memory_space<semaphore_mem>>) src(%dma_wait3A_93 : memref<50x64xf32, #tpu.memory_space<vmem_shared>>) dst(%arg15 : memref<50x64xf32, #tpu.memory_space<vmem>>)
        tpu.yield
      }) : () -> ()
      %scan3A_78 = arith.constant 0 : i32
      %scan3A_79 = arith.constant 0 : i32
      %scan3A_80 = arith.constant 50 : i32
      %scan3A_81 = arith.addi %scan3A_79, %scan3A_80 : i32
      %scan3A_82 = arith.constant 1 : i32
      %scan3A_83 = scf.for %scan3A_86 = %scan3A_79 to %scan3A_81 step %scan3A_82 iter_args(%scan3A_87 = %scan3A_78) -> (i32)  : i32 {
        %get3A = arith.index_cast %scan3A_86 : i32 to index
        %get3A_88 = arith.constant 0 : index
        %get3A_89 = tpu.vector_load %arg14[%get3A, %get3A_88] {strides = array<i32>} : memref<50x64xf32, #tpu.memory_space<vmem>>, vector<16xf32>,
        %mul3A_90 = arith.constant 2.000000e-01 : f32
        %mul3A_91 = vector.broadcast %mul3A_90 : f32 to vector<16xf32>
        %mul3A_92 = arith.mulf %mul3A_91, %get3A_89 : vector<16xf32>
        %get3A_93 = arith.index_cast %scan3A_86 : i32 to index
        %get3A_94 = arith.constant 0 : index
        %get3A_95 = tpu.vector_load %arg15[%get3A_93, %get3A_94] {strides = array<i32>} : memref<50x64xf32, #tpu.memory_space<vmem>>, vector<16xf32>,
        %mul3A_96 = arith.constant 8.000000e-01 : f32
        %mul3A_97 = vector.broadcast %mul3A_96 : f32 to vector<16xf32>
        %mul3A_98 = arith.mulf %mul3A_97, %get3A_95 : vector<16xf32>
        %add3A_99 = arith.addf %mul3A_92, %mul3A_98 : vector<16xf32>
        %swap3A = arith.index_cast %scan3A_86 : i32 to index
        %swap3A_100 = arith.constant 0 : index
        %swap3A_101 = tpu.vector_load %arg15[%swap3A, %swap3A_100] {strides = array<i32>} : memref<50x64xf32, #tpu.memory_space<vmem>>, vector<16xf32>,
        tpu.vector_store %arg15[%swap3A, %swap3A_100], %add3A_99 {strides = array<i32>} : memref<50x64xf32, #tpu.memory_space<vmem>>, vector<16xf32>,
        %get3A_102 = arith.index_cast %scan3A_86 : i32 to index
        %get3A_103 = arith.constant 16 : index
        %get3A_104 = tpu.vector_load %arg14[%get3A_102, %get3A_103] {strides = array<i32>} : memref<50x64xf32, #tpu.memory_space<vmem>>, vector<16xf32>,
        %mul3A_105 = arith.constant 2.000000e-01 : f32
        %mul3A_106 = vector.broadcast %mul3A_105 : f32 to vector<16xf32>
        %mul3A_107 = arith.mulf %mul3A_106, %get3A_104 : vector<16xf32>
        %get3A_108 = arith.index_cast %scan3A_86 : i32 to index
        %get3A_109 = arith.constant 16 : index
        %get3A_110 = tpu.vector_load %arg15[%get3A_108, %get3A_109] {strides = array<i32>} : memref<50x64xf32, #tpu.memory_space<vmem>>, vector<16xf32>,
        %mul3A_111 = arith.constant 8.000000e-01 : f32
        %mul3A_112 = vector.broadcast %mul3A_111 : f32 to vector<16xf32>
        %mul3A_113 = arith.mulf %mul3A_112, %get3A_110 : vector<16xf32>
        %add3A_114 = arith.addf %mul3A_107, %mul3A_113 : vector<16xf32>
        %swap3A_115 = arith.index_cast %scan3A_86 : i32 to index
        %swap3A_116 = arith.constant 16 : index
        %swap3A_117 = tpu.vector_load %arg15[%swap3A_115, %swap3A_116] {strides = array<i32>} : memref<50x64xf32, #tpu.memory_space<vmem>>, vector<16xf32>,
        tpu.vector_store %arg15[%swap3A_115, %swap3A_116], %add3A_114 {strides = array<i32>} : memref<50x64xf32, #tpu.memory_space<vmem>>, vector<16xf32>,
        %get3A_118 = arith.index_cast %scan3A_86 : i32 to index
        %get3A_119 = arith.constant 32 : index
        %get3A_120 = tpu.vector_load %arg14[%get3A_118, %get3A_119] {strides = array<i32>} : memref<50x64xf32, #tpu.memory_space<vmem>>, vector<16xf32>,
        %mul3A_121 = arith.constant 2.000000e-01 : f32
        %mul3A_122 = vector.broadcast %mul3A_121 : f32 to vector<16xf32>
        %mul3A_123 = arith.mulf %mul3A_122, %get3A_120 : vector<16xf32>
        %get3A_124 = arith.index_cast %scan3A_86 : i32 to index
        %get3A_125 = arith.constant 32 : index
        %get3A_126 = tpu.vector_load %arg15[%get3A_124, %get3A_125] {strides = array<i32>} : memref<50x64xf32, #tpu.memory_space<vmem>>, vector<16xf32>,
        %mul3A_127 = arith.constant 8.000000e-01 : f32
        %mul3A_128 = vector.broadcast %mul3A_127 : f32 to vector<16xf32>
        %mul3A_129 = arith.mulf %mul3A_128, %get3A_126 : vector<16xf32>
        %add3A_130 = arith.addf %mul3A_123, %mul3A_129 : vector<16xf32>
        %swap3A_131 = arith.index_cast %scan3A_86 : i32 to index
        %swap3A_132 = arith.constant 32 : index
        %swap3A_133 = tpu.vector_load %arg15[%swap3A_131, %swap3A_132] {strides = array<i32>} : memref<50x64xf32, #tpu.memory_space<vmem>>, vector<16xf32>,
        tpu.vector_store %arg15[%swap3A_131, %swap3A_132], %add3A_130 {strides = array<i32>} : memref<50x64xf32, #tpu.memory_space<vmem>>, vector<16xf32>,
        %get3A_134 = arith.index_cast %scan3A_86 : i32 to index
        %get3A_135 = arith.constant 48 : index
        %get3A_136 = tpu.vector_load %arg14[%get3A_134, %get3A_135] {strides = array<i32>} : memref<50x64xf32, #tpu.memory_space<vmem>>, vector<16xf32>,
        %mul3A_137 = arith.constant 2.000000e-01 : f32
        %mul3A_138 = vector.broadcast %mul3A_137 : f32 to vector<16xf32>
        %mul3A_139 = arith.mulf %mul3A_138, %get3A_136 : vector<16xf32>
        %get3A_140 = arith.index_cast %scan3A_86 : i32 to index
        %get3A_141 = arith.constant 48 : index
        %get3A_142 = tpu.vector_load %arg15[%get3A_140, %get3A_141] {strides = array<i32>} : memref<50x64xf32, #tpu.memory_space<vmem>>, vector<16xf32>,
        %mul3A_143 = arith.constant 8.000000e-01 : f32
        %mul3A_144 = vector.broadcast %mul3A_143 : f32 to vector<16xf32>
        %mul3A_145 = arith.mulf %mul3A_144, %get3A_142 : vector<16xf32>
        %add3A_146 = arith.addf %mul3A_139, %mul3A_145 : vector<16xf32>
        %swap3A_147 = arith.index_cast %scan3A_86 : i32 to index
        %swap3A_148 = arith.constant 48 : index
        %swap3A_149 = tpu.vector_load %arg15[%swap3A_147, %swap3A_148] {strides = array<i32>} : memref<50x64xf32, #tpu.memory_space<vmem>>, vector<16xf32>,
        tpu.vector_store %arg15[%swap3A_147, %swap3A_148], %add3A_146 {strides = array<i32>} : memref<50x64xf32, #tpu.memory_space<vmem>>, vector<16xf32>,
        %scan3A_150 = arith.constant 0 : i32
        scf.yield %scan3A_150 : i32
      }
      %scan3A_84 = arith.constant 50 : i32
      "tpu.region"() ({
        %run_scoped3A = tpu.sem_alloc : memref<!tpu.dma_semaphore, #tpu.memory_space<semaphore_mem>>
        %dma_start3A_86 = arith.constant 0 : i32
        %dma_start3A_87 = tpu.memref_slice %arg7[%add3A_77, %dma_start3A_86] : memref<50000x64xf32, #tpu.memory_space<hbm>> -> memref<50x64xf32, #tpu.memory_space<hbm>>
        %dma_start3A_88 = arith.constant 0 : i32
        %dma_start3A_89 = tpu.memref_slice %arg7[%add3A_77, %dma_start3A_88] : memref<50000x64xf32, #tpu.memory_space<hbm>> -> memref<50x64xf32, #tpu.memory_space<hbm>>
        tpu.enqueue_dma source(%arg15 : memref<50x64xf32, #tpu.memory_space<vmem>>) target(%dma_start3A_89 : memref<50x64xf32, #tpu.memory_space<hbm>>) target_semaphore(%run_scoped3A : memref<!tpu.dma_semaphore, #tpu.memory_space<semaphore_mem>>)
        %dma_wait3A_90 = arith.constant 0 : i32
        %dma_wait3A_91 = tpu.memref_slice %arg7[%add3A_77, %dma_wait3A_90] : memref<50000x64xf32, #tpu.memory_space<hbm>> -> memref<50x64xf32, #tpu.memory_space<hbm>>
        %dma_wait3A_92 = arith.constant 0 : i32
        %dma_wait3A_93 = tpu.memref_slice %arg7[%add3A_77, %dma_wait3A_92] : memref<50000x64xf32, #tpu.memory_space<hbm>> -> memref<50x64xf32, #tpu.memory_space<hbm>>
        tpu.wait_dma2 semaphore(%run_scoped3A : memref<!tpu.dma_semaphore, #tpu.memory_space<semaphore_mem>>) src(%arg15 : memref<50x64xf32, #tpu.memory_space<vmem>>) dst(%dma_wait3A_93 : memref<50x64xf32, #tpu.memory_space<hbm>>)
        tpu.yield
      }) : () -> ()
      %while3A_85 = arith.constant 0 : i32
      scf.yield %while3A_85 : i32
    }
    %while3A_66 = arith.constant 1 : i32
    %while3A_67 = scf.for %while3A_68 = %while3A_63 to %while3A_59 step %while3A_66 iter_args(%while3A_69 = %while3A_65) -> (i32)  : i32 {
      %mul3A_70 = arith.constant 16 : i32
      %mul3A_71 = arith.muli %while3A_68, %mul3A_70 : i32
      %add3A_72 = arith.addi %arg1, %mul3A_71 : i32
      %mul3A_73 = arith.constant 50 : i32
      %mul3A_74 = arith.muli %add3A_72, %mul3A_73 : i32
      %mul3A_75 = arith.constant 25000 : i32
      %mul3A_76 = arith.muli %arg0, %mul3A_75 : i32
      %add3A_77 = arith.addi %mul3A_76, %mul3A_74 : i32
      "tpu.region"() ({
        %run_scoped3A = tpu.sem_alloc : memref<!tpu.dma_semaphore, #tpu.memory_space<semaphore_mem>>
        %dma_start3A_86 = arith.constant 0 : i32
        %dma_start3A_87 = tpu.memref_slice %arg2[%add3A_77, %dma_start3A_86] : memref<50000x64xf32, #tpu.memory_space<hbm>> -> memref<50x64xf32, #tpu.memory_space<hbm>>
        %dma_start3A_88 = arith.constant 0 : i32
        %dma_start3A_89 = tpu.memref_slice %arg2[%add3A_77, %dma_start3A_88] : memref<50000x64xf32, #tpu.memory_space<hbm>> -> memref<50x64xf32, #tpu.memory_space<hbm>>
        tpu.enqueue_dma source(%dma_start3A_89 : memref<50x64xf32, #tpu.memory_space<hbm>>) target(%arg14 : memref<50x64xf32, #tpu.memory_space<vmem>>) target_semaphore(%run_scoped3A : memref<!tpu.dma_semaphore, #tpu.memory_space<semaphore_mem>>)
        %dma_wait3A_90 = arith.constant 0 : i32
        %dma_wait3A_91 = tpu.memref_slice %arg2[%add3A_77, %dma_wait3A_90] : memref<50000x64xf32, #tpu.memory_space<hbm>> -> memref<50x64xf32, #tpu.memory_space<hbm>>
        %dma_wait3A_92 = arith.constant 0 : i32
        %dma_wait3A_93 = tpu.memref_slice %arg2[%add3A_77, %dma_wait3A_92] : memref<50000x64xf32, #tpu.memory_space<hbm>> -> memref<50x64xf32, #tpu.memory_space<hbm>>
        tpu.wait_dma2 semaphore(%run_scoped3A : memref<!tpu.dma_semaphore, #tpu.memory_space<semaphore_mem>>) src(%dma_wait3A_93 : memref<50x64xf32, #tpu.memory_space<hbm>>) dst(%arg14 : memref<50x64xf32, #tpu.memory_space<vmem>>)
        tpu.yield
      }) : () -> ()
      "tpu.region"() ({
        %run_scoped3A = tpu.sem_alloc : memref<!tpu.dma_semaphore, #tpu.memory_space<semaphore_mem>>
        %dma_start3A_86 = arith.constant 0 : i32
        %dma_start3A_87 = tpu.memref_slice %arg8[%mul3A_74, %dma_start3A_86] : memref<25008x64xf32, #tpu.memory_space<vmem_shared>> -> memref<50x64xf32, #tpu.memory_space<vmem_shared>>
        %dma_start3A_88 = arith.constant 0 : i32
        %dma_start3A_89 = tpu.memref_slice %arg8[%mul3A_74, %dma_start3A_88] : memref<25008x64xf32, #tpu.memory_space<vmem_shared>> -> memref<50x64xf32, #tpu.memory_space<vmem_shared>>
        tpu.enqueue_dma source(%dma_start3A_89 : memref<50x64xf32, #tpu.memory_space<vmem_shared>>) target(%arg15 : memref<50x64xf32, #tpu.memory_space<vmem>>) target_semaphore(%run_scoped3A : memref<!tpu.dma_semaphore, #tpu.memory_space<semaphore_mem>>)
        %dma_wait3A_90 = arith.constant 0 : i32
        %dma_wait3A_91 = tpu.memref_slice %arg8[%mul3A_74, %dma_wait3A_90] : memref<25008x64xf32, #tpu.memory_space<vmem_shared>> -> memref<50x64xf32, #tpu.memory_space<vmem_shared>>
        %dma_wait3A_92 = arith.constant 0 : i32
        %dma_wait3A_93 = tpu.memref_slice %arg8[%mul3A_74, %dma_wait3A_92] : memref<25008x64xf32, #tpu.memory_space<vmem_shared>> -> memref<50x64xf32, #tpu.memory_space<vmem_shared>>
        tpu.wait_dma2 semaphore(%run_scoped3A : memref<!tpu.dma_semaphore, #tpu.memory_space<semaphore_mem>>) src(%dma_wait3A_93 : memref<50x64xf32, #tpu.memory_space<vmem_shared>>) dst(%arg15 : memref<50x64xf32, #tpu.memory_space<vmem>>)
        tpu.yield
      }) : () -> ()
      %scan3A_78 = arith.constant 0 : i32
      %scan3A_79 = arith.constant 0 : i32
      %scan3A_80 = arith.constant 50 : i32
      %scan3A_81 = arith.addi %scan3A_79, %scan3A_80 : i32
      %scan3A_82 = arith.constant 1 : i32
      %scan3A_83 = scf.for %scan3A_86 = %scan3A_79 to %scan3A_81 step %scan3A_82 iter_args(%scan3A_87 = %scan3A_78) -> (i32)  : i32 {
        %get3A = arith.index_cast %scan3A_86 : i32 to index
        %get3A_88 = arith.constant 0 : index
        %get3A_89 = tpu.vector_load %arg14[%get3A, %get3A_88] {strides = array<i32>} : memref<50x64xf32, #tpu.memory_space<vmem>>, vector<16xf32>,
        %mul3A_90 = arith.constant 2.000000e-01 : f32
        %mul3A_91 = vector.broadcast %mul3A_90 : f32 to vector<16xf32>
        %mul3A_92 = arith.mulf %mul3A_91, %get3A_89 : vector<16xf32>
        %get3A_93 = arith.index_cast %scan3A_86 : i32 to index
        %get3A_94 = arith.constant 0 : index
        %get3A_95 = tpu.vector_load %arg15[%get3A_93, %get3A_94] {strides = array<i32>} : memref<50x64xf32, #tpu.memory_space<vmem>>, vector<16xf32>,
        %mul3A_96 = arith.constant 8.000000e-01 : f32
        %mul3A_97 = vector.broadcast %mul3A_96 : f32 to vector<16xf32>
        %mul3A_98 = arith.mulf %mul3A_97, %get3A_95 : vector<16xf32>
        %add3A_99 = arith.addf %mul3A_92, %mul3A_98 : vector<16xf32>
        %swap3A = arith.index_cast %scan3A_86 : i32 to index
        %swap3A_100 = arith.constant 0 : index
        %swap3A_101 = tpu.vector_load %arg15[%swap3A, %swap3A_100] {strides = array<i32>} : memref<50x64xf32, #tpu.memory_space<vmem>>, vector<16xf32>,
        tpu.vector_store %arg15[%swap3A, %swap3A_100], %add3A_99 {strides = array<i32>} : memref<50x64xf32, #tpu.memory_space<vmem>>, vector<16xf32>,
        %get3A_102 = arith.index_cast %scan3A_86 : i32 to index
        %get3A_103 = arith.constant 16 : index
        %get3A_104 = tpu.vector_load %arg14[%get3A_102, %get3A_103] {strides = array<i32>} : memref<50x64xf32, #tpu.memory_space<vmem>>, vector<16xf32>,
        %mul3A_105 = arith.constant 2.000000e-01 : f32
        %mul3A_106 = vector.broadcast %mul3A_105 : f32 to vector<16xf32>
        %mul3A_107 = arith.mulf %mul3A_106, %get3A_104 : vector<16xf32>
        %get3A_108 = arith.index_cast %scan3A_86 : i32 to index
        %get3A_109 = arith.constant 16 : index
        %get3A_110 = tpu.vector_load %arg15[%get3A_108, %get3A_109] {strides = array<i32>} : memref<50x64xf32, #tpu.memory_space<vmem>>, vector<16xf32>,
        %mul3A_111 = arith.constant 8.000000e-01 : f32
        %mul3A_112 = vector.broadcast %mul3A_111 : f32 to vector<16xf32>
        %mul3A_113 = arith.mulf %mul3A_112, %get3A_110 : vector<16xf32>
        %add3A_114 = arith.addf %mul3A_107, %mul3A_113 : vector<16xf32>
        %swap3A_115 = arith.index_cast %scan3A_86 : i32 to index
        %swap3A_116 = arith.constant 16 : index
        %swap3A_117 = tpu.vector_load %arg15[%swap3A_115, %swap3A_116] {strides = array<i32>} : memref<50x64xf32, #tpu.memory_space<vmem>>, vector<16xf32>,
        tpu.vector_store %arg15[%swap3A_115, %swap3A_116], %add3A_114 {strides = array<i32>} : memref<50x64xf32, #tpu.memory_space<vmem>>, vector<16xf32>,
        %get3A_118 = arith.index_cast %scan3A_86 : i32 to index
        %get3A_119 = arith.constant 32 : index
        %get3A_120 = tpu.vector_load %arg14[%get3A_118, %get3A_119] {strides = array<i32>} : memref<50x64xf32, #tpu.memory_space<vmem>>, vector<16xf32>,
        %mul3A_121 = arith.constant 2.000000e-01 : f32
        %mul3A_122 = vector.broadcast %mul3A_121 : f32 to vector<16xf32>
        %mul3A_123 = arith.mulf %mul3A_122, %get3A_120 : vector<16xf32>
        %get3A_124 = arith.index_cast %scan3A_86 : i32 to index
        %get3A_125 = arith.constant 32 : index
        %get3A_126 = tpu.vector_load %arg15[%get3A_124, %get3A_125] {strides = array<i32>} : memref<50x64xf32, #tpu.memory_space<vmem>>, vector<16xf32>,
        %mul3A_127 = arith.constant 8.000000e-01 : f32
        %mul3A_128 = vector.broadcast %mul3A_127 : f32 to vector<16xf32>
        %mul3A_129 = arith.mulf %mul3A_128, %get3A_126 : vector<16xf32>
        %add3A_130 = arith.addf %mul3A_123, %mul3A_129 : vector<16xf32>
        %swap3A_131 = arith.index_cast %scan3A_86 : i32 to index
        %swap3A_132 = arith.constant 32 : index
        %swap3A_133 = tpu.vector_load %arg15[%swap3A_131, %swap3A_132] {strides = array<i32>} : memref<50x64xf32, #tpu.memory_space<vmem>>, vector<16xf32>,
        tpu.vector_store %arg15[%swap3A_131, %swap3A_132], %add3A_130 {strides = array<i32>} : memref<50x64xf32, #tpu.memory_space<vmem>>, vector<16xf32>,
        %get3A_134 = arith.index_cast %scan3A_86 : i32 to index
        %get3A_135 = arith.constant 48 : index
        %get3A_136 = tpu.vector_load %arg14[%get3A_134, %get3A_135] {strides = array<i32>} : memref<50x64xf32, #tpu.memory_space<vmem>>, vector<16xf32>,
        %mul3A_137 = arith.constant 2.000000e-01 : f32
        %mul3A_138 = vector.broadcast %mul3A_137 : f32 to vector<16xf32>
        %mul3A_139 = arith.mulf %mul3A_138, %get3A_136 : vector<16xf32>
        %get3A_140 = arith.index_cast %scan3A_86 : i32 to index
        %get3A_141 = arith.constant 48 : index
        %get3A_142 = tpu.vector_load %arg15[%get3A_140, %get3A_141] {strides = array<i32>} : memref<50x64xf32, #tpu.memory_space<vmem>>, vector<16xf32>,
        %mul3A_143 = arith.constant 8.000000e-01 : f32
        %mul3A_144 = vector.broadcast %mul3A_143 : f32 to vector<16xf32>
        %mul3A_145 = arith.mulf %mul3A_144, %get3A_142 : vector<16xf32>
        %add3A_146 = arith.addf %mul3A_139, %mul3A_145 : vector<16xf32>
        %swap3A_147 = arith.index_cast %scan3A_86 : i32 to index
        %swap3A_148 = arith.constant 48 : index
        %swap3A_149 = tpu.vector_load %arg15[%swap3A_147, %swap3A_148] {strides = array<i32>} : memref<50x64xf32, #tpu.memory_space<vmem>>, vector<16xf32>,
        tpu.vector_store %arg15[%swap3A_147, %swap3A_148], %add3A_146 {strides = array<i32>} : memref<50x64xf32, #tpu.memory_space<vmem>>, vector<16xf32>,
        %scan3A_150 = arith.constant 0 : i32
        scf.yield %scan3A_150 : i32
      }
      %scan3A_84 = arith.constant 50 : i32
      "tpu.region"() ({
        %run_scoped3A = tpu.sem_alloc : memref<!tpu.dma_semaphore, #tpu.memory_space<semaphore_mem>>
        %dma_start3A_86 = arith.constant 0 : i32
        %dma_start3A_87 = tpu.memref_slice %arg7[%add3A_77, %dma_start3A_86] : memref<50000x64xf32, #tpu.memory_space<hbm>> -> memref<50x64xf32, #tpu.memory_space<hbm>>
        %dma_start3A_88 = arith.constant 0 : i32
        %dma_start3A_89 = tpu.memref_slice %arg7[%add3A_77, %dma_start3A_88] : memref<50000x64xf32, #tpu.memory_space<hbm>> -> memref<50x64xf32, #tpu.memory_space<hbm>>
        tpu.enqueue_dma source(%arg15 : memref<50x64xf32, #tpu.memory_space<vmem>>) target(%dma_start3A_89 : memref<50x64xf32, #tpu.memory_space<hbm>>) target_semaphore(%run_scoped3A : memref<!tpu.dma_semaphore, #tpu.memory_space<semaphore_mem>>)
        %dma_wait3A_90 = arith.constant 0 : i32
        %dma_wait3A_91 = tpu.memref_slice %arg7[%add3A_77, %dma_wait3A_90] : memref<50000x64xf32, #tpu.memory_space<hbm>> -> memref<50x64xf32, #tpu.memory_space<hbm>>
        %dma_wait3A_92 = arith.constant 0 : i32
        %dma_wait3A_93 = tpu.memref_slice %arg7[%add3A_77, %dma_wait3A_92] : memref<50000x64xf32, #tpu.memory_space<hbm>> -> memref<50x64xf32, #tpu.memory_space<hbm>>
        tpu.wait_dma2 semaphore(%run_scoped3A : memref<!tpu.dma_semaphore, #tpu.memory_space<semaphore_mem>>) src(%arg15 : memref<50x64xf32, #tpu.memory_space<vmem>>) dst(%dma_wait3A_93 : memref<50x64xf32, #tpu.memory_space<hbm>>)
        tpu.yield
      }) : () -> ()
      %while3A_85 = arith.constant 0 : i32
      scf.yield %while3A_85 : i32
    }
    return
  }
}

#map = affine_map<(d0, d1) -> (0, 0)>
#map1 = affine_map<(d0, d1) -> (0)>
module attributes {stable_mosaic.version = 14 : i64} {
  func.func @_spmm(%arg0: i32, %arg1: i32, %arg2: memref<50000x64xf32, #tpu.memory_space<hbm>>, %arg3: memref<800000xi32, #tpu.memory_space<hbm>>, %arg4: memref<800000xi32, #tpu.memory_space<hbm>>, %arg5: memref<800000xf32, #tpu.memory_space<hbm>>, %arg6: memref<1563x64xf32, #tpu.memory_space<hbm>>, %arg7: memref<50000x64xf32, #tpu.memory_space<hbm>>, %arg8: memref<25008x64xf32, #tpu.memory_space<vmem_shared>>, %arg9: memref<2000xi32, #tpu.memory_space<vmem>>, %arg10: memref<2000xi32, #tpu.memory_space<vmem>>, %arg11: memref<2000xf32, #tpu.memory_space<vmem>>, %arg12: memref<2x80xi32, #tpu.memory_space<vmem>>, %arg13: memref<2x80x64xf32, #tpu.memory_space<vmem>>, %arg14: memref<50x64xf32, #tpu.memory_space<vmem>>, %arg15: memref<50x64xf32, #tpu.memory_space<vmem>>, %arg16: memref<!tpu.dma_semaphore, #tpu.memory_space<semaphore_mem>>, %arg17: memref<!tpu.dma_semaphore, #tpu.memory_space<semaphore_mem>>) attributes {dimension_semantics = [#tpu.dimension_semantics<core_parallel>, #tpu.dimension_semantics<subcore_parallel>], iteration_bounds = array<i64: 2, 16>, scalar_prefetch = 0 : i64, scratch_operands = 10 : i64, tpu.core_type = #tpu.core_type<sc_vector_subcore>, window_params = [{transform_indices = #map}, {transform_indices = #map1}, {transform_indices = #map1}, {transform_indices = #map1}, {transform_indices = #map}, {transform_indices = #map}]} {
    %mul3A = arith.constant 1563 : i32
    %mul3A_0 = arith.muli %arg1, %mul3A : i32
    "tpu.region"() ({
      %run_scoped3A = tpu.sem_alloc : memref<!tpu.dma_semaphore, #tpu.memory_space<semaphore_mem>>
      %dma_start3A_68 = arith.constant 0 : i32
      %dma_start3A_69 = tpu.memref_slice %arg8[%mul3A_0, %dma_start3A_68] : memref<25008x64xf32, #tpu.memory_space<vmem_shared>> -> memref<1563x64xf32, #tpu.memory_space<vmem_shared>>
      tpu.enqueue_dma source(%arg6 : memref<1563x64xf32, #tpu.memory_space<hbm>>) target(%dma_start3A_69 : memref<1563x64xf32, #tpu.memory_space<vmem_shared>>) target_semaphore(%run_scoped3A : memref<!tpu.dma_semaphore, #tpu.memory_space<semaphore_mem>>)
      %dma_wait3A_70 = arith.constant 0 : i32
      %dma_wait3A_71 = tpu.memref_slice %arg8[%mul3A_0, %dma_wait3A_70] : memref<25008x64xf32, #tpu.memory_space<vmem_shared>> -> memref<1563x64xf32, #tpu.memory_space<vmem_shared>>
      tpu.wait_dma2 semaphore(%run_scoped3A : memref<!tpu.dma_semaphore, #tpu.memory_space<semaphore_mem>>) src(%arg6 : memref<1563x64xf32, #tpu.memory_space<hbm>>) dst(%dma_wait3A_71 : memref<1563x64xf32, #tpu.memory_space<vmem_shared>>)
      tpu.yield
    }) : () -> ()
    %barrier3A = arith.constant 0 : index
    tpu.barrier barrier_id(%barrier3A)
    %mul3A_1 = arith.constant 50000 : i32
    %mul3A_2 = arith.muli %arg1, %mul3A_1 : i32
    %add3A = arith.constant 0 : i32
    %add3A_3 = arith.addi %mul3A_2, %add3A : i32
    "tpu.region"() ({
      %run_scoped3A = tpu.sem_alloc : memref<!tpu.dma_semaphore, #tpu.memory_space<semaphore_mem>>
      %dma_start3A_68 = tpu.memref_slice %arg3[%add3A_3] : memref<800000xi32, #tpu.memory_space<hbm>> -> memref<2000xi32, #tpu.memory_space<hbm>>
      %dma_start3A_69 = tpu.memref_slice %arg3[%add3A_3] : memref<800000xi32, #tpu.memory_space<hbm>> -> memref<2000xi32, #tpu.memory_space<hbm>>
      tpu.enqueue_dma source(%dma_start3A_69 : memref<2000xi32, #tpu.memory_space<hbm>>) target(%arg9 : memref<2000xi32, #tpu.memory_space<vmem>>) target_semaphore(%run_scoped3A : memref<!tpu.dma_semaphore, #tpu.memory_space<semaphore_mem>>)
      %dma_wait3A_70 = tpu.memref_slice %arg3[%add3A_3] : memref<800000xi32, #tpu.memory_space<hbm>> -> memref<2000xi32, #tpu.memory_space<hbm>>
      %dma_wait3A_71 = tpu.memref_slice %arg3[%add3A_3] : memref<800000xi32, #tpu.memory_space<hbm>> -> memref<2000xi32, #tpu.memory_space<hbm>>
      tpu.wait_dma2 semaphore(%run_scoped3A : memref<!tpu.dma_semaphore, #tpu.memory_space<semaphore_mem>>) src(%dma_wait3A_71 : memref<2000xi32, #tpu.memory_space<hbm>>) dst(%arg9 : memref<2000xi32, #tpu.memory_space<vmem>>)
      tpu.yield
    }) : () -> ()
    "tpu.region"() ({
      %run_scoped3A = tpu.sem_alloc : memref<!tpu.dma_semaphore, #tpu.memory_space<semaphore_mem>>
      %dma_start3A_68 = tpu.memref_slice %arg4[%add3A_3] : memref<800000xi32, #tpu.memory_space<hbm>> -> memref<2000xi32, #tpu.memory_space<hbm>>
      %dma_start3A_69 = tpu.memref_slice %arg4[%add3A_3] : memref<800000xi32, #tpu.memory_space<hbm>> -> memref<2000xi32, #tpu.memory_space<hbm>>
      tpu.enqueue_dma source(%dma_start3A_69 : memref<2000xi32, #tpu.memory_space<hbm>>) target(%arg10 : memref<2000xi32, #tpu.memory_space<vmem>>) target_semaphore(%run_scoped3A : memref<!tpu.dma_semaphore, #tpu.memory_space<semaphore_mem>>)
      %dma_wait3A_70 = tpu.memref_slice %arg4[%add3A_3] : memref<800000xi32, #tpu.memory_space<hbm>> -> memref<2000xi32, #tpu.memory_space<hbm>>
      %dma_wait3A_71 = tpu.memref_slice %arg4[%add3A_3] : memref<800000xi32, #tpu.memory_space<hbm>> -> memref<2000xi32, #tpu.memory_space<hbm>>
      tpu.wait_dma2 semaphore(%run_scoped3A : memref<!tpu.dma_semaphore, #tpu.memory_space<semaphore_mem>>) src(%dma_wait3A_71 : memref<2000xi32, #tpu.memory_space<hbm>>) dst(%arg10 : memref<2000xi32, #tpu.memory_space<vmem>>)
      tpu.yield
    }) : () -> ()
    "tpu.region"() ({
      %run_scoped3A = tpu.sem_alloc : memref<!tpu.dma_semaphore, #tpu.memory_space<semaphore_mem>>
      %dma_start3A_68 = tpu.memref_slice %arg5[%add3A_3] : memref<800000xf32, #tpu.memory_space<hbm>> -> memref<2000xf32, #tpu.memory_space<hbm>>
      %dma_start3A_69 = tpu.memref_slice %arg5[%add3A_3] : memref<800000xf32, #tpu.memory_space<hbm>> -> memref<2000xf32, #tpu.memory_space<hbm>>
      tpu.enqueue_dma source(%dma_start3A_69 : memref<2000xf32, #tpu.memory_space<hbm>>) target(%arg11 : memref<2000xf32, #tpu.memory_space<vmem>>) target_semaphore(%run_scoped3A : memref<!tpu.dma_semaphore, #tpu.memory_space<semaphore_mem>>)
      %dma_wait3A_70 = tpu.memref_slice %arg5[%add3A_3] : memref<800000xf32, #tpu.memory_space<hbm>> -> memref<2000xf32, #tpu.memory_space<hbm>>
      %dma_wait3A_71 = tpu.memref_slice %arg5[%add3A_3] : memref<800000xf32, #tpu.memory_space<hbm>> -> memref<2000xf32, #tpu.memory_space<hbm>>
      tpu.wait_dma2 semaphore(%run_scoped3A : memref<!tpu.dma_semaphore, #tpu.memory_space<semaphore_mem>>) src(%dma_wait3A_71 : memref<2000xf32, #tpu.memory_space<hbm>>) dst(%arg11 : memref<2000xf32, #tpu.memory_space<vmem>>)
      tpu.yield
    }) : () -> ()
    %rem3A = arith.constant 0 : i32
    %rem3A_4 = arith.constant 25 : i32
    %rem3A_5 = arith.remsi %rem3A, %rem3A_4 : i32
    %mul3A_6 = arith.constant 80 : i32
    %mul3A_7 = arith.muli %rem3A_5, %mul3A_6 : i32
    %dma_start3A = arith.constant 0 : i32
    %dma_start3A_8 = arith.constant 0 : i32
    %dma_start3A_9 = arith.constant 0 : i32
    %dma_start3A_10 = tpu.memref_slice %arg13[%dma_start3A, %dma_start3A_8, %dma_start3A_9] : memref<2x80x64xf32, #tpu.memory_space<vmem>> -> memref<1x80x64xf32, #tpu.memory_space<vmem>>
    %dma_start3A_11 = tpu.memref_squeeze %dma_start3A_10 : memref<1x80x64xf32, #tpu.memory_space<vmem>> -> memref<80x64xf32, #tpu.memory_space<vmem>>
    %dma_start3A_12 = tpu.memref_slice %arg9[%mul3A_7] : memref<2000xi32, #tpu.memory_space<vmem>> -> memref<80xi32, #tpu.memory_space<vmem>>
    %dma_start3A_13 = arith.constant 0 : i32
    %dma_start3A_14 = arith.constant 0 : i32
    %dma_start3A_15 = tpu.memref_slice %arg2[%dma_start3A_13, %dma_start3A_14] : memref<50000x64xf32, #tpu.memory_space<hbm>> -> memref<50000x64xf32, #tpu.memory_space<hbm>>
    tpu.enqueue_indirect_dma source(%dma_start3A_15 : memref<50000x64xf32, #tpu.memory_space<hbm>>) target(%dma_start3A_11 : memref<80x64xf32, #tpu.memory_space<vmem>>) offsets(%dma_start3A_12 : memref<80xi32, #tpu.memory_space<vmem>>) semaphore(%arg16 : memref<!tpu.dma_semaphore, #tpu.memory_space<semaphore_mem>>)
    %scan3A = arith.constant 0 : i32
    %scan3A_16 = arith.constant 0 : i32
    %scan3A_17 = arith.constant 625 : i32
    %scan3A_18 = arith.addi %scan3A_16, %scan3A_17 : i32
    %scan3A_19 = arith.constant 1 : i32
    %scan3A_20 = scf.for %scan3A_68 = %scan3A_16 to %scan3A_18 step %scan3A_19 iter_args(%scan3A_69 = %scan3A) -> (i32)  : i32 {
      %rem3A_70 = arith.constant 2 : i32
      %rem3A_71 = arith.remsi %scan3A_68, %rem3A_70 : i32
      %sub3A_72 = arith.constant 1 : i32
      %sub3A_73 = arith.subi %sub3A_72, %rem3A_71 : i32
      %dma_wait3A_74 = arith.constant 0 : i32
      %dma_wait3A_75 = arith.constant 0 : i32
      %dma_wait3A_76 = tpu.memref_slice %arg13[%rem3A_71, %dma_wait3A_74, %dma_wait3A_75] : memref<2x80x64xf32, #tpu.memory_space<vmem>> -> memref<1x80x64xf32, #tpu.memory_space<vmem>>
      %dma_wait3A_77 = tpu.memref_squeeze %dma_wait3A_76 : memref<1x80x64xf32, #tpu.memory_space<vmem>> -> memref<80x64xf32, #tpu.memory_space<vmem>>
      %dma_wait3A_78 = arith.constant 0 : i32
      %dma_wait3A_79 = tpu.memref_slice %arg9[%dma_wait3A_78] : memref<2000xi32, #tpu.memory_space<vmem>> -> memref<80xi32, #tpu.memory_space<vmem>>
      %dma_wait3A_80 = arith.constant 0 : i32
      %dma_wait3A_81 = arith.constant 0 : i32
      %dma_wait3A_82 = tpu.memref_slice %arg2[%dma_wait3A_80, %dma_wait3A_81] : memref<50000x64xf32, #tpu.memory_space<hbm>> -> memref<50000x64xf32, #tpu.memory_space<hbm>>
      tpu.wait_indirect_dma semaphore(%arg16 : memref<!tpu.dma_semaphore, #tpu.memory_space<semaphore_mem>>) src(%dma_wait3A_82 : memref<50000x64xf32, #tpu.memory_space<hbm>>) dst(%dma_wait3A_77 : memref<80x64xf32, #tpu.memory_space<vmem>>)
      %add3A_83 = arith.constant 1 : i32
      %add3A_84 = arith.addi %scan3A_68, %add3A_83 : i32
      %rem3A_85 = arith.constant 25 : i32
      %rem3A_86 = arith.remsi %add3A_84, %rem3A_85 : i32
      %eq3A = arith.constant 0 : i32
      %eq3A_87 = arith.cmpi eq, %rem3A_86, %eq3A : i32
      %add3A_88 = arith.constant 1 : i32
      %add3A_89 = arith.addi %scan3A_68, %add3A_88 : i32
      %lt3A = arith.constant 625 : i32
      %lt3A_90 = arith.cmpi slt, %add3A_89, %lt3A : i32
      %gt3A = arith.constant 0 : i32
      %gt3A_91 = arith.cmpi sgt, %scan3A_68, %gt3A : i32
      %convert_element_type3A = arith.extui %gt3A_91 : i1 to i32
      %cond3A = arith.constant 0 : i32
      %cond3A_92 = arith.cmpi ne, %convert_element_type3A, %cond3A : i32
      scf.if %cond3A_92 {
        %dma_wait3A_124 = arith.constant 0 : i32
        %dma_wait3A_125 = arith.constant 0 : i32
        %dma_wait3A_126 = tpu.memref_slice %arg13[%sub3A_73, %dma_wait3A_124, %dma_wait3A_125] : memref<2x80x64xf32, #tpu.memory_space<vmem>> -> memref<1x80x64xf32, #tpu.memory_space<vmem>>
        %dma_wait3A_127 = tpu.memref_squeeze %dma_wait3A_126 : memref<1x80x64xf32, #tpu.memory_space<vmem>> -> memref<80x64xf32, #tpu.memory_space<vmem>>
        %dma_wait3A_128 = arith.constant 0 : i32
        %dma_wait3A_129 = tpu.memref_slice %arg12[%sub3A_73, %dma_wait3A_128] : memref<2x80xi32, #tpu.memory_space<vmem>> -> memref<1x80xi32, #tpu.memory_space<vmem>>
        %dma_wait3A_130 = tpu.memref_squeeze %dma_wait3A_129 : memref<1x80xi32, #tpu.memory_space<vmem>> -> memref<80xi32, #tpu.memory_space<vmem>>
        %dma_wait3A_131 = arith.constant 0 : i32
        %dma_wait3A_132 = arith.constant 0 : i32
        %dma_wait3A_133 = tpu.memref_slice %arg8[%dma_wait3A_131, %dma_wait3A_132] : memref<25008x64xf32, #tpu.memory_space<vmem_shared>> -> memref<25008x64xf32, #tpu.memory_space<vmem_shared>>
        tpu.wait_indirect_dma semaphore(%arg17 : memref<!tpu.dma_semaphore, #tpu.memory_space<semaphore_mem>>) src(%dma_wait3A_127 : memref<80x64xf32, #tpu.memory_space<vmem>>) dst(%dma_wait3A_133 : memref<25008x64xf32, #tpu.memory_space<vmem_shared>>)
      } else {
      }
      %not3A = arith.constant true
      %not3A_93 = arith.xori %eq3A_87, %not3A : i1
      %and3A_94 = arith.andi %lt3A_90, %not3A_93 : i1
      %convert_element_type3A_95 = arith.extui %and3A_94 : i1 to i32
      %cond3A_96 = arith.constant 0 : i32
      %cond3A_97 = arith.cmpi ne, %convert_element_type3A_95, %cond3A_96 : i32
      scf.if %cond3A_97 {
        %add3A_124 = arith.constant 1 : i32
        %add3A_125 = arith.addi %scan3A_68, %add3A_124 : i32
        %rem3A_126 = arith.constant 25 : i32
        %rem3A_127 = arith.remsi %add3A_125, %rem3A_126 : i32
        %mul3A_128 = arith.constant 80 : i32
        %mul3A_129 = arith.muli %rem3A_127, %mul3A_128 : i32
        %dma_start3A_130 = arith.constant 0 : i32
        %dma_start3A_131 = arith.constant 0 : i32
        %dma_start3A_132 = tpu.memref_slice %arg13[%sub3A_73, %dma_start3A_130, %dma_start3A_131] : memref<2x80x64xf32, #tpu.memory_space<vmem>> -> memref<1x80x64xf32, #tpu.memory_space<vmem>>
        %dma_start3A_133 = tpu.memref_squeeze %dma_start3A_132 : memref<1x80x64xf32, #tpu.memory_space<vmem>> -> memref<80x64xf32, #tpu.memory_space<vmem>>
        %dma_start3A_134 = tpu.memref_slice %arg9[%mul3A_129] : memref<2000xi32, #tpu.memory_space<vmem>> -> memref<80xi32, #tpu.memory_space<vmem>>
        %dma_start3A_135 = arith.constant 0 : i32
        %dma_start3A_136 = arith.constant 0 : i32
        %dma_start3A_137 = tpu.memref_slice %arg2[%dma_start3A_135, %dma_start3A_136] : memref<50000x64xf32, #tpu.memory_space<hbm>> -> memref<50000x64xf32, #tpu.memory_space<hbm>>
        tpu.enqueue_indirect_dma source(%dma_start3A_137 : memref<50000x64xf32, #tpu.memory_space<hbm>>) target(%dma_start3A_133 : memref<80x64xf32, #tpu.memory_space<vmem>>) offsets(%dma_start3A_134 : memref<80xi32, #tpu.memory_space<vmem>>) semaphore(%arg16 : memref<!tpu.dma_semaphore, #tpu.memory_space<semaphore_mem>>)
      } else {
      }
      %rem3A_98 = arith.constant 25 : i32
      %rem3A_99 = arith.remsi %scan3A_68, %rem3A_98 : i32
      %mul3A_100 = arith.constant 80 : i32
      %mul3A_101 = arith.muli %rem3A_99, %mul3A_100 : i32
      %scan3A_102 = arith.constant 0 : i32
      %scan3A_103 = arith.constant 0 : i32
      %scan3A_104 = arith.constant 5 : i32
      %scan3A_105 = arith.addi %scan3A_103, %scan3A_104 : i32
      %scan3A_106 = arith.constant 1 : i32
      %scan3A_107 = scf.for %scan3A_124 = %scan3A_103 to %scan3A_105 step %scan3A_106 iter_args(%scan3A_125 = %scan3A_102) -> (i32)  : i32 {
        %mul3A_126 = arith.constant 16 : i32
        %mul3A_127 = arith.muli %scan3A_124, %mul3A_126 : i32
        %add3A_128 = arith.addi %mul3A_101, %mul3A_127 : i32
        %get3A = arith.index_cast %add3A_128 : i32 to index
        %get3A_129 = tpu.vector_load %arg10[%get3A] {strides = array<i32>} : memref<2000xi32, #tpu.memory_space<vmem>>, vector<16xi32>,
        %mul3A_130 = arith.constant 25000 : i32
        %mul3A_131 = arith.muli %arg0, %mul3A_130 : i32
        %sub3A_132 = vector.broadcast %mul3A_131 : i32 to vector<16xi32>
        %sub3A_133 = arith.subi %get3A_129, %sub3A_132 : vector<16xi32>
        %ge3A = arith.constant 0 : i32
        %ge3A_134 = vector.broadcast %ge3A : i32 to vector<16xi32>
        %ge3A_135 = arith.cmpi sge, %sub3A_133, %ge3A_134 : vector<16xi32>
        %lt3A_136 = arith.constant 25000 : i32
        %lt3A_137 = vector.broadcast %lt3A_136 : i32 to vector<16xi32>
        %lt3A_138 = arith.cmpi slt, %sub3A_133, %lt3A_137 : vector<16xi32>
        %and3A_139 = arith.andi %ge3A_135, %lt3A_138 : vector<16xi1>
        %jit3A_140 = arith.constant 25000 : i32
        %broadcast_in_dim3A = vector.broadcast %jit3A_140 : i32 to vector<16xi32>
        %select_n3A_141 = arith.select %and3A_139, %sub3A_133, %broadcast_in_dim3A : vector<16xi1>, vector<16xi32>
        %mul3A_142 = arith.constant 16 : i32
        %mul3A_143 = arith.muli %scan3A_124, %mul3A_142 : i32
        %swap3A = arith.index_cast %rem3A_71 : i32 to index
        %swap3A_144 = arith.index_cast %mul3A_143 : i32 to index
        %swap3A_145 = tpu.vector_load %arg12[%swap3A, %swap3A_144] {strides = array<i32>} : memref<2x80xi32, #tpu.memory_space<vmem>>, vector<16xi32>,
        tpu.vector_store %arg12[%swap3A, %swap3A_144], %select_n3A_141 {strides = array<i32>} : memref<2x80xi32, #tpu.memory_space<vmem>>, vector<16xi32>,
        %get3A_146 = arith.index_cast %add3A_128 : i32 to index
        %get3A_147 = tpu.vector_load %arg11[%get3A_146] {strides = array<i32>} : memref<2000xf32, #tpu.memory_space<vmem>>, vector<16xf32>,
        %broadcast_in_dim3A_148 = arith.constant 0 : i32
        %broadcast_in_dim3A_149 = vector.broadcast %broadcast_in_dim3A_148 : i32 to vector<16xi32>
        %broadcast_in_dim3A_150 = vector.shape_cast %broadcast_in_dim3A_149 : vector<16xi32> to vector<16x1xi32>
        %gather3A = vector.shape_cast %broadcast_in_dim3A_150 : vector<16x1xi32> to vector<16xi32>
        %gather3A_151 = tpu.dynamic_gather %get3A_147[%gather3A] in [0] : vector<16xf32>, vector<16xi32> -> vector<16xf32>
        %mul3A_152 = arith.constant 16 : i32
        %mul3A_153 = arith.muli %scan3A_124, %mul3A_152 : i32
        %add3A_154 = arith.constant 0 : i32
        %add3A_155 = arith.addi %mul3A_153, %add3A_154 : i32
        %get3A_156 = arith.index_cast %rem3A_71 : i32 to index
        %get3A_157 = arith.index_cast %add3A_155 : i32 to index
        %get3A_158 = arith.constant 0 : index
        %get3A_159 = tpu.vector_load %arg13[%get3A_156, %get3A_157, %get3A_158] {strides = array<i32>} : memref<2x80x64xf32, #tpu.memory_space<vmem>>, vector<16xf32>,
        %mul3A_160 = arith.mulf %get3A_159, %gather3A_151 : vector<16xf32>
        %swap3A_161 = arith.index_cast %rem3A_71 : i32 to index
        %swap3A_162 = arith.index_cast %add3A_155 : i32 to index
        %swap3A_163 = arith.constant 0 : index
        %swap3A_164 = tpu.vector_load %arg13[%swap3A_161, %swap3A_162, %swap3A_163] {strides = array<i32>} : memref<2x80x64xf32, #tpu.memory_space<vmem>>, vector<16xf32>,
        tpu.vector_store %arg13[%swap3A_161, %swap3A_162, %swap3A_163], %mul3A_160 {strides = array<i32>} : memref<2x80x64xf32, #tpu.memory_space<vmem>>, vector<16xf32>,
        %get3A_165 = arith.index_cast %rem3A_71 : i32 to index
        %get3A_166 = arith.index_cast %add3A_155 : i32 to index
        %get3A_167 = arith.constant 16 : index
        %get3A_168 = tpu.vector_load %arg13[%get3A_165, %get3A_166, %get3A_167] {strides = array<i32>} : memref<2x80x64xf32, #tpu.memory_space<vmem>>, vector<16xf32>,
        %mul3A_169 = arith.mulf %get3A_168, %gather3A_151 : vector<16xf32>
        %swap3A_170 = arith.index_cast %rem3A_71 : i32 to index
        %swap3A_171 = arith.index_cast %add3A_155 : i32 to index
        %swap3A_172 = arith.constant 16 : index
        %swap3A_173 = tpu.vector_load %arg13[%swap3A_170, %swap3A_171, %swap3A_172] {strides = array<i32>} : memref<2x80x64xf32, #tpu.memory_space<vmem>>, vector<16xf32>,
        tpu.vector_store %arg13[%swap3A_170, %swap3A_171, %swap3A_172], %mul3A_169 {strides = array<i32>} : memref<2x80x64xf32, #tpu.memory_space<vmem>>, vector<16xf32>,
        %get3A_174 = arith.index_cast %rem3A_71 : i32 to index
        %get3A_175 = arith.index_cast %add3A_155 : i32 to index
        %get3A_176 = arith.constant 32 : index
        %get3A_177 = tpu.vector_load %arg13[%get3A_174, %get3A_175, %get3A_176] {strides = array<i32>} : memref<2x80x64xf32, #tpu.memory_space<vmem>>, vector<16xf32>,
        %mul3A_178 = arith.mulf %get3A_177, %gather3A_151 : vector<16xf32>
        %swap3A_179 = arith.index_cast %rem3A_71 : i32 to index
        %swap3A_180 = arith.index_cast %add3A_155 : i32 to index
        %swap3A_181 = arith.constant 32 : index
        %swap3A_182 = tpu.vector_load %arg13[%swap3A_179, %swap3A_180, %swap3A_181] {strides = array<i32>} : memref<2x80x64xf32, #tpu.memory_space<vmem>>, vector<16xf32>,
        tpu.vector_store %arg13[%swap3A_179, %swap3A_180, %swap3A_181], %mul3A_178 {strides = array<i32>} : memref<2x80x64xf32, #tpu.memory_space<vmem>>, vector<16xf32>,
        %get3A_183 = arith.index_cast %rem3A_71 : i32 to index
        %get3A_184 = arith.index_cast %add3A_155 : i32 to index
        %get3A_185 = arith.constant 48 : index
        %get3A_186 = tpu.vector_load %arg13[%get3A_183, %get3A_184, %get3A_185] {strides = array<i32>} : memref<2x80x64xf32, #tpu.memory_space<vmem>>, vector<16xf32>,
        %mul3A_187 = arith.mulf %get3A_186, %gather3A_151 : vector<16xf32>
        %swap3A_188 = arith.index_cast %rem3A_71 : i32 to index
        %swap3A_189 = arith.index_cast %add3A_155 : i32 to index
        %swap3A_190 = arith.constant 48 : index
        %swap3A_191 = tpu.vector_load %arg13[%swap3A_188, %swap3A_189, %swap3A_190] {strides = array<i32>} : memref<2x80x64xf32, #tpu.memory_space<vmem>>, vector<16xf32>,
        tpu.vector_store %arg13[%swap3A_188, %swap3A_189, %swap3A_190], %mul3A_187 {strides = array<i32>} : memref<2x80x64xf32, #tpu.memory_space<vmem>>, vector<16xf32>,
        %broadcast_in_dim3A_192 = arith.constant 1 : i32
        %broadcast_in_dim3A_193 = vector.broadcast %broadcast_in_dim3A_192 : i32 to vector<16xi32>
        %broadcast_in_dim3A_194 = vector.shape_cast %broadcast_in_dim3A_193 : vector<16xi32> to vector<16x1xi32>
        %gather3A_195 = vector.shape_cast %broadcast_in_dim3A_194 : vector<16x1xi32> to vector<16xi32>
        %gather3A_196 = tpu.dynamic_gather %get3A_147[%gather3A_195] in [0] : vector<16xf32>, vector<16xi32> -> vector<16xf32>
        %mul3A_197 = arith.constant 16 : i32
        %mul3A_198 = arith.muli %scan3A_124, %mul3A_197 : i32
        %add3A_199 = arith.constant 1 : i32
        %add3A_200 = arith.addi %mul3A_198, %add3A_199 : i32
        %get3A_201 = arith.index_cast %rem3A_71 : i32 to index
        %get3A_202 = arith.index_cast %add3A_200 : i32 to index
        %get3A_203 = arith.constant 0 : index
        %get3A_204 = tpu.vector_load %arg13[%get3A_201, %get3A_202, %get3A_203] {strides = array<i32>} : memref<2x80x64xf32, #tpu.memory_space<vmem>>, vector<16xf32>,
        %mul3A_205 = arith.mulf %get3A_204, %gather3A_196 : vector<16xf32>
        %swap3A_206 = arith.index_cast %rem3A_71 : i32 to index
        %swap3A_207 = arith.index_cast %add3A_200 : i32 to index
        %swap3A_208 = arith.constant 0 : index
        %swap3A_209 = tpu.vector_load %arg13[%swap3A_206, %swap3A_207, %swap3A_208] {strides = array<i32>} : memref<2x80x64xf32, #tpu.memory_space<vmem>>, vector<16xf32>,
        tpu.vector_store %arg13[%swap3A_206, %swap3A_207, %swap3A_208], %mul3A_205 {strides = array<i32>} : memref<2x80x64xf32, #tpu.memory_space<vmem>>, vector<16xf32>,
        %get3A_210 = arith.index_cast %rem3A_71 : i32 to index
        %get3A_211 = arith.index_cast %add3A_200 : i32 to index
        %get3A_212 = arith.constant 16 : index
        %get3A_213 = tpu.vector_load %arg13[%get3A_210, %get3A_211, %get3A_212] {strides = array<i32>} : memref<2x80x64xf32, #tpu.memory_space<vmem>>, vector<16xf32>,
        %mul3A_214 = arith.mulf %get3A_213, %gather3A_196 : vector<16xf32>
        %swap3A_215 = arith.index_cast %rem3A_71 : i32 to index
        %swap3A_216 = arith.index_cast %add3A_200 : i32 to index
        %swap3A_217 = arith.constant 16 : index
        %swap3A_218 = tpu.vector_load %arg13[%swap3A_215, %swap3A_216, %swap3A_217] {strides = array<i32>} : memref<2x80x64xf32, #tpu.memory_space<vmem>>, vector<16xf32>,
        tpu.vector_store %arg13[%swap3A_215, %swap3A_216, %swap3A_217], %mul3A_214 {strides = array<i32>} : memref<2x80x64xf32, #tpu.memory_space<vmem>>, vector<16xf32>,
        %get3A_219 = arith.index_cast %rem3A_71 : i32 to index
        %get3A_220 = arith.index_cast %add3A_200 : i32 to index
        %get3A_221 = arith.constant 32 : index
        %get3A_222 = tpu.vector_load %arg13[%get3A_219, %get3A_220, %get3A_221] {strides = array<i32>} : memref<2x80x64xf32, #tpu.memory_space<vmem>>, vector<16xf32>,
        %mul3A_223 = arith.mulf %get3A_222, %gather3A_196 : vector<16xf32>
        %swap3A_224 = arith.index_cast %rem3A_71 : i32 to index
        %swap3A_225 = arith.index_cast %add3A_200 : i32 to index
        %swap3A_226 = arith.constant 32 : index
        %swap3A_227 = tpu.vector_load %arg13[%swap3A_224, %swap3A_225, %swap3A_226] {strides = array<i32>} : memref<2x80x64xf32, #tpu.memory_space<vmem>>, vector<16xf32>,
        tpu.vector_store %arg13[%swap3A_224, %swap3A_225, %swap3A_226], %mul3A_223 {strides = array<i32>} : memref<2x80x64xf32, #tpu.memory_space<vmem>>, vector<16xf32>,
        %get3A_228 = arith.index_cast %rem3A_71 : i32 to index
        %get3A_229 = arith.index_cast %add3A_200 : i32 to index
        %get3A_230 = arith.constant 48 : index
        %get3A_231 = tpu.vector_load %arg13[%get3A_228, %get3A_229, %get3A_230] {strides = array<i32>} : memref<2x80x64xf32, #tpu.memory_space<vmem>>, vector<16xf32>,
        %mul3A_232 = arith.mulf %get3A_231, %gather3A_196 : vector<16xf32>
        %swap3A_233 = arith.index_cast %rem3A_71 : i32 to index
        %swap3A_234 = arith.index_cast %add3A_200 : i32 to index
        %swap3A_235 = arith.constant 48 : index
        %swap3A_236 = tpu.vector_load %arg13[%swap3A_233, %swap3A_234, %swap3A_235] {strides = array<i32>} : memref<2x80x64xf32, #tpu.memory_space<vmem>>, vector<16xf32>,
        tpu.vector_store %arg13[%swap3A_233, %swap3A_234, %swap3A_235], %mul3A_232 {strides = array<i32>} : memref<2x80x64xf32, #tpu.memory_space<vmem>>, vector<16xf32>,
        %broadcast_in_dim3A_237 = arith.constant 2 : i32
        %broadcast_in_dim3A_238 = vector.broadcast %broadcast_in_dim3A_237 : i32 to vector<16xi32>
        %broadcast_in_dim3A_239 = vector.shape_cast %broadcast_in_dim3A_238 : vector<16xi32> to vector<16x1xi32>
        %gather3A_240 = vector.shape_cast %broadcast_in_dim3A_239 : vector<16x1xi32> to vector<16xi32>
        %gather3A_241 = tpu.dynamic_gather %get3A_147[%gather3A_240] in [0] : vector<16xf32>, vector<16xi32> -> vector<16xf32>
        %mul3A_242 = arith.constant 16 : i32
        %mul3A_243 = arith.muli %scan3A_124, %mul3A_242 : i32
        %add3A_244 = arith.constant 2 : i32
        %add3A_245 = arith.addi %mul3A_243, %add3A_244 : i32
        %get3A_246 = arith.index_cast %rem3A_71 : i32 to index
        %get3A_247 = arith.index_cast %add3A_245 : i32 to index
        %get3A_248 = arith.constant 0 : index
        %get3A_249 = tpu.vector_load %arg13[%get3A_246, %get3A_247, %get3A_248] {strides = array<i32>} : memref<2x80x64xf32, #tpu.memory_space<vmem>>, vector<16xf32>,
        %mul3A_250 = arith.mulf %get3A_249, %gather3A_241 : vector<16xf32>
        %swap3A_251 = arith.index_cast %rem3A_71 : i32 to index
        %swap3A_252 = arith.index_cast %add3A_245 : i32 to index
        %swap3A_253 = arith.constant 0 : index
        %swap3A_254 = tpu.vector_load %arg13[%swap3A_251, %swap3A_252, %swap3A_253] {strides = array<i32>} : memref<2x80x64xf32, #tpu.memory_space<vmem>>, vector<16xf32>,
        tpu.vector_store %arg13[%swap3A_251, %swap3A_252, %swap3A_253], %mul3A_250 {strides = array<i32>} : memref<2x80x64xf32, #tpu.memory_space<vmem>>, vector<16xf32>,
        %get3A_255 = arith.index_cast %rem3A_71 : i32 to index
        %get3A_256 = arith.index_cast %add3A_245 : i32 to index
        %get3A_257 = arith.constant 16 : index
        %get3A_258 = tpu.vector_load %arg13[%get3A_255, %get3A_256, %get3A_257] {strides = array<i32>} : memref<2x80x64xf32, #tpu.memory_space<vmem>>, vector<16xf32>,
        %mul3A_259 = arith.mulf %get3A_258, %gather3A_241 : vector<16xf32>
        %swap3A_260 = arith.index_cast %rem3A_71 : i32 to index
        %swap3A_261 = arith.index_cast %add3A_245 : i32 to index
        %swap3A_262 = arith.constant 16 : index
        %swap3A_263 = tpu.vector_load %arg13[%swap3A_260, %swap3A_261, %swap3A_262] {strides = array<i32>} : memref<2x80x64xf32, #tpu.memory_space<vmem>>, vector<16xf32>,
        tpu.vector_store %arg13[%swap3A_260, %swap3A_261, %swap3A_262], %mul3A_259 {strides = array<i32>} : memref<2x80x64xf32, #tpu.memory_space<vmem>>, vector<16xf32>,
        %get3A_264 = arith.index_cast %rem3A_71 : i32 to index
        %get3A_265 = arith.index_cast %add3A_245 : i32 to index
        %get3A_266 = arith.constant 32 : index
        %get3A_267 = tpu.vector_load %arg13[%get3A_264, %get3A_265, %get3A_266] {strides = array<i32>} : memref<2x80x64xf32, #tpu.memory_space<vmem>>, vector<16xf32>,
        %mul3A_268 = arith.mulf %get3A_267, %gather3A_241 : vector<16xf32>
        %swap3A_269 = arith.index_cast %rem3A_71 : i32 to index
        %swap3A_270 = arith.index_cast %add3A_245 : i32 to index
        %swap3A_271 = arith.constant 32 : index
        %swap3A_272 = tpu.vector_load %arg13[%swap3A_269, %swap3A_270, %swap3A_271] {strides = array<i32>} : memref<2x80x64xf32, #tpu.memory_space<vmem>>, vector<16xf32>,
        tpu.vector_store %arg13[%swap3A_269, %swap3A_270, %swap3A_271], %mul3A_268 {strides = array<i32>} : memref<2x80x64xf32, #tpu.memory_space<vmem>>, vector<16xf32>,
        %get3A_273 = arith.index_cast %rem3A_71 : i32 to index
        %get3A_274 = arith.index_cast %add3A_245 : i32 to index
        %get3A_275 = arith.constant 48 : index
        %get3A_276 = tpu.vector_load %arg13[%get3A_273, %get3A_274, %get3A_275] {strides = array<i32>} : memref<2x80x64xf32, #tpu.memory_space<vmem>>, vector<16xf32>,
        %mul3A_277 = arith.mulf %get3A_276, %gather3A_241 : vector<16xf32>
        %swap3A_278 = arith.index_cast %rem3A_71 : i32 to index
        %swap3A_279 = arith.index_cast %add3A_245 : i32 to index
        %swap3A_280 = arith.constant 48 : index
        %swap3A_281 = tpu.vector_load %arg13[%swap3A_278, %swap3A_279, %swap3A_280] {strides = array<i32>} : memref<2x80x64xf32, #tpu.memory_space<vmem>>, vector<16xf32>,
        tpu.vector_store %arg13[%swap3A_278, %swap3A_279, %swap3A_280], %mul3A_277 {strides = array<i32>} : memref<2x80x64xf32, #tpu.memory_space<vmem>>, vector<16xf32>,
        %broadcast_in_dim3A_282 = arith.constant 3 : i32
        %broadcast_in_dim3A_283 = vector.broadcast %broadcast_in_dim3A_282 : i32 to vector<16xi32>
        %broadcast_in_dim3A_284 = vector.shape_cast %broadcast_in_dim3A_283 : vector<16xi32> to vector<16x1xi32>
        %gather3A_285 = vector.shape_cast %broadcast_in_dim3A_284 : vector<16x1xi32> to vector<16xi32>
        %gather3A_286 = tpu.dynamic_gather %get3A_147[%gather3A_285] in [0] : vector<16xf32>, vector<16xi32> -> vector<16xf32>
        %mul3A_287 = arith.constant 16 : i32
        %mul3A_288 = arith.muli %scan3A_124, %mul3A_287 : i32
        %add3A_289 = arith.constant 3 : i32
        %add3A_290 = arith.addi %mul3A_288, %add3A_289 : i32
        %get3A_291 = arith.index_cast %rem3A_71 : i32 to index
        %get3A_292 = arith.index_cast %add3A_290 : i32 to index
        %get3A_293 = arith.constant 0 : index
        %get3A_294 = tpu.vector_load %arg13[%get3A_291, %get3A_292, %get3A_293] {strides = array<i32>} : memref<2x80x64xf32, #tpu.memory_space<vmem>>, vector<16xf32>,
        %mul3A_295 = arith.mulf %get3A_294, %gather3A_286 : vector<16xf32>
        %swap3A_296 = arith.index_cast %rem3A_71 : i32 to index
        %swap3A_297 = arith.index_cast %add3A_290 : i32 to index
        %swap3A_298 = arith.constant 0 : index
        %swap3A_299 = tpu.vector_load %arg13[%swap3A_296, %swap3A_297, %swap3A_298] {strides = array<i32>} : memref<2x80x64xf32, #tpu.memory_space<vmem>>, vector<16xf32>,
        tpu.vector_store %arg13[%swap3A_296, %swap3A_297, %swap3A_298], %mul3A_295 {strides = array<i32>} : memref<2x80x64xf32, #tpu.memory_space<vmem>>, vector<16xf32>,
        %get3A_300 = arith.index_cast %rem3A_71 : i32 to index
        %get3A_301 = arith.index_cast %add3A_290 : i32 to index
        %get3A_302 = arith.constant 16 : index
        %get3A_303 = tpu.vector_load %arg13[%get3A_300, %get3A_301, %get3A_302] {strides = array<i32>} : memref<2x80x64xf32, #tpu.memory_space<vmem>>, vector<16xf32>,
        %mul3A_304 = arith.mulf %get3A_303, %gather3A_286 : vector<16xf32>
        %swap3A_305 = arith.index_cast %rem3A_71 : i32 to index
        %swap3A_306 = arith.index_cast %add3A_290 : i32 to index
        %swap3A_307 = arith.constant 16 : index
        %swap3A_308 = tpu.vector_load %arg13[%swap3A_305, %swap3A_306, %swap3A_307] {strides = array<i32>} : memref<2x80x64xf32, #tpu.memory_space<vmem>>, vector<16xf32>,
        tpu.vector_store %arg13[%swap3A_305, %swap3A_306, %swap3A_307], %mul3A_304 {strides = array<i32>} : memref<2x80x64xf32, #tpu.memory_space<vmem>>, vector<16xf32>,
        %get3A_309 = arith.index_cast %rem3A_71 : i32 to index
        %get3A_310 = arith.index_cast %add3A_290 : i32 to index
        %get3A_311 = arith.constant 32 : index
        %get3A_312 = tpu.vector_load %arg13[%get3A_309, %get3A_310, %get3A_311] {strides = array<i32>} : memref<2x80x64xf32, #tpu.memory_space<vmem>>, vector<16xf32>,
        %mul3A_313 = arith.mulf %get3A_312, %gather3A_286 : vector<16xf32>
        %swap3A_314 = arith.index_cast %rem3A_71 : i32 to index
        %swap3A_315 = arith.index_cast %add3A_290 : i32 to index
        %swap3A_316 = arith.constant 32 : index
        %swap3A_317 = tpu.vector_load %arg13[%swap3A_314, %swap3A_315, %swap3A_316] {strides = array<i32>} : memref<2x80x64xf32, #tpu.memory_space<vmem>>, vector<16xf32>,
        tpu.vector_store %arg13[%swap3A_314, %swap3A_315, %swap3A_316], %mul3A_313 {strides = array<i32>} : memref<2x80x64xf32, #tpu.memory_space<vmem>>, vector<16xf32>,
        %get3A_318 = arith.index_cast %rem3A_71 : i32 to index
        %get3A_319 = arith.index_cast %add3A_290 : i32 to index
        %get3A_320 = arith.constant 48 : index
        %get3A_321 = tpu.vector_load %arg13[%get3A_318, %get3A_319, %get3A_320] {strides = array<i32>} : memref<2x80x64xf32, #tpu.memory_space<vmem>>, vector<16xf32>,
        %mul3A_322 = arith.mulf %get3A_321, %gather3A_286 : vector<16xf32>
        %swap3A_323 = arith.index_cast %rem3A_71 : i32 to index
        %swap3A_324 = arith.index_cast %add3A_290 : i32 to index
        %swap3A_325 = arith.constant 48 : index
        %swap3A_326 = tpu.vector_load %arg13[%swap3A_323, %swap3A_324, %swap3A_325] {strides = array<i32>} : memref<2x80x64xf32, #tpu.memory_space<vmem>>, vector<16xf32>,
        tpu.vector_store %arg13[%swap3A_323, %swap3A_324, %swap3A_325], %mul3A_322 {strides = array<i32>} : memref<2x80x64xf32, #tpu.memory_space<vmem>>, vector<16xf32>,
        %broadcast_in_dim3A_327 = arith.constant 4 : i32
        %broadcast_in_dim3A_328 = vector.broadcast %broadcast_in_dim3A_327 : i32 to vector<16xi32>
        %broadcast_in_dim3A_329 = vector.shape_cast %broadcast_in_dim3A_328 : vector<16xi32> to vector<16x1xi32>
        %gather3A_330 = vector.shape_cast %broadcast_in_dim3A_329 : vector<16x1xi32> to vector<16xi32>
        %gather3A_331 = tpu.dynamic_gather %get3A_147[%gather3A_330] in [0] : vector<16xf32>, vector<16xi32> -> vector<16xf32>
        %mul3A_332 = arith.constant 16 : i32
        %mul3A_333 = arith.muli %scan3A_124, %mul3A_332 : i32
        %add3A_334 = arith.constant 4 : i32
        %add3A_335 = arith.addi %mul3A_333, %add3A_334 : i32
        %get3A_336 = arith.index_cast %rem3A_71 : i32 to index
        %get3A_337 = arith.index_cast %add3A_335 : i32 to index
        %get3A_338 = arith.constant 0 : index
        %get3A_339 = tpu.vector_load %arg13[%get3A_336, %get3A_337, %get3A_338] {strides = array<i32>} : memref<2x80x64xf32, #tpu.memory_space<vmem>>, vector<16xf32>,
        %mul3A_340 = arith.mulf %get3A_339, %gather3A_331 : vector<16xf32>
        %swap3A_341 = arith.index_cast %rem3A_71 : i32 to index
        %swap3A_342 = arith.index_cast %add3A_335 : i32 to index
        %swap3A_343 = arith.constant 0 : index
        %swap3A_344 = tpu.vector_load %arg13[%swap3A_341, %swap3A_342, %swap3A_343] {strides = array<i32>} : memref<2x80x64xf32, #tpu.memory_space<vmem>>, vector<16xf32>,
        tpu.vector_store %arg13[%swap3A_341, %swap3A_342, %swap3A_343], %mul3A_340 {strides = array<i32>} : memref<2x80x64xf32, #tpu.memory_space<vmem>>, vector<16xf32>,
        %get3A_345 = arith.index_cast %rem3A_71 : i32 to index
        %get3A_346 = arith.index_cast %add3A_335 : i32 to index
        %get3A_347 = arith.constant 16 : index
        %get3A_348 = tpu.vector_load %arg13[%get3A_345, %get3A_346, %get3A_347] {strides = array<i32>} : memref<2x80x64xf32, #tpu.memory_space<vmem>>, vector<16xf32>,
        %mul3A_349 = arith.mulf %get3A_348, %gather3A_331 : vector<16xf32>
        %swap3A_350 = arith.index_cast %rem3A_71 : i32 to index
        %swap3A_351 = arith.index_cast %add3A_335 : i32 to index
        %swap3A_352 = arith.constant 16 : index
        %swap3A_353 = tpu.vector_load %arg13[%swap3A_350, %swap3A_351, %swap3A_352] {strides = array<i32>} : memref<2x80x64xf32, #tpu.memory_space<vmem>>, vector<16xf32>,
        tpu.vector_store %arg13[%swap3A_350, %swap3A_351, %swap3A_352], %mul3A_349 {strides = array<i32>} : memref<2x80x64xf32, #tpu.memory_space<vmem>>, vector<16xf32>,
        %get3A_354 = arith.index_cast %rem3A_71 : i32 to index
        %get3A_355 = arith.index_cast %add3A_335 : i32 to index
        %get3A_356 = arith.constant 32 : index
        %get3A_357 = tpu.vector_load %arg13[%get3A_354, %get3A_355, %get3A_356] {strides = array<i32>} : memref<2x80x64xf32, #tpu.memory_space<vmem>>, vector<16xf32>,
        %mul3A_358 = arith.mulf %get3A_357, %gather3A_331 : vector<16xf32>
        %swap3A_359 = arith.index_cast %rem3A_71 : i32 to index
        %swap3A_360 = arith.index_cast %add3A_335 : i32 to index
        %swap3A_361 = arith.constant 32 : index
        %swap3A_362 = tpu.vector_load %arg13[%swap3A_359, %swap3A_360, %swap3A_361] {strides = array<i32>} : memref<2x80x64xf32, #tpu.memory_space<vmem>>, vector<16xf32>,
        tpu.vector_store %arg13[%swap3A_359, %swap3A_360, %swap3A_361], %mul3A_358 {strides = array<i32>} : memref<2x80x64xf32, #tpu.memory_space<vmem>>, vector<16xf32>,
        %get3A_363 = arith.index_cast %rem3A_71 : i32 to index
        %get3A_364 = arith.index_cast %add3A_335 : i32 to index
        %get3A_365 = arith.constant 48 : index
        %get3A_366 = tpu.vector_load %arg13[%get3A_363, %get3A_364, %get3A_365] {strides = array<i32>} : memref<2x80x64xf32, #tpu.memory_space<vmem>>, vector<16xf32>,
        %mul3A_367 = arith.mulf %get3A_366, %gather3A_331 : vector<16xf32>
        %swap3A_368 = arith.index_cast %rem3A_71 : i32 to index
        %swap3A_369 = arith.index_cast %add3A_335 : i32 to index
        %swap3A_370 = arith.constant 48 : index
        %swap3A_371 = tpu.vector_load %arg13[%swap3A_368, %swap3A_369, %swap3A_370] {strides = array<i32>} : memref<2x80x64xf32, #tpu.memory_space<vmem>>, vector<16xf32>,
        tpu.vector_store %arg13[%swap3A_368, %swap3A_369, %swap3A_370], %mul3A_367 {strides = array<i32>} : memref<2x80x64xf32, #tpu.memory_space<vmem>>, vector<16xf32>,
        %broadcast_in_dim3A_372 = arith.constant 5 : i32
        %broadcast_in_dim3A_373 = vector.broadcast %broadcast_in_dim3A_372 : i32 to vector<16xi32>
        %broadcast_in_dim3A_374 = vector.shape_cast %broadcast_in_dim3A_373 : vector<16xi32> to vector<16x1xi32>
        %gather3A_375 = vector.shape_cast %broadcast_in_dim3A_374 : vector<16x1xi32> to vector<16xi32>
        %gather3A_376 = tpu.dynamic_gather %get3A_147[%gather3A_375] in [0] : vector<16xf32>, vector<16xi32> -> vector<16xf32>
        %mul3A_377 = arith.constant 16 : i32
        %mul3A_378 = arith.muli %scan3A_124, %mul3A_377 : i32
        %add3A_379 = arith.constant 5 : i32
        %add3A_380 = arith.addi %mul3A_378, %add3A_379 : i32
        %get3A_381 = arith.index_cast %rem3A_71 : i32 to index
        %get3A_382 = arith.index_cast %add3A_380 : i32 to index
        %get3A_383 = arith.constant 0 : index
        %get3A_384 = tpu.vector_load %arg13[%get3A_381, %get3A_382, %get3A_383] {strides = array<i32>} : memref<2x80x64xf32, #tpu.memory_space<vmem>>, vector<16xf32>,
        %mul3A_385 = arith.mulf %get3A_384, %gather3A_376 : vector<16xf32>
        %swap3A_386 = arith.index_cast %rem3A_71 : i32 to index
        %swap3A_387 = arith.index_cast %add3A_380 : i32 to index
        %swap3A_388 = arith.constant 0 : index
        %swap3A_389 = tpu.vector_load %arg13[%swap3A_386, %swap3A_387, %swap3A_388] {strides = array<i32>} : memref<2x80x64xf32, #tpu.memory_space<vmem>>, vector<16xf32>,
        tpu.vector_store %arg13[%swap3A_386, %swap3A_387, %swap3A_388], %mul3A_385 {strides = array<i32>} : memref<2x80x64xf32, #tpu.memory_space<vmem>>, vector<16xf32>,
        %get3A_390 = arith.index_cast %rem3A_71 : i32 to index
        %get3A_391 = arith.index_cast %add3A_380 : i32 to index
        %get3A_392 = arith.constant 16 : index
        %get3A_393 = tpu.vector_load %arg13[%get3A_390, %get3A_391, %get3A_392] {strides = array<i32>} : memref<2x80x64xf32, #tpu.memory_space<vmem>>, vector<16xf32>,
        %mul3A_394 = arith.mulf %get3A_393, %gather3A_376 : vector<16xf32>
        %swap3A_395 = arith.index_cast %rem3A_71 : i32 to index
        %swap3A_396 = arith.index_cast %add3A_380 : i32 to index
        %swap3A_397 = arith.constant 16 : index
        %swap3A_398 = tpu.vector_load %arg13[%swap3A_395, %swap3A_396, %swap3A_397] {strides = array<i32>} : memref<2x80x64xf32, #tpu.memory_space<vmem>>, vector<16xf32>,
        tpu.vector_store %arg13[%swap3A_395, %swap3A_396, %swap3A_397], %mul3A_394 {strides = array<i32>} : memref<2x80x64xf32, #tpu.memory_space<vmem>>, vector<16xf32>,
        %get3A_399 = arith.index_cast %rem3A_71 : i32 to index
        %get3A_400 = arith.index_cast %add3A_380 : i32 to index
        %get3A_401 = arith.constant 32 : index
        %get3A_402 = tpu.vector_load %arg13[%get3A_399, %get3A_400, %get3A_401] {strides = array<i32>} : memref<2x80x64xf32, #tpu.memory_space<vmem>>, vector<16xf32>,
        %mul3A_403 = arith.mulf %get3A_402, %gather3A_376 : vector<16xf32>
        %swap3A_404 = arith.index_cast %rem3A_71 : i32 to index
        %swap3A_405 = arith.index_cast %add3A_380 : i32 to index
        %swap3A_406 = arith.constant 32 : index
        %swap3A_407 = tpu.vector_load %arg13[%swap3A_404, %swap3A_405, %swap3A_406] {strides = array<i32>} : memref<2x80x64xf32, #tpu.memory_space<vmem>>, vector<16xf32>,
        tpu.vector_store %arg13[%swap3A_404, %swap3A_405, %swap3A_406], %mul3A_403 {strides = array<i32>} : memref<2x80x64xf32, #tpu.memory_space<vmem>>, vector<16xf32>,
        %get3A_408 = arith.index_cast %rem3A_71 : i32 to index
        %get3A_409 = arith.index_cast %add3A_380 : i32 to index
        %get3A_410 = arith.constant 48 : index
        %get3A_411 = tpu.vector_load %arg13[%get3A_408, %get3A_409, %get3A_410] {strides = array<i32>} : memref<2x80x64xf32, #tpu.memory_space<vmem>>, vector<16xf32>,
        %mul3A_412 = arith.mulf %get3A_411, %gather3A_376 : vector<16xf32>
        %swap3A_413 = arith.index_cast %rem3A_71 : i32 to index
        %swap3A_414 = arith.index_cast %add3A_380 : i32 to index
        %swap3A_415 = arith.constant 48 : index
        %swap3A_416 = tpu.vector_load %arg13[%swap3A_413, %swap3A_414, %swap3A_415] {strides = array<i32>} : memref<2x80x64xf32, #tpu.memory_space<vmem>>, vector<16xf32>,
        tpu.vector_store %arg13[%swap3A_413, %swap3A_414, %swap3A_415], %mul3A_412 {strides = array<i32>} : memref<2x80x64xf32, #tpu.memory_space<vmem>>, vector<16xf32>,
        %broadcast_in_dim3A_417 = arith.constant 6 : i32
        %broadcast_in_dim3A_418 = vector.broadcast %broadcast_in_dim3A_417 : i32 to vector<16xi32>
        %broadcast_in_dim3A_419 = vector.shape_cast %broadcast_in_dim3A_418 : vector<16xi32> to vector<16x1xi32>
        %gather3A_420 = vector.shape_cast %broadcast_in_dim3A_419 : vector<16x1xi32> to vector<16xi32>
        %gather3A_421 = tpu.dynamic_gather %get3A_147[%gather3A_420] in [0] : vector<16xf32>, vector<16xi32> -> vector<16xf32>
        %mul3A_422 = arith.constant 16 : i32
        %mul3A_423 = arith.muli %scan3A_124, %mul3A_422 : i32
        %add3A_424 = arith.constant 6 : i32
        %add3A_425 = arith.addi %mul3A_423, %add3A_424 : i32
        %get3A_426 = arith.index_cast %rem3A_71 : i32 to index
        %get3A_427 = arith.index_cast %add3A_425 : i32 to index
        %get3A_428 = arith.constant 0 : index
        %get3A_429 = tpu.vector_load %arg13[%get3A_426, %get3A_427, %get3A_428] {strides = array<i32>} : memref<2x80x64xf32, #tpu.memory_space<vmem>>, vector<16xf32>,
        %mul3A_430 = arith.mulf %get3A_429, %gather3A_421 : vector<16xf32>
        %swap3A_431 = arith.index_cast %rem3A_71 : i32 to index
        %swap3A_432 = arith.index_cast %add3A_425 : i32 to index
        %swap3A_433 = arith.constant 0 : index
        %swap3A_434 = tpu.vector_load %arg13[%swap3A_431, %swap3A_432, %swap3A_433] {strides = array<i32>} : memref<2x80x64xf32, #tpu.memory_space<vmem>>, vector<16xf32>,
        tpu.vector_store %arg13[%swap3A_431, %swap3A_432, %swap3A_433], %mul3A_430 {strides = array<i32>} : memref<2x80x64xf32, #tpu.memory_space<vmem>>, vector<16xf32>,
        %get3A_435 = arith.index_cast %rem3A_71 : i32 to index
        %get3A_436 = arith.index_cast %add3A_425 : i32 to index
        %get3A_437 = arith.constant 16 : index
        %get3A_438 = tpu.vector_load %arg13[%get3A_435, %get3A_436, %get3A_437] {strides = array<i32>} : memref<2x80x64xf32, #tpu.memory_space<vmem>>, vector<16xf32>,
        %mul3A_439 = arith.mulf %get3A_438, %gather3A_421 : vector<16xf32>
        %swap3A_440 = arith.index_cast %rem3A_71 : i32 to index
        %swap3A_441 = arith.index_cast %add3A_425 : i32 to index
        %swap3A_442 = arith.constant 16 : index
        %swap3A_443 = tpu.vector_load %arg13[%swap3A_440, %swap3A_441, %swap3A_442] {strides = array<i32>} : memref<2x80x64xf32, #tpu.memory_space<vmem>>, vector<16xf32>,
        tpu.vector_store %arg13[%swap3A_440, %swap3A_441, %swap3A_442], %mul3A_439 {strides = array<i32>} : memref<2x80x64xf32, #tpu.memory_space<vmem>>, vector<16xf32>,
        %get3A_444 = arith.index_cast %rem3A_71 : i32 to index
        %get3A_445 = arith.index_cast %add3A_425 : i32 to index
        %get3A_446 = arith.constant 32 : index
        %get3A_447 = tpu.vector_load %arg13[%get3A_444, %get3A_445, %get3A_446] {strides = array<i32>} : memref<2x80x64xf32, #tpu.memory_space<vmem>>, vector<16xf32>,
        %mul3A_448 = arith.mulf %get3A_447, %gather3A_421 : vector<16xf32>
        %swap3A_449 = arith.index_cast %rem3A_71 : i32 to index
        %swap3A_450 = arith.index_cast %add3A_425 : i32 to index
        %swap3A_451 = arith.constant 32 : index
        %swap3A_452 = tpu.vector_load %arg13[%swap3A_449, %swap3A_450, %swap3A_451] {strides = array<i32>} : memref<2x80x64xf32, #tpu.memory_space<vmem>>, vector<16xf32>,
        tpu.vector_store %arg13[%swap3A_449, %swap3A_450, %swap3A_451], %mul3A_448 {strides = array<i32>} : memref<2x80x64xf32, #tpu.memory_space<vmem>>, vector<16xf32>,
        %get3A_453 = arith.index_cast %rem3A_71 : i32 to index
        %get3A_454 = arith.index_cast %add3A_425 : i32 to index
        %get3A_455 = arith.constant 48 : index
        %get3A_456 = tpu.vector_load %arg13[%get3A_453, %get3A_454, %get3A_455] {strides = array<i32>} : memref<2x80x64xf32, #tpu.memory_space<vmem>>, vector<16xf32>,
        %mul3A_457 = arith.mulf %get3A_456, %gather3A_421 : vector<16xf32>
        %swap3A_458 = arith.index_cast %rem3A_71 : i32 to index
        %swap3A_459 = arith.index_cast %add3A_425 : i32 to index
        %swap3A_460 = arith.constant 48 : index
        %swap3A_461 = tpu.vector_load %arg13[%swap3A_458, %swap3A_459, %swap3A_460] {strides = array<i32>} : memref<2x80x64xf32, #tpu.memory_space<vmem>>, vector<16xf32>,
        tpu.vector_store %arg13[%swap3A_458, %swap3A_459, %swap3A_460], %mul3A_457 {strides = array<i32>} : memref<2x80x64xf32, #tpu.memory_space<vmem>>, vector<16xf32>,
        %broadcast_in_dim3A_462 = arith.constant 7 : i32
        %broadcast_in_dim3A_463 = vector.broadcast %broadcast_in_dim3A_462 : i32 to vector<16xi32>
        %broadcast_in_dim3A_464 = vector.shape_cast %broadcast_in_dim3A_463 : vector<16xi32> to vector<16x1xi32>
        %gather3A_465 = vector.shape_cast %broadcast_in_dim3A_464 : vector<16x1xi32> to vector<16xi32>
        %gather3A_466 = tpu.dynamic_gather %get3A_147[%gather3A_465] in [0] : vector<16xf32>, vector<16xi32> -> vector<16xf32>
        %mul3A_467 = arith.constant 16 : i32
        %mul3A_468 = arith.muli %scan3A_124, %mul3A_467 : i32
        %add3A_469 = arith.constant 7 : i32
        %add3A_470 = arith.addi %mul3A_468, %add3A_469 : i32
        %get3A_471 = arith.index_cast %rem3A_71 : i32 to index
        %get3A_472 = arith.index_cast %add3A_470 : i32 to index
        %get3A_473 = arith.constant 0 : index
        %get3A_474 = tpu.vector_load %arg13[%get3A_471, %get3A_472, %get3A_473] {strides = array<i32>} : memref<2x80x64xf32, #tpu.memory_space<vmem>>, vector<16xf32>,
        %mul3A_475 = arith.mulf %get3A_474, %gather3A_466 : vector<16xf32>
        %swap3A_476 = arith.index_cast %rem3A_71 : i32 to index
        %swap3A_477 = arith.index_cast %add3A_470 : i32 to index
        %swap3A_478 = arith.constant 0 : index
        %swap3A_479 = tpu.vector_load %arg13[%swap3A_476, %swap3A_477, %swap3A_478] {strides = array<i32>} : memref<2x80x64xf32, #tpu.memory_space<vmem>>, vector<16xf32>,
        tpu.vector_store %arg13[%swap3A_476, %swap3A_477, %swap3A_478], %mul3A_475 {strides = array<i32>} : memref<2x80x64xf32, #tpu.memory_space<vmem>>, vector<16xf32>,
        %get3A_480 = arith.index_cast %rem3A_71 : i32 to index
        %get3A_481 = arith.index_cast %add3A_470 : i32 to index
        %get3A_482 = arith.constant 16 : index
        %get3A_483 = tpu.vector_load %arg13[%get3A_480, %get3A_481, %get3A_482] {strides = array<i32>} : memref<2x80x64xf32, #tpu.memory_space<vmem>>, vector<16xf32>,
        %mul3A_484 = arith.mulf %get3A_483, %gather3A_466 : vector<16xf32>
        %swap3A_485 = arith.index_cast %rem3A_71 : i32 to index
        %swap3A_486 = arith.index_cast %add3A_470 : i32 to index
        %swap3A_487 = arith.constant 16 : index
        %swap3A_488 = tpu.vector_load %arg13[%swap3A_485, %swap3A_486, %swap3A_487] {strides = array<i32>} : memref<2x80x64xf32, #tpu.memory_space<vmem>>, vector<16xf32>,
        tpu.vector_store %arg13[%swap3A_485, %swap3A_486, %swap3A_487], %mul3A_484 {strides = array<i32>} : memref<2x80x64xf32, #tpu.memory_space<vmem>>, vector<16xf32>,
        %get3A_489 = arith.index_cast %rem3A_71 : i32 to index
        %get3A_490 = arith.index_cast %add3A_470 : i32 to index
        %get3A_491 = arith.constant 32 : index
        %get3A_492 = tpu.vector_load %arg13[%get3A_489, %get3A_490, %get3A_491] {strides = array<i32>} : memref<2x80x64xf32, #tpu.memory_space<vmem>>, vector<16xf32>,
        %mul3A_493 = arith.mulf %get3A_492, %gather3A_466 : vector<16xf32>
        %swap3A_494 = arith.index_cast %rem3A_71 : i32 to index
        %swap3A_495 = arith.index_cast %add3A_470 : i32 to index
        %swap3A_496 = arith.constant 32 : index
        %swap3A_497 = tpu.vector_load %arg13[%swap3A_494, %swap3A_495, %swap3A_496] {strides = array<i32>} : memref<2x80x64xf32, #tpu.memory_space<vmem>>, vector<16xf32>,
        tpu.vector_store %arg13[%swap3A_494, %swap3A_495, %swap3A_496], %mul3A_493 {strides = array<i32>} : memref<2x80x64xf32, #tpu.memory_space<vmem>>, vector<16xf32>,
        %get3A_498 = arith.index_cast %rem3A_71 : i32 to index
        %get3A_499 = arith.index_cast %add3A_470 : i32 to index
        %get3A_500 = arith.constant 48 : index
        %get3A_501 = tpu.vector_load %arg13[%get3A_498, %get3A_499, %get3A_500] {strides = array<i32>} : memref<2x80x64xf32, #tpu.memory_space<vmem>>, vector<16xf32>,
        %mul3A_502 = arith.mulf %get3A_501, %gather3A_466 : vector<16xf32>
        %swap3A_503 = arith.index_cast %rem3A_71 : i32 to index
        %swap3A_504 = arith.index_cast %add3A_470 : i32 to index
        %swap3A_505 = arith.constant 48 : index
        %swap3A_506 = tpu.vector_load %arg13[%swap3A_503, %swap3A_504, %swap3A_505] {strides = array<i32>} : memref<2x80x64xf32, #tpu.memory_space<vmem>>, vector<16xf32>,
        tpu.vector_store %arg13[%swap3A_503, %swap3A_504, %swap3A_505], %mul3A_502 {strides = array<i32>} : memref<2x80x64xf32, #tpu.memory_space<vmem>>, vector<16xf32>,
        %broadcast_in_dim3A_507 = arith.constant 8 : i32
        %broadcast_in_dim3A_508 = vector.broadcast %broadcast_in_dim3A_507 : i32 to vector<16xi32>
        %broadcast_in_dim3A_509 = vector.shape_cast %broadcast_in_dim3A_508 : vector<16xi32> to vector<16x1xi32>
        %gather3A_510 = vector.shape_cast %broadcast_in_dim3A_509 : vector<16x1xi32> to vector<16xi32>
        %gather3A_511 = tpu.dynamic_gather %get3A_147[%gather3A_510] in [0] : vector<16xf32>, vector<16xi32> -> vector<16xf32>
        %mul3A_512 = arith.constant 16 : i32
        %mul3A_513 = arith.muli %scan3A_124, %mul3A_512 : i32
        %add3A_514 = arith.constant 8 : i32
        %add3A_515 = arith.addi %mul3A_513, %add3A_514 : i32
        %get3A_516 = arith.index_cast %rem3A_71 : i32 to index
        %get3A_517 = arith.index_cast %add3A_515 : i32 to index
        %get3A_518 = arith.constant 0 : index
        %get3A_519 = tpu.vector_load %arg13[%get3A_516, %get3A_517, %get3A_518] {strides = array<i32>} : memref<2x80x64xf32, #tpu.memory_space<vmem>>, vector<16xf32>,
        %mul3A_520 = arith.mulf %get3A_519, %gather3A_511 : vector<16xf32>
        %swap3A_521 = arith.index_cast %rem3A_71 : i32 to index
        %swap3A_522 = arith.index_cast %add3A_515 : i32 to index
        %swap3A_523 = arith.constant 0 : index
        %swap3A_524 = tpu.vector_load %arg13[%swap3A_521, %swap3A_522, %swap3A_523] {strides = array<i32>} : memref<2x80x64xf32, #tpu.memory_space<vmem>>, vector<16xf32>,
        tpu.vector_store %arg13[%swap3A_521, %swap3A_522, %swap3A_523], %mul3A_520 {strides = array<i32>} : memref<2x80x64xf32, #tpu.memory_space<vmem>>, vector<16xf32>,
        %get3A_525 = arith.index_cast %rem3A_71 : i32 to index
        %get3A_526 = arith.index_cast %add3A_515 : i32 to index
        %get3A_527 = arith.constant 16 : index
        %get3A_528 = tpu.vector_load %arg13[%get3A_525, %get3A_526, %get3A_527] {strides = array<i32>} : memref<2x80x64xf32, #tpu.memory_space<vmem>>, vector<16xf32>,
        %mul3A_529 = arith.mulf %get3A_528, %gather3A_511 : vector<16xf32>
        %swap3A_530 = arith.index_cast %rem3A_71 : i32 to index
        %swap3A_531 = arith.index_cast %add3A_515 : i32 to index
        %swap3A_532 = arith.constant 16 : index
        %swap3A_533 = tpu.vector_load %arg13[%swap3A_530, %swap3A_531, %swap3A_532] {strides = array<i32>} : memref<2x80x64xf32, #tpu.memory_space<vmem>>, vector<16xf32>,
        tpu.vector_store %arg13[%swap3A_530, %swap3A_531, %swap3A_532], %mul3A_529 {strides = array<i32>} : memref<2x80x64xf32, #tpu.memory_space<vmem>>, vector<16xf32>,
        %get3A_534 = arith.index_cast %rem3A_71 : i32 to index
        %get3A_535 = arith.index_cast %add3A_515 : i32 to index
        %get3A_536 = arith.constant 32 : index
        %get3A_537 = tpu.vector_load %arg13[%get3A_534, %get3A_535, %get3A_536] {strides = array<i32>} : memref<2x80x64xf32, #tpu.memory_space<vmem>>, vector<16xf32>,
        %mul3A_538 = arith.mulf %get3A_537, %gather3A_511 : vector<16xf32>
        %swap3A_539 = arith.index_cast %rem3A_71 : i32 to index
        %swap3A_540 = arith.index_cast %add3A_515 : i32 to index
        %swap3A_541 = arith.constant 32 : index
        %swap3A_542 = tpu.vector_load %arg13[%swap3A_539, %swap3A_540, %swap3A_541] {strides = array<i32>} : memref<2x80x64xf32, #tpu.memory_space<vmem>>, vector<16xf32>,
        tpu.vector_store %arg13[%swap3A_539, %swap3A_540, %swap3A_541], %mul3A_538 {strides = array<i32>} : memref<2x80x64xf32, #tpu.memory_space<vmem>>, vector<16xf32>,
        %get3A_543 = arith.index_cast %rem3A_71 : i32 to index
        %get3A_544 = arith.index_cast %add3A_515 : i32 to index
        %get3A_545 = arith.constant 48 : index
        %get3A_546 = tpu.vector_load %arg13[%get3A_543, %get3A_544, %get3A_545] {strides = array<i32>} : memref<2x80x64xf32, #tpu.memory_space<vmem>>, vector<16xf32>,
        %mul3A_547 = arith.mulf %get3A_546, %gather3A_511 : vector<16xf32>
        %swap3A_548 = arith.index_cast %rem3A_71 : i32 to index
        %swap3A_549 = arith.index_cast %add3A_515 : i32 to index
        %swap3A_550 = arith.constant 48 : index
        %swap3A_551 = tpu.vector_load %arg13[%swap3A_548, %swap3A_549, %swap3A_550] {strides = array<i32>} : memref<2x80x64xf32, #tpu.memory_space<vmem>>, vector<16xf32>,
        tpu.vector_store %arg13[%swap3A_548, %swap3A_549, %swap3A_550], %mul3A_547 {strides = array<i32>} : memref<2x80x64xf32, #tpu.memory_space<vmem>>, vector<16xf32>,
        %broadcast_in_dim3A_552 = arith.constant 9 : i32
        %broadcast_in_dim3A_553 = vector.broadcast %broadcast_in_dim3A_552 : i32 to vector<16xi32>
        %broadcast_in_dim3A_554 = vector.shape_cast %broadcast_in_dim3A_553 : vector<16xi32> to vector<16x1xi32>
        %gather3A_555 = vector.shape_cast %broadcast_in_dim3A_554 : vector<16x1xi32> to vector<16xi32>
        %gather3A_556 = tpu.dynamic_gather %get3A_147[%gather3A_555] in [0] : vector<16xf32>, vector<16xi32> -> vector<16xf32>
        %mul3A_557 = arith.constant 16 : i32
        %mul3A_558 = arith.muli %scan3A_124, %mul3A_557 : i32
        %add3A_559 = arith.constant 9 : i32
        %add3A_560 = arith.addi %mul3A_558, %add3A_559 : i32
        %get3A_561 = arith.index_cast %rem3A_71 : i32 to index
        %get3A_562 = arith.index_cast %add3A_560 : i32 to index
        %get3A_563 = arith.constant 0 : index
        %get3A_564 = tpu.vector_load %arg13[%get3A_561, %get3A_562, %get3A_563] {strides = array<i32>} : memref<2x80x64xf32, #tpu.memory_space<vmem>>, vector<16xf32>,
        %mul3A_565 = arith.mulf %get3A_564, %gather3A_556 : vector<16xf32>
        %swap3A_566 = arith.index_cast %rem3A_71 : i32 to index
        %swap3A_567 = arith.index_cast %add3A_560 : i32 to index
        %swap3A_568 = arith.constant 0 : index
        %swap3A_569 = tpu.vector_load %arg13[%swap3A_566, %swap3A_567, %swap3A_568] {strides = array<i32>} : memref<2x80x64xf32, #tpu.memory_space<vmem>>, vector<16xf32>,
        tpu.vector_store %arg13[%swap3A_566, %swap3A_567, %swap3A_568], %mul3A_565 {strides = array<i32>} : memref<2x80x64xf32, #tpu.memory_space<vmem>>, vector<16xf32>,
        %get3A_570 = arith.index_cast %rem3A_71 : i32 to index
        %get3A_571 = arith.index_cast %add3A_560 : i32 to index
        %get3A_572 = arith.constant 16 : index
        %get3A_573 = tpu.vector_load %arg13[%get3A_570, %get3A_571, %get3A_572] {strides = array<i32>} : memref<2x80x64xf32, #tpu.memory_space<vmem>>, vector<16xf32>,
        %mul3A_574 = arith.mulf %get3A_573, %gather3A_556 : vector<16xf32>
        %swap3A_575 = arith.index_cast %rem3A_71 : i32 to index
        %swap3A_576 = arith.index_cast %add3A_560 : i32 to index
        %swap3A_577 = arith.constant 16 : index
        %swap3A_578 = tpu.vector_load %arg13[%swap3A_575, %swap3A_576, %swap3A_577] {strides = array<i32>} : memref<2x80x64xf32, #tpu.memory_space<vmem>>, vector<16xf32>,
        tpu.vector_store %arg13[%swap3A_575, %swap3A_576, %swap3A_577], %mul3A_574 {strides = array<i32>} : memref<2x80x64xf32, #tpu.memory_space<vmem>>, vector<16xf32>,
        %get3A_579 = arith.index_cast %rem3A_71 : i32 to index
        %get3A_580 = arith.index_cast %add3A_560 : i32 to index
        %get3A_581 = arith.constant 32 : index
        %get3A_582 = tpu.vector_load %arg13[%get3A_579, %get3A_580, %get3A_581] {strides = array<i32>} : memref<2x80x64xf32, #tpu.memory_space<vmem>>, vector<16xf32>,
        %mul3A_583 = arith.mulf %get3A_582, %gather3A_556 : vector<16xf32>
        %swap3A_584 = arith.index_cast %rem3A_71 : i32 to index
        %swap3A_585 = arith.index_cast %add3A_560 : i32 to index
        %swap3A_586 = arith.constant 32 : index
        %swap3A_587 = tpu.vector_load %arg13[%swap3A_584, %swap3A_585, %swap3A_586] {strides = array<i32>} : memref<2x80x64xf32, #tpu.memory_space<vmem>>, vector<16xf32>,
        tpu.vector_store %arg13[%swap3A_584, %swap3A_585, %swap3A_586], %mul3A_583 {strides = array<i32>} : memref<2x80x64xf32, #tpu.memory_space<vmem>>, vector<16xf32>,
        %get3A_588 = arith.index_cast %rem3A_71 : i32 to index
        %get3A_589 = arith.index_cast %add3A_560 : i32 to index
        %get3A_590 = arith.constant 48 : index
        %get3A_591 = tpu.vector_load %arg13[%get3A_588, %get3A_589, %get3A_590] {strides = array<i32>} : memref<2x80x64xf32, #tpu.memory_space<vmem>>, vector<16xf32>,
        %mul3A_592 = arith.mulf %get3A_591, %gather3A_556 : vector<16xf32>
        %swap3A_593 = arith.index_cast %rem3A_71 : i32 to index
        %swap3A_594 = arith.index_cast %add3A_560 : i32 to index
        %swap3A_595 = arith.constant 48 : index
        %swap3A_596 = tpu.vector_load %arg13[%swap3A_593, %swap3A_594, %swap3A_595] {strides = array<i32>} : memref<2x80x64xf32, #tpu.memory_space<vmem>>, vector<16xf32>,
        tpu.vector_store %arg13[%swap3A_593, %swap3A_594, %swap3A_595], %mul3A_592 {strides = array<i32>} : memref<2x80x64xf32, #tpu.memory_space<vmem>>, vector<16xf32>,
        %broadcast_in_dim3A_597 = arith.constant 10 : i32
        %broadcast_in_dim3A_598 = vector.broadcast %broadcast_in_dim3A_597 : i32 to vector<16xi32>
        %broadcast_in_dim3A_599 = vector.shape_cast %broadcast_in_dim3A_598 : vector<16xi32> to vector<16x1xi32>
        %gather3A_600 = vector.shape_cast %broadcast_in_dim3A_599 : vector<16x1xi32> to vector<16xi32>
        %gather3A_601 = tpu.dynamic_gather %get3A_147[%gather3A_600] in [0] : vector<16xf32>, vector<16xi32> -> vector<16xf32>
        %mul3A_602 = arith.constant 16 : i32
        %mul3A_603 = arith.muli %scan3A_124, %mul3A_602 : i32
        %add3A_604 = arith.constant 10 : i32
        %add3A_605 = arith.addi %mul3A_603, %add3A_604 : i32
        %get3A_606 = arith.index_cast %rem3A_71 : i32 to index
        %get3A_607 = arith.index_cast %add3A_605 : i32 to index
        %get3A_608 = arith.constant 0 : index
        %get3A_609 = tpu.vector_load %arg13[%get3A_606, %get3A_607, %get3A_608] {strides = array<i32>} : memref<2x80x64xf32, #tpu.memory_space<vmem>>, vector<16xf32>,
        %mul3A_610 = arith.mulf %get3A_609, %gather3A_601 : vector<16xf32>
        %swap3A_611 = arith.index_cast %rem3A_71 : i32 to index
        %swap3A_612 = arith.index_cast %add3A_605 : i32 to index
        %swap3A_613 = arith.constant 0 : index
        %swap3A_614 = tpu.vector_load %arg13[%swap3A_611, %swap3A_612, %swap3A_613] {strides = array<i32>} : memref<2x80x64xf32, #tpu.memory_space<vmem>>, vector<16xf32>,
        tpu.vector_store %arg13[%swap3A_611, %swap3A_612, %swap3A_613], %mul3A_610 {strides = array<i32>} : memref<2x80x64xf32, #tpu.memory_space<vmem>>, vector<16xf32>,
        %get3A_615 = arith.index_cast %rem3A_71 : i32 to index
        %get3A_616 = arith.index_cast %add3A_605 : i32 to index
        %get3A_617 = arith.constant 16 : index
        %get3A_618 = tpu.vector_load %arg13[%get3A_615, %get3A_616, %get3A_617] {strides = array<i32>} : memref<2x80x64xf32, #tpu.memory_space<vmem>>, vector<16xf32>,
        %mul3A_619 = arith.mulf %get3A_618, %gather3A_601 : vector<16xf32>
        %swap3A_620 = arith.index_cast %rem3A_71 : i32 to index
        %swap3A_621 = arith.index_cast %add3A_605 : i32 to index
        %swap3A_622 = arith.constant 16 : index
        %swap3A_623 = tpu.vector_load %arg13[%swap3A_620, %swap3A_621, %swap3A_622] {strides = array<i32>} : memref<2x80x64xf32, #tpu.memory_space<vmem>>, vector<16xf32>,
        tpu.vector_store %arg13[%swap3A_620, %swap3A_621, %swap3A_622], %mul3A_619 {strides = array<i32>} : memref<2x80x64xf32, #tpu.memory_space<vmem>>, vector<16xf32>,
        %get3A_624 = arith.index_cast %rem3A_71 : i32 to index
        %get3A_625 = arith.index_cast %add3A_605 : i32 to index
        %get3A_626 = arith.constant 32 : index
        %get3A_627 = tpu.vector_load %arg13[%get3A_624, %get3A_625, %get3A_626] {strides = array<i32>} : memref<2x80x64xf32, #tpu.memory_space<vmem>>, vector<16xf32>,
        %mul3A_628 = arith.mulf %get3A_627, %gather3A_601 : vector<16xf32>
        %swap3A_629 = arith.index_cast %rem3A_71 : i32 to index
        %swap3A_630 = arith.index_cast %add3A_605 : i32 to index
        %swap3A_631 = arith.constant 32 : index
        %swap3A_632 = tpu.vector_load %arg13[%swap3A_629, %swap3A_630, %swap3A_631] {strides = array<i32>} : memref<2x80x64xf32, #tpu.memory_space<vmem>>, vector<16xf32>,
        tpu.vector_store %arg13[%swap3A_629, %swap3A_630, %swap3A_631], %mul3A_628 {strides = array<i32>} : memref<2x80x64xf32, #tpu.memory_space<vmem>>, vector<16xf32>,
        %get3A_633 = arith.index_cast %rem3A_71 : i32 to index
        %get3A_634 = arith.index_cast %add3A_605 : i32 to index
        %get3A_635 = arith.constant 48 : index
        %get3A_636 = tpu.vector_load %arg13[%get3A_633, %get3A_634, %get3A_635] {strides = array<i32>} : memref<2x80x64xf32, #tpu.memory_space<vmem>>, vector<16xf32>,
        %mul3A_637 = arith.mulf %get3A_636, %gather3A_601 : vector<16xf32>
        %swap3A_638 = arith.index_cast %rem3A_71 : i32 to index
        %swap3A_639 = arith.index_cast %add3A_605 : i32 to index
        %swap3A_640 = arith.constant 48 : index
        %swap3A_641 = tpu.vector_load %arg13[%swap3A_638, %swap3A_639, %swap3A_640] {strides = array<i32>} : memref<2x80x64xf32, #tpu.memory_space<vmem>>, vector<16xf32>,
        tpu.vector_store %arg13[%swap3A_638, %swap3A_639, %swap3A_640], %mul3A_637 {strides = array<i32>} : memref<2x80x64xf32, #tpu.memory_space<vmem>>, vector<16xf32>,
        %broadcast_in_dim3A_642 = arith.constant 11 : i32
        %broadcast_in_dim3A_643 = vector.broadcast %broadcast_in_dim3A_642 : i32 to vector<16xi32>
        %broadcast_in_dim3A_644 = vector.shape_cast %broadcast_in_dim3A_643 : vector<16xi32> to vector<16x1xi32>
        %gather3A_645 = vector.shape_cast %broadcast_in_dim3A_644 : vector<16x1xi32> to vector<16xi32>
        %gather3A_646 = tpu.dynamic_gather %get3A_147[%gather3A_645] in [0] : vector<16xf32>, vector<16xi32> -> vector<16xf32>
        %mul3A_647 = arith.constant 16 : i32
        %mul3A_648 = arith.muli %scan3A_124, %mul3A_647 : i32
        %add3A_649 = arith.constant 11 : i32
        %add3A_650 = arith.addi %mul3A_648, %add3A_649 : i32
        %get3A_651 = arith.index_cast %rem3A_71 : i32 to index
        %get3A_652 = arith.index_cast %add3A_650 : i32 to index
        %get3A_653 = arith.constant 0 : index
        %get3A_654 = tpu.vector_load %arg13[%get3A_651, %get3A_652, %get3A_653] {strides = array<i32>} : memref<2x80x64xf32, #tpu.memory_space<vmem>>, vector<16xf32>,
        %mul3A_655 = arith.mulf %get3A_654, %gather3A_646 : vector<16xf32>
        %swap3A_656 = arith.index_cast %rem3A_71 : i32 to index
        %swap3A_657 = arith.index_cast %add3A_650 : i32 to index
        %swap3A_658 = arith.constant 0 : index
        %swap3A_659 = tpu.vector_load %arg13[%swap3A_656, %swap3A_657, %swap3A_658] {strides = array<i32>} : memref<2x80x64xf32, #tpu.memory_space<vmem>>, vector<16xf32>,
        tpu.vector_store %arg13[%swap3A_656, %swap3A_657, %swap3A_658], %mul3A_655 {strides = array<i32>} : memref<2x80x64xf32, #tpu.memory_space<vmem>>, vector<16xf32>,
        %get3A_660 = arith.index_cast %rem3A_71 : i32 to index
        %get3A_661 = arith.index_cast %add3A_650 : i32 to index
        %get3A_662 = arith.constant 16 : index
        %get3A_663 = tpu.vector_load %arg13[%get3A_660, %get3A_661, %get3A_662] {strides = array<i32>} : memref<2x80x64xf32, #tpu.memory_space<vmem>>, vector<16xf32>,
        %mul3A_664 = arith.mulf %get3A_663, %gather3A_646 : vector<16xf32>
        %swap3A_665 = arith.index_cast %rem3A_71 : i32 to index
        %swap3A_666 = arith.index_cast %add3A_650 : i32 to index
        %swap3A_667 = arith.constant 16 : index
        %swap3A_668 = tpu.vector_load %arg13[%swap3A_665, %swap3A_666, %swap3A_667] {strides = array<i32>} : memref<2x80x64xf32, #tpu.memory_space<vmem>>, vector<16xf32>,
        tpu.vector_store %arg13[%swap3A_665, %swap3A_666, %swap3A_667], %mul3A_664 {strides = array<i32>} : memref<2x80x64xf32, #tpu.memory_space<vmem>>, vector<16xf32>,
        %get3A_669 = arith.index_cast %rem3A_71 : i32 to index
        %get3A_670 = arith.index_cast %add3A_650 : i32 to index
        %get3A_671 = arith.constant 32 : index
        %get3A_672 = tpu.vector_load %arg13[%get3A_669, %get3A_670, %get3A_671] {strides = array<i32>} : memref<2x80x64xf32, #tpu.memory_space<vmem>>, vector<16xf32>,
        %mul3A_673 = arith.mulf %get3A_672, %gather3A_646 : vector<16xf32>
        %swap3A_674 = arith.index_cast %rem3A_71 : i32 to index
        %swap3A_675 = arith.index_cast %add3A_650 : i32 to index
        %swap3A_676 = arith.constant 32 : index
        %swap3A_677 = tpu.vector_load %arg13[%swap3A_674, %swap3A_675, %swap3A_676] {strides = array<i32>} : memref<2x80x64xf32, #tpu.memory_space<vmem>>, vector<16xf32>,
        tpu.vector_store %arg13[%swap3A_674, %swap3A_675, %swap3A_676], %mul3A_673 {strides = array<i32>} : memref<2x80x64xf32, #tpu.memory_space<vmem>>, vector<16xf32>,
        %get3A_678 = arith.index_cast %rem3A_71 : i32 to index
        %get3A_679 = arith.index_cast %add3A_650 : i32 to index
        %get3A_680 = arith.constant 48 : index
        %get3A_681 = tpu.vector_load %arg13[%get3A_678, %get3A_679, %get3A_680] {strides = array<i32>} : memref<2x80x64xf32, #tpu.memory_space<vmem>>, vector<16xf32>,
        %mul3A_682 = arith.mulf %get3A_681, %gather3A_646 : vector<16xf32>
        %swap3A_683 = arith.index_cast %rem3A_71 : i32 to index
        %swap3A_684 = arith.index_cast %add3A_650 : i32 to index
        %swap3A_685 = arith.constant 48 : index
        %swap3A_686 = tpu.vector_load %arg13[%swap3A_683, %swap3A_684, %swap3A_685] {strides = array<i32>} : memref<2x80x64xf32, #tpu.memory_space<vmem>>, vector<16xf32>,
        tpu.vector_store %arg13[%swap3A_683, %swap3A_684, %swap3A_685], %mul3A_682 {strides = array<i32>} : memref<2x80x64xf32, #tpu.memory_space<vmem>>, vector<16xf32>,
        %broadcast_in_dim3A_687 = arith.constant 12 : i32
        %broadcast_in_dim3A_688 = vector.broadcast %broadcast_in_dim3A_687 : i32 to vector<16xi32>
        %broadcast_in_dim3A_689 = vector.shape_cast %broadcast_in_dim3A_688 : vector<16xi32> to vector<16x1xi32>
        %gather3A_690 = vector.shape_cast %broadcast_in_dim3A_689 : vector<16x1xi32> to vector<16xi32>
        %gather3A_691 = tpu.dynamic_gather %get3A_147[%gather3A_690] in [0] : vector<16xf32>, vector<16xi32> -> vector<16xf32>
        %mul3A_692 = arith.constant 16 : i32
        %mul3A_693 = arith.muli %scan3A_124, %mul3A_692 : i32
        %add3A_694 = arith.constant 12 : i32
        %add3A_695 = arith.addi %mul3A_693, %add3A_694 : i32
        %get3A_696 = arith.index_cast %rem3A_71 : i32 to index
        %get3A_697 = arith.index_cast %add3A_695 : i32 to index
        %get3A_698 = arith.constant 0 : index
        %get3A_699 = tpu.vector_load %arg13[%get3A_696, %get3A_697, %get3A_698] {strides = array<i32>} : memref<2x80x64xf32, #tpu.memory_space<vmem>>, vector<16xf32>,
        %mul3A_700 = arith.mulf %get3A_699, %gather3A_691 : vector<16xf32>
        %swap3A_701 = arith.index_cast %rem3A_71 : i32 to index
        %swap3A_702 = arith.index_cast %add3A_695 : i32 to index
        %swap3A_703 = arith.constant 0 : index
        %swap3A_704 = tpu.vector_load %arg13[%swap3A_701, %swap3A_702, %swap3A_703] {strides = array<i32>} : memref<2x80x64xf32, #tpu.memory_space<vmem>>, vector<16xf32>,
        tpu.vector_store %arg13[%swap3A_701, %swap3A_702, %swap3A_703], %mul3A_700 {strides = array<i32>} : memref<2x80x64xf32, #tpu.memory_space<vmem>>, vector<16xf32>,
        %get3A_705 = arith.index_cast %rem3A_71 : i32 to index
        %get3A_706 = arith.index_cast %add3A_695 : i32 to index
        %get3A_707 = arith.constant 16 : index
        %get3A_708 = tpu.vector_load %arg13[%get3A_705, %get3A_706, %get3A_707] {strides = array<i32>} : memref<2x80x64xf32, #tpu.memory_space<vmem>>, vector<16xf32>,
        %mul3A_709 = arith.mulf %get3A_708, %gather3A_691 : vector<16xf32>
        %swap3A_710 = arith.index_cast %rem3A_71 : i32 to index
        %swap3A_711 = arith.index_cast %add3A_695 : i32 to index
        %swap3A_712 = arith.constant 16 : index
        %swap3A_713 = tpu.vector_load %arg13[%swap3A_710, %swap3A_711, %swap3A_712] {strides = array<i32>} : memref<2x80x64xf32, #tpu.memory_space<vmem>>, vector<16xf32>,
        tpu.vector_store %arg13[%swap3A_710, %swap3A_711, %swap3A_712], %mul3A_709 {strides = array<i32>} : memref<2x80x64xf32, #tpu.memory_space<vmem>>, vector<16xf32>,
        %get3A_714 = arith.index_cast %rem3A_71 : i32 to index
        %get3A_715 = arith.index_cast %add3A_695 : i32 to index
        %get3A_716 = arith.constant 32 : index
        %get3A_717 = tpu.vector_load %arg13[%get3A_714, %get3A_715, %get3A_716] {strides = array<i32>} : memref<2x80x64xf32, #tpu.memory_space<vmem>>, vector<16xf32>,
        %mul3A_718 = arith.mulf %get3A_717, %gather3A_691 : vector<16xf32>
        %swap3A_719 = arith.index_cast %rem3A_71 : i32 to index
        %swap3A_720 = arith.index_cast %add3A_695 : i32 to index
        %swap3A_721 = arith.constant 32 : index
        %swap3A_722 = tpu.vector_load %arg13[%swap3A_719, %swap3A_720, %swap3A_721] {strides = array<i32>} : memref<2x80x64xf32, #tpu.memory_space<vmem>>, vector<16xf32>,
        tpu.vector_store %arg13[%swap3A_719, %swap3A_720, %swap3A_721], %mul3A_718 {strides = array<i32>} : memref<2x80x64xf32, #tpu.memory_space<vmem>>, vector<16xf32>,
        %get3A_723 = arith.index_cast %rem3A_71 : i32 to index
        %get3A_724 = arith.index_cast %add3A_695 : i32 to index
        %get3A_725 = arith.constant 48 : index
        %get3A_726 = tpu.vector_load %arg13[%get3A_723, %get3A_724, %get3A_725] {strides = array<i32>} : memref<2x80x64xf32, #tpu.memory_space<vmem>>, vector<16xf32>,
        %mul3A_727 = arith.mulf %get3A_726, %gather3A_691 : vector<16xf32>
        %swap3A_728 = arith.index_cast %rem3A_71 : i32 to index
        %swap3A_729 = arith.index_cast %add3A_695 : i32 to index
        %swap3A_730 = arith.constant 48 : index
        %swap3A_731 = tpu.vector_load %arg13[%swap3A_728, %swap3A_729, %swap3A_730] {strides = array<i32>} : memref<2x80x64xf32, #tpu.memory_space<vmem>>, vector<16xf32>,
        tpu.vector_store %arg13[%swap3A_728, %swap3A_729, %swap3A_730], %mul3A_727 {strides = array<i32>} : memref<2x80x64xf32, #tpu.memory_space<vmem>>, vector<16xf32>,
        %broadcast_in_dim3A_732 = arith.constant 13 : i32
        %broadcast_in_dim3A_733 = vector.broadcast %broadcast_in_dim3A_732 : i32 to vector<16xi32>
        %broadcast_in_dim3A_734 = vector.shape_cast %broadcast_in_dim3A_733 : vector<16xi32> to vector<16x1xi32>
        %gather3A_735 = vector.shape_cast %broadcast_in_dim3A_734 : vector<16x1xi32> to vector<16xi32>
        %gather3A_736 = tpu.dynamic_gather %get3A_147[%gather3A_735] in [0] : vector<16xf32>, vector<16xi32> -> vector<16xf32>
        %mul3A_737 = arith.constant 16 : i32
        %mul3A_738 = arith.muli %scan3A_124, %mul3A_737 : i32
        %add3A_739 = arith.constant 13 : i32
        %add3A_740 = arith.addi %mul3A_738, %add3A_739 : i32
        %get3A_741 = arith.index_cast %rem3A_71 : i32 to index
        %get3A_742 = arith.index_cast %add3A_740 : i32 to index
        %get3A_743 = arith.constant 0 : index
        %get3A_744 = tpu.vector_load %arg13[%get3A_741, %get3A_742, %get3A_743] {strides = array<i32>} : memref<2x80x64xf32, #tpu.memory_space<vmem>>, vector<16xf32>,
        %mul3A_745 = arith.mulf %get3A_744, %gather3A_736 : vector<16xf32>
        %swap3A_746 = arith.index_cast %rem3A_71 : i32 to index
        %swap3A_747 = arith.index_cast %add3A_740 : i32 to index
        %swap3A_748 = arith.constant 0 : index
        %swap3A_749 = tpu.vector_load %arg13[%swap3A_746, %swap3A_747, %swap3A_748] {strides = array<i32>} : memref<2x80x64xf32, #tpu.memory_space<vmem>>, vector<16xf32>,
        tpu.vector_store %arg13[%swap3A_746, %swap3A_747, %swap3A_748], %mul3A_745 {strides = array<i32>} : memref<2x80x64xf32, #tpu.memory_space<vmem>>, vector<16xf32>,
        %get3A_750 = arith.index_cast %rem3A_71 : i32 to index
        %get3A_751 = arith.index_cast %add3A_740 : i32 to index
        %get3A_752 = arith.constant 16 : index
        %get3A_753 = tpu.vector_load %arg13[%get3A_750, %get3A_751, %get3A_752] {strides = array<i32>} : memref<2x80x64xf32, #tpu.memory_space<vmem>>, vector<16xf32>,
        %mul3A_754 = arith.mulf %get3A_753, %gather3A_736 : vector<16xf32>
        %swap3A_755 = arith.index_cast %rem3A_71 : i32 to index
        %swap3A_756 = arith.index_cast %add3A_740 : i32 to index
        %swap3A_757 = arith.constant 16 : index
        %swap3A_758 = tpu.vector_load %arg13[%swap3A_755, %swap3A_756, %swap3A_757] {strides = array<i32>} : memref<2x80x64xf32, #tpu.memory_space<vmem>>, vector<16xf32>,
        tpu.vector_store %arg13[%swap3A_755, %swap3A_756, %swap3A_757], %mul3A_754 {strides = array<i32>} : memref<2x80x64xf32, #tpu.memory_space<vmem>>, vector<16xf32>,
        %get3A_759 = arith.index_cast %rem3A_71 : i32 to index
        %get3A_760 = arith.index_cast %add3A_740 : i32 to index
        %get3A_761 = arith.constant 32 : index
        %get3A_762 = tpu.vector_load %arg13[%get3A_759, %get3A_760, %get3A_761] {strides = array<i32>} : memref<2x80x64xf32, #tpu.memory_space<vmem>>, vector<16xf32>,
        %mul3A_763 = arith.mulf %get3A_762, %gather3A_736 : vector<16xf32>
        %swap3A_764 = arith.index_cast %rem3A_71 : i32 to index
        %swap3A_765 = arith.index_cast %add3A_740 : i32 to index
        %swap3A_766 = arith.constant 32 : index
        %swap3A_767 = tpu.vector_load %arg13[%swap3A_764, %swap3A_765, %swap3A_766] {strides = array<i32>} : memref<2x80x64xf32, #tpu.memory_space<vmem>>, vector<16xf32>,
        tpu.vector_store %arg13[%swap3A_764, %swap3A_765, %swap3A_766], %mul3A_763 {strides = array<i32>} : memref<2x80x64xf32, #tpu.memory_space<vmem>>, vector<16xf32>,
        %get3A_768 = arith.index_cast %rem3A_71 : i32 to index
        %get3A_769 = arith.index_cast %add3A_740 : i32 to index
        %get3A_770 = arith.constant 48 : index
        %get3A_771 = tpu.vector_load %arg13[%get3A_768, %get3A_769, %get3A_770] {strides = array<i32>} : memref<2x80x64xf32, #tpu.memory_space<vmem>>, vector<16xf32>,
        %mul3A_772 = arith.mulf %get3A_771, %gather3A_736 : vector<16xf32>
        %swap3A_773 = arith.index_cast %rem3A_71 : i32 to index
        %swap3A_774 = arith.index_cast %add3A_740 : i32 to index
        %swap3A_775 = arith.constant 48 : index
        %swap3A_776 = tpu.vector_load %arg13[%swap3A_773, %swap3A_774, %swap3A_775] {strides = array<i32>} : memref<2x80x64xf32, #tpu.memory_space<vmem>>, vector<16xf32>,
        tpu.vector_store %arg13[%swap3A_773, %swap3A_774, %swap3A_775], %mul3A_772 {strides = array<i32>} : memref<2x80x64xf32, #tpu.memory_space<vmem>>, vector<16xf32>,
        %broadcast_in_dim3A_777 = arith.constant 14 : i32
        %broadcast_in_dim3A_778 = vector.broadcast %broadcast_in_dim3A_777 : i32 to vector<16xi32>
        %broadcast_in_dim3A_779 = vector.shape_cast %broadcast_in_dim3A_778 : vector<16xi32> to vector<16x1xi32>
        %gather3A_780 = vector.shape_cast %broadcast_in_dim3A_779 : vector<16x1xi32> to vector<16xi32>
        %gather3A_781 = tpu.dynamic_gather %get3A_147[%gather3A_780] in [0] : vector<16xf32>, vector<16xi32> -> vector<16xf32>
        %mul3A_782 = arith.constant 16 : i32
        %mul3A_783 = arith.muli %scan3A_124, %mul3A_782 : i32
        %add3A_784 = arith.constant 14 : i32
        %add3A_785 = arith.addi %mul3A_783, %add3A_784 : i32
        %get3A_786 = arith.index_cast %rem3A_71 : i32 to index
        %get3A_787 = arith.index_cast %add3A_785 : i32 to index
        %get3A_788 = arith.constant 0 : index
        %get3A_789 = tpu.vector_load %arg13[%get3A_786, %get3A_787, %get3A_788] {strides = array<i32>} : memref<2x80x64xf32, #tpu.memory_space<vmem>>, vector<16xf32>,
        %mul3A_790 = arith.mulf %get3A_789, %gather3A_781 : vector<16xf32>
        %swap3A_791 = arith.index_cast %rem3A_71 : i32 to index
        %swap3A_792 = arith.index_cast %add3A_785 : i32 to index
        %swap3A_793 = arith.constant 0 : index
        %swap3A_794 = tpu.vector_load %arg13[%swap3A_791, %swap3A_792, %swap3A_793] {strides = array<i32>} : memref<2x80x64xf32, #tpu.memory_space<vmem>>, vector<16xf32>,
        tpu.vector_store %arg13[%swap3A_791, %swap3A_792, %swap3A_793], %mul3A_790 {strides = array<i32>} : memref<2x80x64xf32, #tpu.memory_space<vmem>>, vector<16xf32>,
        %get3A_795 = arith.index_cast %rem3A_71 : i32 to index
        %get3A_796 = arith.index_cast %add3A_785 : i32 to index
        %get3A_797 = arith.constant 16 : index
        %get3A_798 = tpu.vector_load %arg13[%get3A_795, %get3A_796, %get3A_797] {strides = array<i32>} : memref<2x80x64xf32, #tpu.memory_space<vmem>>, vector<16xf32>,
        %mul3A_799 = arith.mulf %get3A_798, %gather3A_781 : vector<16xf32>
        %swap3A_800 = arith.index_cast %rem3A_71 : i32 to index
        %swap3A_801 = arith.index_cast %add3A_785 : i32 to index
        %swap3A_802 = arith.constant 16 : index
        %swap3A_803 = tpu.vector_load %arg13[%swap3A_800, %swap3A_801, %swap3A_802] {strides = array<i32>} : memref<2x80x64xf32, #tpu.memory_space<vmem>>, vector<16xf32>,
        tpu.vector_store %arg13[%swap3A_800, %swap3A_801, %swap3A_802], %mul3A_799 {strides = array<i32>} : memref<2x80x64xf32, #tpu.memory_space<vmem>>, vector<16xf32>,
        %get3A_804 = arith.index_cast %rem3A_71 : i32 to index
        %get3A_805 = arith.index_cast %add3A_785 : i32 to index
        %get3A_806 = arith.constant 32 : index
        %get3A_807 = tpu.vector_load %arg13[%get3A_804, %get3A_805, %get3A_806] {strides = array<i32>} : memref<2x80x64xf32, #tpu.memory_space<vmem>>, vector<16xf32>,
        %mul3A_808 = arith.mulf %get3A_807, %gather3A_781 : vector<16xf32>
        %swap3A_809 = arith.index_cast %rem3A_71 : i32 to index
        %swap3A_810 = arith.index_cast %add3A_785 : i32 to index
        %swap3A_811 = arith.constant 32 : index
        %swap3A_812 = tpu.vector_load %arg13[%swap3A_809, %swap3A_810, %swap3A_811] {strides = array<i32>} : memref<2x80x64xf32, #tpu.memory_space<vmem>>, vector<16xf32>,
        tpu.vector_store %arg13[%swap3A_809, %swap3A_810, %swap3A_811], %mul3A_808 {strides = array<i32>} : memref<2x80x64xf32, #tpu.memory_space<vmem>>, vector<16xf32>,
        %get3A_813 = arith.index_cast %rem3A_71 : i32 to index
        %get3A_814 = arith.index_cast %add3A_785 : i32 to index
        %get3A_815 = arith.constant 48 : index
        %get3A_816 = tpu.vector_load %arg13[%get3A_813, %get3A_814, %get3A_815] {strides = array<i32>} : memref<2x80x64xf32, #tpu.memory_space<vmem>>, vector<16xf32>,
        %mul3A_817 = arith.mulf %get3A_816, %gather3A_781 : vector<16xf32>
        %swap3A_818 = arith.index_cast %rem3A_71 : i32 to index
        %swap3A_819 = arith.index_cast %add3A_785 : i32 to index
        %swap3A_820 = arith.constant 48 : index
        %swap3A_821 = tpu.vector_load %arg13[%swap3A_818, %swap3A_819, %swap3A_820] {strides = array<i32>} : memref<2x80x64xf32, #tpu.memory_space<vmem>>, vector<16xf32>,
        tpu.vector_store %arg13[%swap3A_818, %swap3A_819, %swap3A_820], %mul3A_817 {strides = array<i32>} : memref<2x80x64xf32, #tpu.memory_space<vmem>>, vector<16xf32>,
        %broadcast_in_dim3A_822 = arith.constant 15 : i32
        %broadcast_in_dim3A_823 = vector.broadcast %broadcast_in_dim3A_822 : i32 to vector<16xi32>
        %broadcast_in_dim3A_824 = vector.shape_cast %broadcast_in_dim3A_823 : vector<16xi32> to vector<16x1xi32>
        %gather3A_825 = vector.shape_cast %broadcast_in_dim3A_824 : vector<16x1xi32> to vector<16xi32>
        %gather3A_826 = tpu.dynamic_gather %get3A_147[%gather3A_825] in [0] : vector<16xf32>, vector<16xi32> -> vector<16xf32>
        %mul3A_827 = arith.constant 16 : i32
        %mul3A_828 = arith.muli %scan3A_124, %mul3A_827 : i32
        %add3A_829 = arith.constant 15 : i32
        %add3A_830 = arith.addi %mul3A_828, %add3A_829 : i32
        %get3A_831 = arith.index_cast %rem3A_71 : i32 to index
        %get3A_832 = arith.index_cast %add3A_830 : i32 to index
        %get3A_833 = arith.constant 0 : index
        %get3A_834 = tpu.vector_load %arg13[%get3A_831, %get3A_832, %get3A_833] {strides = array<i32>} : memref<2x80x64xf32, #tpu.memory_space<vmem>>, vector<16xf32>,
        %mul3A_835 = arith.mulf %get3A_834, %gather3A_826 : vector<16xf32>
        %swap3A_836 = arith.index_cast %rem3A_71 : i32 to index
        %swap3A_837 = arith.index_cast %add3A_830 : i32 to index
        %swap3A_838 = arith.constant 0 : index
        %swap3A_839 = tpu.vector_load %arg13[%swap3A_836, %swap3A_837, %swap3A_838] {strides = array<i32>} : memref<2x80x64xf32, #tpu.memory_space<vmem>>, vector<16xf32>,
        tpu.vector_store %arg13[%swap3A_836, %swap3A_837, %swap3A_838], %mul3A_835 {strides = array<i32>} : memref<2x80x64xf32, #tpu.memory_space<vmem>>, vector<16xf32>,
        %get3A_840 = arith.index_cast %rem3A_71 : i32 to index
        %get3A_841 = arith.index_cast %add3A_830 : i32 to index
        %get3A_842 = arith.constant 16 : index
        %get3A_843 = tpu.vector_load %arg13[%get3A_840, %get3A_841, %get3A_842] {strides = array<i32>} : memref<2x80x64xf32, #tpu.memory_space<vmem>>, vector<16xf32>,
        %mul3A_844 = arith.mulf %get3A_843, %gather3A_826 : vector<16xf32>
        %swap3A_845 = arith.index_cast %rem3A_71 : i32 to index
        %swap3A_846 = arith.index_cast %add3A_830 : i32 to index
        %swap3A_847 = arith.constant 16 : index
        %swap3A_848 = tpu.vector_load %arg13[%swap3A_845, %swap3A_846, %swap3A_847] {strides = array<i32>} : memref<2x80x64xf32, #tpu.memory_space<vmem>>, vector<16xf32>,
        tpu.vector_store %arg13[%swap3A_845, %swap3A_846, %swap3A_847], %mul3A_844 {strides = array<i32>} : memref<2x80x64xf32, #tpu.memory_space<vmem>>, vector<16xf32>,
        %get3A_849 = arith.index_cast %rem3A_71 : i32 to index
        %get3A_850 = arith.index_cast %add3A_830 : i32 to index
        %get3A_851 = arith.constant 32 : index
        %get3A_852 = tpu.vector_load %arg13[%get3A_849, %get3A_850, %get3A_851] {strides = array<i32>} : memref<2x80x64xf32, #tpu.memory_space<vmem>>, vector<16xf32>,
        %mul3A_853 = arith.mulf %get3A_852, %gather3A_826 : vector<16xf32>
        %swap3A_854 = arith.index_cast %rem3A_71 : i32 to index
        %swap3A_855 = arith.index_cast %add3A_830 : i32 to index
        %swap3A_856 = arith.constant 32 : index
        %swap3A_857 = tpu.vector_load %arg13[%swap3A_854, %swap3A_855, %swap3A_856] {strides = array<i32>} : memref<2x80x64xf32, #tpu.memory_space<vmem>>, vector<16xf32>,
        tpu.vector_store %arg13[%swap3A_854, %swap3A_855, %swap3A_856], %mul3A_853 {strides = array<i32>} : memref<2x80x64xf32, #tpu.memory_space<vmem>>, vector<16xf32>,
        %get3A_858 = arith.index_cast %rem3A_71 : i32 to index
        %get3A_859 = arith.index_cast %add3A_830 : i32 to index
        %get3A_860 = arith.constant 48 : index
        %get3A_861 = tpu.vector_load %arg13[%get3A_858, %get3A_859, %get3A_860] {strides = array<i32>} : memref<2x80x64xf32, #tpu.memory_space<vmem>>, vector<16xf32>,
        %mul3A_862 = arith.mulf %get3A_861, %gather3A_826 : vector<16xf32>
        %swap3A_863 = arith.index_cast %rem3A_71 : i32 to index
        %swap3A_864 = arith.index_cast %add3A_830 : i32 to index
        %swap3A_865 = arith.constant 48 : index
        %swap3A_866 = tpu.vector_load %arg13[%swap3A_863, %swap3A_864, %swap3A_865] {strides = array<i32>} : memref<2x80x64xf32, #tpu.memory_space<vmem>>, vector<16xf32>,
        tpu.vector_store %arg13[%swap3A_863, %swap3A_864, %swap3A_865], %mul3A_862 {strides = array<i32>} : memref<2x80x64xf32, #tpu.memory_space<vmem>>, vector<16xf32>,
        %scan3A_867 = arith.constant 0 : i32
        scf.yield %scan3A_867 : i32
      }
      %scan3A_108 = arith.constant 5 : i32
      %and3A_109 = arith.andi %eq3A_87, %lt3A_90 : i1
      %convert_element_type3A_110 = arith.extui %and3A_109 : i1 to i32
      %cond3A_111 = arith.constant 0 : i32
      %cond3A_112 = arith.cmpi ne, %convert_element_type3A_110, %cond3A_111 : i32
      scf.if %cond3A_112 {
        %add3A_124 = arith.constant 1 : i32
        %add3A_125 = arith.addi %scan3A_68, %add3A_124 : i32
        %jit3A_126 = arith.constant 25 : i32
        %div3A_127 = arith.divsi %add3A_125, %jit3A_126 : i32
        %sign3A_128 = arith.constant 0 : i32
        %sign3A_129 = arith.cmpi sgt, %add3A_125, %sign3A_128 : i32
        %sign3A_130 = arith.extui %sign3A_129 : i1 to i32
        %sign3A_131 = arith.constant 0 : i32
        %sign3A_132 = arith.cmpi slt, %add3A_125, %sign3A_131 : i32
        %sign3A_133 = arith.extui %sign3A_132 : i1 to i32
        %sign3A_134 = arith.subi %sign3A_130, %sign3A_133 : i32
        %sign3A_135 = arith.constant 0 : i32
        %sign3A_136 = arith.cmpi sgt, %jit3A_126, %sign3A_135 : i32
        %sign3A_137 = arith.extui %sign3A_136 : i1 to i32
        %sign3A_138 = arith.constant 0 : i32
        %sign3A_139 = arith.cmpi slt, %jit3A_126, %sign3A_138 : i32
        %sign3A_140 = arith.extui %sign3A_139 : i1 to i32
        %sign3A_141 = arith.subi %sign3A_137, %sign3A_140 : i32
        %ne3A_142 = arith.cmpi ne, %sign3A_134, %sign3A_141 : i32
        %rem3A_143 = arith.remsi %add3A_125, %jit3A_126 : i32
        %ne3A_144 = arith.constant 0 : i32
        %ne3A_145 = arith.cmpi ne, %rem3A_143, %ne3A_144 : i32
        %and3A_146 = arith.andi %ne3A_142, %ne3A_145 : i1
        %sub3A_147 = arith.constant 1 : i32
        %sub3A_148 = arith.subi %div3A_127, %sub3A_147 : i32
        %select_n3A_149 = arith.select %and3A_146, %sub3A_148, %div3A_127 : i32
        %mul3A_150 = arith.constant 2000 : i32
        %mul3A_151 = arith.muli %select_n3A_149, %mul3A_150 : i32
        %add3A_152 = arith.addi %mul3A_2, %mul3A_151 : i32
        "tpu.region"() ({
          %run_scoped3A = tpu.sem_alloc : memref<!tpu.dma_semaphore, #tpu.memory_space<semaphore_mem>>
          %dma_start3A_167 = tpu.memref_slice %arg3[%add3A_152] : memref<800000xi32, #tpu.memory_space<hbm>> -> memref<2000xi32, #tpu.memory_space<hbm>>
          %dma_start3A_168 = tpu.memref_slice %arg3[%add3A_152] : memref<800000xi32, #tpu.memory_space<hbm>> -> memref<2000xi32, #tpu.memory_space<hbm>>
          tpu.enqueue_dma source(%dma_start3A_168 : memref<2000xi32, #tpu.memory_space<hbm>>) target(%arg9 : memref<2000xi32, #tpu.memory_space<vmem>>) target_semaphore(%run_scoped3A : memref<!tpu.dma_semaphore, #tpu.memory_space<semaphore_mem>>)
          %dma_wait3A_169 = tpu.memref_slice %arg3[%add3A_152] : memref<800000xi32, #tpu.memory_space<hbm>> -> memref<2000xi32, #tpu.memory_space<hbm>>
          %dma_wait3A_170 = tpu.memref_slice %arg3[%add3A_152] : memref<800000xi32, #tpu.memory_space<hbm>> -> memref<2000xi32, #tpu.memory_space<hbm>>
          tpu.wait_dma2 semaphore(%run_scoped3A : memref<!tpu.dma_semaphore, #tpu.memory_space<semaphore_mem>>) src(%dma_wait3A_170 : memref<2000xi32, #tpu.memory_space<hbm>>) dst(%arg9 : memref<2000xi32, #tpu.memory_space<vmem>>)
          tpu.yield
        }) : () -> ()
        "tpu.region"() ({
          %run_scoped3A = tpu.sem_alloc : memref<!tpu.dma_semaphore, #tpu.memory_space<semaphore_mem>>
          %dma_start3A_167 = tpu.memref_slice %arg4[%add3A_152] : memref<800000xi32, #tpu.memory_space<hbm>> -> memref<2000xi32, #tpu.memory_space<hbm>>
          %dma_start3A_168 = tpu.memref_slice %arg4[%add3A_152] : memref<800000xi32, #tpu.memory_space<hbm>> -> memref<2000xi32, #tpu.memory_space<hbm>>
          tpu.enqueue_dma source(%dma_start3A_168 : memref<2000xi32, #tpu.memory_space<hbm>>) target(%arg10 : memref<2000xi32, #tpu.memory_space<vmem>>) target_semaphore(%run_scoped3A : memref<!tpu.dma_semaphore, #tpu.memory_space<semaphore_mem>>)
          %dma_wait3A_169 = tpu.memref_slice %arg4[%add3A_152] : memref<800000xi32, #tpu.memory_space<hbm>> -> memref<2000xi32, #tpu.memory_space<hbm>>
          %dma_wait3A_170 = tpu.memref_slice %arg4[%add3A_152] : memref<800000xi32, #tpu.memory_space<hbm>> -> memref<2000xi32, #tpu.memory_space<hbm>>
          tpu.wait_dma2 semaphore(%run_scoped3A : memref<!tpu.dma_semaphore, #tpu.memory_space<semaphore_mem>>) src(%dma_wait3A_170 : memref<2000xi32, #tpu.memory_space<hbm>>) dst(%arg10 : memref<2000xi32, #tpu.memory_space<vmem>>)
          tpu.yield
        }) : () -> ()
        "tpu.region"() ({
          %run_scoped3A = tpu.sem_alloc : memref<!tpu.dma_semaphore, #tpu.memory_space<semaphore_mem>>
          %dma_start3A_167 = tpu.memref_slice %arg5[%add3A_152] : memref<800000xf32, #tpu.memory_space<hbm>> -> memref<2000xf32, #tpu.memory_space<hbm>>
          %dma_start3A_168 = tpu.memref_slice %arg5[%add3A_152] : memref<800000xf32, #tpu.memory_space<hbm>> -> memref<2000xf32, #tpu.memory_space<hbm>>
          tpu.enqueue_dma source(%dma_start3A_168 : memref<2000xf32, #tpu.memory_space<hbm>>) target(%arg11 : memref<2000xf32, #tpu.memory_space<vmem>>) target_semaphore(%run_scoped3A : memref<!tpu.dma_semaphore, #tpu.memory_space<semaphore_mem>>)
          %dma_wait3A_169 = tpu.memref_slice %arg5[%add3A_152] : memref<800000xf32, #tpu.memory_space<hbm>> -> memref<2000xf32, #tpu.memory_space<hbm>>
          %dma_wait3A_170 = tpu.memref_slice %arg5[%add3A_152] : memref<800000xf32, #tpu.memory_space<hbm>> -> memref<2000xf32, #tpu.memory_space<hbm>>
          tpu.wait_dma2 semaphore(%run_scoped3A : memref<!tpu.dma_semaphore, #tpu.memory_space<semaphore_mem>>) src(%dma_wait3A_170 : memref<2000xf32, #tpu.memory_space<hbm>>) dst(%arg11 : memref<2000xf32, #tpu.memory_space<vmem>>)
          tpu.yield
        }) : () -> ()
        %add3A_153 = arith.constant 1 : i32
        %add3A_154 = arith.addi %scan3A_68, %add3A_153 : i32
        %rem3A_155 = arith.constant 25 : i32
        %rem3A_156 = arith.remsi %add3A_154, %rem3A_155 : i32
        %mul3A_157 = arith.constant 80 : i32
        %mul3A_158 = arith.muli %rem3A_156, %mul3A_157 : i32
        %dma_start3A_159 = arith.constant 0 : i32
        %dma_start3A_160 = arith.constant 0 : i32
        %dma_start3A_161 = tpu.memref_slice %arg13[%sub3A_73, %dma_start3A_159, %dma_start3A_160] : memref<2x80x64xf32, #tpu.memory_space<vmem>> -> memref<1x80x64xf32, #tpu.memory_space<vmem>>
        %dma_start3A_162 = tpu.memref_squeeze %dma_start3A_161 : memref<1x80x64xf32, #tpu.memory_space<vmem>> -> memref<80x64xf32, #tpu.memory_space<vmem>>
        %dma_start3A_163 = tpu.memref_slice %arg9[%mul3A_158] : memref<2000xi32, #tpu.memory_space<vmem>> -> memref<80xi32, #tpu.memory_space<vmem>>
        %dma_start3A_164 = arith.constant 0 : i32
        %dma_start3A_165 = arith.constant 0 : i32
        %dma_start3A_166 = tpu.memref_slice %arg2[%dma_start3A_164, %dma_start3A_165] : memref<50000x64xf32, #tpu.memory_space<hbm>> -> memref<50000x64xf32, #tpu.memory_space<hbm>>
        tpu.enqueue_indirect_dma source(%dma_start3A_166 : memref<50000x64xf32, #tpu.memory_space<hbm>>) target(%dma_start3A_162 : memref<80x64xf32, #tpu.memory_space<vmem>>) offsets(%dma_start3A_163 : memref<80xi32, #tpu.memory_space<vmem>>) semaphore(%arg16 : memref<!tpu.dma_semaphore, #tpu.memory_space<semaphore_mem>>)
      } else {
      }
      %dma_start3A_113 = arith.constant 0 : i32
      %dma_start3A_114 = arith.constant 0 : i32
      %dma_start3A_115 = tpu.memref_slice %arg13[%rem3A_71, %dma_start3A_113, %dma_start3A_114] : memref<2x80x64xf32, #tpu.memory_space<vmem>> -> memref<1x80x64xf32, #tpu.memory_space<vmem>>
      %dma_start3A_116 = tpu.memref_squeeze %dma_start3A_115 : memref<1x80x64xf32, #tpu.memory_space<vmem>> -> memref<80x64xf32, #tpu.memory_space<vmem>>
      %dma_start3A_117 = arith.constant 0 : i32
      %dma_start3A_118 = tpu.memref_slice %arg12[%rem3A_71, %dma_start3A_117] : memref<2x80xi32, #tpu.memory_space<vmem>> -> memref<1x80xi32, #tpu.memory_space<vmem>>
      %dma_start3A_119 = tpu.memref_squeeze %dma_start3A_118 : memref<1x80xi32, #tpu.memory_space<vmem>> -> memref<80xi32, #tpu.memory_space<vmem>>
      %dma_start3A_120 = arith.constant 0 : i32
      %dma_start3A_121 = arith.constant 0 : i32
      %dma_start3A_122 = tpu.memref_slice %arg8[%dma_start3A_120, %dma_start3A_121] : memref<25008x64xf32, #tpu.memory_space<vmem_shared>> -> memref<25008x64xf32, #tpu.memory_space<vmem_shared>>
      tpu.enqueue_indirect_dma source(%dma_start3A_116 : memref<80x64xf32, #tpu.memory_space<vmem>>) target(%dma_start3A_122 : memref<25008x64xf32, #tpu.memory_space<vmem_shared>>) offsets(%dma_start3A_119 : memref<80xi32, #tpu.memory_space<vmem>>) semaphore(%arg17 : memref<!tpu.dma_semaphore, #tpu.memory_space<semaphore_mem>>) {add = true}
      %scan3A_123 = arith.constant 0 : i32
      scf.yield %scan3A_123 : i32
    }
    %scan3A_21 = arith.constant 625 : i32
    %dma_wait3A = arith.constant 0 : i32
    %dma_wait3A_22 = arith.constant 0 : i32
    %dma_wait3A_23 = arith.constant 0 : i32
    %dma_wait3A_24 = arith.constant 0 : i32
    %dma_wait3A_25 = tpu.memref_slice %arg13[%dma_wait3A, %dma_wait3A_23, %dma_wait3A_24] : memref<2x80x64xf32, #tpu.memory_space<vmem>> -> memref<1x80x64xf32, #tpu.memory_space<vmem>>
    %dma_wait3A_26 = tpu.memref_squeeze %dma_wait3A_25 : memref<1x80x64xf32, #tpu.memory_space<vmem>> -> memref<80x64xf32, #tpu.memory_space<vmem>>
    %dma_wait3A_27 = arith.constant 0 : i32
    %dma_wait3A_28 = tpu.memref_slice %arg12[%dma_wait3A_22, %dma_wait3A_27] : memref<2x80xi32, #tpu.memory_space<vmem>> -> memref<1x80xi32, #tpu.memory_space<vmem>>
    %dma_wait3A_29 = tpu.memref_squeeze %dma_wait3A_28 : memref<1x80xi32, #tpu.memory_space<vmem>> -> memref<80xi32, #tpu.memory_space<vmem>>
    %dma_wait3A_30 = arith.constant 0 : i32
    %dma_wait3A_31 = arith.constant 0 : i32
    %dma_wait3A_32 = tpu.memref_slice %arg8[%dma_wait3A_30, %dma_wait3A_31] : memref<25008x64xf32, #tpu.memory_space<vmem_shared>> -> memref<25008x64xf32, #tpu.memory_space<vmem_shared>>
    tpu.wait_indirect_dma semaphore(%arg17 : memref<!tpu.dma_semaphore, #tpu.memory_space<semaphore_mem>>) src(%dma_wait3A_26 : memref<80x64xf32, #tpu.memory_space<vmem>>) dst(%dma_wait3A_32 : memref<25008x64xf32, #tpu.memory_space<vmem_shared>>)
    %barrier3A_33 = arith.constant 0 : index
    tpu.barrier barrier_id(%barrier3A_33)
    %sub3A = arith.constant 500 : i32
    %sub3A_34 = arith.subi %sub3A, %arg1 : i32
    %add3A_35 = arith.constant 16 : i32
    %add3A_36 = arith.addi %sub3A_34, %add3A_35 : i32
    %sub3A_37 = arith.constant 1 : i32
    %sub3A_38 = arith.subi %add3A_36, %sub3A_37 : i32
    %jit3A = arith.constant 16 : i32
    %div3A = arith.divsi %sub3A_38, %jit3A : i32
    %sign3A = arith.constant 0 : i32
    %sign3A_39 = arith.cmpi sgt, %sub3A_38, %sign3A : i32
    %sign3A_40 = arith.extui %sign3A_39 : i1 to i32
    %sign3A_41 = arith.constant 0 : i32
    %sign3A_42 = arith.cmpi slt, %sub3A_38, %sign3A_41 : i32
    %sign3A_43 = arith.extui %sign3A_42 : i1 to i32
    %sign3A_44 = arith.subi %sign3A_40, %sign3A_43 : i32
    %sign3A_45 = arith.constant 0 : i32
    %sign3A_46 = arith.cmpi sgt, %jit3A, %sign3A_45 : i32
    %sign3A_47 = arith.extui %sign3A_46 : i1 to i32
    %sign3A_48 = arith.constant 0 : i32
    %sign3A_49 = arith.cmpi slt, %jit3A, %sign3A_48 : i32
    %sign3A_50 = arith.extui %sign3A_49 : i1 to i32
    %sign3A_51 = arith.subi %sign3A_47, %sign3A_50 : i32
    %ne3A = arith.cmpi ne, %sign3A_44, %sign3A_51 : i32
    %rem3A_52 = arith.remsi %sub3A_38, %jit3A : i32
    %ne3A_53 = arith.constant 0 : i32
    %ne3A_54 = arith.cmpi ne, %rem3A_52, %ne3A_53 : i32
    %and3A = arith.andi %ne3A, %ne3A_54 : i1
    %sub3A_55 = arith.constant 1 : i32
    %sub3A_56 = arith.subi %div3A, %sub3A_55 : i32
    %select_n3A = arith.select %and3A, %sub3A_56, %div3A : i32
    %while3A = arith.constant 0 : i32
    %while3A_57 = arith.constant 0 : i32
    %while3A_58 = arith.subi %select_n3A, %while3A : i32
    %while3A_59 = arith.addi %while3A, %while3A_58 : i32
    %while3A_60 = arith.constant 1 : i32
    %while3A_61 = arith.divsi %while3A_58, %while3A_60 : i32
    %while3A_62 = arith.muli %while3A_61, %while3A_60 : i32
    %while3A_63 = arith.addi %while3A, %while3A_62 : i32
    %while3A_64 = arith.constant 1 : i32
    %while3A_65 = scf.for %while3A_68 = %while3A to %while3A_63 step %while3A_64 iter_args(%while3A_69 = %while3A_57) -> (i32)  : i32 {
      %mul3A_70 = arith.constant 16 : i32
      %mul3A_71 = arith.muli %while3A_68, %mul3A_70 : i32
      %add3A_72 = arith.addi %arg1, %mul3A_71 : i32
      %mul3A_73 = arith.constant 50 : i32
      %mul3A_74 = arith.muli %add3A_72, %mul3A_73 : i32
      %mul3A_75 = arith.constant 25000 : i32
      %mul3A_76 = arith.muli %arg0, %mul3A_75 : i32
      %add3A_77 = arith.addi %mul3A_76, %mul3A_74 : i32
      "tpu.region"() ({
        %run_scoped3A = tpu.sem_alloc : memref<!tpu.dma_semaphore, #tpu.memory_space<semaphore_mem>>
        %dma_start3A_86 = arith.constant 0 : i32
        %dma_start3A_87 = tpu.memref_slice %arg2[%add3A_77, %dma_start3A_86] : memref<50000x64xf32, #tpu.memory_space<hbm>> -> memref<50x64xf32, #tpu.memory_space<hbm>>
        %dma_start3A_88 = arith.constant 0 : i32
        %dma_start3A_89 = tpu.memref_slice %arg2[%add3A_77, %dma_start3A_88] : memref<50000x64xf32, #tpu.memory_space<hbm>> -> memref<50x64xf32, #tpu.memory_space<hbm>>
        tpu.enqueue_dma source(%dma_start3A_89 : memref<50x64xf32, #tpu.memory_space<hbm>>) target(%arg14 : memref<50x64xf32, #tpu.memory_space<vmem>>) target_semaphore(%run_scoped3A : memref<!tpu.dma_semaphore, #tpu.memory_space<semaphore_mem>>)
        %dma_wait3A_90 = arith.constant 0 : i32
        %dma_wait3A_91 = tpu.memref_slice %arg2[%add3A_77, %dma_wait3A_90] : memref<50000x64xf32, #tpu.memory_space<hbm>> -> memref<50x64xf32, #tpu.memory_space<hbm>>
        %dma_wait3A_92 = arith.constant 0 : i32
        %dma_wait3A_93 = tpu.memref_slice %arg2[%add3A_77, %dma_wait3A_92] : memref<50000x64xf32, #tpu.memory_space<hbm>> -> memref<50x64xf32, #tpu.memory_space<hbm>>
        tpu.wait_dma2 semaphore(%run_scoped3A : memref<!tpu.dma_semaphore, #tpu.memory_space<semaphore_mem>>) src(%dma_wait3A_93 : memref<50x64xf32, #tpu.memory_space<hbm>>) dst(%arg14 : memref<50x64xf32, #tpu.memory_space<vmem>>)
        tpu.yield
      }) : () -> ()
      "tpu.region"() ({
        %run_scoped3A = tpu.sem_alloc : memref<!tpu.dma_semaphore, #tpu.memory_space<semaphore_mem>>
        %dma_start3A_86 = arith.constant 0 : i32
        %dma_start3A_87 = tpu.memref_slice %arg8[%mul3A_74, %dma_start3A_86] : memref<25008x64xf32, #tpu.memory_space<vmem_shared>> -> memref<50x64xf32, #tpu.memory_space<vmem_shared>>
        %dma_start3A_88 = arith.constant 0 : i32
        %dma_start3A_89 = tpu.memref_slice %arg8[%mul3A_74, %dma_start3A_88] : memref<25008x64xf32, #tpu.memory_space<vmem_shared>> -> memref<50x64xf32, #tpu.memory_space<vmem_shared>>
        tpu.enqueue_dma source(%dma_start3A_89 : memref<50x64xf32, #tpu.memory_space<vmem_shared>>) target(%arg15 : memref<50x64xf32, #tpu.memory_space<vmem>>) target_semaphore(%run_scoped3A : memref<!tpu.dma_semaphore, #tpu.memory_space<semaphore_mem>>)
        %dma_wait3A_90 = arith.constant 0 : i32
        %dma_wait3A_91 = tpu.memref_slice %arg8[%mul3A_74, %dma_wait3A_90] : memref<25008x64xf32, #tpu.memory_space<vmem_shared>> -> memref<50x64xf32, #tpu.memory_space<vmem_shared>>
        %dma_wait3A_92 = arith.constant 0 : i32
        %dma_wait3A_93 = tpu.memref_slice %arg8[%mul3A_74, %dma_wait3A_92] : memref<25008x64xf32, #tpu.memory_space<vmem_shared>> -> memref<50x64xf32, #tpu.memory_space<vmem_shared>>
        tpu.wait_dma2 semaphore(%run_scoped3A : memref<!tpu.dma_semaphore, #tpu.memory_space<semaphore_mem>>) src(%dma_wait3A_93 : memref<50x64xf32, #tpu.memory_space<vmem_shared>>) dst(%arg15 : memref<50x64xf32, #tpu.memory_space<vmem>>)
        tpu.yield
      }) : () -> ()
      %scan3A_78 = arith.constant 0 : i32
      %scan3A_79 = arith.constant 0 : i32
      %scan3A_80 = arith.constant 50 : i32
      %scan3A_81 = arith.addi %scan3A_79, %scan3A_80 : i32
      %scan3A_82 = arith.constant 1 : i32
      %scan3A_83 = scf.for %scan3A_86 = %scan3A_79 to %scan3A_81 step %scan3A_82 iter_args(%scan3A_87 = %scan3A_78) -> (i32)  : i32 {
        %get3A = arith.index_cast %scan3A_86 : i32 to index
        %get3A_88 = arith.constant 0 : index
        %get3A_89 = tpu.vector_load %arg14[%get3A, %get3A_88] {strides = array<i32>} : memref<50x64xf32, #tpu.memory_space<vmem>>, vector<16xf32>,
        %mul3A_90 = arith.constant 2.000000e-01 : f32
        %mul3A_91 = vector.broadcast %mul3A_90 : f32 to vector<16xf32>
        %mul3A_92 = arith.mulf %mul3A_91, %get3A_89 : vector<16xf32>
        %get3A_93 = arith.index_cast %scan3A_86 : i32 to index
        %get3A_94 = arith.constant 0 : index
        %get3A_95 = tpu.vector_load %arg15[%get3A_93, %get3A_94] {strides = array<i32>} : memref<50x64xf32, #tpu.memory_space<vmem>>, vector<16xf32>,
        %mul3A_96 = arith.constant 8.000000e-01 : f32
        %mul3A_97 = vector.broadcast %mul3A_96 : f32 to vector<16xf32>
        %mul3A_98 = arith.mulf %mul3A_97, %get3A_95 : vector<16xf32>
        %add3A_99 = arith.addf %mul3A_92, %mul3A_98 : vector<16xf32>
        %swap3A = arith.index_cast %scan3A_86 : i32 to index
        %swap3A_100 = arith.constant 0 : index
        %swap3A_101 = tpu.vector_load %arg15[%swap3A, %swap3A_100] {strides = array<i32>} : memref<50x64xf32, #tpu.memory_space<vmem>>, vector<16xf32>,
        tpu.vector_store %arg15[%swap3A, %swap3A_100], %add3A_99 {strides = array<i32>} : memref<50x64xf32, #tpu.memory_space<vmem>>, vector<16xf32>,
        %get3A_102 = arith.index_cast %scan3A_86 : i32 to index
        %get3A_103 = arith.constant 16 : index
        %get3A_104 = tpu.vector_load %arg14[%get3A_102, %get3A_103] {strides = array<i32>} : memref<50x64xf32, #tpu.memory_space<vmem>>, vector<16xf32>,
        %mul3A_105 = arith.constant 2.000000e-01 : f32
        %mul3A_106 = vector.broadcast %mul3A_105 : f32 to vector<16xf32>
        %mul3A_107 = arith.mulf %mul3A_106, %get3A_104 : vector<16xf32>
        %get3A_108 = arith.index_cast %scan3A_86 : i32 to index
        %get3A_109 = arith.constant 16 : index
        %get3A_110 = tpu.vector_load %arg15[%get3A_108, %get3A_109] {strides = array<i32>} : memref<50x64xf32, #tpu.memory_space<vmem>>, vector<16xf32>,
        %mul3A_111 = arith.constant 8.000000e-01 : f32
        %mul3A_112 = vector.broadcast %mul3A_111 : f32 to vector<16xf32>
        %mul3A_113 = arith.mulf %mul3A_112, %get3A_110 : vector<16xf32>
        %add3A_114 = arith.addf %mul3A_107, %mul3A_113 : vector<16xf32>
        %swap3A_115 = arith.index_cast %scan3A_86 : i32 to index
        %swap3A_116 = arith.constant 16 : index
        %swap3A_117 = tpu.vector_load %arg15[%swap3A_115, %swap3A_116] {strides = array<i32>} : memref<50x64xf32, #tpu.memory_space<vmem>>, vector<16xf32>,
        tpu.vector_store %arg15[%swap3A_115, %swap3A_116], %add3A_114 {strides = array<i32>} : memref<50x64xf32, #tpu.memory_space<vmem>>, vector<16xf32>,
        %get3A_118 = arith.index_cast %scan3A_86 : i32 to index
        %get3A_119 = arith.constant 32 : index
        %get3A_120 = tpu.vector_load %arg14[%get3A_118, %get3A_119] {strides = array<i32>} : memref<50x64xf32, #tpu.memory_space<vmem>>, vector<16xf32>,
        %mul3A_121 = arith.constant 2.000000e-01 : f32
        %mul3A_122 = vector.broadcast %mul3A_121 : f32 to vector<16xf32>
        %mul3A_123 = arith.mulf %mul3A_122, %get3A_120 : vector<16xf32>
        %get3A_124 = arith.index_cast %scan3A_86 : i32 to index
        %get3A_125 = arith.constant 32 : index
        %get3A_126 = tpu.vector_load %arg15[%get3A_124, %get3A_125] {strides = array<i32>} : memref<50x64xf32, #tpu.memory_space<vmem>>, vector<16xf32>,
        %mul3A_127 = arith.constant 8.000000e-01 : f32
        %mul3A_128 = vector.broadcast %mul3A_127 : f32 to vector<16xf32>
        %mul3A_129 = arith.mulf %mul3A_128, %get3A_126 : vector<16xf32>
        %add3A_130 = arith.addf %mul3A_123, %mul3A_129 : vector<16xf32>
        %swap3A_131 = arith.index_cast %scan3A_86 : i32 to index
        %swap3A_132 = arith.constant 32 : index
        %swap3A_133 = tpu.vector_load %arg15[%swap3A_131, %swap3A_132] {strides = array<i32>} : memref<50x64xf32, #tpu.memory_space<vmem>>, vector<16xf32>,
        tpu.vector_store %arg15[%swap3A_131, %swap3A_132], %add3A_130 {strides = array<i32>} : memref<50x64xf32, #tpu.memory_space<vmem>>, vector<16xf32>,
        %get3A_134 = arith.index_cast %scan3A_86 : i32 to index
        %get3A_135 = arith.constant 48 : index
        %get3A_136 = tpu.vector_load %arg14[%get3A_134, %get3A_135] {strides = array<i32>} : memref<50x64xf32, #tpu.memory_space<vmem>>, vector<16xf32>,
        %mul3A_137 = arith.constant 2.000000e-01 : f32
        %mul3A_138 = vector.broadcast %mul3A_137 : f32 to vector<16xf32>
        %mul3A_139 = arith.mulf %mul3A_138, %get3A_136 : vector<16xf32>
        %get3A_140 = arith.index_cast %scan3A_86 : i32 to index
        %get3A_141 = arith.constant 48 : index
        %get3A_142 = tpu.vector_load %arg15[%get3A_140, %get3A_141] {strides = array<i32>} : memref<50x64xf32, #tpu.memory_space<vmem>>, vector<16xf32>,
        %mul3A_143 = arith.constant 8.000000e-01 : f32
        %mul3A_144 = vector.broadcast %mul3A_143 : f32 to vector<16xf32>
        %mul3A_145 = arith.mulf %mul3A_144, %get3A_142 : vector<16xf32>
        %add3A_146 = arith.addf %mul3A_139, %mul3A_145 : vector<16xf32>
        %swap3A_147 = arith.index_cast %scan3A_86 : i32 to index
        %swap3A_148 = arith.constant 48 : index
        %swap3A_149 = tpu.vector_load %arg15[%swap3A_147, %swap3A_148] {strides = array<i32>} : memref<50x64xf32, #tpu.memory_space<vmem>>, vector<16xf32>,
        tpu.vector_store %arg15[%swap3A_147, %swap3A_148], %add3A_146 {strides = array<i32>} : memref<50x64xf32, #tpu.memory_space<vmem>>, vector<16xf32>,
        %scan3A_150 = arith.constant 0 : i32
        scf.yield %scan3A_150 : i32
      }
      %scan3A_84 = arith.constant 50 : i32
      "tpu.region"() ({
        %run_scoped3A = tpu.sem_alloc : memref<!tpu.dma_semaphore, #tpu.memory_space<semaphore_mem>>
        %dma_start3A_86 = arith.constant 0 : i32
        %dma_start3A_87 = tpu.memref_slice %arg7[%add3A_77, %dma_start3A_86] : memref<50000x64xf32, #tpu.memory_space<hbm>> -> memref<50x64xf32, #tpu.memory_space<hbm>>
        %dma_start3A_88 = arith.constant 0 : i32
        %dma_start3A_89 = tpu.memref_slice %arg7[%add3A_77, %dma_start3A_88] : memref<50000x64xf32, #tpu.memory_space<hbm>> -> memref<50x64xf32, #tpu.memory_space<hbm>>
        tpu.enqueue_dma source(%arg15 : memref<50x64xf32, #tpu.memory_space<vmem>>) target(%dma_start3A_89 : memref<50x64xf32, #tpu.memory_space<hbm>>) target_semaphore(%run_scoped3A : memref<!tpu.dma_semaphore, #tpu.memory_space<semaphore_mem>>)
        %dma_wait3A_90 = arith.constant 0 : i32
        %dma_wait3A_91 = tpu.memref_slice %arg7[%add3A_77, %dma_wait3A_90] : memref<50000x64xf32, #tpu.memory_space<hbm>> -> memref<50x64xf32, #tpu.memory_space<hbm>>
        %dma_wait3A_92 = arith.constant 0 : i32
        %dma_wait3A_93 = tpu.memref_slice %arg7[%add3A_77, %dma_wait3A_92] : memref<50000x64xf32, #tpu.memory_space<hbm>> -> memref<50x64xf32, #tpu.memory_space<hbm>>
        tpu.wait_dma2 semaphore(%run_scoped3A : memref<!tpu.dma_semaphore, #tpu.memory_space<semaphore_mem>>) src(%arg15 : memref<50x64xf32, #tpu.memory_space<vmem>>) dst(%dma_wait3A_93 : memref<50x64xf32, #tpu.memory_space<hbm>>)
        tpu.yield
      }) : () -> ()
      %while3A_85 = arith.constant 0 : i32
      scf.yield %while3A_85 : i32
    }
    %while3A_66 = arith.constant 1 : i32
    %while3A_67 = scf.for %while3A_68 = %while3A_63 to %while3A_59 step %while3A_66 iter_args(%while3A_69 = %while3A_65) -> (i32)  : i32 {
      %mul3A_70 = arith.constant 16 : i32
      %mul3A_71 = arith.muli %while3A_68, %mul3A_70 : i32
      %add3A_72 = arith.addi %arg1, %mul3A_71 : i32
      %mul3A_73 = arith.constant 50 : i32
      %mul3A_74 = arith.muli %add3A_72, %mul3A_73 : i32
      %mul3A_75 = arith.constant 25000 : i32
      %mul3A_76 = arith.muli %arg0, %mul3A_75 : i32
      %add3A_77 = arith.addi %mul3A_76, %mul3A_74 : i32
      "tpu.region"() ({
        %run_scoped3A = tpu.sem_alloc : memref<!tpu.dma_semaphore, #tpu.memory_space<semaphore_mem>>
        %dma_start3A_86 = arith.constant 0 : i32
        %dma_start3A_87 = tpu.memref_slice %arg2[%add3A_77, %dma_start3A_86] : memref<50000x64xf32, #tpu.memory_space<hbm>> -> memref<50x64xf32, #tpu.memory_space<hbm>>
        %dma_start3A_88 = arith.constant 0 : i32
        %dma_start3A_89 = tpu.memref_slice %arg2[%add3A_77, %dma_start3A_88] : memref<50000x64xf32, #tpu.memory_space<hbm>> -> memref<50x64xf32, #tpu.memory_space<hbm>>
        tpu.enqueue_dma source(%dma_start3A_89 : memref<50x64xf32, #tpu.memory_space<hbm>>) target(%arg14 : memref<50x64xf32, #tpu.memory_space<vmem>>) target_semaphore(%run_scoped3A : memref<!tpu.dma_semaphore, #tpu.memory_space<semaphore_mem>>)
        %dma_wait3A_90 = arith.constant 0 : i32
        %dma_wait3A_91 = tpu.memref_slice %arg2[%add3A_77, %dma_wait3A_90] : memref<50000x64xf32, #tpu.memory_space<hbm>> -> memref<50x64xf32, #tpu.memory_space<hbm>>
        %dma_wait3A_92 = arith.constant 0 : i32
        %dma_wait3A_93 = tpu.memref_slice %arg2[%add3A_77, %dma_wait3A_92] : memref<50000x64xf32, #tpu.memory_space<hbm>> -> memref<50x64xf32, #tpu.memory_space<hbm>>
        tpu.wait_dma2 semaphore(%run_scoped3A : memref<!tpu.dma_semaphore, #tpu.memory_space<semaphore_mem>>) src(%dma_wait3A_93 : memref<50x64xf32, #tpu.memory_space<hbm>>) dst(%arg14 : memref<50x64xf32, #tpu.memory_space<vmem>>)
        tpu.yield
      }) : () -> ()
      "tpu.region"() ({
        %run_scoped3A = tpu.sem_alloc : memref<!tpu.dma_semaphore, #tpu.memory_space<semaphore_mem>>
        %dma_start3A_86 = arith.constant 0 : i32
        %dma_start3A_87 = tpu.memref_slice %arg8[%mul3A_74, %dma_start3A_86] : memref<25008x64xf32, #tpu.memory_space<vmem_shared>> -> memref<50x64xf32, #tpu.memory_space<vmem_shared>>
        %dma_start3A_88 = arith.constant 0 : i32
        %dma_start3A_89 = tpu.memref_slice %arg8[%mul3A_74, %dma_start3A_88] : memref<25008x64xf32, #tpu.memory_space<vmem_shared>> -> memref<50x64xf32, #tpu.memory_space<vmem_shared>>
        tpu.enqueue_dma source(%dma_start3A_89 : memref<50x64xf32, #tpu.memory_space<vmem_shared>>) target(%arg15 : memref<50x64xf32, #tpu.memory_space<vmem>>) target_semaphore(%run_scoped3A : memref<!tpu.dma_semaphore, #tpu.memory_space<semaphore_mem>>)
        %dma_wait3A_90 = arith.constant 0 : i32
        %dma_wait3A_91 = tpu.memref_slice %arg8[%mul3A_74, %dma_wait3A_90] : memref<25008x64xf32, #tpu.memory_space<vmem_shared>> -> memref<50x64xf32, #tpu.memory_space<vmem_shared>>
        %dma_wait3A_92 = arith.constant 0 : i32
        %dma_wait3A_93 = tpu.memref_slice %arg8[%mul3A_74, %dma_wait3A_92] : memref<25008x64xf32, #tpu.memory_space<vmem_shared>> -> memref<50x64xf32, #tpu.memory_space<vmem_shared>>
        tpu.wait_dma2 semaphore(%run_scoped3A : memref<!tpu.dma_semaphore, #tpu.memory_space<semaphore_mem>>) src(%dma_wait3A_93 : memref<50x64xf32, #tpu.memory_space<vmem_shared>>) dst(%arg15 : memref<50x64xf32, #tpu.memory_space<vmem>>)
        tpu.yield
      }) : () -> ()
      %scan3A_78 = arith.constant 0 : i32
      %scan3A_79 = arith.constant 0 : i32
      %scan3A_80 = arith.constant 50 : i32
      %scan3A_81 = arith.addi %scan3A_79, %scan3A_80 : i32
      %scan3A_82 = arith.constant 1 : i32
      %scan3A_83 = scf.for %scan3A_86 = %scan3A_79 to %scan3A_81 step %scan3A_82 iter_args(%scan3A_87 = %scan3A_78) -> (i32)  : i32 {
        %get3A = arith.index_cast %scan3A_86 : i32 to index
        %get3A_88 = arith.constant 0 : index
        %get3A_89 = tpu.vector_load %arg14[%get3A, %get3A_88] {strides = array<i32>} : memref<50x64xf32, #tpu.memory_space<vmem>>, vector<16xf32>,
        %mul3A_90 = arith.constant 2.000000e-01 : f32
        %mul3A_91 = vector.broadcast %mul3A_90 : f32 to vector<16xf32>
        %mul3A_92 = arith.mulf %mul3A_91, %get3A_89 : vector<16xf32>
        %get3A_93 = arith.index_cast %scan3A_86 : i32 to index
        %get3A_94 = arith.constant 0 : index
        %get3A_95 = tpu.vector_load %arg15[%get3A_93, %get3A_94] {strides = array<i32>} : memref<50x64xf32, #tpu.memory_space<vmem>>, vector<16xf32>,
        %mul3A_96 = arith.constant 8.000000e-01 : f32
        %mul3A_97 = vector.broadcast %mul3A_96 : f32 to vector<16xf32>
        %mul3A_98 = arith.mulf %mul3A_97, %get3A_95 : vector<16xf32>
        %add3A_99 = arith.addf %mul3A_92, %mul3A_98 : vector<16xf32>
        %swap3A = arith.index_cast %scan3A_86 : i32 to index
        %swap3A_100 = arith.constant 0 : index
        %swap3A_101 = tpu.vector_load %arg15[%swap3A, %swap3A_100] {strides = array<i32>} : memref<50x64xf32, #tpu.memory_space<vmem>>, vector<16xf32>,
        tpu.vector_store %arg15[%swap3A, %swap3A_100], %add3A_99 {strides = array<i32>} : memref<50x64xf32, #tpu.memory_space<vmem>>, vector<16xf32>,
        %get3A_102 = arith.index_cast %scan3A_86 : i32 to index
        %get3A_103 = arith.constant 16 : index
        %get3A_104 = tpu.vector_load %arg14[%get3A_102, %get3A_103] {strides = array<i32>} : memref<50x64xf32, #tpu.memory_space<vmem>>, vector<16xf32>,
        %mul3A_105 = arith.constant 2.000000e-01 : f32
        %mul3A_106 = vector.broadcast %mul3A_105 : f32 to vector<16xf32>
        %mul3A_107 = arith.mulf %mul3A_106, %get3A_104 : vector<16xf32>
        %get3A_108 = arith.index_cast %scan3A_86 : i32 to index
        %get3A_109 = arith.constant 16 : index
        %get3A_110 = tpu.vector_load %arg15[%get3A_108, %get3A_109] {strides = array<i32>} : memref<50x64xf32, #tpu.memory_space<vmem>>, vector<16xf32>,
        %mul3A_111 = arith.constant 8.000000e-01 : f32
        %mul3A_112 = vector.broadcast %mul3A_111 : f32 to vector<16xf32>
        %mul3A_113 = arith.mulf %mul3A_112, %get3A_110 : vector<16xf32>
        %add3A_114 = arith.addf %mul3A_107, %mul3A_113 : vector<16xf32>
        %swap3A_115 = arith.index_cast %scan3A_86 : i32 to index
        %swap3A_116 = arith.constant 16 : index
        %swap3A_117 = tpu.vector_load %arg15[%swap3A_115, %swap3A_116] {strides = array<i32>} : memref<50x64xf32, #tpu.memory_space<vmem>>, vector<16xf32>,
        tpu.vector_store %arg15[%swap3A_115, %swap3A_116], %add3A_114 {strides = array<i32>} : memref<50x64xf32, #tpu.memory_space<vmem>>, vector<16xf32>,
        %get3A_118 = arith.index_cast %scan3A_86 : i32 to index
        %get3A_119 = arith.constant 32 : index
        %get3A_120 = tpu.vector_load %arg14[%get3A_118, %get3A_119] {strides = array<i32>} : memref<50x64xf32, #tpu.memory_space<vmem>>, vector<16xf32>,
        %mul3A_121 = arith.constant 2.000000e-01 : f32
        %mul3A_122 = vector.broadcast %mul3A_121 : f32 to vector<16xf32>
        %mul3A_123 = arith.mulf %mul3A_122, %get3A_120 : vector<16xf32>
        %get3A_124 = arith.index_cast %scan3A_86 : i32 to index
        %get3A_125 = arith.constant 32 : index
        %get3A_126 = tpu.vector_load %arg15[%get3A_124, %get3A_125] {strides = array<i32>} : memref<50x64xf32, #tpu.memory_space<vmem>>, vector<16xf32>,
        %mul3A_127 = arith.constant 8.000000e-01 : f32
        %mul3A_128 = vector.broadcast %mul3A_127 : f32 to vector<16xf32>
        %mul3A_129 = arith.mulf %mul3A_128, %get3A_126 : vector<16xf32>
        %add3A_130 = arith.addf %mul3A_123, %mul3A_129 : vector<16xf32>
        %swap3A_131 = arith.index_cast %scan3A_86 : i32 to index
        %swap3A_132 = arith.constant 32 : index
        %swap3A_133 = tpu.vector_load %arg15[%swap3A_131, %swap3A_132] {strides = array<i32>} : memref<50x64xf32, #tpu.memory_space<vmem>>, vector<16xf32>,
        tpu.vector_store %arg15[%swap3A_131, %swap3A_132], %add3A_130 {strides = array<i32>} : memref<50x64xf32, #tpu.memory_space<vmem>>, vector<16xf32>,
        %get3A_134 = arith.index_cast %scan3A_86 : i32 to index
        %get3A_135 = arith.constant 48 : index
        %get3A_136 = tpu.vector_load %arg14[%get3A_134, %get3A_135] {strides = array<i32>} : memref<50x64xf32, #tpu.memory_space<vmem>>, vector<16xf32>,
        %mul3A_137 = arith.constant 2.000000e-01 : f32
        %mul3A_138 = vector.broadcast %mul3A_137 : f32 to vector<16xf32>
        %mul3A_139 = arith.mulf %mul3A_138, %get3A_136 : vector<16xf32>
        %get3A_140 = arith.index_cast %scan3A_86 : i32 to index
        %get3A_141 = arith.constant 48 : index
        %get3A_142 = tpu.vector_load %arg15[%get3A_140, %get3A_141] {strides = array<i32>} : memref<50x64xf32, #tpu.memory_space<vmem>>, vector<16xf32>,
        %mul3A_143 = arith.constant 8.000000e-01 : f32
        %mul3A_144 = vector.broadcast %mul3A_143 : f32 to vector<16xf32>
        %mul3A_145 = arith.mulf %mul3A_144, %get3A_142 : vector<16xf32>
        %add3A_146 = arith.addf %mul3A_139, %mul3A_145 : vector<16xf32>
        %swap3A_147 = arith.index_cast %scan3A_86 : i32 to index
        %swap3A_148 = arith.constant 48 : index
        %swap3A_149 = tpu.vector_load %arg15[%swap3A_147, %swap3A_148] {strides = array<i32>} : memref<50x64xf32, #tpu.memory_space<vmem>>, vector<16xf32>,
        tpu.vector_store %arg15[%swap3A_147, %swap3A_148], %add3A_146 {strides = array<i32>} : memref<50x64xf32, #tpu.memory_space<vmem>>, vector<16xf32>,
        %scan3A_150 = arith.constant 0 : i32
        scf.yield %scan3A_150 : i32
      }
      %scan3A_84 = arith.constant 50 : i32
      "tpu.region"() ({
        %run_scoped3A = tpu.sem_alloc : memref<!tpu.dma_semaphore, #tpu.memory_space<semaphore_mem>>
        %dma_start3A_86 = arith.constant 0 : i32
        %dma_start3A_87 = tpu.memref_slice %arg7[%add3A_77, %dma_start3A_86] : memref<50000x64xf32, #tpu.memory_space<hbm>> -> memref<50x64xf32, #tpu.memory_space<hbm>>
        %dma_start3A_88 = arith.constant 0 : i32
        %dma_start3A_89 = tpu.memref_slice %arg7[%add3A_77, %dma_start3A_88] : memref<50000x64xf32, #tpu.memory_space<hbm>> -> memref<50x64xf32, #tpu.memory_space<hbm>>
        tpu.enqueue_dma source(%arg15 : memref<50x64xf32, #tpu.memory_space<vmem>>) target(%dma_start3A_89 : memref<50x64xf32, #tpu.memory_space<hbm>>) target_semaphore(%run_scoped3A : memref<!tpu.dma_semaphore, #tpu.memory_space<semaphore_mem>>)
        %dma_wait3A_90 = arith.constant 0 : i32
        %dma_wait3A_91 = tpu.memref_slice %arg7[%add3A_77, %dma_wait3A_90] : memref<50000x64xf32, #tpu.memory_space<hbm>> -> memref<50x64xf32, #tpu.memory_space<hbm>>
        %dma_wait3A_92 = arith.constant 0 : i32
        %dma_wait3A_93 = tpu.memref_slice %arg7[%add3A_77, %dma_wait3A_92] : memref<50000x64xf32, #tpu.memory_space<hbm>> -> memref<50x64xf32, #tpu.memory_space<hbm>>
        tpu.wait_dma2 semaphore(%run_scoped3A : memref<!tpu.dma_semaphore, #tpu.memory_space<semaphore_mem>>) src(%arg15 : memref<50x64xf32, #tpu.memory_space<vmem>>) dst(%dma_wait3A_93 : memref<50x64xf32, #tpu.memory_space<hbm>>)
        tpu.yield
      }) : () -> ()
      %while3A_85 = arith.constant 0 : i32
      scf.yield %while3A_85 : i32
    }
    return
  }
}

#map = affine_map<(d0, d1) -> (0, 0)>
#map1 = affine_map<(d0, d1) -> (0)>
module attributes {stable_mosaic.version = 14 : i64} {
  func.func @_pairdot(%arg0: i32, %arg1: i32, %arg2: memref<50000x64xf32, #tpu.memory_space<hbm>>, %arg3: memref<50000x64xf32, #tpu.memory_space<hbm>>, %arg4: memref<50000x64xf32, #tpu.memory_space<hbm>>, %arg5: memref<50000x64xf32, #tpu.memory_space<hbm>>, %arg6: memref<4096xi32, #tpu.memory_space<hbm>>, %arg7: memref<4096xi32, #tpu.memory_space<hbm>>, %arg8: memref<4096xf32, #tpu.memory_space<hbm>>, %arg9: memref<128xi32, #tpu.memory_space<vmem>>, %arg10: memref<128xi32, #tpu.memory_space<vmem>>, %arg11: memref<128x64xf32, #tpu.memory_space<vmem>>, %arg12: memref<128x64xf32, #tpu.memory_space<vmem>>, %arg13: memref<128xf32, #tpu.memory_space<vmem>>, %arg14: memref<!tpu.dma_semaphore, #tpu.memory_space<semaphore_mem>>) attributes {dimension_semantics = [#tpu.dimension_semantics<core_parallel>, #tpu.dimension_semantics<subcore_parallel>], iteration_bounds = array<i64: 2, 16>, scalar_prefetch = 0 : i64, scratch_operands = 6 : i64, tpu.core_type = #tpu.core_type<sc_vector_subcore>, window_params = [{transform_indices = #map}, {transform_indices = #map}, {transform_indices = #map}, {transform_indices = #map}, {transform_indices = #map1}, {transform_indices = #map1}, {transform_indices = #map1}]} {
    %mul3A = arith.constant 2 : i32
    %mul3A_0 = arith.muli %arg1, %mul3A : i32
    %add3A = arith.addi %mul3A_0, %arg0 : i32
    %mul3A_1 = arith.constant 128 : i32
    %mul3A_2 = arith.muli %add3A, %mul3A_1 : i32
    "tpu.region"() ({
      %run_scoped3A = tpu.sem_alloc : memref<!tpu.dma_semaphore, #tpu.memory_space<semaphore_mem>>
      %dma_start3A_62 = tpu.memref_slice %arg6[%mul3A_2] : memref<4096xi32, #tpu.memory_space<hbm>> -> memref<128xi32, #tpu.memory_space<hbm>>
      %dma_start3A_63 = tpu.memref_slice %arg6[%mul3A_2] : memref<4096xi32, #tpu.memory_space<hbm>> -> memref<128xi32, #tpu.memory_space<hbm>>
      tpu.enqueue_dma source(%dma_start3A_63 : memref<128xi32, #tpu.memory_space<hbm>>) target(%arg9 : memref<128xi32, #tpu.memory_space<vmem>>) target_semaphore(%run_scoped3A : memref<!tpu.dma_semaphore, #tpu.memory_space<semaphore_mem>>)
      %dma_wait3A_64 = tpu.memref_slice %arg6[%mul3A_2] : memref<4096xi32, #tpu.memory_space<hbm>> -> memref<128xi32, #tpu.memory_space<hbm>>
      %dma_wait3A_65 = tpu.memref_slice %arg6[%mul3A_2] : memref<4096xi32, #tpu.memory_space<hbm>> -> memref<128xi32, #tpu.memory_space<hbm>>
      tpu.wait_dma2 semaphore(%run_scoped3A : memref<!tpu.dma_semaphore, #tpu.memory_space<semaphore_mem>>) src(%dma_wait3A_65 : memref<128xi32, #tpu.memory_space<hbm>>) dst(%arg9 : memref<128xi32, #tpu.memory_space<vmem>>)
      tpu.yield
    }) : () -> ()
    "tpu.region"() ({
      %run_scoped3A = tpu.sem_alloc : memref<!tpu.dma_semaphore, #tpu.memory_space<semaphore_mem>>
      %dma_start3A_62 = tpu.memref_slice %arg7[%mul3A_2] : memref<4096xi32, #tpu.memory_space<hbm>> -> memref<128xi32, #tpu.memory_space<hbm>>
      %dma_start3A_63 = tpu.memref_slice %arg7[%mul3A_2] : memref<4096xi32, #tpu.memory_space<hbm>> -> memref<128xi32, #tpu.memory_space<hbm>>
      tpu.enqueue_dma source(%dma_start3A_63 : memref<128xi32, #tpu.memory_space<hbm>>) target(%arg10 : memref<128xi32, #tpu.memory_space<vmem>>) target_semaphore(%run_scoped3A : memref<!tpu.dma_semaphore, #tpu.memory_space<semaphore_mem>>)
      %dma_wait3A_64 = tpu.memref_slice %arg7[%mul3A_2] : memref<4096xi32, #tpu.memory_space<hbm>> -> memref<128xi32, #tpu.memory_space<hbm>>
      %dma_wait3A_65 = tpu.memref_slice %arg7[%mul3A_2] : memref<4096xi32, #tpu.memory_space<hbm>> -> memref<128xi32, #tpu.memory_space<hbm>>
      tpu.wait_dma2 semaphore(%run_scoped3A : memref<!tpu.dma_semaphore, #tpu.memory_space<semaphore_mem>>) src(%dma_wait3A_65 : memref<128xi32, #tpu.memory_space<hbm>>) dst(%arg10 : memref<128xi32, #tpu.memory_space<vmem>>)
      tpu.yield
    }) : () -> ()
    %scan3A = arith.constant 0 : i32
    %scan3A_3 = arith.constant 0 : i32
    %scan3A_4 = arith.constant 8 : i32
    %scan3A_5 = arith.addi %scan3A_3, %scan3A_4 : i32
    %scan3A_6 = arith.constant 1 : i32
    %scan3A_7 = scf.for %scan3A_62 = %scan3A_3 to %scan3A_5 step %scan3A_6 iter_args(%scan3A_63 = %scan3A) -> (i32)  : i32 {
      %mul3A_64 = arith.constant 16 : i32
      %mul3A_65 = arith.muli %scan3A_62, %mul3A_64 : i32
      %get3A = arith.index_cast %mul3A_65 : i32 to index
      %get3A_66 = tpu.vector_load %arg10[%get3A] {strides = array<i32>} : memref<128xi32, #tpu.memory_space<vmem>>, vector<16xi32>,
      %add3A_67 = arith.constant 25000 : i32
      %add3A_68 = vector.broadcast %add3A_67 : i32 to vector<16xi32>
      %add3A_69 = arith.addi %get3A_66, %add3A_68 : vector<16xi32>
      %swap3A = arith.index_cast %mul3A_65 : i32 to index
      %swap3A_70 = tpu.vector_load %arg10[%swap3A] {strides = array<i32>} : memref<128xi32, #tpu.memory_space<vmem>>, vector<16xi32>,
      tpu.vector_store %arg10[%swap3A], %add3A_69 {strides = array<i32>} : memref<128xi32, #tpu.memory_space<vmem>>, vector<16xi32>,
      %scan3A_71 = arith.constant 0 : i32
      scf.yield %scan3A_71 : i32
    }
    %scan3A_8 = arith.constant 8 : i32
    %dma_start3A = arith.constant 0 : i32
    %dma_start3A_9 = arith.constant 0 : i32
    %dma_start3A_10 = tpu.memref_slice %arg2[%dma_start3A, %dma_start3A_9] : memref<50000x64xf32, #tpu.memory_space<hbm>> -> memref<50000x64xf32, #tpu.memory_space<hbm>>
    tpu.enqueue_indirect_dma source(%dma_start3A_10 : memref<50000x64xf32, #tpu.memory_space<hbm>>) target(%arg11 : memref<128x64xf32, #tpu.memory_space<vmem>>) offsets(%arg9 : memref<128xi32, #tpu.memory_space<vmem>>) semaphore(%arg14 : memref<!tpu.dma_semaphore, #tpu.memory_space<semaphore_mem>>)
    %dma_wait3A = arith.constant 0 : i32
    %dma_wait3A_11 = arith.constant 0 : i32
    %dma_wait3A_12 = tpu.memref_slice %arg2[%dma_wait3A, %dma_wait3A_11] : memref<50000x64xf32, #tpu.memory_space<hbm>> -> memref<50000x64xf32, #tpu.memory_space<hbm>>
    tpu.wait_indirect_dma semaphore(%arg14 : memref<!tpu.dma_semaphore, #tpu.memory_space<semaphore_mem>>) src(%dma_wait3A_12 : memref<50000x64xf32, #tpu.memory_space<hbm>>) dst(%arg11 : memref<128x64xf32, #tpu.memory_space<vmem>>)
    %dma_start3A_13 = arith.constant 0 : i32
    %dma_start3A_14 = arith.constant 0 : i32
    %dma_start3A_15 = tpu.memref_slice %arg3[%dma_start3A_13, %dma_start3A_14] : memref<50000x64xf32, #tpu.memory_space<hbm>> -> memref<50000x64xf32, #tpu.memory_space<hbm>>
    tpu.enqueue_indirect_dma source(%dma_start3A_15 : memref<50000x64xf32, #tpu.memory_space<hbm>>) target(%arg11 : memref<128x64xf32, #tpu.memory_space<vmem>>) offsets(%arg9 : memref<128xi32, #tpu.memory_space<vmem>>) semaphore(%arg14 : memref<!tpu.dma_semaphore, #tpu.memory_space<semaphore_mem>>) {add = true}
    %dma_wait3A_16 = arith.constant 0 : i32
    %dma_wait3A_17 = arith.constant 0 : i32
    %dma_wait3A_18 = tpu.memref_slice %arg3[%dma_wait3A_16, %dma_wait3A_17] : memref<50000x64xf32, #tpu.memory_space<hbm>> -> memref<50000x64xf32, #tpu.memory_space<hbm>>
    tpu.wait_indirect_dma semaphore(%arg14 : memref<!tpu.dma_semaphore, #tpu.memory_space<semaphore_mem>>) src(%dma_wait3A_18 : memref<50000x64xf32, #tpu.memory_space<hbm>>) dst(%arg11 : memref<128x64xf32, #tpu.memory_space<vmem>>)
    %dma_start3A_19 = arith.constant 0 : i32
    %dma_start3A_20 = arith.constant 0 : i32
    %dma_start3A_21 = tpu.memref_slice %arg4[%dma_start3A_19, %dma_start3A_20] : memref<50000x64xf32, #tpu.memory_space<hbm>> -> memref<50000x64xf32, #tpu.memory_space<hbm>>
    tpu.enqueue_indirect_dma source(%dma_start3A_21 : memref<50000x64xf32, #tpu.memory_space<hbm>>) target(%arg11 : memref<128x64xf32, #tpu.memory_space<vmem>>) offsets(%arg9 : memref<128xi32, #tpu.memory_space<vmem>>) semaphore(%arg14 : memref<!tpu.dma_semaphore, #tpu.memory_space<semaphore_mem>>) {add = true}
    %dma_wait3A_22 = arith.constant 0 : i32
    %dma_wait3A_23 = arith.constant 0 : i32
    %dma_wait3A_24 = tpu.memref_slice %arg4[%dma_wait3A_22, %dma_wait3A_23] : memref<50000x64xf32, #tpu.memory_space<hbm>> -> memref<50000x64xf32, #tpu.memory_space<hbm>>
    tpu.wait_indirect_dma semaphore(%arg14 : memref<!tpu.dma_semaphore, #tpu.memory_space<semaphore_mem>>) src(%dma_wait3A_24 : memref<50000x64xf32, #tpu.memory_space<hbm>>) dst(%arg11 : memref<128x64xf32, #tpu.memory_space<vmem>>)
    %dma_start3A_25 = arith.constant 0 : i32
    %dma_start3A_26 = arith.constant 0 : i32
    %dma_start3A_27 = tpu.memref_slice %arg5[%dma_start3A_25, %dma_start3A_26] : memref<50000x64xf32, #tpu.memory_space<hbm>> -> memref<50000x64xf32, #tpu.memory_space<hbm>>
    tpu.enqueue_indirect_dma source(%dma_start3A_27 : memref<50000x64xf32, #tpu.memory_space<hbm>>) target(%arg11 : memref<128x64xf32, #tpu.memory_space<vmem>>) offsets(%arg9 : memref<128xi32, #tpu.memory_space<vmem>>) semaphore(%arg14 : memref<!tpu.dma_semaphore, #tpu.memory_space<semaphore_mem>>) {add = true}
    %dma_wait3A_28 = arith.constant 0 : i32
    %dma_wait3A_29 = arith.constant 0 : i32
    %dma_wait3A_30 = tpu.memref_slice %arg5[%dma_wait3A_28, %dma_wait3A_29] : memref<50000x64xf32, #tpu.memory_space<hbm>> -> memref<50000x64xf32, #tpu.memory_space<hbm>>
    tpu.wait_indirect_dma semaphore(%arg14 : memref<!tpu.dma_semaphore, #tpu.memory_space<semaphore_mem>>) src(%dma_wait3A_30 : memref<50000x64xf32, #tpu.memory_space<hbm>>) dst(%arg11 : memref<128x64xf32, #tpu.memory_space<vmem>>)
    %dma_start3A_31 = arith.constant 0 : i32
    %dma_start3A_32 = arith.constant 0 : i32
    %dma_start3A_33 = tpu.memref_slice %arg2[%dma_start3A_31, %dma_start3A_32] : memref<50000x64xf32, #tpu.memory_space<hbm>> -> memref<50000x64xf32, #tpu.memory_space<hbm>>
    tpu.enqueue_indirect_dma source(%dma_start3A_33 : memref<50000x64xf32, #tpu.memory_space<hbm>>) target(%arg12 : memref<128x64xf32, #tpu.memory_space<vmem>>) offsets(%arg10 : memref<128xi32, #tpu.memory_space<vmem>>) semaphore(%arg14 : memref<!tpu.dma_semaphore, #tpu.memory_space<semaphore_mem>>)
    %dma_wait3A_34 = arith.constant 0 : i32
    %dma_wait3A_35 = arith.constant 0 : i32
    %dma_wait3A_36 = tpu.memref_slice %arg2[%dma_wait3A_34, %dma_wait3A_35] : memref<50000x64xf32, #tpu.memory_space<hbm>> -> memref<50000x64xf32, #tpu.memory_space<hbm>>
    tpu.wait_indirect_dma semaphore(%arg14 : memref<!tpu.dma_semaphore, #tpu.memory_space<semaphore_mem>>) src(%dma_wait3A_36 : memref<50000x64xf32, #tpu.memory_space<hbm>>) dst(%arg12 : memref<128x64xf32, #tpu.memory_space<vmem>>)
    %dma_start3A_37 = arith.constant 0 : i32
    %dma_start3A_38 = arith.constant 0 : i32
    %dma_start3A_39 = tpu.memref_slice %arg3[%dma_start3A_37, %dma_start3A_38] : memref<50000x64xf32, #tpu.memory_space<hbm>> -> memref<50000x64xf32, #tpu.memory_space<hbm>>
    tpu.enqueue_indirect_dma source(%dma_start3A_39 : memref<50000x64xf32, #tpu.memory_space<hbm>>) target(%arg12 : memref<128x64xf32, #tpu.memory_space<vmem>>) offsets(%arg10 : memref<128xi32, #tpu.memory_space<vmem>>) semaphore(%arg14 : memref<!tpu.dma_semaphore, #tpu.memory_space<semaphore_mem>>) {add = true}
    %dma_wait3A_40 = arith.constant 0 : i32
    %dma_wait3A_41 = arith.constant 0 : i32
    %dma_wait3A_42 = tpu.memref_slice %arg3[%dma_wait3A_40, %dma_wait3A_41] : memref<50000x64xf32, #tpu.memory_space<hbm>> -> memref<50000x64xf32, #tpu.memory_space<hbm>>
    tpu.wait_indirect_dma semaphore(%arg14 : memref<!tpu.dma_semaphore, #tpu.memory_space<semaphore_mem>>) src(%dma_wait3A_42 : memref<50000x64xf32, #tpu.memory_space<hbm>>) dst(%arg12 : memref<128x64xf32, #tpu.memory_space<vmem>>)
    %dma_start3A_43 = arith.constant 0 : i32
    %dma_start3A_44 = arith.constant 0 : i32
    %dma_start3A_45 = tpu.memref_slice %arg4[%dma_start3A_43, %dma_start3A_44] : memref<50000x64xf32, #tpu.memory_space<hbm>> -> memref<50000x64xf32, #tpu.memory_space<hbm>>
    tpu.enqueue_indirect_dma source(%dma_start3A_45 : memref<50000x64xf32, #tpu.memory_space<hbm>>) target(%arg12 : memref<128x64xf32, #tpu.memory_space<vmem>>) offsets(%arg10 : memref<128xi32, #tpu.memory_space<vmem>>) semaphore(%arg14 : memref<!tpu.dma_semaphore, #tpu.memory_space<semaphore_mem>>) {add = true}
    %dma_wait3A_46 = arith.constant 0 : i32
    %dma_wait3A_47 = arith.constant 0 : i32
    %dma_wait3A_48 = tpu.memref_slice %arg4[%dma_wait3A_46, %dma_wait3A_47] : memref<50000x64xf32, #tpu.memory_space<hbm>> -> memref<50000x64xf32, #tpu.memory_space<hbm>>
    tpu.wait_indirect_dma semaphore(%arg14 : memref<!tpu.dma_semaphore, #tpu.memory_space<semaphore_mem>>) src(%dma_wait3A_48 : memref<50000x64xf32, #tpu.memory_space<hbm>>) dst(%arg12 : memref<128x64xf32, #tpu.memory_space<vmem>>)
    %dma_start3A_49 = arith.constant 0 : i32
    %dma_start3A_50 = arith.constant 0 : i32
    %dma_start3A_51 = tpu.memref_slice %arg5[%dma_start3A_49, %dma_start3A_50] : memref<50000x64xf32, #tpu.memory_space<hbm>> -> memref<50000x64xf32, #tpu.memory_space<hbm>>
    tpu.enqueue_indirect_dma source(%dma_start3A_51 : memref<50000x64xf32, #tpu.memory_space<hbm>>) target(%arg12 : memref<128x64xf32, #tpu.memory_space<vmem>>) offsets(%arg10 : memref<128xi32, #tpu.memory_space<vmem>>) semaphore(%arg14 : memref<!tpu.dma_semaphore, #tpu.memory_space<semaphore_mem>>) {add = true}
    %dma_wait3A_52 = arith.constant 0 : i32
    %dma_wait3A_53 = arith.constant 0 : i32
    %dma_wait3A_54 = tpu.memref_slice %arg5[%dma_wait3A_52, %dma_wait3A_53] : memref<50000x64xf32, #tpu.memory_space<hbm>> -> memref<50000x64xf32, #tpu.memory_space<hbm>>
    tpu.wait_indirect_dma semaphore(%arg14 : memref<!tpu.dma_semaphore, #tpu.memory_space<semaphore_mem>>) src(%dma_wait3A_54 : memref<50000x64xf32, #tpu.memory_space<hbm>>) dst(%arg12 : memref<128x64xf32, #tpu.memory_space<vmem>>)
    %iota3A = tpu.iota {dimensions = array<i32: 0>} : vector<16xi32>
    %scan3A_55 = arith.constant 0 : i32
    %scan3A_56 = arith.constant 0 : i32
    %scan3A_57 = arith.constant 8 : i32
    %scan3A_58 = arith.addi %scan3A_56, %scan3A_57 : i32
    %scan3A_59 = arith.constant 1 : i32
    %scan3A_60 = scf.for %scan3A_62 = %scan3A_56 to %scan3A_58 step %scan3A_59 iter_args(%scan3A_63 = %scan3A_55) -> (i32)  : i32 {
      %mul3A_64 = arith.constant 16 : i32
      %mul3A_65 = arith.muli %scan3A_62, %mul3A_64 : i32
      %add3A_66 = vector.broadcast %mul3A_65 : i32 to vector<16xi32>
      %add3A_67 = arith.addi %iota3A, %add3A_66 : vector<16xi32>
      %broadcast_in_dim3A = arith.constant 0.000000e+00 : f32
      %broadcast_in_dim3A_68 = vector.broadcast %broadcast_in_dim3A : f32 to vector<16xf32>
      %scan3A_69 = arith.constant 0 : i32
      %scan3A_70 = arith.constant 64 : i32
      %scan3A_71 = arith.addi %scan3A_69, %scan3A_70 : i32
      %scan3A_72 = arith.constant 1 : i32
      %scan3A_73 = scf.for %scan3A_82 = %scan3A_69 to %scan3A_71 step %scan3A_72 iter_args(%scan3A_83 = %broadcast_in_dim3A_68) -> (vector<16xf32>)  : i32 {
        %broadcast_in_dim3A_84 = arith.constant 0 : i32
        %broadcast_in_dim3A_85 = vector.broadcast %broadcast_in_dim3A_84 : i32 to vector<16xi32>
        %add3A_86 = vector.broadcast %scan3A_82 : i32 to vector<16xi32>
        %add3A_87 = arith.addi %broadcast_in_dim3A_85, %add3A_86 : vector<16xi32>
        %gather3A = tpu.vector_load_idx %arg11[%add3A_67, %add3A_87] : memref<128x64xf32, #tpu.memory_space<vmem>>[vector<16xi32>, vector<16xi32>], vector<16xf32>,
        %gather3A_88 = tpu.vector_load_idx %arg12[%add3A_67, %add3A_87] : memref<128x64xf32, #tpu.memory_space<vmem>>[vector<16xi32>, vector<16xi32>], vector<16xf32>,
        %mul3A_89 = arith.mulf %gather3A, %gather3A_88 : vector<16xf32>
        %add3A_90 = arith.addf %scan3A_83, %mul3A_89 : vector<16xf32>
        scf.yield %add3A_90 : vector<16xf32>
      }
      %scan3A_74 = arith.constant 64 : i32
      %mul3A_75 = arith.constant 6.250000e-02 : f32
      %mul3A_76 = vector.broadcast %mul3A_75 : f32 to vector<16xf32>
      %mul3A_77 = arith.mulf %scan3A_73, %mul3A_76 : vector<16xf32>
      %mul3A_78 = arith.constant 16 : i32
      %mul3A_79 = arith.muli %scan3A_62, %mul3A_78 : i32
      %swap3A = arith.index_cast %mul3A_79 : i32 to index
      %swap3A_80 = tpu.vector_load %arg13[%swap3A] {strides = array<i32>} : memref<128xf32, #tpu.memory_space<vmem>>, vector<16xf32>,
      tpu.vector_store %arg13[%swap3A], %mul3A_77 {strides = array<i32>} : memref<128xf32, #tpu.memory_space<vmem>>, vector<16xf32>,
      %scan3A_81 = arith.constant 0 : i32
      scf.yield %scan3A_81 : i32
    }
    %scan3A_61 = arith.constant 8 : i32
    "tpu.region"() ({
      %run_scoped3A = tpu.sem_alloc : memref<!tpu.dma_semaphore, #tpu.memory_space<semaphore_mem>>
      %dma_start3A_62 = tpu.memref_slice %arg8[%mul3A_2] : memref<4096xf32, #tpu.memory_space<hbm>> -> memref<128xf32, #tpu.memory_space<hbm>>
      %dma_start3A_63 = tpu.memref_slice %arg8[%mul3A_2] : memref<4096xf32, #tpu.memory_space<hbm>> -> memref<128xf32, #tpu.memory_space<hbm>>
      tpu.enqueue_dma source(%arg13 : memref<128xf32, #tpu.memory_space<vmem>>) target(%dma_start3A_63 : memref<128xf32, #tpu.memory_space<hbm>>) target_semaphore(%run_scoped3A : memref<!tpu.dma_semaphore, #tpu.memory_space<semaphore_mem>>)
      %dma_wait3A_64 = tpu.memref_slice %arg8[%mul3A_2] : memref<4096xf32, #tpu.memory_space<hbm>> -> memref<128xf32, #tpu.memory_space<hbm>>
      %dma_wait3A_65 = tpu.memref_slice %arg8[%mul3A_2] : memref<4096xf32, #tpu.memory_space<hbm>> -> memref<128xf32, #tpu.memory_space<hbm>>
      tpu.wait_dma2 semaphore(%run_scoped3A : memref<!tpu.dma_semaphore, #tpu.memory_space<semaphore_mem>>) src(%arg13 : memref<128xf32, #tpu.memory_space<vmem>>) dst(%dma_wait3A_65 : memref<128xf32, #tpu.memory_space<hbm>>)
      tpu.yield
    }) : () -> ()
    return
  }
}

#map = affine_map<(d0, d1) -> (0, 0)>
#map1 = affine_map<(d0, d1) -> (0)>
module attributes {stable_mosaic.version = 14 : i64} {
  func.func @_spmm(%arg0: i32, %arg1: i32, %arg2: memref<50000x64xf32, #tpu.memory_space<hbm>>, %arg3: memref<800000xi32, #tpu.memory_space<hbm>>, %arg4: memref<800000xi32, #tpu.memory_space<hbm>>, %arg5: memref<800000xf32, #tpu.memory_space<hbm>>, %arg6: memref<1563x64xf32, #tpu.memory_space<hbm>>, %arg7: memref<50000x64xf32, #tpu.memory_space<hbm>>, %arg8: memref<25008x64xf32, #tpu.memory_space<vmem_shared>>, %arg9: memref<2000xi32, #tpu.memory_space<vmem>>, %arg10: memref<2000xi32, #tpu.memory_space<vmem>>, %arg11: memref<2000xf32, #tpu.memory_space<vmem>>, %arg12: memref<2x80xi32, #tpu.memory_space<vmem>>, %arg13: memref<2x80x64xf32, #tpu.memory_space<vmem>>, %arg14: memref<50x64xf32, #tpu.memory_space<vmem>>, %arg15: memref<50x64xf32, #tpu.memory_space<vmem>>, %arg16: memref<!tpu.dma_semaphore, #tpu.memory_space<semaphore_mem>>, %arg17: memref<!tpu.dma_semaphore, #tpu.memory_space<semaphore_mem>>) attributes {dimension_semantics = [#tpu.dimension_semantics<core_parallel>, #tpu.dimension_semantics<subcore_parallel>], iteration_bounds = array<i64: 2, 16>, scalar_prefetch = 0 : i64, scratch_operands = 10 : i64, tpu.core_type = #tpu.core_type<sc_vector_subcore>, window_params = [{transform_indices = #map}, {transform_indices = #map1}, {transform_indices = #map1}, {transform_indices = #map1}, {transform_indices = #map}, {transform_indices = #map}]} {
    %mul3A = arith.constant 1563 : i32
    %mul3A_0 = arith.muli %arg1, %mul3A : i32
    "tpu.region"() ({
      %run_scoped3A = tpu.sem_alloc : memref<!tpu.dma_semaphore, #tpu.memory_space<semaphore_mem>>
      %dma_start3A_68 = arith.constant 0 : i32
      %dma_start3A_69 = tpu.memref_slice %arg8[%mul3A_0, %dma_start3A_68] : memref<25008x64xf32, #tpu.memory_space<vmem_shared>> -> memref<1563x64xf32, #tpu.memory_space<vmem_shared>>
      tpu.enqueue_dma source(%arg6 : memref<1563x64xf32, #tpu.memory_space<hbm>>) target(%dma_start3A_69 : memref<1563x64xf32, #tpu.memory_space<vmem_shared>>) target_semaphore(%run_scoped3A : memref<!tpu.dma_semaphore, #tpu.memory_space<semaphore_mem>>)
      %dma_wait3A_70 = arith.constant 0 : i32
      %dma_wait3A_71 = tpu.memref_slice %arg8[%mul3A_0, %dma_wait3A_70] : memref<25008x64xf32, #tpu.memory_space<vmem_shared>> -> memref<1563x64xf32, #tpu.memory_space<vmem_shared>>
      tpu.wait_dma2 semaphore(%run_scoped3A : memref<!tpu.dma_semaphore, #tpu.memory_space<semaphore_mem>>) src(%arg6 : memref<1563x64xf32, #tpu.memory_space<hbm>>) dst(%dma_wait3A_71 : memref<1563x64xf32, #tpu.memory_space<vmem_shared>>)
      tpu.yield
    }) : () -> ()
    %barrier3A = arith.constant 0 : index
    tpu.barrier barrier_id(%barrier3A)
    %mul3A_1 = arith.constant 50000 : i32
    %mul3A_2 = arith.muli %arg1, %mul3A_1 : i32
    %add3A = arith.constant 0 : i32
    %add3A_3 = arith.addi %mul3A_2, %add3A : i32
    "tpu.region"() ({
      %run_scoped3A = tpu.sem_alloc : memref<!tpu.dma_semaphore, #tpu.memory_space<semaphore_mem>>
      %dma_start3A_68 = tpu.memref_slice %arg3[%add3A_3] : memref<800000xi32, #tpu.memory_space<hbm>> -> memref<2000xi32, #tpu.memory_space<hbm>>
      %dma_start3A_69 = tpu.memref_slice %arg3[%add3A_3] : memref<800000xi32, #tpu.memory_space<hbm>> -> memref<2000xi32, #tpu.memory_space<hbm>>
      tpu.enqueue_dma source(%dma_start3A_69 : memref<2000xi32, #tpu.memory_space<hbm>>) target(%arg9 : memref<2000xi32, #tpu.memory_space<vmem>>) target_semaphore(%run_scoped3A : memref<!tpu.dma_semaphore, #tpu.memory_space<semaphore_mem>>)
      %dma_wait3A_70 = tpu.memref_slice %arg3[%add3A_3] : memref<800000xi32, #tpu.memory_space<hbm>> -> memref<2000xi32, #tpu.memory_space<hbm>>
      %dma_wait3A_71 = tpu.memref_slice %arg3[%add3A_3] : memref<800000xi32, #tpu.memory_space<hbm>> -> memref<2000xi32, #tpu.memory_space<hbm>>
      tpu.wait_dma2 semaphore(%run_scoped3A : memref<!tpu.dma_semaphore, #tpu.memory_space<semaphore_mem>>) src(%dma_wait3A_71 : memref<2000xi32, #tpu.memory_space<hbm>>) dst(%arg9 : memref<2000xi32, #tpu.memory_space<vmem>>)
      tpu.yield
    }) : () -> ()
    "tpu.region"() ({
      %run_scoped3A = tpu.sem_alloc : memref<!tpu.dma_semaphore, #tpu.memory_space<semaphore_mem>>
      %dma_start3A_68 = tpu.memref_slice %arg4[%add3A_3] : memref<800000xi32, #tpu.memory_space<hbm>> -> memref<2000xi32, #tpu.memory_space<hbm>>
      %dma_start3A_69 = tpu.memref_slice %arg4[%add3A_3] : memref<800000xi32, #tpu.memory_space<hbm>> -> memref<2000xi32, #tpu.memory_space<hbm>>
      tpu.enqueue_dma source(%dma_start3A_69 : memref<2000xi32, #tpu.memory_space<hbm>>) target(%arg10 : memref<2000xi32, #tpu.memory_space<vmem>>) target_semaphore(%run_scoped3A : memref<!tpu.dma_semaphore, #tpu.memory_space<semaphore_mem>>)
      %dma_wait3A_70 = tpu.memref_slice %arg4[%add3A_3] : memref<800000xi32, #tpu.memory_space<hbm>> -> memref<2000xi32, #tpu.memory_space<hbm>>
      %dma_wait3A_71 = tpu.memref_slice %arg4[%add3A_3] : memref<800000xi32, #tpu.memory_space<hbm>> -> memref<2000xi32, #tpu.memory_space<hbm>>
      tpu.wait_dma2 semaphore(%run_scoped3A : memref<!tpu.dma_semaphore, #tpu.memory_space<semaphore_mem>>) src(%dma_wait3A_71 : memref<2000xi32, #tpu.memory_space<hbm>>) dst(%arg10 : memref<2000xi32, #tpu.memory_space<vmem>>)
      tpu.yield
    }) : () -> ()
    "tpu.region"() ({
      %run_scoped3A = tpu.sem_alloc : memref<!tpu.dma_semaphore, #tpu.memory_space<semaphore_mem>>
      %dma_start3A_68 = tpu.memref_slice %arg5[%add3A_3] : memref<800000xf32, #tpu.memory_space<hbm>> -> memref<2000xf32, #tpu.memory_space<hbm>>
      %dma_start3A_69 = tpu.memref_slice %arg5[%add3A_3] : memref<800000xf32, #tpu.memory_space<hbm>> -> memref<2000xf32, #tpu.memory_space<hbm>>
      tpu.enqueue_dma source(%dma_start3A_69 : memref<2000xf32, #tpu.memory_space<hbm>>) target(%arg11 : memref<2000xf32, #tpu.memory_space<vmem>>) target_semaphore(%run_scoped3A : memref<!tpu.dma_semaphore, #tpu.memory_space<semaphore_mem>>)
      %dma_wait3A_70 = tpu.memref_slice %arg5[%add3A_3] : memref<800000xf32, #tpu.memory_space<hbm>> -> memref<2000xf32, #tpu.memory_space<hbm>>
      %dma_wait3A_71 = tpu.memref_slice %arg5[%add3A_3] : memref<800000xf32, #tpu.memory_space<hbm>> -> memref<2000xf32, #tpu.memory_space<hbm>>
      tpu.wait_dma2 semaphore(%run_scoped3A : memref<!tpu.dma_semaphore, #tpu.memory_space<semaphore_mem>>) src(%dma_wait3A_71 : memref<2000xf32, #tpu.memory_space<hbm>>) dst(%arg11 : memref<2000xf32, #tpu.memory_space<vmem>>)
      tpu.yield
    }) : () -> ()
    %rem3A = arith.constant 0 : i32
    %rem3A_4 = arith.constant 25 : i32
    %rem3A_5 = arith.remsi %rem3A, %rem3A_4 : i32
    %mul3A_6 = arith.constant 80 : i32
    %mul3A_7 = arith.muli %rem3A_5, %mul3A_6 : i32
    %dma_start3A = arith.constant 0 : i32
    %dma_start3A_8 = arith.constant 0 : i32
    %dma_start3A_9 = arith.constant 0 : i32
    %dma_start3A_10 = tpu.memref_slice %arg13[%dma_start3A, %dma_start3A_8, %dma_start3A_9] : memref<2x80x64xf32, #tpu.memory_space<vmem>> -> memref<1x80x64xf32, #tpu.memory_space<vmem>>
    %dma_start3A_11 = tpu.memref_squeeze %dma_start3A_10 : memref<1x80x64xf32, #tpu.memory_space<vmem>> -> memref<80x64xf32, #tpu.memory_space<vmem>>
    %dma_start3A_12 = tpu.memref_slice %arg9[%mul3A_7] : memref<2000xi32, #tpu.memory_space<vmem>> -> memref<80xi32, #tpu.memory_space<vmem>>
    %dma_start3A_13 = arith.constant 0 : i32
    %dma_start3A_14 = arith.constant 0 : i32
    %dma_start3A_15 = tpu.memref_slice %arg2[%dma_start3A_13, %dma_start3A_14] : memref<50000x64xf32, #tpu.memory_space<hbm>> -> memref<50000x64xf32, #tpu.memory_space<hbm>>
    tpu.enqueue_indirect_dma source(%dma_start3A_15 : memref<50000x64xf32, #tpu.memory_space<hbm>>) target(%dma_start3A_11 : memref<80x64xf32, #tpu.memory_space<vmem>>) offsets(%dma_start3A_12 : memref<80xi32, #tpu.memory_space<vmem>>) semaphore(%arg16 : memref<!tpu.dma_semaphore, #tpu.memory_space<semaphore_mem>>)
    %scan3A = arith.constant 0 : i32
    %scan3A_16 = arith.constant 0 : i32
    %scan3A_17 = arith.constant 625 : i32
    %scan3A_18 = arith.addi %scan3A_16, %scan3A_17 : i32
    %scan3A_19 = arith.constant 1 : i32
    %scan3A_20 = scf.for %scan3A_68 = %scan3A_16 to %scan3A_18 step %scan3A_19 iter_args(%scan3A_69 = %scan3A) -> (i32)  : i32 {
      %rem3A_70 = arith.constant 2 : i32
      %rem3A_71 = arith.remsi %scan3A_68, %rem3A_70 : i32
      %sub3A_72 = arith.constant 1 : i32
      %sub3A_73 = arith.subi %sub3A_72, %rem3A_71 : i32
      %dma_wait3A_74 = arith.constant 0 : i32
      %dma_wait3A_75 = arith.constant 0 : i32
      %dma_wait3A_76 = tpu.memref_slice %arg13[%rem3A_71, %dma_wait3A_74, %dma_wait3A_75] : memref<2x80x64xf32, #tpu.memory_space<vmem>> -> memref<1x80x64xf32, #tpu.memory_space<vmem>>
      %dma_wait3A_77 = tpu.memref_squeeze %dma_wait3A_76 : memref<1x80x64xf32, #tpu.memory_space<vmem>> -> memref<80x64xf32, #tpu.memory_space<vmem>>
      %dma_wait3A_78 = arith.constant 0 : i32
      %dma_wait3A_79 = tpu.memref_slice %arg9[%dma_wait3A_78] : memref<2000xi32, #tpu.memory_space<vmem>> -> memref<80xi32, #tpu.memory_space<vmem>>
      %dma_wait3A_80 = arith.constant 0 : i32
      %dma_wait3A_81 = arith.constant 0 : i32
      %dma_wait3A_82 = tpu.memref_slice %arg2[%dma_wait3A_80, %dma_wait3A_81] : memref<50000x64xf32, #tpu.memory_space<hbm>> -> memref<50000x64xf32, #tpu.memory_space<hbm>>
      tpu.wait_indirect_dma semaphore(%arg16 : memref<!tpu.dma_semaphore, #tpu.memory_space<semaphore_mem>>) src(%dma_wait3A_82 : memref<50000x64xf32, #tpu.memory_space<hbm>>) dst(%dma_wait3A_77 : memref<80x64xf32, #tpu.memory_space<vmem>>)
      %add3A_83 = arith.constant 1 : i32
      %add3A_84 = arith.addi %scan3A_68, %add3A_83 : i32
      %rem3A_85 = arith.constant 25 : i32
      %rem3A_86 = arith.remsi %add3A_84, %rem3A_85 : i32
      %eq3A = arith.constant 0 : i32
      %eq3A_87 = arith.cmpi eq, %rem3A_86, %eq3A : i32
      %add3A_88 = arith.constant 1 : i32
      %add3A_89 = arith.addi %scan3A_68, %add3A_88 : i32
      %lt3A = arith.constant 625 : i32
      %lt3A_90 = arith.cmpi slt, %add3A_89, %lt3A : i32
      %gt3A = arith.constant 0 : i32
      %gt3A_91 = arith.cmpi sgt, %scan3A_68, %gt3A : i32
      %convert_element_type3A = arith.extui %gt3A_91 : i1 to i32
      %cond3A = arith.constant 0 : i32
      %cond3A_92 = arith.cmpi ne, %convert_element_type3A, %cond3A : i32
      scf.if %cond3A_92 {
        %dma_wait3A_124 = arith.constant 0 : i32
        %dma_wait3A_125 = arith.constant 0 : i32
        %dma_wait3A_126 = tpu.memref_slice %arg13[%sub3A_73, %dma_wait3A_124, %dma_wait3A_125] : memref<2x80x64xf32, #tpu.memory_space<vmem>> -> memref<1x80x64xf32, #tpu.memory_space<vmem>>
        %dma_wait3A_127 = tpu.memref_squeeze %dma_wait3A_126 : memref<1x80x64xf32, #tpu.memory_space<vmem>> -> memref<80x64xf32, #tpu.memory_space<vmem>>
        %dma_wait3A_128 = arith.constant 0 : i32
        %dma_wait3A_129 = tpu.memref_slice %arg12[%sub3A_73, %dma_wait3A_128] : memref<2x80xi32, #tpu.memory_space<vmem>> -> memref<1x80xi32, #tpu.memory_space<vmem>>
        %dma_wait3A_130 = tpu.memref_squeeze %dma_wait3A_129 : memref<1x80xi32, #tpu.memory_space<vmem>> -> memref<80xi32, #tpu.memory_space<vmem>>
        %dma_wait3A_131 = arith.constant 0 : i32
        %dma_wait3A_132 = arith.constant 0 : i32
        %dma_wait3A_133 = tpu.memref_slice %arg8[%dma_wait3A_131, %dma_wait3A_132] : memref<25008x64xf32, #tpu.memory_space<vmem_shared>> -> memref<25008x64xf32, #tpu.memory_space<vmem_shared>>
        tpu.wait_indirect_dma semaphore(%arg17 : memref<!tpu.dma_semaphore, #tpu.memory_space<semaphore_mem>>) src(%dma_wait3A_127 : memref<80x64xf32, #tpu.memory_space<vmem>>) dst(%dma_wait3A_133 : memref<25008x64xf32, #tpu.memory_space<vmem_shared>>)
      } else {
      }
      %not3A = arith.constant true
      %not3A_93 = arith.xori %eq3A_87, %not3A : i1
      %and3A_94 = arith.andi %lt3A_90, %not3A_93 : i1
      %convert_element_type3A_95 = arith.extui %and3A_94 : i1 to i32
      %cond3A_96 = arith.constant 0 : i32
      %cond3A_97 = arith.cmpi ne, %convert_element_type3A_95, %cond3A_96 : i32
      scf.if %cond3A_97 {
        %add3A_124 = arith.constant 1 : i32
        %add3A_125 = arith.addi %scan3A_68, %add3A_124 : i32
        %rem3A_126 = arith.constant 25 : i32
        %rem3A_127 = arith.remsi %add3A_125, %rem3A_126 : i32
        %mul3A_128 = arith.constant 80 : i32
        %mul3A_129 = arith.muli %rem3A_127, %mul3A_128 : i32
        %dma_start3A_130 = arith.constant 0 : i32
        %dma_start3A_131 = arith.constant 0 : i32
        %dma_start3A_132 = tpu.memref_slice %arg13[%sub3A_73, %dma_start3A_130, %dma_start3A_131] : memref<2x80x64xf32, #tpu.memory_space<vmem>> -> memref<1x80x64xf32, #tpu.memory_space<vmem>>
        %dma_start3A_133 = tpu.memref_squeeze %dma_start3A_132 : memref<1x80x64xf32, #tpu.memory_space<vmem>> -> memref<80x64xf32, #tpu.memory_space<vmem>>
        %dma_start3A_134 = tpu.memref_slice %arg9[%mul3A_129] : memref<2000xi32, #tpu.memory_space<vmem>> -> memref<80xi32, #tpu.memory_space<vmem>>
        %dma_start3A_135 = arith.constant 0 : i32
        %dma_start3A_136 = arith.constant 0 : i32
        %dma_start3A_137 = tpu.memref_slice %arg2[%dma_start3A_135, %dma_start3A_136] : memref<50000x64xf32, #tpu.memory_space<hbm>> -> memref<50000x64xf32, #tpu.memory_space<hbm>>
        tpu.enqueue_indirect_dma source(%dma_start3A_137 : memref<50000x64xf32, #tpu.memory_space<hbm>>) target(%dma_start3A_133 : memref<80x64xf32, #tpu.memory_space<vmem>>) offsets(%dma_start3A_134 : memref<80xi32, #tpu.memory_space<vmem>>) semaphore(%arg16 : memref<!tpu.dma_semaphore, #tpu.memory_space<semaphore_mem>>)
      } else {
      }
      %rem3A_98 = arith.constant 25 : i32
      %rem3A_99 = arith.remsi %scan3A_68, %rem3A_98 : i32
      %mul3A_100 = arith.constant 80 : i32
      %mul3A_101 = arith.muli %rem3A_99, %mul3A_100 : i32
      %scan3A_102 = arith.constant 0 : i32
      %scan3A_103 = arith.constant 0 : i32
      %scan3A_104 = arith.constant 5 : i32
      %scan3A_105 = arith.addi %scan3A_103, %scan3A_104 : i32
      %scan3A_106 = arith.constant 1 : i32
      %scan3A_107 = scf.for %scan3A_124 = %scan3A_103 to %scan3A_105 step %scan3A_106 iter_args(%scan3A_125 = %scan3A_102) -> (i32)  : i32 {
        %mul3A_126 = arith.constant 16 : i32
        %mul3A_127 = arith.muli %scan3A_124, %mul3A_126 : i32
        %add3A_128 = arith.addi %mul3A_101, %mul3A_127 : i32
        %get3A = arith.index_cast %add3A_128 : i32 to index
        %get3A_129 = tpu.vector_load %arg10[%get3A] {strides = array<i32>} : memref<2000xi32, #tpu.memory_space<vmem>>, vector<16xi32>,
        %mul3A_130 = arith.constant 25000 : i32
        %mul3A_131 = arith.muli %arg0, %mul3A_130 : i32
        %sub3A_132 = vector.broadcast %mul3A_131 : i32 to vector<16xi32>
        %sub3A_133 = arith.subi %get3A_129, %sub3A_132 : vector<16xi32>
        %ge3A = arith.constant 0 : i32
        %ge3A_134 = vector.broadcast %ge3A : i32 to vector<16xi32>
        %ge3A_135 = arith.cmpi sge, %sub3A_133, %ge3A_134 : vector<16xi32>
        %lt3A_136 = arith.constant 25000 : i32
        %lt3A_137 = vector.broadcast %lt3A_136 : i32 to vector<16xi32>
        %lt3A_138 = arith.cmpi slt, %sub3A_133, %lt3A_137 : vector<16xi32>
        %and3A_139 = arith.andi %ge3A_135, %lt3A_138 : vector<16xi1>
        %jit3A_140 = arith.constant 25000 : i32
        %broadcast_in_dim3A = vector.broadcast %jit3A_140 : i32 to vector<16xi32>
        %select_n3A_141 = arith.select %and3A_139, %sub3A_133, %broadcast_in_dim3A : vector<16xi1>, vector<16xi32>
        %mul3A_142 = arith.constant 16 : i32
        %mul3A_143 = arith.muli %scan3A_124, %mul3A_142 : i32
        %swap3A = arith.index_cast %rem3A_71 : i32 to index
        %swap3A_144 = arith.index_cast %mul3A_143 : i32 to index
        %swap3A_145 = tpu.vector_load %arg12[%swap3A, %swap3A_144] {strides = array<i32>} : memref<2x80xi32, #tpu.memory_space<vmem>>, vector<16xi32>,
        tpu.vector_store %arg12[%swap3A, %swap3A_144], %select_n3A_141 {strides = array<i32>} : memref<2x80xi32, #tpu.memory_space<vmem>>, vector<16xi32>,
        %get3A_146 = arith.index_cast %add3A_128 : i32 to index
        %get3A_147 = tpu.vector_load %arg11[%get3A_146] {strides = array<i32>} : memref<2000xf32, #tpu.memory_space<vmem>>, vector<16xf32>,
        %broadcast_in_dim3A_148 = arith.constant 0 : i32
        %broadcast_in_dim3A_149 = vector.broadcast %broadcast_in_dim3A_148 : i32 to vector<16xi32>
        %broadcast_in_dim3A_150 = vector.shape_cast %broadcast_in_dim3A_149 : vector<16xi32> to vector<16x1xi32>
        %gather3A = vector.shape_cast %broadcast_in_dim3A_150 : vector<16x1xi32> to vector<16xi32>
        %gather3A_151 = tpu.dynamic_gather %get3A_147[%gather3A] in [0] : vector<16xf32>, vector<16xi32> -> vector<16xf32>
        %mul3A_152 = arith.constant 16 : i32
        %mul3A_153 = arith.muli %scan3A_124, %mul3A_152 : i32
        %add3A_154 = arith.constant 0 : i32
        %add3A_155 = arith.addi %mul3A_153, %add3A_154 : i32
        %get3A_156 = arith.index_cast %rem3A_71 : i32 to index
        %get3A_157 = arith.index_cast %add3A_155 : i32 to index
        %get3A_158 = arith.constant 0 : index
        %get3A_159 = tpu.vector_load %arg13[%get3A_156, %get3A_157, %get3A_158] {strides = array<i32>} : memref<2x80x64xf32, #tpu.memory_space<vmem>>, vector<16xf32>,
        %mul3A_160 = arith.mulf %get3A_159, %gather3A_151 : vector<16xf32>
        %swap3A_161 = arith.index_cast %rem3A_71 : i32 to index
        %swap3A_162 = arith.index_cast %add3A_155 : i32 to index
        %swap3A_163 = arith.constant 0 : index
        %swap3A_164 = tpu.vector_load %arg13[%swap3A_161, %swap3A_162, %swap3A_163] {strides = array<i32>} : memref<2x80x64xf32, #tpu.memory_space<vmem>>, vector<16xf32>,
        tpu.vector_store %arg13[%swap3A_161, %swap3A_162, %swap3A_163], %mul3A_160 {strides = array<i32>} : memref<2x80x64xf32, #tpu.memory_space<vmem>>, vector<16xf32>,
        %get3A_165 = arith.index_cast %rem3A_71 : i32 to index
        %get3A_166 = arith.index_cast %add3A_155 : i32 to index
        %get3A_167 = arith.constant 16 : index
        %get3A_168 = tpu.vector_load %arg13[%get3A_165, %get3A_166, %get3A_167] {strides = array<i32>} : memref<2x80x64xf32, #tpu.memory_space<vmem>>, vector<16xf32>,
        %mul3A_169 = arith.mulf %get3A_168, %gather3A_151 : vector<16xf32>
        %swap3A_170 = arith.index_cast %rem3A_71 : i32 to index
        %swap3A_171 = arith.index_cast %add3A_155 : i32 to index
        %swap3A_172 = arith.constant 16 : index
        %swap3A_173 = tpu.vector_load %arg13[%swap3A_170, %swap3A_171, %swap3A_172] {strides = array<i32>} : memref<2x80x64xf32, #tpu.memory_space<vmem>>, vector<16xf32>,
        tpu.vector_store %arg13[%swap3A_170, %swap3A_171, %swap3A_172], %mul3A_169 {strides = array<i32>} : memref<2x80x64xf32, #tpu.memory_space<vmem>>, vector<16xf32>,
        %get3A_174 = arith.index_cast %rem3A_71 : i32 to index
        %get3A_175 = arith.index_cast %add3A_155 : i32 to index
        %get3A_176 = arith.constant 32 : index
        %get3A_177 = tpu.vector_load %arg13[%get3A_174, %get3A_175, %get3A_176] {strides = array<i32>} : memref<2x80x64xf32, #tpu.memory_space<vmem>>, vector<16xf32>,
        %mul3A_178 = arith.mulf %get3A_177, %gather3A_151 : vector<16xf32>
        %swap3A_179 = arith.index_cast %rem3A_71 : i32 to index
        %swap3A_180 = arith.index_cast %add3A_155 : i32 to index
        %swap3A_181 = arith.constant 32 : index
        %swap3A_182 = tpu.vector_load %arg13[%swap3A_179, %swap3A_180, %swap3A_181] {strides = array<i32>} : memref<2x80x64xf32, #tpu.memory_space<vmem>>, vector<16xf32>,
        tpu.vector_store %arg13[%swap3A_179, %swap3A_180, %swap3A_181], %mul3A_178 {strides = array<i32>} : memref<2x80x64xf32, #tpu.memory_space<vmem>>, vector<16xf32>,
        %get3A_183 = arith.index_cast %rem3A_71 : i32 to index
        %get3A_184 = arith.index_cast %add3A_155 : i32 to index
        %get3A_185 = arith.constant 48 : index
        %get3A_186 = tpu.vector_load %arg13[%get3A_183, %get3A_184, %get3A_185] {strides = array<i32>} : memref<2x80x64xf32, #tpu.memory_space<vmem>>, vector<16xf32>,
        %mul3A_187 = arith.mulf %get3A_186, %gather3A_151 : vector<16xf32>
        %swap3A_188 = arith.index_cast %rem3A_71 : i32 to index
        %swap3A_189 = arith.index_cast %add3A_155 : i32 to index
        %swap3A_190 = arith.constant 48 : index
        %swap3A_191 = tpu.vector_load %arg13[%swap3A_188, %swap3A_189, %swap3A_190] {strides = array<i32>} : memref<2x80x64xf32, #tpu.memory_space<vmem>>, vector<16xf32>,
        tpu.vector_store %arg13[%swap3A_188, %swap3A_189, %swap3A_190], %mul3A_187 {strides = array<i32>} : memref<2x80x64xf32, #tpu.memory_space<vmem>>, vector<16xf32>,
        %broadcast_in_dim3A_192 = arith.constant 1 : i32
        %broadcast_in_dim3A_193 = vector.broadcast %broadcast_in_dim3A_192 : i32 to vector<16xi32>
        %broadcast_in_dim3A_194 = vector.shape_cast %broadcast_in_dim3A_193 : vector<16xi32> to vector<16x1xi32>
        %gather3A_195 = vector.shape_cast %broadcast_in_dim3A_194 : vector<16x1xi32> to vector<16xi32>
        %gather3A_196 = tpu.dynamic_gather %get3A_147[%gather3A_195] in [0] : vector<16xf32>, vector<16xi32> -> vector<16xf32>
        %mul3A_197 = arith.constant 16 : i32
        %mul3A_198 = arith.muli %scan3A_124, %mul3A_197 : i32
        %add3A_199 = arith.constant 1 : i32
        %add3A_200 = arith.addi %mul3A_198, %add3A_199 : i32
        %get3A_201 = arith.index_cast %rem3A_71 : i32 to index
        %get3A_202 = arith.index_cast %add3A_200 : i32 to index
        %get3A_203 = arith.constant 0 : index
        %get3A_204 = tpu.vector_load %arg13[%get3A_201, %get3A_202, %get3A_203] {strides = array<i32>} : memref<2x80x64xf32, #tpu.memory_space<vmem>>, vector<16xf32>,
        %mul3A_205 = arith.mulf %get3A_204, %gather3A_196 : vector<16xf32>
        %swap3A_206 = arith.index_cast %rem3A_71 : i32 to index
        %swap3A_207 = arith.index_cast %add3A_200 : i32 to index
        %swap3A_208 = arith.constant 0 : index
        %swap3A_209 = tpu.vector_load %arg13[%swap3A_206, %swap3A_207, %swap3A_208] {strides = array<i32>} : memref<2x80x64xf32, #tpu.memory_space<vmem>>, vector<16xf32>,
        tpu.vector_store %arg13[%swap3A_206, %swap3A_207, %swap3A_208], %mul3A_205 {strides = array<i32>} : memref<2x80x64xf32, #tpu.memory_space<vmem>>, vector<16xf32>,
        %get3A_210 = arith.index_cast %rem3A_71 : i32 to index
        %get3A_211 = arith.index_cast %add3A_200 : i32 to index
        %get3A_212 = arith.constant 16 : index
        %get3A_213 = tpu.vector_load %arg13[%get3A_210, %get3A_211, %get3A_212] {strides = array<i32>} : memref<2x80x64xf32, #tpu.memory_space<vmem>>, vector<16xf32>,
        %mul3A_214 = arith.mulf %get3A_213, %gather3A_196 : vector<16xf32>
        %swap3A_215 = arith.index_cast %rem3A_71 : i32 to index
        %swap3A_216 = arith.index_cast %add3A_200 : i32 to index
        %swap3A_217 = arith.constant 16 : index
        %swap3A_218 = tpu.vector_load %arg13[%swap3A_215, %swap3A_216, %swap3A_217] {strides = array<i32>} : memref<2x80x64xf32, #tpu.memory_space<vmem>>, vector<16xf32>,
        tpu.vector_store %arg13[%swap3A_215, %swap3A_216, %swap3A_217], %mul3A_214 {strides = array<i32>} : memref<2x80x64xf32, #tpu.memory_space<vmem>>, vector<16xf32>,
        %get3A_219 = arith.index_cast %rem3A_71 : i32 to index
        %get3A_220 = arith.index_cast %add3A_200 : i32 to index
        %get3A_221 = arith.constant 32 : index
        %get3A_222 = tpu.vector_load %arg13[%get3A_219, %get3A_220, %get3A_221] {strides = array<i32>} : memref<2x80x64xf32, #tpu.memory_space<vmem>>, vector<16xf32>,
        %mul3A_223 = arith.mulf %get3A_222, %gather3A_196 : vector<16xf32>
        %swap3A_224 = arith.index_cast %rem3A_71 : i32 to index
        %swap3A_225 = arith.index_cast %add3A_200 : i32 to index
        %swap3A_226 = arith.constant 32 : index
        %swap3A_227 = tpu.vector_load %arg13[%swap3A_224, %swap3A_225, %swap3A_226] {strides = array<i32>} : memref<2x80x64xf32, #tpu.memory_space<vmem>>, vector<16xf32>,
        tpu.vector_store %arg13[%swap3A_224, %swap3A_225, %swap3A_226], %mul3A_223 {strides = array<i32>} : memref<2x80x64xf32, #tpu.memory_space<vmem>>, vector<16xf32>,
        %get3A_228 = arith.index_cast %rem3A_71 : i32 to index
        %get3A_229 = arith.index_cast %add3A_200 : i32 to index
        %get3A_230 = arith.constant 48 : index
        %get3A_231 = tpu.vector_load %arg13[%get3A_228, %get3A_229, %get3A_230] {strides = array<i32>} : memref<2x80x64xf32, #tpu.memory_space<vmem>>, vector<16xf32>,
        %mul3A_232 = arith.mulf %get3A_231, %gather3A_196 : vector<16xf32>
        %swap3A_233 = arith.index_cast %rem3A_71 : i32 to index
        %swap3A_234 = arith.index_cast %add3A_200 : i32 to index
        %swap3A_235 = arith.constant 48 : index
        %swap3A_236 = tpu.vector_load %arg13[%swap3A_233, %swap3A_234, %swap3A_235] {strides = array<i32>} : memref<2x80x64xf32, #tpu.memory_space<vmem>>, vector<16xf32>,
        tpu.vector_store %arg13[%swap3A_233, %swap3A_234, %swap3A_235], %mul3A_232 {strides = array<i32>} : memref<2x80x64xf32, #tpu.memory_space<vmem>>, vector<16xf32>,
        %broadcast_in_dim3A_237 = arith.constant 2 : i32
        %broadcast_in_dim3A_238 = vector.broadcast %broadcast_in_dim3A_237 : i32 to vector<16xi32>
        %broadcast_in_dim3A_239 = vector.shape_cast %broadcast_in_dim3A_238 : vector<16xi32> to vector<16x1xi32>
        %gather3A_240 = vector.shape_cast %broadcast_in_dim3A_239 : vector<16x1xi32> to vector<16xi32>
        %gather3A_241 = tpu.dynamic_gather %get3A_147[%gather3A_240] in [0] : vector<16xf32>, vector<16xi32> -> vector<16xf32>
        %mul3A_242 = arith.constant 16 : i32
        %mul3A_243 = arith.muli %scan3A_124, %mul3A_242 : i32
        %add3A_244 = arith.constant 2 : i32
        %add3A_245 = arith.addi %mul3A_243, %add3A_244 : i32
        %get3A_246 = arith.index_cast %rem3A_71 : i32 to index
        %get3A_247 = arith.index_cast %add3A_245 : i32 to index
        %get3A_248 = arith.constant 0 : index
        %get3A_249 = tpu.vector_load %arg13[%get3A_246, %get3A_247, %get3A_248] {strides = array<i32>} : memref<2x80x64xf32, #tpu.memory_space<vmem>>, vector<16xf32>,
        %mul3A_250 = arith.mulf %get3A_249, %gather3A_241 : vector<16xf32>
        %swap3A_251 = arith.index_cast %rem3A_71 : i32 to index
        %swap3A_252 = arith.index_cast %add3A_245 : i32 to index
        %swap3A_253 = arith.constant 0 : index
        %swap3A_254 = tpu.vector_load %arg13[%swap3A_251, %swap3A_252, %swap3A_253] {strides = array<i32>} : memref<2x80x64xf32, #tpu.memory_space<vmem>>, vector<16xf32>,
        tpu.vector_store %arg13[%swap3A_251, %swap3A_252, %swap3A_253], %mul3A_250 {strides = array<i32>} : memref<2x80x64xf32, #tpu.memory_space<vmem>>, vector<16xf32>,
        %get3A_255 = arith.index_cast %rem3A_71 : i32 to index
        %get3A_256 = arith.index_cast %add3A_245 : i32 to index
        %get3A_257 = arith.constant 16 : index
        %get3A_258 = tpu.vector_load %arg13[%get3A_255, %get3A_256, %get3A_257] {strides = array<i32>} : memref<2x80x64xf32, #tpu.memory_space<vmem>>, vector<16xf32>,
        %mul3A_259 = arith.mulf %get3A_258, %gather3A_241 : vector<16xf32>
        %swap3A_260 = arith.index_cast %rem3A_71 : i32 to index
        %swap3A_261 = arith.index_cast %add3A_245 : i32 to index
        %swap3A_262 = arith.constant 16 : index
        %swap3A_263 = tpu.vector_load %arg13[%swap3A_260, %swap3A_261, %swap3A_262] {strides = array<i32>} : memref<2x80x64xf32, #tpu.memory_space<vmem>>, vector<16xf32>,
        tpu.vector_store %arg13[%swap3A_260, %swap3A_261, %swap3A_262], %mul3A_259 {strides = array<i32>} : memref<2x80x64xf32, #tpu.memory_space<vmem>>, vector<16xf32>,
        %get3A_264 = arith.index_cast %rem3A_71 : i32 to index
        %get3A_265 = arith.index_cast %add3A_245 : i32 to index
        %get3A_266 = arith.constant 32 : index
        %get3A_267 = tpu.vector_load %arg13[%get3A_264, %get3A_265, %get3A_266] {strides = array<i32>} : memref<2x80x64xf32, #tpu.memory_space<vmem>>, vector<16xf32>,
        %mul3A_268 = arith.mulf %get3A_267, %gather3A_241 : vector<16xf32>
        %swap3A_269 = arith.index_cast %rem3A_71 : i32 to index
        %swap3A_270 = arith.index_cast %add3A_245 : i32 to index
        %swap3A_271 = arith.constant 32 : index
        %swap3A_272 = tpu.vector_load %arg13[%swap3A_269, %swap3A_270, %swap3A_271] {strides = array<i32>} : memref<2x80x64xf32, #tpu.memory_space<vmem>>, vector<16xf32>,
        tpu.vector_store %arg13[%swap3A_269, %swap3A_270, %swap3A_271], %mul3A_268 {strides = array<i32>} : memref<2x80x64xf32, #tpu.memory_space<vmem>>, vector<16xf32>,
        %get3A_273 = arith.index_cast %rem3A_71 : i32 to index
        %get3A_274 = arith.index_cast %add3A_245 : i32 to index
        %get3A_275 = arith.constant 48 : index
        %get3A_276 = tpu.vector_load %arg13[%get3A_273, %get3A_274, %get3A_275] {strides = array<i32>} : memref<2x80x64xf32, #tpu.memory_space<vmem>>, vector<16xf32>,
        %mul3A_277 = arith.mulf %get3A_276, %gather3A_241 : vector<16xf32>
        %swap3A_278 = arith.index_cast %rem3A_71 : i32 to index
        %swap3A_279 = arith.index_cast %add3A_245 : i32 to index
        %swap3A_280 = arith.constant 48 : index
        %swap3A_281 = tpu.vector_load %arg13[%swap3A_278, %swap3A_279, %swap3A_280] {strides = array<i32>} : memref<2x80x64xf32, #tpu.memory_space<vmem>>, vector<16xf32>,
        tpu.vector_store %arg13[%swap3A_278, %swap3A_279, %swap3A_280], %mul3A_277 {strides = array<i32>} : memref<2x80x64xf32, #tpu.memory_space<vmem>>, vector<16xf32>,
        %broadcast_in_dim3A_282 = arith.constant 3 : i32
        %broadcast_in_dim3A_283 = vector.broadcast %broadcast_in_dim3A_282 : i32 to vector<16xi32>
        %broadcast_in_dim3A_284 = vector.shape_cast %broadcast_in_dim3A_283 : vector<16xi32> to vector<16x1xi32>
        %gather3A_285 = vector.shape_cast %broadcast_in_dim3A_284 : vector<16x1xi32> to vector<16xi32>
        %gather3A_286 = tpu.dynamic_gather %get3A_147[%gather3A_285] in [0] : vector<16xf32>, vector<16xi32> -> vector<16xf32>
        %mul3A_287 = arith.constant 16 : i32
        %mul3A_288 = arith.muli %scan3A_124, %mul3A_287 : i32
        %add3A_289 = arith.constant 3 : i32
        %add3A_290 = arith.addi %mul3A_288, %add3A_289 : i32
        %get3A_291 = arith.index_cast %rem3A_71 : i32 to index
        %get3A_292 = arith.index_cast %add3A_290 : i32 to index
        %get3A_293 = arith.constant 0 : index
        %get3A_294 = tpu.vector_load %arg13[%get3A_291, %get3A_292, %get3A_293] {strides = array<i32>} : memref<2x80x64xf32, #tpu.memory_space<vmem>>, vector<16xf32>,
        %mul3A_295 = arith.mulf %get3A_294, %gather3A_286 : vector<16xf32>
        %swap3A_296 = arith.index_cast %rem3A_71 : i32 to index
        %swap3A_297 = arith.index_cast %add3A_290 : i32 to index
        %swap3A_298 = arith.constant 0 : index
        %swap3A_299 = tpu.vector_load %arg13[%swap3A_296, %swap3A_297, %swap3A_298] {strides = array<i32>} : memref<2x80x64xf32, #tpu.memory_space<vmem>>, vector<16xf32>,
        tpu.vector_store %arg13[%swap3A_296, %swap3A_297, %swap3A_298], %mul3A_295 {strides = array<i32>} : memref<2x80x64xf32, #tpu.memory_space<vmem>>, vector<16xf32>,
        %get3A_300 = arith.index_cast %rem3A_71 : i32 to index
        %get3A_301 = arith.index_cast %add3A_290 : i32 to index
        %get3A_302 = arith.constant 16 : index
        %get3A_303 = tpu.vector_load %arg13[%get3A_300, %get3A_301, %get3A_302] {strides = array<i32>} : memref<2x80x64xf32, #tpu.memory_space<vmem>>, vector<16xf32>,
        %mul3A_304 = arith.mulf %get3A_303, %gather3A_286 : vector<16xf32>
        %swap3A_305 = arith.index_cast %rem3A_71 : i32 to index
        %swap3A_306 = arith.index_cast %add3A_290 : i32 to index
        %swap3A_307 = arith.constant 16 : index
        %swap3A_308 = tpu.vector_load %arg13[%swap3A_305, %swap3A_306, %swap3A_307] {strides = array<i32>} : memref<2x80x64xf32, #tpu.memory_space<vmem>>, vector<16xf32>,
        tpu.vector_store %arg13[%swap3A_305, %swap3A_306, %swap3A_307], %mul3A_304 {strides = array<i32>} : memref<2x80x64xf32, #tpu.memory_space<vmem>>, vector<16xf32>,
        %get3A_309 = arith.index_cast %rem3A_71 : i32 to index
        %get3A_310 = arith.index_cast %add3A_290 : i32 to index
        %get3A_311 = arith.constant 32 : index
        %get3A_312 = tpu.vector_load %arg13[%get3A_309, %get3A_310, %get3A_311] {strides = array<i32>} : memref<2x80x64xf32, #tpu.memory_space<vmem>>, vector<16xf32>,
        %mul3A_313 = arith.mulf %get3A_312, %gather3A_286 : vector<16xf32>
        %swap3A_314 = arith.index_cast %rem3A_71 : i32 to index
        %swap3A_315 = arith.index_cast %add3A_290 : i32 to index
        %swap3A_316 = arith.constant 32 : index
        %swap3A_317 = tpu.vector_load %arg13[%swap3A_314, %swap3A_315, %swap3A_316] {strides = array<i32>} : memref<2x80x64xf32, #tpu.memory_space<vmem>>, vector<16xf32>,
        tpu.vector_store %arg13[%swap3A_314, %swap3A_315, %swap3A_316], %mul3A_313 {strides = array<i32>} : memref<2x80x64xf32, #tpu.memory_space<vmem>>, vector<16xf32>,
        %get3A_318 = arith.index_cast %rem3A_71 : i32 to index
        %get3A_319 = arith.index_cast %add3A_290 : i32 to index
        %get3A_320 = arith.constant 48 : index
        %get3A_321 = tpu.vector_load %arg13[%get3A_318, %get3A_319, %get3A_320] {strides = array<i32>} : memref<2x80x64xf32, #tpu.memory_space<vmem>>, vector<16xf32>,
        %mul3A_322 = arith.mulf %get3A_321, %gather3A_286 : vector<16xf32>
        %swap3A_323 = arith.index_cast %rem3A_71 : i32 to index
        %swap3A_324 = arith.index_cast %add3A_290 : i32 to index
        %swap3A_325 = arith.constant 48 : index
        %swap3A_326 = tpu.vector_load %arg13[%swap3A_323, %swap3A_324, %swap3A_325] {strides = array<i32>} : memref<2x80x64xf32, #tpu.memory_space<vmem>>, vector<16xf32>,
        tpu.vector_store %arg13[%swap3A_323, %swap3A_324, %swap3A_325], %mul3A_322 {strides = array<i32>} : memref<2x80x64xf32, #tpu.memory_space<vmem>>, vector<16xf32>,
        %broadcast_in_dim3A_327 = arith.constant 4 : i32
        %broadcast_in_dim3A_328 = vector.broadcast %broadcast_in_dim3A_327 : i32 to vector<16xi32>
        %broadcast_in_dim3A_329 = vector.shape_cast %broadcast_in_dim3A_328 : vector<16xi32> to vector<16x1xi32>
        %gather3A_330 = vector.shape_cast %broadcast_in_dim3A_329 : vector<16x1xi32> to vector<16xi32>
        %gather3A_331 = tpu.dynamic_gather %get3A_147[%gather3A_330] in [0] : vector<16xf32>, vector<16xi32> -> vector<16xf32>
        %mul3A_332 = arith.constant 16 : i32
        %mul3A_333 = arith.muli %scan3A_124, %mul3A_332 : i32
        %add3A_334 = arith.constant 4 : i32
        %add3A_335 = arith.addi %mul3A_333, %add3A_334 : i32
        %get3A_336 = arith.index_cast %rem3A_71 : i32 to index
        %get3A_337 = arith.index_cast %add3A_335 : i32 to index
        %get3A_338 = arith.constant 0 : index
        %get3A_339 = tpu.vector_load %arg13[%get3A_336, %get3A_337, %get3A_338] {strides = array<i32>} : memref<2x80x64xf32, #tpu.memory_space<vmem>>, vector<16xf32>,
        %mul3A_340 = arith.mulf %get3A_339, %gather3A_331 : vector<16xf32>
        %swap3A_341 = arith.index_cast %rem3A_71 : i32 to index
        %swap3A_342 = arith.index_cast %add3A_335 : i32 to index
        %swap3A_343 = arith.constant 0 : index
        %swap3A_344 = tpu.vector_load %arg13[%swap3A_341, %swap3A_342, %swap3A_343] {strides = array<i32>} : memref<2x80x64xf32, #tpu.memory_space<vmem>>, vector<16xf32>,
        tpu.vector_store %arg13[%swap3A_341, %swap3A_342, %swap3A_343], %mul3A_340 {strides = array<i32>} : memref<2x80x64xf32, #tpu.memory_space<vmem>>, vector<16xf32>,
        %get3A_345 = arith.index_cast %rem3A_71 : i32 to index
        %get3A_346 = arith.index_cast %add3A_335 : i32 to index
        %get3A_347 = arith.constant 16 : index
        %get3A_348 = tpu.vector_load %arg13[%get3A_345, %get3A_346, %get3A_347] {strides = array<i32>} : memref<2x80x64xf32, #tpu.memory_space<vmem>>, vector<16xf32>,
        %mul3A_349 = arith.mulf %get3A_348, %gather3A_331 : vector<16xf32>
        %swap3A_350 = arith.index_cast %rem3A_71 : i32 to index
        %swap3A_351 = arith.index_cast %add3A_335 : i32 to index
        %swap3A_352 = arith.constant 16 : index
        %swap3A_353 = tpu.vector_load %arg13[%swap3A_350, %swap3A_351, %swap3A_352] {strides = array<i32>} : memref<2x80x64xf32, #tpu.memory_space<vmem>>, vector<16xf32>,
        tpu.vector_store %arg13[%swap3A_350, %swap3A_351, %swap3A_352], %mul3A_349 {strides = array<i32>} : memref<2x80x64xf32, #tpu.memory_space<vmem>>, vector<16xf32>,
        %get3A_354 = arith.index_cast %rem3A_71 : i32 to index
        %get3A_355 = arith.index_cast %add3A_335 : i32 to index
        %get3A_356 = arith.constant 32 : index
        %get3A_357 = tpu.vector_load %arg13[%get3A_354, %get3A_355, %get3A_356] {strides = array<i32>} : memref<2x80x64xf32, #tpu.memory_space<vmem>>, vector<16xf32>,
        %mul3A_358 = arith.mulf %get3A_357, %gather3A_331 : vector<16xf32>
        %swap3A_359 = arith.index_cast %rem3A_71 : i32 to index
        %swap3A_360 = arith.index_cast %add3A_335 : i32 to index
        %swap3A_361 = arith.constant 32 : index
        %swap3A_362 = tpu.vector_load %arg13[%swap3A_359, %swap3A_360, %swap3A_361] {strides = array<i32>} : memref<2x80x64xf32, #tpu.memory_space<vmem>>, vector<16xf32>,
        tpu.vector_store %arg13[%swap3A_359, %swap3A_360, %swap3A_361], %mul3A_358 {strides = array<i32>} : memref<2x80x64xf32, #tpu.memory_space<vmem>>, vector<16xf32>,
        %get3A_363 = arith.index_cast %rem3A_71 : i32 to index
        %get3A_364 = arith.index_cast %add3A_335 : i32 to index
        %get3A_365 = arith.constant 48 : index
        %get3A_366 = tpu.vector_load %arg13[%get3A_363, %get3A_364, %get3A_365] {strides = array<i32>} : memref<2x80x64xf32, #tpu.memory_space<vmem>>, vector<16xf32>,
        %mul3A_367 = arith.mulf %get3A_366, %gather3A_331 : vector<16xf32>
        %swap3A_368 = arith.index_cast %rem3A_71 : i32 to index
        %swap3A_369 = arith.index_cast %add3A_335 : i32 to index
        %swap3A_370 = arith.constant 48 : index
        %swap3A_371 = tpu.vector_load %arg13[%swap3A_368, %swap3A_369, %swap3A_370] {strides = array<i32>} : memref<2x80x64xf32, #tpu.memory_space<vmem>>, vector<16xf32>,
        tpu.vector_store %arg13[%swap3A_368, %swap3A_369, %swap3A_370], %mul3A_367 {strides = array<i32>} : memref<2x80x64xf32, #tpu.memory_space<vmem>>, vector<16xf32>,
        %broadcast_in_dim3A_372 = arith.constant 5 : i32
        %broadcast_in_dim3A_373 = vector.broadcast %broadcast_in_dim3A_372 : i32 to vector<16xi32>
        %broadcast_in_dim3A_374 = vector.shape_cast %broadcast_in_dim3A_373 : vector<16xi32> to vector<16x1xi32>
        %gather3A_375 = vector.shape_cast %broadcast_in_dim3A_374 : vector<16x1xi32> to vector<16xi32>
        %gather3A_376 = tpu.dynamic_gather %get3A_147[%gather3A_375] in [0] : vector<16xf32>, vector<16xi32> -> vector<16xf32>
        %mul3A_377 = arith.constant 16 : i32
        %mul3A_378 = arith.muli %scan3A_124, %mul3A_377 : i32
        %add3A_379 = arith.constant 5 : i32
        %add3A_380 = arith.addi %mul3A_378, %add3A_379 : i32
        %get3A_381 = arith.index_cast %rem3A_71 : i32 to index
        %get3A_382 = arith.index_cast %add3A_380 : i32 to index
        %get3A_383 = arith.constant 0 : index
        %get3A_384 = tpu.vector_load %arg13[%get3A_381, %get3A_382, %get3A_383] {strides = array<i32>} : memref<2x80x64xf32, #tpu.memory_space<vmem>>, vector<16xf32>,
        %mul3A_385 = arith.mulf %get3A_384, %gather3A_376 : vector<16xf32>
        %swap3A_386 = arith.index_cast %rem3A_71 : i32 to index
        %swap3A_387 = arith.index_cast %add3A_380 : i32 to index
        %swap3A_388 = arith.constant 0 : index
        %swap3A_389 = tpu.vector_load %arg13[%swap3A_386, %swap3A_387, %swap3A_388] {strides = array<i32>} : memref<2x80x64xf32, #tpu.memory_space<vmem>>, vector<16xf32>,
        tpu.vector_store %arg13[%swap3A_386, %swap3A_387, %swap3A_388], %mul3A_385 {strides = array<i32>} : memref<2x80x64xf32, #tpu.memory_space<vmem>>, vector<16xf32>,
        %get3A_390 = arith.index_cast %rem3A_71 : i32 to index
        %get3A_391 = arith.index_cast %add3A_380 : i32 to index
        %get3A_392 = arith.constant 16 : index
        %get3A_393 = tpu.vector_load %arg13[%get3A_390, %get3A_391, %get3A_392] {strides = array<i32>} : memref<2x80x64xf32, #tpu.memory_space<vmem>>, vector<16xf32>,
        %mul3A_394 = arith.mulf %get3A_393, %gather3A_376 : vector<16xf32>
        %swap3A_395 = arith.index_cast %rem3A_71 : i32 to index
        %swap3A_396 = arith.index_cast %add3A_380 : i32 to index
        %swap3A_397 = arith.constant 16 : index
        %swap3A_398 = tpu.vector_load %arg13[%swap3A_395, %swap3A_396, %swap3A_397] {strides = array<i32>} : memref<2x80x64xf32, #tpu.memory_space<vmem>>, vector<16xf32>,
        tpu.vector_store %arg13[%swap3A_395, %swap3A_396, %swap3A_397], %mul3A_394 {strides = array<i32>} : memref<2x80x64xf32, #tpu.memory_space<vmem>>, vector<16xf32>,
        %get3A_399 = arith.index_cast %rem3A_71 : i32 to index
        %get3A_400 = arith.index_cast %add3A_380 : i32 to index
        %get3A_401 = arith.constant 32 : index
        %get3A_402 = tpu.vector_load %arg13[%get3A_399, %get3A_400, %get3A_401] {strides = array<i32>} : memref<2x80x64xf32, #tpu.memory_space<vmem>>, vector<16xf32>,
        %mul3A_403 = arith.mulf %get3A_402, %gather3A_376 : vector<16xf32>
        %swap3A_404 = arith.index_cast %rem3A_71 : i32 to index
        %swap3A_405 = arith.index_cast %add3A_380 : i32 to index
        %swap3A_406 = arith.constant 32 : index
        %swap3A_407 = tpu.vector_load %arg13[%swap3A_404, %swap3A_405, %swap3A_406] {strides = array<i32>} : memref<2x80x64xf32, #tpu.memory_space<vmem>>, vector<16xf32>,
        tpu.vector_store %arg13[%swap3A_404, %swap3A_405, %swap3A_406], %mul3A_403 {strides = array<i32>} : memref<2x80x64xf32, #tpu.memory_space<vmem>>, vector<16xf32>,
        %get3A_408 = arith.index_cast %rem3A_71 : i32 to index
        %get3A_409 = arith.index_cast %add3A_380 : i32 to index
        %get3A_410 = arith.constant 48 : index
        %get3A_411 = tpu.vector_load %arg13[%get3A_408, %get3A_409, %get3A_410] {strides = array<i32>} : memref<2x80x64xf32, #tpu.memory_space<vmem>>, vector<16xf32>,
        %mul3A_412 = arith.mulf %get3A_411, %gather3A_376 : vector<16xf32>
        %swap3A_413 = arith.index_cast %rem3A_71 : i32 to index
        %swap3A_414 = arith.index_cast %add3A_380 : i32 to index
        %swap3A_415 = arith.constant 48 : index
        %swap3A_416 = tpu.vector_load %arg13[%swap3A_413, %swap3A_414, %swap3A_415] {strides = array<i32>} : memref<2x80x64xf32, #tpu.memory_space<vmem>>, vector<16xf32>,
        tpu.vector_store %arg13[%swap3A_413, %swap3A_414, %swap3A_415], %mul3A_412 {strides = array<i32>} : memref<2x80x64xf32, #tpu.memory_space<vmem>>, vector<16xf32>,
        %broadcast_in_dim3A_417 = arith.constant 6 : i32
        %broadcast_in_dim3A_418 = vector.broadcast %broadcast_in_dim3A_417 : i32 to vector<16xi32>
        %broadcast_in_dim3A_419 = vector.shape_cast %broadcast_in_dim3A_418 : vector<16xi32> to vector<16x1xi32>
        %gather3A_420 = vector.shape_cast %broadcast_in_dim3A_419 : vector<16x1xi32> to vector<16xi32>
        %gather3A_421 = tpu.dynamic_gather %get3A_147[%gather3A_420] in [0] : vector<16xf32>, vector<16xi32> -> vector<16xf32>
        %mul3A_422 = arith.constant 16 : i32
        %mul3A_423 = arith.muli %scan3A_124, %mul3A_422 : i32
        %add3A_424 = arith.constant 6 : i32
        %add3A_425 = arith.addi %mul3A_423, %add3A_424 : i32
        %get3A_426 = arith.index_cast %rem3A_71 : i32 to index
        %get3A_427 = arith.index_cast %add3A_425 : i32 to index
        %get3A_428 = arith.constant 0 : index
        %get3A_429 = tpu.vector_load %arg13[%get3A_426, %get3A_427, %get3A_428] {strides = array<i32>} : memref<2x80x64xf32, #tpu.memory_space<vmem>>, vector<16xf32>,
        %mul3A_430 = arith.mulf %get3A_429, %gather3A_421 : vector<16xf32>
        %swap3A_431 = arith.index_cast %rem3A_71 : i32 to index
        %swap3A_432 = arith.index_cast %add3A_425 : i32 to index
        %swap3A_433 = arith.constant 0 : index
        %swap3A_434 = tpu.vector_load %arg13[%swap3A_431, %swap3A_432, %swap3A_433] {strides = array<i32>} : memref<2x80x64xf32, #tpu.memory_space<vmem>>, vector<16xf32>,
        tpu.vector_store %arg13[%swap3A_431, %swap3A_432, %swap3A_433], %mul3A_430 {strides = array<i32>} : memref<2x80x64xf32, #tpu.memory_space<vmem>>, vector<16xf32>,
        %get3A_435 = arith.index_cast %rem3A_71 : i32 to index
        %get3A_436 = arith.index_cast %add3A_425 : i32 to index
        %get3A_437 = arith.constant 16 : index
        %get3A_438 = tpu.vector_load %arg13[%get3A_435, %get3A_436, %get3A_437] {strides = array<i32>} : memref<2x80x64xf32, #tpu.memory_space<vmem>>, vector<16xf32>,
        %mul3A_439 = arith.mulf %get3A_438, %gather3A_421 : vector<16xf32>
        %swap3A_440 = arith.index_cast %rem3A_71 : i32 to index
        %swap3A_441 = arith.index_cast %add3A_425 : i32 to index
        %swap3A_442 = arith.constant 16 : index
        %swap3A_443 = tpu.vector_load %arg13[%swap3A_440, %swap3A_441, %swap3A_442] {strides = array<i32>} : memref<2x80x64xf32, #tpu.memory_space<vmem>>, vector<16xf32>,
        tpu.vector_store %arg13[%swap3A_440, %swap3A_441, %swap3A_442], %mul3A_439 {strides = array<i32>} : memref<2x80x64xf32, #tpu.memory_space<vmem>>, vector<16xf32>,
        %get3A_444 = arith.index_cast %rem3A_71 : i32 to index
        %get3A_445 = arith.index_cast %add3A_425 : i32 to index
        %get3A_446 = arith.constant 32 : index
        %get3A_447 = tpu.vector_load %arg13[%get3A_444, %get3A_445, %get3A_446] {strides = array<i32>} : memref<2x80x64xf32, #tpu.memory_space<vmem>>, vector<16xf32>,
        %mul3A_448 = arith.mulf %get3A_447, %gather3A_421 : vector<16xf32>
        %swap3A_449 = arith.index_cast %rem3A_71 : i32 to index
        %swap3A_450 = arith.index_cast %add3A_425 : i32 to index
        %swap3A_451 = arith.constant 32 : index
        %swap3A_452 = tpu.vector_load %arg13[%swap3A_449, %swap3A_450, %swap3A_451] {strides = array<i32>} : memref<2x80x64xf32, #tpu.memory_space<vmem>>, vector<16xf32>,
        tpu.vector_store %arg13[%swap3A_449, %swap3A_450, %swap3A_451], %mul3A_448 {strides = array<i32>} : memref<2x80x64xf32, #tpu.memory_space<vmem>>, vector<16xf32>,
        %get3A_453 = arith.index_cast %rem3A_71 : i32 to index
        %get3A_454 = arith.index_cast %add3A_425 : i32 to index
        %get3A_455 = arith.constant 48 : index
        %get3A_456 = tpu.vector_load %arg13[%get3A_453, %get3A_454, %get3A_455] {strides = array<i32>} : memref<2x80x64xf32, #tpu.memory_space<vmem>>, vector<16xf32>,
        %mul3A_457 = arith.mulf %get3A_456, %gather3A_421 : vector<16xf32>
        %swap3A_458 = arith.index_cast %rem3A_71 : i32 to index
        %swap3A_459 = arith.index_cast %add3A_425 : i32 to index
        %swap3A_460 = arith.constant 48 : index
        %swap3A_461 = tpu.vector_load %arg13[%swap3A_458, %swap3A_459, %swap3A_460] {strides = array<i32>} : memref<2x80x64xf32, #tpu.memory_space<vmem>>, vector<16xf32>,
        tpu.vector_store %arg13[%swap3A_458, %swap3A_459, %swap3A_460], %mul3A_457 {strides = array<i32>} : memref<2x80x64xf32, #tpu.memory_space<vmem>>, vector<16xf32>,
        %broadcast_in_dim3A_462 = arith.constant 7 : i32
        %broadcast_in_dim3A_463 = vector.broadcast %broadcast_in_dim3A_462 : i32 to vector<16xi32>
        %broadcast_in_dim3A_464 = vector.shape_cast %broadcast_in_dim3A_463 : vector<16xi32> to vector<16x1xi32>
        %gather3A_465 = vector.shape_cast %broadcast_in_dim3A_464 : vector<16x1xi32> to vector<16xi32>
        %gather3A_466 = tpu.dynamic_gather %get3A_147[%gather3A_465] in [0] : vector<16xf32>, vector<16xi32> -> vector<16xf32>
        %mul3A_467 = arith.constant 16 : i32
        %mul3A_468 = arith.muli %scan3A_124, %mul3A_467 : i32
        %add3A_469 = arith.constant 7 : i32
        %add3A_470 = arith.addi %mul3A_468, %add3A_469 : i32
        %get3A_471 = arith.index_cast %rem3A_71 : i32 to index
        %get3A_472 = arith.index_cast %add3A_470 : i32 to index
        %get3A_473 = arith.constant 0 : index
        %get3A_474 = tpu.vector_load %arg13[%get3A_471, %get3A_472, %get3A_473] {strides = array<i32>} : memref<2x80x64xf32, #tpu.memory_space<vmem>>, vector<16xf32>,
        %mul3A_475 = arith.mulf %get3A_474, %gather3A_466 : vector<16xf32>
        %swap3A_476 = arith.index_cast %rem3A_71 : i32 to index
        %swap3A_477 = arith.index_cast %add3A_470 : i32 to index
        %swap3A_478 = arith.constant 0 : index
        %swap3A_479 = tpu.vector_load %arg13[%swap3A_476, %swap3A_477, %swap3A_478] {strides = array<i32>} : memref<2x80x64xf32, #tpu.memory_space<vmem>>, vector<16xf32>,
        tpu.vector_store %arg13[%swap3A_476, %swap3A_477, %swap3A_478], %mul3A_475 {strides = array<i32>} : memref<2x80x64xf32, #tpu.memory_space<vmem>>, vector<16xf32>,
        %get3A_480 = arith.index_cast %rem3A_71 : i32 to index
        %get3A_481 = arith.index_cast %add3A_470 : i32 to index
        %get3A_482 = arith.constant 16 : index
        %get3A_483 = tpu.vector_load %arg13[%get3A_480, %get3A_481, %get3A_482] {strides = array<i32>} : memref<2x80x64xf32, #tpu.memory_space<vmem>>, vector<16xf32>,
        %mul3A_484 = arith.mulf %get3A_483, %gather3A_466 : vector<16xf32>
        %swap3A_485 = arith.index_cast %rem3A_71 : i32 to index
        %swap3A_486 = arith.index_cast %add3A_470 : i32 to index
        %swap3A_487 = arith.constant 16 : index
        %swap3A_488 = tpu.vector_load %arg13[%swap3A_485, %swap3A_486, %swap3A_487] {strides = array<i32>} : memref<2x80x64xf32, #tpu.memory_space<vmem>>, vector<16xf32>,
        tpu.vector_store %arg13[%swap3A_485, %swap3A_486, %swap3A_487], %mul3A_484 {strides = array<i32>} : memref<2x80x64xf32, #tpu.memory_space<vmem>>, vector<16xf32>,
        %get3A_489 = arith.index_cast %rem3A_71 : i32 to index
        %get3A_490 = arith.index_cast %add3A_470 : i32 to index
        %get3A_491 = arith.constant 32 : index
        %get3A_492 = tpu.vector_load %arg13[%get3A_489, %get3A_490, %get3A_491] {strides = array<i32>} : memref<2x80x64xf32, #tpu.memory_space<vmem>>, vector<16xf32>,
        %mul3A_493 = arith.mulf %get3A_492, %gather3A_466 : vector<16xf32>
        %swap3A_494 = arith.index_cast %rem3A_71 : i32 to index
        %swap3A_495 = arith.index_cast %add3A_470 : i32 to index
        %swap3A_496 = arith.constant 32 : index
        %swap3A_497 = tpu.vector_load %arg13[%swap3A_494, %swap3A_495, %swap3A_496] {strides = array<i32>} : memref<2x80x64xf32, #tpu.memory_space<vmem>>, vector<16xf32>,
        tpu.vector_store %arg13[%swap3A_494, %swap3A_495, %swap3A_496], %mul3A_493 {strides = array<i32>} : memref<2x80x64xf32, #tpu.memory_space<vmem>>, vector<16xf32>,
        %get3A_498 = arith.index_cast %rem3A_71 : i32 to index
        %get3A_499 = arith.index_cast %add3A_470 : i32 to index
        %get3A_500 = arith.constant 48 : index
        %get3A_501 = tpu.vector_load %arg13[%get3A_498, %get3A_499, %get3A_500] {strides = array<i32>} : memref<2x80x64xf32, #tpu.memory_space<vmem>>, vector<16xf32>,
        %mul3A_502 = arith.mulf %get3A_501, %gather3A_466 : vector<16xf32>
        %swap3A_503 = arith.index_cast %rem3A_71 : i32 to index
        %swap3A_504 = arith.index_cast %add3A_470 : i32 to index
        %swap3A_505 = arith.constant 48 : index
        %swap3A_506 = tpu.vector_load %arg13[%swap3A_503, %swap3A_504, %swap3A_505] {strides = array<i32>} : memref<2x80x64xf32, #tpu.memory_space<vmem>>, vector<16xf32>,
        tpu.vector_store %arg13[%swap3A_503, %swap3A_504, %swap3A_505], %mul3A_502 {strides = array<i32>} : memref<2x80x64xf32, #tpu.memory_space<vmem>>, vector<16xf32>,
        %broadcast_in_dim3A_507 = arith.constant 8 : i32
        %broadcast_in_dim3A_508 = vector.broadcast %broadcast_in_dim3A_507 : i32 to vector<16xi32>
        %broadcast_in_dim3A_509 = vector.shape_cast %broadcast_in_dim3A_508 : vector<16xi32> to vector<16x1xi32>
        %gather3A_510 = vector.shape_cast %broadcast_in_dim3A_509 : vector<16x1xi32> to vector<16xi32>
        %gather3A_511 = tpu.dynamic_gather %get3A_147[%gather3A_510] in [0] : vector<16xf32>, vector<16xi32> -> vector<16xf32>
        %mul3A_512 = arith.constant 16 : i32
        %mul3A_513 = arith.muli %scan3A_124, %mul3A_512 : i32
        %add3A_514 = arith.constant 8 : i32
        %add3A_515 = arith.addi %mul3A_513, %add3A_514 : i32
        %get3A_516 = arith.index_cast %rem3A_71 : i32 to index
        %get3A_517 = arith.index_cast %add3A_515 : i32 to index
        %get3A_518 = arith.constant 0 : index
        %get3A_519 = tpu.vector_load %arg13[%get3A_516, %get3A_517, %get3A_518] {strides = array<i32>} : memref<2x80x64xf32, #tpu.memory_space<vmem>>, vector<16xf32>,
        %mul3A_520 = arith.mulf %get3A_519, %gather3A_511 : vector<16xf32>
        %swap3A_521 = arith.index_cast %rem3A_71 : i32 to index
        %swap3A_522 = arith.index_cast %add3A_515 : i32 to index
        %swap3A_523 = arith.constant 0 : index
        %swap3A_524 = tpu.vector_load %arg13[%swap3A_521, %swap3A_522, %swap3A_523] {strides = array<i32>} : memref<2x80x64xf32, #tpu.memory_space<vmem>>, vector<16xf32>,
        tpu.vector_store %arg13[%swap3A_521, %swap3A_522, %swap3A_523], %mul3A_520 {strides = array<i32>} : memref<2x80x64xf32, #tpu.memory_space<vmem>>, vector<16xf32>,
        %get3A_525 = arith.index_cast %rem3A_71 : i32 to index
        %get3A_526 = arith.index_cast %add3A_515 : i32 to index
        %get3A_527 = arith.constant 16 : index
        %get3A_528 = tpu.vector_load %arg13[%get3A_525, %get3A_526, %get3A_527] {strides = array<i32>} : memref<2x80x64xf32, #tpu.memory_space<vmem>>, vector<16xf32>,
        %mul3A_529 = arith.mulf %get3A_528, %gather3A_511 : vector<16xf32>
        %swap3A_530 = arith.index_cast %rem3A_71 : i32 to index
        %swap3A_531 = arith.index_cast %add3A_515 : i32 to index
        %swap3A_532 = arith.constant 16 : index
        %swap3A_533 = tpu.vector_load %arg13[%swap3A_530, %swap3A_531, %swap3A_532] {strides = array<i32>} : memref<2x80x64xf32, #tpu.memory_space<vmem>>, vector<16xf32>,
        tpu.vector_store %arg13[%swap3A_530, %swap3A_531, %swap3A_532], %mul3A_529 {strides = array<i32>} : memref<2x80x64xf32, #tpu.memory_space<vmem>>, vector<16xf32>,
        %get3A_534 = arith.index_cast %rem3A_71 : i32 to index
        %get3A_535 = arith.index_cast %add3A_515 : i32 to index
        %get3A_536 = arith.constant 32 : index
        %get3A_537 = tpu.vector_load %arg13[%get3A_534, %get3A_535, %get3A_536] {strides = array<i32>} : memref<2x80x64xf32, #tpu.memory_space<vmem>>, vector<16xf32>,
        %mul3A_538 = arith.mulf %get3A_537, %gather3A_511 : vector<16xf32>
        %swap3A_539 = arith.index_cast %rem3A_71 : i32 to index
        %swap3A_540 = arith.index_cast %add3A_515 : i32 to index
        %swap3A_541 = arith.constant 32 : index
        %swap3A_542 = tpu.vector_load %arg13[%swap3A_539, %swap3A_540, %swap3A_541] {strides = array<i32>} : memref<2x80x64xf32, #tpu.memory_space<vmem>>, vector<16xf32>,
        tpu.vector_store %arg13[%swap3A_539, %swap3A_540, %swap3A_541], %mul3A_538 {strides = array<i32>} : memref<2x80x64xf32, #tpu.memory_space<vmem>>, vector<16xf32>,
        %get3A_543 = arith.index_cast %rem3A_71 : i32 to index
        %get3A_544 = arith.index_cast %add3A_515 : i32 to index
        %get3A_545 = arith.constant 48 : index
        %get3A_546 = tpu.vector_load %arg13[%get3A_543, %get3A_544, %get3A_545] {strides = array<i32>} : memref<2x80x64xf32, #tpu.memory_space<vmem>>, vector<16xf32>,
        %mul3A_547 = arith.mulf %get3A_546, %gather3A_511 : vector<16xf32>
        %swap3A_548 = arith.index_cast %rem3A_71 : i32 to index
        %swap3A_549 = arith.index_cast %add3A_515 : i32 to index
        %swap3A_550 = arith.constant 48 : index
        %swap3A_551 = tpu.vector_load %arg13[%swap3A_548, %swap3A_549, %swap3A_550] {strides = array<i32>} : memref<2x80x64xf32, #tpu.memory_space<vmem>>, vector<16xf32>,
        tpu.vector_store %arg13[%swap3A_548, %swap3A_549, %swap3A_550], %mul3A_547 {strides = array<i32>} : memref<2x80x64xf32, #tpu.memory_space<vmem>>, vector<16xf32>,
        %broadcast_in_dim3A_552 = arith.constant 9 : i32
        %broadcast_in_dim3A_553 = vector.broadcast %broadcast_in_dim3A_552 : i32 to vector<16xi32>
        %broadcast_in_dim3A_554 = vector.shape_cast %broadcast_in_dim3A_553 : vector<16xi32> to vector<16x1xi32>
        %gather3A_555 = vector.shape_cast %broadcast_in_dim3A_554 : vector<16x1xi32> to vector<16xi32>
        %gather3A_556 = tpu.dynamic_gather %get3A_147[%gather3A_555] in [0] : vector<16xf32>, vector<16xi32> -> vector<16xf32>
        %mul3A_557 = arith.constant 16 : i32
        %mul3A_558 = arith.muli %scan3A_124, %mul3A_557 : i32
        %add3A_559 = arith.constant 9 : i32
        %add3A_560 = arith.addi %mul3A_558, %add3A_559 : i32
        %get3A_561 = arith.index_cast %rem3A_71 : i32 to index
        %get3A_562 = arith.index_cast %add3A_560 : i32 to index
        %get3A_563 = arith.constant 0 : index
        %get3A_564 = tpu.vector_load %arg13[%get3A_561, %get3A_562, %get3A_563] {strides = array<i32>} : memref<2x80x64xf32, #tpu.memory_space<vmem>>, vector<16xf32>,
        %mul3A_565 = arith.mulf %get3A_564, %gather3A_556 : vector<16xf32>
        %swap3A_566 = arith.index_cast %rem3A_71 : i32 to index
        %swap3A_567 = arith.index_cast %add3A_560 : i32 to index
        %swap3A_568 = arith.constant 0 : index
        %swap3A_569 = tpu.vector_load %arg13[%swap3A_566, %swap3A_567, %swap3A_568] {strides = array<i32>} : memref<2x80x64xf32, #tpu.memory_space<vmem>>, vector<16xf32>,
        tpu.vector_store %arg13[%swap3A_566, %swap3A_567, %swap3A_568], %mul3A_565 {strides = array<i32>} : memref<2x80x64xf32, #tpu.memory_space<vmem>>, vector<16xf32>,
        %get3A_570 = arith.index_cast %rem3A_71 : i32 to index
        %get3A_571 = arith.index_cast %add3A_560 : i32 to index
        %get3A_572 = arith.constant 16 : index
        %get3A_573 = tpu.vector_load %arg13[%get3A_570, %get3A_571, %get3A_572] {strides = array<i32>} : memref<2x80x64xf32, #tpu.memory_space<vmem>>, vector<16xf32>,
        %mul3A_574 = arith.mulf %get3A_573, %gather3A_556 : vector<16xf32>
        %swap3A_575 = arith.index_cast %rem3A_71 : i32 to index
        %swap3A_576 = arith.index_cast %add3A_560 : i32 to index
        %swap3A_577 = arith.constant 16 : index
        %swap3A_578 = tpu.vector_load %arg13[%swap3A_575, %swap3A_576, %swap3A_577] {strides = array<i32>} : memref<2x80x64xf32, #tpu.memory_space<vmem>>, vector<16xf32>,
        tpu.vector_store %arg13[%swap3A_575, %swap3A_576, %swap3A_577], %mul3A_574 {strides = array<i32>} : memref<2x80x64xf32, #tpu.memory_space<vmem>>, vector<16xf32>,
        %get3A_579 = arith.index_cast %rem3A_71 : i32 to index
        %get3A_580 = arith.index_cast %add3A_560 : i32 to index
        %get3A_581 = arith.constant 32 : index
        %get3A_582 = tpu.vector_load %arg13[%get3A_579, %get3A_580, %get3A_581] {strides = array<i32>} : memref<2x80x64xf32, #tpu.memory_space<vmem>>, vector<16xf32>,
        %mul3A_583 = arith.mulf %get3A_582, %gather3A_556 : vector<16xf32>
        %swap3A_584 = arith.index_cast %rem3A_71 : i32 to index
        %swap3A_585 = arith.index_cast %add3A_560 : i32 to index
        %swap3A_586 = arith.constant 32 : index
        %swap3A_587 = tpu.vector_load %arg13[%swap3A_584, %swap3A_585, %swap3A_586] {strides = array<i32>} : memref<2x80x64xf32, #tpu.memory_space<vmem>>, vector<16xf32>,
        tpu.vector_store %arg13[%swap3A_584, %swap3A_585, %swap3A_586], %mul3A_583 {strides = array<i32>} : memref<2x80x64xf32, #tpu.memory_space<vmem>>, vector<16xf32>,
        %get3A_588 = arith.index_cast %rem3A_71 : i32 to index
        %get3A_589 = arith.index_cast %add3A_560 : i32 to index
        %get3A_590 = arith.constant 48 : index
        %get3A_591 = tpu.vector_load %arg13[%get3A_588, %get3A_589, %get3A_590] {strides = array<i32>} : memref<2x80x64xf32, #tpu.memory_space<vmem>>, vector<16xf32>,
        %mul3A_592 = arith.mulf %get3A_591, %gather3A_556 : vector<16xf32>
        %swap3A_593 = arith.index_cast %rem3A_71 : i32 to index
        %swap3A_594 = arith.index_cast %add3A_560 : i32 to index
        %swap3A_595 = arith.constant 48 : index
        %swap3A_596 = tpu.vector_load %arg13[%swap3A_593, %swap3A_594, %swap3A_595] {strides = array<i32>} : memref<2x80x64xf32, #tpu.memory_space<vmem>>, vector<16xf32>,
        tpu.vector_store %arg13[%swap3A_593, %swap3A_594, %swap3A_595], %mul3A_592 {strides = array<i32>} : memref<2x80x64xf32, #tpu.memory_space<vmem>>, vector<16xf32>,
        %broadcast_in_dim3A_597 = arith.constant 10 : i32
        %broadcast_in_dim3A_598 = vector.broadcast %broadcast_in_dim3A_597 : i32 to vector<16xi32>
        %broadcast_in_dim3A_599 = vector.shape_cast %broadcast_in_dim3A_598 : vector<16xi32> to vector<16x1xi32>
        %gather3A_600 = vector.shape_cast %broadcast_in_dim3A_599 : vector<16x1xi32> to vector<16xi32>
        %gather3A_601 = tpu.dynamic_gather %get3A_147[%gather3A_600] in [0] : vector<16xf32>, vector<16xi32> -> vector<16xf32>
        %mul3A_602 = arith.constant 16 : i32
        %mul3A_603 = arith.muli %scan3A_124, %mul3A_602 : i32
        %add3A_604 = arith.constant 10 : i32
        %add3A_605 = arith.addi %mul3A_603, %add3A_604 : i32
        %get3A_606 = arith.index_cast %rem3A_71 : i32 to index
        %get3A_607 = arith.index_cast %add3A_605 : i32 to index
        %get3A_608 = arith.constant 0 : index
        %get3A_609 = tpu.vector_load %arg13[%get3A_606, %get3A_607, %get3A_608] {strides = array<i32>} : memref<2x80x64xf32, #tpu.memory_space<vmem>>, vector<16xf32>,
        %mul3A_610 = arith.mulf %get3A_609, %gather3A_601 : vector<16xf32>
        %swap3A_611 = arith.index_cast %rem3A_71 : i32 to index
        %swap3A_612 = arith.index_cast %add3A_605 : i32 to index
        %swap3A_613 = arith.constant 0 : index
        %swap3A_614 = tpu.vector_load %arg13[%swap3A_611, %swap3A_612, %swap3A_613] {strides = array<i32>} : memref<2x80x64xf32, #tpu.memory_space<vmem>>, vector<16xf32>,
        tpu.vector_store %arg13[%swap3A_611, %swap3A_612, %swap3A_613], %mul3A_610 {strides = array<i32>} : memref<2x80x64xf32, #tpu.memory_space<vmem>>, vector<16xf32>,
        %get3A_615 = arith.index_cast %rem3A_71 : i32 to index
        %get3A_616 = arith.index_cast %add3A_605 : i32 to index
        %get3A_617 = arith.constant 16 : index
        %get3A_618 = tpu.vector_load %arg13[%get3A_615, %get3A_616, %get3A_617] {strides = array<i32>} : memref<2x80x64xf32, #tpu.memory_space<vmem>>, vector<16xf32>,
        %mul3A_619 = arith.mulf %get3A_618, %gather3A_601 : vector<16xf32>
        %swap3A_620 = arith.index_cast %rem3A_71 : i32 to index
        %swap3A_621 = arith.index_cast %add3A_605 : i32 to index
        %swap3A_622 = arith.constant 16 : index
        %swap3A_623 = tpu.vector_load %arg13[%swap3A_620, %swap3A_621, %swap3A_622] {strides = array<i32>} : memref<2x80x64xf32, #tpu.memory_space<vmem>>, vector<16xf32>,
        tpu.vector_store %arg13[%swap3A_620, %swap3A_621, %swap3A_622], %mul3A_619 {strides = array<i32>} : memref<2x80x64xf32, #tpu.memory_space<vmem>>, vector<16xf32>,
        %get3A_624 = arith.index_cast %rem3A_71 : i32 to index
        %get3A_625 = arith.index_cast %add3A_605 : i32 to index
        %get3A_626 = arith.constant 32 : index
        %get3A_627 = tpu.vector_load %arg13[%get3A_624, %get3A_625, %get3A_626] {strides = array<i32>} : memref<2x80x64xf32, #tpu.memory_space<vmem>>, vector<16xf32>,
        %mul3A_628 = arith.mulf %get3A_627, %gather3A_601 : vector<16xf32>
        %swap3A_629 = arith.index_cast %rem3A_71 : i32 to index
        %swap3A_630 = arith.index_cast %add3A_605 : i32 to index
        %swap3A_631 = arith.constant 32 : index
        %swap3A_632 = tpu.vector_load %arg13[%swap3A_629, %swap3A_630, %swap3A_631] {strides = array<i32>} : memref<2x80x64xf32, #tpu.memory_space<vmem>>, vector<16xf32>,
        tpu.vector_store %arg13[%swap3A_629, %swap3A_630, %swap3A_631], %mul3A_628 {strides = array<i32>} : memref<2x80x64xf32, #tpu.memory_space<vmem>>, vector<16xf32>,
        %get3A_633 = arith.index_cast %rem3A_71 : i32 to index
        %get3A_634 = arith.index_cast %add3A_605 : i32 to index
        %get3A_635 = arith.constant 48 : index
        %get3A_636 = tpu.vector_load %arg13[%get3A_633, %get3A_634, %get3A_635] {strides = array<i32>} : memref<2x80x64xf32, #tpu.memory_space<vmem>>, vector<16xf32>,
        %mul3A_637 = arith.mulf %get3A_636, %gather3A_601 : vector<16xf32>
        %swap3A_638 = arith.index_cast %rem3A_71 : i32 to index
        %swap3A_639 = arith.index_cast %add3A_605 : i32 to index
        %swap3A_640 = arith.constant 48 : index
        %swap3A_641 = tpu.vector_load %arg13[%swap3A_638, %swap3A_639, %swap3A_640] {strides = array<i32>} : memref<2x80x64xf32, #tpu.memory_space<vmem>>, vector<16xf32>,
        tpu.vector_store %arg13[%swap3A_638, %swap3A_639, %swap3A_640], %mul3A_637 {strides = array<i32>} : memref<2x80x64xf32, #tpu.memory_space<vmem>>, vector<16xf32>,
        %broadcast_in_dim3A_642 = arith.constant 11 : i32
        %broadcast_in_dim3A_643 = vector.broadcast %broadcast_in_dim3A_642 : i32 to vector<16xi32>
        %broadcast_in_dim3A_644 = vector.shape_cast %broadcast_in_dim3A_643 : vector<16xi32> to vector<16x1xi32>
        %gather3A_645 = vector.shape_cast %broadcast_in_dim3A_644 : vector<16x1xi32> to vector<16xi32>
        %gather3A_646 = tpu.dynamic_gather %get3A_147[%gather3A_645] in [0] : vector<16xf32>, vector<16xi32> -> vector<16xf32>
        %mul3A_647 = arith.constant 16 : i32
        %mul3A_648 = arith.muli %scan3A_124, %mul3A_647 : i32
        %add3A_649 = arith.constant 11 : i32
        %add3A_650 = arith.addi %mul3A_648, %add3A_649 : i32
        %get3A_651 = arith.index_cast %rem3A_71 : i32 to index
        %get3A_652 = arith.index_cast %add3A_650 : i32 to index
        %get3A_653 = arith.constant 0 : index
        %get3A_654 = tpu.vector_load %arg13[%get3A_651, %get3A_652, %get3A_653] {strides = array<i32>} : memref<2x80x64xf32, #tpu.memory_space<vmem>>, vector<16xf32>,
        %mul3A_655 = arith.mulf %get3A_654, %gather3A_646 : vector<16xf32>
        %swap3A_656 = arith.index_cast %rem3A_71 : i32 to index
        %swap3A_657 = arith.index_cast %add3A_650 : i32 to index
        %swap3A_658 = arith.constant 0 : index
        %swap3A_659 = tpu.vector_load %arg13[%swap3A_656, %swap3A_657, %swap3A_658] {strides = array<i32>} : memref<2x80x64xf32, #tpu.memory_space<vmem>>, vector<16xf32>,
        tpu.vector_store %arg13[%swap3A_656, %swap3A_657, %swap3A_658], %mul3A_655 {strides = array<i32>} : memref<2x80x64xf32, #tpu.memory_space<vmem>>, vector<16xf32>,
        %get3A_660 = arith.index_cast %rem3A_71 : i32 to index
        %get3A_661 = arith.index_cast %add3A_650 : i32 to index
        %get3A_662 = arith.constant 16 : index
        %get3A_663 = tpu.vector_load %arg13[%get3A_660, %get3A_661, %get3A_662] {strides = array<i32>} : memref<2x80x64xf32, #tpu.memory_space<vmem>>, vector<16xf32>,
        %mul3A_664 = arith.mulf %get3A_663, %gather3A_646 : vector<16xf32>
        %swap3A_665 = arith.index_cast %rem3A_71 : i32 to index
        %swap3A_666 = arith.index_cast %add3A_650 : i32 to index
        %swap3A_667 = arith.constant 16 : index
        %swap3A_668 = tpu.vector_load %arg13[%swap3A_665, %swap3A_666, %swap3A_667] {strides = array<i32>} : memref<2x80x64xf32, #tpu.memory_space<vmem>>, vector<16xf32>,
        tpu.vector_store %arg13[%swap3A_665, %swap3A_666, %swap3A_667], %mul3A_664 {strides = array<i32>} : memref<2x80x64xf32, #tpu.memory_space<vmem>>, vector<16xf32>,
        %get3A_669 = arith.index_cast %rem3A_71 : i32 to index
        %get3A_670 = arith.index_cast %add3A_650 : i32 to index
        %get3A_671 = arith.constant 32 : index
        %get3A_672 = tpu.vector_load %arg13[%get3A_669, %get3A_670, %get3A_671] {strides = array<i32>} : memref<2x80x64xf32, #tpu.memory_space<vmem>>, vector<16xf32>,
        %mul3A_673 = arith.mulf %get3A_672, %gather3A_646 : vector<16xf32>
        %swap3A_674 = arith.index_cast %rem3A_71 : i32 to index
        %swap3A_675 = arith.index_cast %add3A_650 : i32 to index
        %swap3A_676 = arith.constant 32 : index
        %swap3A_677 = tpu.vector_load %arg13[%swap3A_674, %swap3A_675, %swap3A_676] {strides = array<i32>} : memref<2x80x64xf32, #tpu.memory_space<vmem>>, vector<16xf32>,
        tpu.vector_store %arg13[%swap3A_674, %swap3A_675, %swap3A_676], %mul3A_673 {strides = array<i32>} : memref<2x80x64xf32, #tpu.memory_space<vmem>>, vector<16xf32>,
        %get3A_678 = arith.index_cast %rem3A_71 : i32 to index
        %get3A_679 = arith.index_cast %add3A_650 : i32 to index
        %get3A_680 = arith.constant 48 : index
        %get3A_681 = tpu.vector_load %arg13[%get3A_678, %get3A_679, %get3A_680] {strides = array<i32>} : memref<2x80x64xf32, #tpu.memory_space<vmem>>, vector<16xf32>,
        %mul3A_682 = arith.mulf %get3A_681, %gather3A_646 : vector<16xf32>
        %swap3A_683 = arith.index_cast %rem3A_71 : i32 to index
        %swap3A_684 = arith.index_cast %add3A_650 : i32 to index
        %swap3A_685 = arith.constant 48 : index
        %swap3A_686 = tpu.vector_load %arg13[%swap3A_683, %swap3A_684, %swap3A_685] {strides = array<i32>} : memref<2x80x64xf32, #tpu.memory_space<vmem>>, vector<16xf32>,
        tpu.vector_store %arg13[%swap3A_683, %swap3A_684, %swap3A_685], %mul3A_682 {strides = array<i32>} : memref<2x80x64xf32, #tpu.memory_space<vmem>>, vector<16xf32>,
        %broadcast_in_dim3A_687 = arith.constant 12 : i32
        %broadcast_in_dim3A_688 = vector.broadcast %broadcast_in_dim3A_687 : i32 to vector<16xi32>
        %broadcast_in_dim3A_689 = vector.shape_cast %broadcast_in_dim3A_688 : vector<16xi32> to vector<16x1xi32>
        %gather3A_690 = vector.shape_cast %broadcast_in_dim3A_689 : vector<16x1xi32> to vector<16xi32>
        %gather3A_691 = tpu.dynamic_gather %get3A_147[%gather3A_690] in [0] : vector<16xf32>, vector<16xi32> -> vector<16xf32>
        %mul3A_692 = arith.constant 16 : i32
        %mul3A_693 = arith.muli %scan3A_124, %mul3A_692 : i32
        %add3A_694 = arith.constant 12 : i32
        %add3A_695 = arith.addi %mul3A_693, %add3A_694 : i32
        %get3A_696 = arith.index_cast %rem3A_71 : i32 to index
        %get3A_697 = arith.index_cast %add3A_695 : i32 to index
        %get3A_698 = arith.constant 0 : index
        %get3A_699 = tpu.vector_load %arg13[%get3A_696, %get3A_697, %get3A_698] {strides = array<i32>} : memref<2x80x64xf32, #tpu.memory_space<vmem>>, vector<16xf32>,
        %mul3A_700 = arith.mulf %get3A_699, %gather3A_691 : vector<16xf32>
        %swap3A_701 = arith.index_cast %rem3A_71 : i32 to index
        %swap3A_702 = arith.index_cast %add3A_695 : i32 to index
        %swap3A_703 = arith.constant 0 : index
        %swap3A_704 = tpu.vector_load %arg13[%swap3A_701, %swap3A_702, %swap3A_703] {strides = array<i32>} : memref<2x80x64xf32, #tpu.memory_space<vmem>>, vector<16xf32>,
        tpu.vector_store %arg13[%swap3A_701, %swap3A_702, %swap3A_703], %mul3A_700 {strides = array<i32>} : memref<2x80x64xf32, #tpu.memory_space<vmem>>, vector<16xf32>,
        %get3A_705 = arith.index_cast %rem3A_71 : i32 to index
        %get3A_706 = arith.index_cast %add3A_695 : i32 to index
        %get3A_707 = arith.constant 16 : index
        %get3A_708 = tpu.vector_load %arg13[%get3A_705, %get3A_706, %get3A_707] {strides = array<i32>} : memref<2x80x64xf32, #tpu.memory_space<vmem>>, vector<16xf32>,
        %mul3A_709 = arith.mulf %get3A_708, %gather3A_691 : vector<16xf32>
        %swap3A_710 = arith.index_cast %rem3A_71 : i32 to index
        %swap3A_711 = arith.index_cast %add3A_695 : i32 to index
        %swap3A_712 = arith.constant 16 : index
        %swap3A_713 = tpu.vector_load %arg13[%swap3A_710, %swap3A_711, %swap3A_712] {strides = array<i32>} : memref<2x80x64xf32, #tpu.memory_space<vmem>>, vector<16xf32>,
        tpu.vector_store %arg13[%swap3A_710, %swap3A_711, %swap3A_712], %mul3A_709 {strides = array<i32>} : memref<2x80x64xf32, #tpu.memory_space<vmem>>, vector<16xf32>,
        %get3A_714 = arith.index_cast %rem3A_71 : i32 to index
        %get3A_715 = arith.index_cast %add3A_695 : i32 to index
        %get3A_716 = arith.constant 32 : index
        %get3A_717 = tpu.vector_load %arg13[%get3A_714, %get3A_715, %get3A_716] {strides = array<i32>} : memref<2x80x64xf32, #tpu.memory_space<vmem>>, vector<16xf32>,
        %mul3A_718 = arith.mulf %get3A_717, %gather3A_691 : vector<16xf32>
        %swap3A_719 = arith.index_cast %rem3A_71 : i32 to index
        %swap3A_720 = arith.index_cast %add3A_695 : i32 to index
        %swap3A_721 = arith.constant 32 : index
        %swap3A_722 = tpu.vector_load %arg13[%swap3A_719, %swap3A_720, %swap3A_721] {strides = array<i32>} : memref<2x80x64xf32, #tpu.memory_space<vmem>>, vector<16xf32>,
        tpu.vector_store %arg13[%swap3A_719, %swap3A_720, %swap3A_721], %mul3A_718 {strides = array<i32>} : memref<2x80x64xf32, #tpu.memory_space<vmem>>, vector<16xf32>,
        %get3A_723 = arith.index_cast %rem3A_71 : i32 to index
        %get3A_724 = arith.index_cast %add3A_695 : i32 to index
        %get3A_725 = arith.constant 48 : index
        %get3A_726 = tpu.vector_load %arg13[%get3A_723, %get3A_724, %get3A_725] {strides = array<i32>} : memref<2x80x64xf32, #tpu.memory_space<vmem>>, vector<16xf32>,
        %mul3A_727 = arith.mulf %get3A_726, %gather3A_691 : vector<16xf32>
        %swap3A_728 = arith.index_cast %rem3A_71 : i32 to index
        %swap3A_729 = arith.index_cast %add3A_695 : i32 to index
        %swap3A_730 = arith.constant 48 : index
        %swap3A_731 = tpu.vector_load %arg13[%swap3A_728, %swap3A_729, %swap3A_730] {strides = array<i32>} : memref<2x80x64xf32, #tpu.memory_space<vmem>>, vector<16xf32>,
        tpu.vector_store %arg13[%swap3A_728, %swap3A_729, %swap3A_730], %mul3A_727 {strides = array<i32>} : memref<2x80x64xf32, #tpu.memory_space<vmem>>, vector<16xf32>,
        %broadcast_in_dim3A_732 = arith.constant 13 : i32
        %broadcast_in_dim3A_733 = vector.broadcast %broadcast_in_dim3A_732 : i32 to vector<16xi32>
        %broadcast_in_dim3A_734 = vector.shape_cast %broadcast_in_dim3A_733 : vector<16xi32> to vector<16x1xi32>
        %gather3A_735 = vector.shape_cast %broadcast_in_dim3A_734 : vector<16x1xi32> to vector<16xi32>
        %gather3A_736 = tpu.dynamic_gather %get3A_147[%gather3A_735] in [0] : vector<16xf32>, vector<16xi32> -> vector<16xf32>
        %mul3A_737 = arith.constant 16 : i32
        %mul3A_738 = arith.muli %scan3A_124, %mul3A_737 : i32
        %add3A_739 = arith.constant 13 : i32
        %add3A_740 = arith.addi %mul3A_738, %add3A_739 : i32
        %get3A_741 = arith.index_cast %rem3A_71 : i32 to index
        %get3A_742 = arith.index_cast %add3A_740 : i32 to index
        %get3A_743 = arith.constant 0 : index
        %get3A_744 = tpu.vector_load %arg13[%get3A_741, %get3A_742, %get3A_743] {strides = array<i32>} : memref<2x80x64xf32, #tpu.memory_space<vmem>>, vector<16xf32>,
        %mul3A_745 = arith.mulf %get3A_744, %gather3A_736 : vector<16xf32>
        %swap3A_746 = arith.index_cast %rem3A_71 : i32 to index
        %swap3A_747 = arith.index_cast %add3A_740 : i32 to index
        %swap3A_748 = arith.constant 0 : index
        %swap3A_749 = tpu.vector_load %arg13[%swap3A_746, %swap3A_747, %swap3A_748] {strides = array<i32>} : memref<2x80x64xf32, #tpu.memory_space<vmem>>, vector<16xf32>,
        tpu.vector_store %arg13[%swap3A_746, %swap3A_747, %swap3A_748], %mul3A_745 {strides = array<i32>} : memref<2x80x64xf32, #tpu.memory_space<vmem>>, vector<16xf32>,
        %get3A_750 = arith.index_cast %rem3A_71 : i32 to index
        %get3A_751 = arith.index_cast %add3A_740 : i32 to index
        %get3A_752 = arith.constant 16 : index
        %get3A_753 = tpu.vector_load %arg13[%get3A_750, %get3A_751, %get3A_752] {strides = array<i32>} : memref<2x80x64xf32, #tpu.memory_space<vmem>>, vector<16xf32>,
        %mul3A_754 = arith.mulf %get3A_753, %gather3A_736 : vector<16xf32>
        %swap3A_755 = arith.index_cast %rem3A_71 : i32 to index
        %swap3A_756 = arith.index_cast %add3A_740 : i32 to index
        %swap3A_757 = arith.constant 16 : index
        %swap3A_758 = tpu.vector_load %arg13[%swap3A_755, %swap3A_756, %swap3A_757] {strides = array<i32>} : memref<2x80x64xf32, #tpu.memory_space<vmem>>, vector<16xf32>,
        tpu.vector_store %arg13[%swap3A_755, %swap3A_756, %swap3A_757], %mul3A_754 {strides = array<i32>} : memref<2x80x64xf32, #tpu.memory_space<vmem>>, vector<16xf32>,
        %get3A_759 = arith.index_cast %rem3A_71 : i32 to index
        %get3A_760 = arith.index_cast %add3A_740 : i32 to index
        %get3A_761 = arith.constant 32 : index
        %get3A_762 = tpu.vector_load %arg13[%get3A_759, %get3A_760, %get3A_761] {strides = array<i32>} : memref<2x80x64xf32, #tpu.memory_space<vmem>>, vector<16xf32>,
        %mul3A_763 = arith.mulf %get3A_762, %gather3A_736 : vector<16xf32>
        %swap3A_764 = arith.index_cast %rem3A_71 : i32 to index
        %swap3A_765 = arith.index_cast %add3A_740 : i32 to index
        %swap3A_766 = arith.constant 32 : index
        %swap3A_767 = tpu.vector_load %arg13[%swap3A_764, %swap3A_765, %swap3A_766] {strides = array<i32>} : memref<2x80x64xf32, #tpu.memory_space<vmem>>, vector<16xf32>,
        tpu.vector_store %arg13[%swap3A_764, %swap3A_765, %swap3A_766], %mul3A_763 {strides = array<i32>} : memref<2x80x64xf32, #tpu.memory_space<vmem>>, vector<16xf32>,
        %get3A_768 = arith.index_cast %rem3A_71 : i32 to index
        %get3A_769 = arith.index_cast %add3A_740 : i32 to index
        %get3A_770 = arith.constant 48 : index
        %get3A_771 = tpu.vector_load %arg13[%get3A_768, %get3A_769, %get3A_770] {strides = array<i32>} : memref<2x80x64xf32, #tpu.memory_space<vmem>>, vector<16xf32>,
        %mul3A_772 = arith.mulf %get3A_771, %gather3A_736 : vector<16xf32>
        %swap3A_773 = arith.index_cast %rem3A_71 : i32 to index
        %swap3A_774 = arith.index_cast %add3A_740 : i32 to index
        %swap3A_775 = arith.constant 48 : index
        %swap3A_776 = tpu.vector_load %arg13[%swap3A_773, %swap3A_774, %swap3A_775] {strides = array<i32>} : memref<2x80x64xf32, #tpu.memory_space<vmem>>, vector<16xf32>,
        tpu.vector_store %arg13[%swap3A_773, %swap3A_774, %swap3A_775], %mul3A_772 {strides = array<i32>} : memref<2x80x64xf32, #tpu.memory_space<vmem>>, vector<16xf32>,
        %broadcast_in_dim3A_777 = arith.constant 14 : i32
        %broadcast_in_dim3A_778 = vector.broadcast %broadcast_in_dim3A_777 : i32 to vector<16xi32>
        %broadcast_in_dim3A_779 = vector.shape_cast %broadcast_in_dim3A_778 : vector<16xi32> to vector<16x1xi32>
        %gather3A_780 = vector.shape_cast %broadcast_in_dim3A_779 : vector<16x1xi32> to vector<16xi32>
        %gather3A_781 = tpu.dynamic_gather %get3A_147[%gather3A_780] in [0] : vector<16xf32>, vector<16xi32> -> vector<16xf32>
        %mul3A_782 = arith.constant 16 : i32
        %mul3A_783 = arith.muli %scan3A_124, %mul3A_782 : i32
        %add3A_784 = arith.constant 14 : i32
        %add3A_785 = arith.addi %mul3A_783, %add3A_784 : i32
        %get3A_786 = arith.index_cast %rem3A_71 : i32 to index
        %get3A_787 = arith.index_cast %add3A_785 : i32 to index
        %get3A_788 = arith.constant 0 : index
        %get3A_789 = tpu.vector_load %arg13[%get3A_786, %get3A_787, %get3A_788] {strides = array<i32>} : memref<2x80x64xf32, #tpu.memory_space<vmem>>, vector<16xf32>,
        %mul3A_790 = arith.mulf %get3A_789, %gather3A_781 : vector<16xf32>
        %swap3A_791 = arith.index_cast %rem3A_71 : i32 to index
        %swap3A_792 = arith.index_cast %add3A_785 : i32 to index
        %swap3A_793 = arith.constant 0 : index
        %swap3A_794 = tpu.vector_load %arg13[%swap3A_791, %swap3A_792, %swap3A_793] {strides = array<i32>} : memref<2x80x64xf32, #tpu.memory_space<vmem>>, vector<16xf32>,
        tpu.vector_store %arg13[%swap3A_791, %swap3A_792, %swap3A_793], %mul3A_790 {strides = array<i32>} : memref<2x80x64xf32, #tpu.memory_space<vmem>>, vector<16xf32>,
        %get3A_795 = arith.index_cast %rem3A_71 : i32 to index
        %get3A_796 = arith.index_cast %add3A_785 : i32 to index
        %get3A_797 = arith.constant 16 : index
        %get3A_798 = tpu.vector_load %arg13[%get3A_795, %get3A_796, %get3A_797] {strides = array<i32>} : memref<2x80x64xf32, #tpu.memory_space<vmem>>, vector<16xf32>,
        %mul3A_799 = arith.mulf %get3A_798, %gather3A_781 : vector<16xf32>
        %swap3A_800 = arith.index_cast %rem3A_71 : i32 to index
        %swap3A_801 = arith.index_cast %add3A_785 : i32 to index
        %swap3A_802 = arith.constant 16 : index
        %swap3A_803 = tpu.vector_load %arg13[%swap3A_800, %swap3A_801, %swap3A_802] {strides = array<i32>} : memref<2x80x64xf32, #tpu.memory_space<vmem>>, vector<16xf32>,
        tpu.vector_store %arg13[%swap3A_800, %swap3A_801, %swap3A_802], %mul3A_799 {strides = array<i32>} : memref<2x80x64xf32, #tpu.memory_space<vmem>>, vector<16xf32>,
        %get3A_804 = arith.index_cast %rem3A_71 : i32 to index
        %get3A_805 = arith.index_cast %add3A_785 : i32 to index
        %get3A_806 = arith.constant 32 : index
        %get3A_807 = tpu.vector_load %arg13[%get3A_804, %get3A_805, %get3A_806] {strides = array<i32>} : memref<2x80x64xf32, #tpu.memory_space<vmem>>, vector<16xf32>,
        %mul3A_808 = arith.mulf %get3A_807, %gather3A_781 : vector<16xf32>
        %swap3A_809 = arith.index_cast %rem3A_71 : i32 to index
        %swap3A_810 = arith.index_cast %add3A_785 : i32 to index
        %swap3A_811 = arith.constant 32 : index
        %swap3A_812 = tpu.vector_load %arg13[%swap3A_809, %swap3A_810, %swap3A_811] {strides = array<i32>} : memref<2x80x64xf32, #tpu.memory_space<vmem>>, vector<16xf32>,
        tpu.vector_store %arg13[%swap3A_809, %swap3A_810, %swap3A_811], %mul3A_808 {strides = array<i32>} : memref<2x80x64xf32, #tpu.memory_space<vmem>>, vector<16xf32>,
        %get3A_813 = arith.index_cast %rem3A_71 : i32 to index
        %get3A_814 = arith.index_cast %add3A_785 : i32 to index
        %get3A_815 = arith.constant 48 : index
        %get3A_816 = tpu.vector_load %arg13[%get3A_813, %get3A_814, %get3A_815] {strides = array<i32>} : memref<2x80x64xf32, #tpu.memory_space<vmem>>, vector<16xf32>,
        %mul3A_817 = arith.mulf %get3A_816, %gather3A_781 : vector<16xf32>
        %swap3A_818 = arith.index_cast %rem3A_71 : i32 to index
        %swap3A_819 = arith.index_cast %add3A_785 : i32 to index
        %swap3A_820 = arith.constant 48 : index
        %swap3A_821 = tpu.vector_load %arg13[%swap3A_818, %swap3A_819, %swap3A_820] {strides = array<i32>} : memref<2x80x64xf32, #tpu.memory_space<vmem>>, vector<16xf32>,
        tpu.vector_store %arg13[%swap3A_818, %swap3A_819, %swap3A_820], %mul3A_817 {strides = array<i32>} : memref<2x80x64xf32, #tpu.memory_space<vmem>>, vector<16xf32>,
        %broadcast_in_dim3A_822 = arith.constant 15 : i32
        %broadcast_in_dim3A_823 = vector.broadcast %broadcast_in_dim3A_822 : i32 to vector<16xi32>
        %broadcast_in_dim3A_824 = vector.shape_cast %broadcast_in_dim3A_823 : vector<16xi32> to vector<16x1xi32>
        %gather3A_825 = vector.shape_cast %broadcast_in_dim3A_824 : vector<16x1xi32> to vector<16xi32>
        %gather3A_826 = tpu.dynamic_gather %get3A_147[%gather3A_825] in [0] : vector<16xf32>, vector<16xi32> -> vector<16xf32>
        %mul3A_827 = arith.constant 16 : i32
        %mul3A_828 = arith.muli %scan3A_124, %mul3A_827 : i32
        %add3A_829 = arith.constant 15 : i32
        %add3A_830 = arith.addi %mul3A_828, %add3A_829 : i32
        %get3A_831 = arith.index_cast %rem3A_71 : i32 to index
        %get3A_832 = arith.index_cast %add3A_830 : i32 to index
        %get3A_833 = arith.constant 0 : index
        %get3A_834 = tpu.vector_load %arg13[%get3A_831, %get3A_832, %get3A_833] {strides = array<i32>} : memref<2x80x64xf32, #tpu.memory_space<vmem>>, vector<16xf32>,
        %mul3A_835 = arith.mulf %get3A_834, %gather3A_826 : vector<16xf32>
        %swap3A_836 = arith.index_cast %rem3A_71 : i32 to index
        %swap3A_837 = arith.index_cast %add3A_830 : i32 to index
        %swap3A_838 = arith.constant 0 : index
        %swap3A_839 = tpu.vector_load %arg13[%swap3A_836, %swap3A_837, %swap3A_838] {strides = array<i32>} : memref<2x80x64xf32, #tpu.memory_space<vmem>>, vector<16xf32>,
        tpu.vector_store %arg13[%swap3A_836, %swap3A_837, %swap3A_838], %mul3A_835 {strides = array<i32>} : memref<2x80x64xf32, #tpu.memory_space<vmem>>, vector<16xf32>,
        %get3A_840 = arith.index_cast %rem3A_71 : i32 to index
        %get3A_841 = arith.index_cast %add3A_830 : i32 to index
        %get3A_842 = arith.constant 16 : index
        %get3A_843 = tpu.vector_load %arg13[%get3A_840, %get3A_841, %get3A_842] {strides = array<i32>} : memref<2x80x64xf32, #tpu.memory_space<vmem>>, vector<16xf32>,
        %mul3A_844 = arith.mulf %get3A_843, %gather3A_826 : vector<16xf32>
        %swap3A_845 = arith.index_cast %rem3A_71 : i32 to index
        %swap3A_846 = arith.index_cast %add3A_830 : i32 to index
        %swap3A_847 = arith.constant 16 : index
        %swap3A_848 = tpu.vector_load %arg13[%swap3A_845, %swap3A_846, %swap3A_847] {strides = array<i32>} : memref<2x80x64xf32, #tpu.memory_space<vmem>>, vector<16xf32>,
        tpu.vector_store %arg13[%swap3A_845, %swap3A_846, %swap3A_847], %mul3A_844 {strides = array<i32>} : memref<2x80x64xf32, #tpu.memory_space<vmem>>, vector<16xf32>,
        %get3A_849 = arith.index_cast %rem3A_71 : i32 to index
        %get3A_850 = arith.index_cast %add3A_830 : i32 to index
        %get3A_851 = arith.constant 32 : index
        %get3A_852 = tpu.vector_load %arg13[%get3A_849, %get3A_850, %get3A_851] {strides = array<i32>} : memref<2x80x64xf32, #tpu.memory_space<vmem>>, vector<16xf32>,
        %mul3A_853 = arith.mulf %get3A_852, %gather3A_826 : vector<16xf32>
        %swap3A_854 = arith.index_cast %rem3A_71 : i32 to index
        %swap3A_855 = arith.index_cast %add3A_830 : i32 to index
        %swap3A_856 = arith.constant 32 : index
        %swap3A_857 = tpu.vector_load %arg13[%swap3A_854, %swap3A_855, %swap3A_856] {strides = array<i32>} : memref<2x80x64xf32, #tpu.memory_space<vmem>>, vector<16xf32>,
        tpu.vector_store %arg13[%swap3A_854, %swap3A_855, %swap3A_856], %mul3A_853 {strides = array<i32>} : memref<2x80x64xf32, #tpu.memory_space<vmem>>, vector<16xf32>,
        %get3A_858 = arith.index_cast %rem3A_71 : i32 to index
        %get3A_859 = arith.index_cast %add3A_830 : i32 to index
        %get3A_860 = arith.constant 48 : index
        %get3A_861 = tpu.vector_load %arg13[%get3A_858, %get3A_859, %get3A_860] {strides = array<i32>} : memref<2x80x64xf32, #tpu.memory_space<vmem>>, vector<16xf32>,
        %mul3A_862 = arith.mulf %get3A_861, %gather3A_826 : vector<16xf32>
        %swap3A_863 = arith.index_cast %rem3A_71 : i32 to index
        %swap3A_864 = arith.index_cast %add3A_830 : i32 to index
        %swap3A_865 = arith.constant 48 : index
        %swap3A_866 = tpu.vector_load %arg13[%swap3A_863, %swap3A_864, %swap3A_865] {strides = array<i32>} : memref<2x80x64xf32, #tpu.memory_space<vmem>>, vector<16xf32>,
        tpu.vector_store %arg13[%swap3A_863, %swap3A_864, %swap3A_865], %mul3A_862 {strides = array<i32>} : memref<2x80x64xf32, #tpu.memory_space<vmem>>, vector<16xf32>,
        %scan3A_867 = arith.constant 0 : i32
        scf.yield %scan3A_867 : i32
      }
      %scan3A_108 = arith.constant 5 : i32
      %and3A_109 = arith.andi %eq3A_87, %lt3A_90 : i1
      %convert_element_type3A_110 = arith.extui %and3A_109 : i1 to i32
      %cond3A_111 = arith.constant 0 : i32
      %cond3A_112 = arith.cmpi ne, %convert_element_type3A_110, %cond3A_111 : i32
      scf.if %cond3A_112 {
        %add3A_124 = arith.constant 1 : i32
        %add3A_125 = arith.addi %scan3A_68, %add3A_124 : i32
        %jit3A_126 = arith.constant 25 : i32
        %div3A_127 = arith.divsi %add3A_125, %jit3A_126 : i32
        %sign3A_128 = arith.constant 0 : i32
        %sign3A_129 = arith.cmpi sgt, %add3A_125, %sign3A_128 : i32
        %sign3A_130 = arith.extui %sign3A_129 : i1 to i32
        %sign3A_131 = arith.constant 0 : i32
        %sign3A_132 = arith.cmpi slt, %add3A_125, %sign3A_131 : i32
        %sign3A_133 = arith.extui %sign3A_132 : i1 to i32
        %sign3A_134 = arith.subi %sign3A_130, %sign3A_133 : i32
        %sign3A_135 = arith.constant 0 : i32
        %sign3A_136 = arith.cmpi sgt, %jit3A_126, %sign3A_135 : i32
        %sign3A_137 = arith.extui %sign3A_136 : i1 to i32
        %sign3A_138 = arith.constant 0 : i32
        %sign3A_139 = arith.cmpi slt, %jit3A_126, %sign3A_138 : i32
        %sign3A_140 = arith.extui %sign3A_139 : i1 to i32
        %sign3A_141 = arith.subi %sign3A_137, %sign3A_140 : i32
        %ne3A_142 = arith.cmpi ne, %sign3A_134, %sign3A_141 : i32
        %rem3A_143 = arith.remsi %add3A_125, %jit3A_126 : i32
        %ne3A_144 = arith.constant 0 : i32
        %ne3A_145 = arith.cmpi ne, %rem3A_143, %ne3A_144 : i32
        %and3A_146 = arith.andi %ne3A_142, %ne3A_145 : i1
        %sub3A_147 = arith.constant 1 : i32
        %sub3A_148 = arith.subi %div3A_127, %sub3A_147 : i32
        %select_n3A_149 = arith.select %and3A_146, %sub3A_148, %div3A_127 : i32
        %mul3A_150 = arith.constant 2000 : i32
        %mul3A_151 = arith.muli %select_n3A_149, %mul3A_150 : i32
        %add3A_152 = arith.addi %mul3A_2, %mul3A_151 : i32
        "tpu.region"() ({
          %run_scoped3A = tpu.sem_alloc : memref<!tpu.dma_semaphore, #tpu.memory_space<semaphore_mem>>
          %dma_start3A_167 = tpu.memref_slice %arg3[%add3A_152] : memref<800000xi32, #tpu.memory_space<hbm>> -> memref<2000xi32, #tpu.memory_space<hbm>>
          %dma_start3A_168 = tpu.memref_slice %arg3[%add3A_152] : memref<800000xi32, #tpu.memory_space<hbm>> -> memref<2000xi32, #tpu.memory_space<hbm>>
          tpu.enqueue_dma source(%dma_start3A_168 : memref<2000xi32, #tpu.memory_space<hbm>>) target(%arg9 : memref<2000xi32, #tpu.memory_space<vmem>>) target_semaphore(%run_scoped3A : memref<!tpu.dma_semaphore, #tpu.memory_space<semaphore_mem>>)
          %dma_wait3A_169 = tpu.memref_slice %arg3[%add3A_152] : memref<800000xi32, #tpu.memory_space<hbm>> -> memref<2000xi32, #tpu.memory_space<hbm>>
          %dma_wait3A_170 = tpu.memref_slice %arg3[%add3A_152] : memref<800000xi32, #tpu.memory_space<hbm>> -> memref<2000xi32, #tpu.memory_space<hbm>>
          tpu.wait_dma2 semaphore(%run_scoped3A : memref<!tpu.dma_semaphore, #tpu.memory_space<semaphore_mem>>) src(%dma_wait3A_170 : memref<2000xi32, #tpu.memory_space<hbm>>) dst(%arg9 : memref<2000xi32, #tpu.memory_space<vmem>>)
          tpu.yield
        }) : () -> ()
        "tpu.region"() ({
          %run_scoped3A = tpu.sem_alloc : memref<!tpu.dma_semaphore, #tpu.memory_space<semaphore_mem>>
          %dma_start3A_167 = tpu.memref_slice %arg4[%add3A_152] : memref<800000xi32, #tpu.memory_space<hbm>> -> memref<2000xi32, #tpu.memory_space<hbm>>
          %dma_start3A_168 = tpu.memref_slice %arg4[%add3A_152] : memref<800000xi32, #tpu.memory_space<hbm>> -> memref<2000xi32, #tpu.memory_space<hbm>>
          tpu.enqueue_dma source(%dma_start3A_168 : memref<2000xi32, #tpu.memory_space<hbm>>) target(%arg10 : memref<2000xi32, #tpu.memory_space<vmem>>) target_semaphore(%run_scoped3A : memref<!tpu.dma_semaphore, #tpu.memory_space<semaphore_mem>>)
          %dma_wait3A_169 = tpu.memref_slice %arg4[%add3A_152] : memref<800000xi32, #tpu.memory_space<hbm>> -> memref<2000xi32, #tpu.memory_space<hbm>>
          %dma_wait3A_170 = tpu.memref_slice %arg4[%add3A_152] : memref<800000xi32, #tpu.memory_space<hbm>> -> memref<2000xi32, #tpu.memory_space<hbm>>
          tpu.wait_dma2 semaphore(%run_scoped3A : memref<!tpu.dma_semaphore, #tpu.memory_space<semaphore_mem>>) src(%dma_wait3A_170 : memref<2000xi32, #tpu.memory_space<hbm>>) dst(%arg10 : memref<2000xi32, #tpu.memory_space<vmem>>)
          tpu.yield
        }) : () -> ()
        "tpu.region"() ({
          %run_scoped3A = tpu.sem_alloc : memref<!tpu.dma_semaphore, #tpu.memory_space<semaphore_mem>>
          %dma_start3A_167 = tpu.memref_slice %arg5[%add3A_152] : memref<800000xf32, #tpu.memory_space<hbm>> -> memref<2000xf32, #tpu.memory_space<hbm>>
          %dma_start3A_168 = tpu.memref_slice %arg5[%add3A_152] : memref<800000xf32, #tpu.memory_space<hbm>> -> memref<2000xf32, #tpu.memory_space<hbm>>
          tpu.enqueue_dma source(%dma_start3A_168 : memref<2000xf32, #tpu.memory_space<hbm>>) target(%arg11 : memref<2000xf32, #tpu.memory_space<vmem>>) target_semaphore(%run_scoped3A : memref<!tpu.dma_semaphore, #tpu.memory_space<semaphore_mem>>)
          %dma_wait3A_169 = tpu.memref_slice %arg5[%add3A_152] : memref<800000xf32, #tpu.memory_space<hbm>> -> memref<2000xf32, #tpu.memory_space<hbm>>
          %dma_wait3A_170 = tpu.memref_slice %arg5[%add3A_152] : memref<800000xf32, #tpu.memory_space<hbm>> -> memref<2000xf32, #tpu.memory_space<hbm>>
          tpu.wait_dma2 semaphore(%run_scoped3A : memref<!tpu.dma_semaphore, #tpu.memory_space<semaphore_mem>>) src(%dma_wait3A_170 : memref<2000xf32, #tpu.memory_space<hbm>>) dst(%arg11 : memref<2000xf32, #tpu.memory_space<vmem>>)
          tpu.yield
        }) : () -> ()
        %add3A_153 = arith.constant 1 : i32
        %add3A_154 = arith.addi %scan3A_68, %add3A_153 : i32
        %rem3A_155 = arith.constant 25 : i32
        %rem3A_156 = arith.remsi %add3A_154, %rem3A_155 : i32
        %mul3A_157 = arith.constant 80 : i32
        %mul3A_158 = arith.muli %rem3A_156, %mul3A_157 : i32
        %dma_start3A_159 = arith.constant 0 : i32
        %dma_start3A_160 = arith.constant 0 : i32
        %dma_start3A_161 = tpu.memref_slice %arg13[%sub3A_73, %dma_start3A_159, %dma_start3A_160] : memref<2x80x64xf32, #tpu.memory_space<vmem>> -> memref<1x80x64xf32, #tpu.memory_space<vmem>>
        %dma_start3A_162 = tpu.memref_squeeze %dma_start3A_161 : memref<1x80x64xf32, #tpu.memory_space<vmem>> -> memref<80x64xf32, #tpu.memory_space<vmem>>
        %dma_start3A_163 = tpu.memref_slice %arg9[%mul3A_158] : memref<2000xi32, #tpu.memory_space<vmem>> -> memref<80xi32, #tpu.memory_space<vmem>>
        %dma_start3A_164 = arith.constant 0 : i32
        %dma_start3A_165 = arith.constant 0 : i32
        %dma_start3A_166 = tpu.memref_slice %arg2[%dma_start3A_164, %dma_start3A_165] : memref<50000x64xf32, #tpu.memory_space<hbm>> -> memref<50000x64xf32, #tpu.memory_space<hbm>>
        tpu.enqueue_indirect_dma source(%dma_start3A_166 : memref<50000x64xf32, #tpu.memory_space<hbm>>) target(%dma_start3A_162 : memref<80x64xf32, #tpu.memory_space<vmem>>) offsets(%dma_start3A_163 : memref<80xi32, #tpu.memory_space<vmem>>) semaphore(%arg16 : memref<!tpu.dma_semaphore, #tpu.memory_space<semaphore_mem>>)
      } else {
      }
      %dma_start3A_113 = arith.constant 0 : i32
      %dma_start3A_114 = arith.constant 0 : i32
      %dma_start3A_115 = tpu.memref_slice %arg13[%rem3A_71, %dma_start3A_113, %dma_start3A_114] : memref<2x80x64xf32, #tpu.memory_space<vmem>> -> memref<1x80x64xf32, #tpu.memory_space<vmem>>
      %dma_start3A_116 = tpu.memref_squeeze %dma_start3A_115 : memref<1x80x64xf32, #tpu.memory_space<vmem>> -> memref<80x64xf32, #tpu.memory_space<vmem>>
      %dma_start3A_117 = arith.constant 0 : i32
      %dma_start3A_118 = tpu.memref_slice %arg12[%rem3A_71, %dma_start3A_117] : memref<2x80xi32, #tpu.memory_space<vmem>> -> memref<1x80xi32, #tpu.memory_space<vmem>>
      %dma_start3A_119 = tpu.memref_squeeze %dma_start3A_118 : memref<1x80xi32, #tpu.memory_space<vmem>> -> memref<80xi32, #tpu.memory_space<vmem>>
      %dma_start3A_120 = arith.constant 0 : i32
      %dma_start3A_121 = arith.constant 0 : i32
      %dma_start3A_122 = tpu.memref_slice %arg8[%dma_start3A_120, %dma_start3A_121] : memref<25008x64xf32, #tpu.memory_space<vmem_shared>> -> memref<25008x64xf32, #tpu.memory_space<vmem_shared>>
      tpu.enqueue_indirect_dma source(%dma_start3A_116 : memref<80x64xf32, #tpu.memory_space<vmem>>) target(%dma_start3A_122 : memref<25008x64xf32, #tpu.memory_space<vmem_shared>>) offsets(%dma_start3A_119 : memref<80xi32, #tpu.memory_space<vmem>>) semaphore(%arg17 : memref<!tpu.dma_semaphore, #tpu.memory_space<semaphore_mem>>) {add = true}
      %scan3A_123 = arith.constant 0 : i32
      scf.yield %scan3A_123 : i32
    }
    %scan3A_21 = arith.constant 625 : i32
    %dma_wait3A = arith.constant 0 : i32
    %dma_wait3A_22 = arith.constant 0 : i32
    %dma_wait3A_23 = arith.constant 0 : i32
    %dma_wait3A_24 = arith.constant 0 : i32
    %dma_wait3A_25 = tpu.memref_slice %arg13[%dma_wait3A, %dma_wait3A_23, %dma_wait3A_24] : memref<2x80x64xf32, #tpu.memory_space<vmem>> -> memref<1x80x64xf32, #tpu.memory_space<vmem>>
    %dma_wait3A_26 = tpu.memref_squeeze %dma_wait3A_25 : memref<1x80x64xf32, #tpu.memory_space<vmem>> -> memref<80x64xf32, #tpu.memory_space<vmem>>
    %dma_wait3A_27 = arith.constant 0 : i32
    %dma_wait3A_28 = tpu.memref_slice %arg12[%dma_wait3A_22, %dma_wait3A_27] : memref<2x80xi32, #tpu.memory_space<vmem>> -> memref<1x80xi32, #tpu.memory_space<vmem>>
    %dma_wait3A_29 = tpu.memref_squeeze %dma_wait3A_28 : memref<1x80xi32, #tpu.memory_space<vmem>> -> memref<80xi32, #tpu.memory_space<vmem>>
    %dma_wait3A_30 = arith.constant 0 : i32
    %dma_wait3A_31 = arith.constant 0 : i32
    %dma_wait3A_32 = tpu.memref_slice %arg8[%dma_wait3A_30, %dma_wait3A_31] : memref<25008x64xf32, #tpu.memory_space<vmem_shared>> -> memref<25008x64xf32, #tpu.memory_space<vmem_shared>>
    tpu.wait_indirect_dma semaphore(%arg17 : memref<!tpu.dma_semaphore, #tpu.memory_space<semaphore_mem>>) src(%dma_wait3A_26 : memref<80x64xf32, #tpu.memory_space<vmem>>) dst(%dma_wait3A_32 : memref<25008x64xf32, #tpu.memory_space<vmem_shared>>)
    %barrier3A_33 = arith.constant 0 : index
    tpu.barrier barrier_id(%barrier3A_33)
    %sub3A = arith.constant 500 : i32
    %sub3A_34 = arith.subi %sub3A, %arg1 : i32
    %add3A_35 = arith.constant 16 : i32
    %add3A_36 = arith.addi %sub3A_34, %add3A_35 : i32
    %sub3A_37 = arith.constant 1 : i32
    %sub3A_38 = arith.subi %add3A_36, %sub3A_37 : i32
    %jit3A = arith.constant 16 : i32
    %div3A = arith.divsi %sub3A_38, %jit3A : i32
    %sign3A = arith.constant 0 : i32
    %sign3A_39 = arith.cmpi sgt, %sub3A_38, %sign3A : i32
    %sign3A_40 = arith.extui %sign3A_39 : i1 to i32
    %sign3A_41 = arith.constant 0 : i32
    %sign3A_42 = arith.cmpi slt, %sub3A_38, %sign3A_41 : i32
    %sign3A_43 = arith.extui %sign3A_42 : i1 to i32
    %sign3A_44 = arith.subi %sign3A_40, %sign3A_43 : i32
    %sign3A_45 = arith.constant 0 : i32
    %sign3A_46 = arith.cmpi sgt, %jit3A, %sign3A_45 : i32
    %sign3A_47 = arith.extui %sign3A_46 : i1 to i32
    %sign3A_48 = arith.constant 0 : i32
    %sign3A_49 = arith.cmpi slt, %jit3A, %sign3A_48 : i32
    %sign3A_50 = arith.extui %sign3A_49 : i1 to i32
    %sign3A_51 = arith.subi %sign3A_47, %sign3A_50 : i32
    %ne3A = arith.cmpi ne, %sign3A_44, %sign3A_51 : i32
    %rem3A_52 = arith.remsi %sub3A_38, %jit3A : i32
    %ne3A_53 = arith.constant 0 : i32
    %ne3A_54 = arith.cmpi ne, %rem3A_52, %ne3A_53 : i32
    %and3A = arith.andi %ne3A, %ne3A_54 : i1
    %sub3A_55 = arith.constant 1 : i32
    %sub3A_56 = arith.subi %div3A, %sub3A_55 : i32
    %select_n3A = arith.select %and3A, %sub3A_56, %div3A : i32
    %while3A = arith.constant 0 : i32
    %while3A_57 = arith.constant 0 : i32
    %while3A_58 = arith.subi %select_n3A, %while3A : i32
    %while3A_59 = arith.addi %while3A, %while3A_58 : i32
    %while3A_60 = arith.constant 1 : i32
    %while3A_61 = arith.divsi %while3A_58, %while3A_60 : i32
    %while3A_62 = arith.muli %while3A_61, %while3A_60 : i32
    %while3A_63 = arith.addi %while3A, %while3A_62 : i32
    %while3A_64 = arith.constant 1 : i32
    %while3A_65 = scf.for %while3A_68 = %while3A to %while3A_63 step %while3A_64 iter_args(%while3A_69 = %while3A_57) -> (i32)  : i32 {
      %mul3A_70 = arith.constant 16 : i32
      %mul3A_71 = arith.muli %while3A_68, %mul3A_70 : i32
      %add3A_72 = arith.addi %arg1, %mul3A_71 : i32
      %mul3A_73 = arith.constant 50 : i32
      %mul3A_74 = arith.muli %add3A_72, %mul3A_73 : i32
      %mul3A_75 = arith.constant 25000 : i32
      %mul3A_76 = arith.muli %arg0, %mul3A_75 : i32
      %add3A_77 = arith.addi %mul3A_76, %mul3A_74 : i32
      "tpu.region"() ({
        %run_scoped3A = tpu.sem_alloc : memref<!tpu.dma_semaphore, #tpu.memory_space<semaphore_mem>>
        %dma_start3A_86 = arith.constant 0 : i32
        %dma_start3A_87 = tpu.memref_slice %arg2[%add3A_77, %dma_start3A_86] : memref<50000x64xf32, #tpu.memory_space<hbm>> -> memref<50x64xf32, #tpu.memory_space<hbm>>
        %dma_start3A_88 = arith.constant 0 : i32
        %dma_start3A_89 = tpu.memref_slice %arg2[%add3A_77, %dma_start3A_88] : memref<50000x64xf32, #tpu.memory_space<hbm>> -> memref<50x64xf32, #tpu.memory_space<hbm>>
        tpu.enqueue_dma source(%dma_start3A_89 : memref<50x64xf32, #tpu.memory_space<hbm>>) target(%arg14 : memref<50x64xf32, #tpu.memory_space<vmem>>) target_semaphore(%run_scoped3A : memref<!tpu.dma_semaphore, #tpu.memory_space<semaphore_mem>>)
        %dma_wait3A_90 = arith.constant 0 : i32
        %dma_wait3A_91 = tpu.memref_slice %arg2[%add3A_77, %dma_wait3A_90] : memref<50000x64xf32, #tpu.memory_space<hbm>> -> memref<50x64xf32, #tpu.memory_space<hbm>>
        %dma_wait3A_92 = arith.constant 0 : i32
        %dma_wait3A_93 = tpu.memref_slice %arg2[%add3A_77, %dma_wait3A_92] : memref<50000x64xf32, #tpu.memory_space<hbm>> -> memref<50x64xf32, #tpu.memory_space<hbm>>
        tpu.wait_dma2 semaphore(%run_scoped3A : memref<!tpu.dma_semaphore, #tpu.memory_space<semaphore_mem>>) src(%dma_wait3A_93 : memref<50x64xf32, #tpu.memory_space<hbm>>) dst(%arg14 : memref<50x64xf32, #tpu.memory_space<vmem>>)
        tpu.yield
      }) : () -> ()
      "tpu.region"() ({
        %run_scoped3A = tpu.sem_alloc : memref<!tpu.dma_semaphore, #tpu.memory_space<semaphore_mem>>
        %dma_start3A_86 = arith.constant 0 : i32
        %dma_start3A_87 = tpu.memref_slice %arg8[%mul3A_74, %dma_start3A_86] : memref<25008x64xf32, #tpu.memory_space<vmem_shared>> -> memref<50x64xf32, #tpu.memory_space<vmem_shared>>
        %dma_start3A_88 = arith.constant 0 : i32
        %dma_start3A_89 = tpu.memref_slice %arg8[%mul3A_74, %dma_start3A_88] : memref<25008x64xf32, #tpu.memory_space<vmem_shared>> -> memref<50x64xf32, #tpu.memory_space<vmem_shared>>
        tpu.enqueue_dma source(%dma_start3A_89 : memref<50x64xf32, #tpu.memory_space<vmem_shared>>) target(%arg15 : memref<50x64xf32, #tpu.memory_space<vmem>>) target_semaphore(%run_scoped3A : memref<!tpu.dma_semaphore, #tpu.memory_space<semaphore_mem>>)
        %dma_wait3A_90 = arith.constant 0 : i32
        %dma_wait3A_91 = tpu.memref_slice %arg8[%mul3A_74, %dma_wait3A_90] : memref<25008x64xf32, #tpu.memory_space<vmem_shared>> -> memref<50x64xf32, #tpu.memory_space<vmem_shared>>
        %dma_wait3A_92 = arith.constant 0 : i32
        %dma_wait3A_93 = tpu.memref_slice %arg8[%mul3A_74, %dma_wait3A_92] : memref<25008x64xf32, #tpu.memory_space<vmem_shared>> -> memref<50x64xf32, #tpu.memory_space<vmem_shared>>
        tpu.wait_dma2 semaphore(%run_scoped3A : memref<!tpu.dma_semaphore, #tpu.memory_space<semaphore_mem>>) src(%dma_wait3A_93 : memref<50x64xf32, #tpu.memory_space<vmem_shared>>) dst(%arg15 : memref<50x64xf32, #tpu.memory_space<vmem>>)
        tpu.yield
      }) : () -> ()
      %scan3A_78 = arith.constant 0 : i32
      %scan3A_79 = arith.constant 0 : i32
      %scan3A_80 = arith.constant 50 : i32
      %scan3A_81 = arith.addi %scan3A_79, %scan3A_80 : i32
      %scan3A_82 = arith.constant 1 : i32
      %scan3A_83 = scf.for %scan3A_86 = %scan3A_79 to %scan3A_81 step %scan3A_82 iter_args(%scan3A_87 = %scan3A_78) -> (i32)  : i32 {
        %get3A = arith.index_cast %scan3A_86 : i32 to index
        %get3A_88 = arith.constant 0 : index
        %get3A_89 = tpu.vector_load %arg14[%get3A, %get3A_88] {strides = array<i32>} : memref<50x64xf32, #tpu.memory_space<vmem>>, vector<16xf32>,
        %mul3A_90 = arith.constant 2.000000e-01 : f32
        %mul3A_91 = vector.broadcast %mul3A_90 : f32 to vector<16xf32>
        %mul3A_92 = arith.mulf %mul3A_91, %get3A_89 : vector<16xf32>
        %get3A_93 = arith.index_cast %scan3A_86 : i32 to index
        %get3A_94 = arith.constant 0 : index
        %get3A_95 = tpu.vector_load %arg15[%get3A_93, %get3A_94] {strides = array<i32>} : memref<50x64xf32, #tpu.memory_space<vmem>>, vector<16xf32>,
        %mul3A_96 = arith.constant 8.000000e-01 : f32
        %mul3A_97 = vector.broadcast %mul3A_96 : f32 to vector<16xf32>
        %mul3A_98 = arith.mulf %mul3A_97, %get3A_95 : vector<16xf32>
        %add3A_99 = arith.addf %mul3A_92, %mul3A_98 : vector<16xf32>
        %swap3A = arith.index_cast %scan3A_86 : i32 to index
        %swap3A_100 = arith.constant 0 : index
        %swap3A_101 = tpu.vector_load %arg15[%swap3A, %swap3A_100] {strides = array<i32>} : memref<50x64xf32, #tpu.memory_space<vmem>>, vector<16xf32>,
        tpu.vector_store %arg15[%swap3A, %swap3A_100], %add3A_99 {strides = array<i32>} : memref<50x64xf32, #tpu.memory_space<vmem>>, vector<16xf32>,
        %get3A_102 = arith.index_cast %scan3A_86 : i32 to index
        %get3A_103 = arith.constant 16 : index
        %get3A_104 = tpu.vector_load %arg14[%get3A_102, %get3A_103] {strides = array<i32>} : memref<50x64xf32, #tpu.memory_space<vmem>>, vector<16xf32>,
        %mul3A_105 = arith.constant 2.000000e-01 : f32
        %mul3A_106 = vector.broadcast %mul3A_105 : f32 to vector<16xf32>
        %mul3A_107 = arith.mulf %mul3A_106, %get3A_104 : vector<16xf32>
        %get3A_108 = arith.index_cast %scan3A_86 : i32 to index
        %get3A_109 = arith.constant 16 : index
        %get3A_110 = tpu.vector_load %arg15[%get3A_108, %get3A_109] {strides = array<i32>} : memref<50x64xf32, #tpu.memory_space<vmem>>, vector<16xf32>,
        %mul3A_111 = arith.constant 8.000000e-01 : f32
        %mul3A_112 = vector.broadcast %mul3A_111 : f32 to vector<16xf32>
        %mul3A_113 = arith.mulf %mul3A_112, %get3A_110 : vector<16xf32>
        %add3A_114 = arith.addf %mul3A_107, %mul3A_113 : vector<16xf32>
        %swap3A_115 = arith.index_cast %scan3A_86 : i32 to index
        %swap3A_116 = arith.constant 16 : index
        %swap3A_117 = tpu.vector_load %arg15[%swap3A_115, %swap3A_116] {strides = array<i32>} : memref<50x64xf32, #tpu.memory_space<vmem>>, vector<16xf32>,
        tpu.vector_store %arg15[%swap3A_115, %swap3A_116], %add3A_114 {strides = array<i32>} : memref<50x64xf32, #tpu.memory_space<vmem>>, vector<16xf32>,
        %get3A_118 = arith.index_cast %scan3A_86 : i32 to index
        %get3A_119 = arith.constant 32 : index
        %get3A_120 = tpu.vector_load %arg14[%get3A_118, %get3A_119] {strides = array<i32>} : memref<50x64xf32, #tpu.memory_space<vmem>>, vector<16xf32>,
        %mul3A_121 = arith.constant 2.000000e-01 : f32
        %mul3A_122 = vector.broadcast %mul3A_121 : f32 to vector<16xf32>
        %mul3A_123 = arith.mulf %mul3A_122, %get3A_120 : vector<16xf32>
        %get3A_124 = arith.index_cast %scan3A_86 : i32 to index
        %get3A_125 = arith.constant 32 : index
        %get3A_126 = tpu.vector_load %arg15[%get3A_124, %get3A_125] {strides = array<i32>} : memref<50x64xf32, #tpu.memory_space<vmem>>, vector<16xf32>,
        %mul3A_127 = arith.constant 8.000000e-01 : f32
        %mul3A_128 = vector.broadcast %mul3A_127 : f32 to vector<16xf32>
        %mul3A_129 = arith.mulf %mul3A_128, %get3A_126 : vector<16xf32>
        %add3A_130 = arith.addf %mul3A_123, %mul3A_129 : vector<16xf32>
        %swap3A_131 = arith.index_cast %scan3A_86 : i32 to index
        %swap3A_132 = arith.constant 32 : index
        %swap3A_133 = tpu.vector_load %arg15[%swap3A_131, %swap3A_132] {strides = array<i32>} : memref<50x64xf32, #tpu.memory_space<vmem>>, vector<16xf32>,
        tpu.vector_store %arg15[%swap3A_131, %swap3A_132], %add3A_130 {strides = array<i32>} : memref<50x64xf32, #tpu.memory_space<vmem>>, vector<16xf32>,
        %get3A_134 = arith.index_cast %scan3A_86 : i32 to index
        %get3A_135 = arith.constant 48 : index
        %get3A_136 = tpu.vector_load %arg14[%get3A_134, %get3A_135] {strides = array<i32>} : memref<50x64xf32, #tpu.memory_space<vmem>>, vector<16xf32>,
        %mul3A_137 = arith.constant 2.000000e-01 : f32
        %mul3A_138 = vector.broadcast %mul3A_137 : f32 to vector<16xf32>
        %mul3A_139 = arith.mulf %mul3A_138, %get3A_136 : vector<16xf32>
        %get3A_140 = arith.index_cast %scan3A_86 : i32 to index
        %get3A_141 = arith.constant 48 : index
        %get3A_142 = tpu.vector_load %arg15[%get3A_140, %get3A_141] {strides = array<i32>} : memref<50x64xf32, #tpu.memory_space<vmem>>, vector<16xf32>,
        %mul3A_143 = arith.constant 8.000000e-01 : f32
        %mul3A_144 = vector.broadcast %mul3A_143 : f32 to vector<16xf32>
        %mul3A_145 = arith.mulf %mul3A_144, %get3A_142 : vector<16xf32>
        %add3A_146 = arith.addf %mul3A_139, %mul3A_145 : vector<16xf32>
        %swap3A_147 = arith.index_cast %scan3A_86 : i32 to index
        %swap3A_148 = arith.constant 48 : index
        %swap3A_149 = tpu.vector_load %arg15[%swap3A_147, %swap3A_148] {strides = array<i32>} : memref<50x64xf32, #tpu.memory_space<vmem>>, vector<16xf32>,
        tpu.vector_store %arg15[%swap3A_147, %swap3A_148], %add3A_146 {strides = array<i32>} : memref<50x64xf32, #tpu.memory_space<vmem>>, vector<16xf32>,
        %scan3A_150 = arith.constant 0 : i32
        scf.yield %scan3A_150 : i32
      }
      %scan3A_84 = arith.constant 50 : i32
      "tpu.region"() ({
        %run_scoped3A = tpu.sem_alloc : memref<!tpu.dma_semaphore, #tpu.memory_space<semaphore_mem>>
        %dma_start3A_86 = arith.constant 0 : i32
        %dma_start3A_87 = tpu.memref_slice %arg7[%add3A_77, %dma_start3A_86] : memref<50000x64xf32, #tpu.memory_space<hbm>> -> memref<50x64xf32, #tpu.memory_space<hbm>>
        %dma_start3A_88 = arith.constant 0 : i32
        %dma_start3A_89 = tpu.memref_slice %arg7[%add3A_77, %dma_start3A_88] : memref<50000x64xf32, #tpu.memory_space<hbm>> -> memref<50x64xf32, #tpu.memory_space<hbm>>
        tpu.enqueue_dma source(%arg15 : memref<50x64xf32, #tpu.memory_space<vmem>>) target(%dma_start3A_89 : memref<50x64xf32, #tpu.memory_space<hbm>>) target_semaphore(%run_scoped3A : memref<!tpu.dma_semaphore, #tpu.memory_space<semaphore_mem>>)
        %dma_wait3A_90 = arith.constant 0 : i32
        %dma_wait3A_91 = tpu.memref_slice %arg7[%add3A_77, %dma_wait3A_90] : memref<50000x64xf32, #tpu.memory_space<hbm>> -> memref<50x64xf32, #tpu.memory_space<hbm>>
        %dma_wait3A_92 = arith.constant 0 : i32
        %dma_wait3A_93 = tpu.memref_slice %arg7[%add3A_77, %dma_wait3A_92] : memref<50000x64xf32, #tpu.memory_space<hbm>> -> memref<50x64xf32, #tpu.memory_space<hbm>>
        tpu.wait_dma2 semaphore(%run_scoped3A : memref<!tpu.dma_semaphore, #tpu.memory_space<semaphore_mem>>) src(%arg15 : memref<50x64xf32, #tpu.memory_space<vmem>>) dst(%dma_wait3A_93 : memref<50x64xf32, #tpu.memory_space<hbm>>)
        tpu.yield
      }) : () -> ()
      %while3A_85 = arith.constant 0 : i32
      scf.yield %while3A_85 : i32
    }
    %while3A_66 = arith.constant 1 : i32
    %while3A_67 = scf.for %while3A_68 = %while3A_63 to %while3A_59 step %while3A_66 iter_args(%while3A_69 = %while3A_65) -> (i32)  : i32 {
      %mul3A_70 = arith.constant 16 : i32
      %mul3A_71 = arith.muli %while3A_68, %mul3A_70 : i32
      %add3A_72 = arith.addi %arg1, %mul3A_71 : i32
      %mul3A_73 = arith.constant 50 : i32
      %mul3A_74 = arith.muli %add3A_72, %mul3A_73 : i32
      %mul3A_75 = arith.constant 25000 : i32
      %mul3A_76 = arith.muli %arg0, %mul3A_75 : i32
      %add3A_77 = arith.addi %mul3A_76, %mul3A_74 : i32
      "tpu.region"() ({
        %run_scoped3A = tpu.sem_alloc : memref<!tpu.dma_semaphore, #tpu.memory_space<semaphore_mem>>
        %dma_start3A_86 = arith.constant 0 : i32
        %dma_start3A_87 = tpu.memref_slice %arg2[%add3A_77, %dma_start3A_86] : memref<50000x64xf32, #tpu.memory_space<hbm>> -> memref<50x64xf32, #tpu.memory_space<hbm>>
        %dma_start3A_88 = arith.constant 0 : i32
        %dma_start3A_89 = tpu.memref_slice %arg2[%add3A_77, %dma_start3A_88] : memref<50000x64xf32, #tpu.memory_space<hbm>> -> memref<50x64xf32, #tpu.memory_space<hbm>>
        tpu.enqueue_dma source(%dma_start3A_89 : memref<50x64xf32, #tpu.memory_space<hbm>>) target(%arg14 : memref<50x64xf32, #tpu.memory_space<vmem>>) target_semaphore(%run_scoped3A : memref<!tpu.dma_semaphore, #tpu.memory_space<semaphore_mem>>)
        %dma_wait3A_90 = arith.constant 0 : i32
        %dma_wait3A_91 = tpu.memref_slice %arg2[%add3A_77, %dma_wait3A_90] : memref<50000x64xf32, #tpu.memory_space<hbm>> -> memref<50x64xf32, #tpu.memory_space<hbm>>
        %dma_wait3A_92 = arith.constant 0 : i32
        %dma_wait3A_93 = tpu.memref_slice %arg2[%add3A_77, %dma_wait3A_92] : memref<50000x64xf32, #tpu.memory_space<hbm>> -> memref<50x64xf32, #tpu.memory_space<hbm>>
        tpu.wait_dma2 semaphore(%run_scoped3A : memref<!tpu.dma_semaphore, #tpu.memory_space<semaphore_mem>>) src(%dma_wait3A_93 : memref<50x64xf32, #tpu.memory_space<hbm>>) dst(%arg14 : memref<50x64xf32, #tpu.memory_space<vmem>>)
        tpu.yield
      }) : () -> ()
      "tpu.region"() ({
        %run_scoped3A = tpu.sem_alloc : memref<!tpu.dma_semaphore, #tpu.memory_space<semaphore_mem>>
        %dma_start3A_86 = arith.constant 0 : i32
        %dma_start3A_87 = tpu.memref_slice %arg8[%mul3A_74, %dma_start3A_86] : memref<25008x64xf32, #tpu.memory_space<vmem_shared>> -> memref<50x64xf32, #tpu.memory_space<vmem_shared>>
        %dma_start3A_88 = arith.constant 0 : i32
        %dma_start3A_89 = tpu.memref_slice %arg8[%mul3A_74, %dma_start3A_88] : memref<25008x64xf32, #tpu.memory_space<vmem_shared>> -> memref<50x64xf32, #tpu.memory_space<vmem_shared>>
        tpu.enqueue_dma source(%dma_start3A_89 : memref<50x64xf32, #tpu.memory_space<vmem_shared>>) target(%arg15 : memref<50x64xf32, #tpu.memory_space<vmem>>) target_semaphore(%run_scoped3A : memref<!tpu.dma_semaphore, #tpu.memory_space<semaphore_mem>>)
        %dma_wait3A_90 = arith.constant 0 : i32
        %dma_wait3A_91 = tpu.memref_slice %arg8[%mul3A_74, %dma_wait3A_90] : memref<25008x64xf32, #tpu.memory_space<vmem_shared>> -> memref<50x64xf32, #tpu.memory_space<vmem_shared>>
        %dma_wait3A_92 = arith.constant 0 : i32
        %dma_wait3A_93 = tpu.memref_slice %arg8[%mul3A_74, %dma_wait3A_92] : memref<25008x64xf32, #tpu.memory_space<vmem_shared>> -> memref<50x64xf32, #tpu.memory_space<vmem_shared>>
        tpu.wait_dma2 semaphore(%run_scoped3A : memref<!tpu.dma_semaphore, #tpu.memory_space<semaphore_mem>>) src(%dma_wait3A_93 : memref<50x64xf32, #tpu.memory_space<vmem_shared>>) dst(%arg15 : memref<50x64xf32, #tpu.memory_space<vmem>>)
        tpu.yield
      }) : () -> ()
      %scan3A_78 = arith.constant 0 : i32
      %scan3A_79 = arith.constant 0 : i32
      %scan3A_80 = arith.constant 50 : i32
      %scan3A_81 = arith.addi %scan3A_79, %scan3A_80 : i32
      %scan3A_82 = arith.constant 1 : i32
      %scan3A_83 = scf.for %scan3A_86 = %scan3A_79 to %scan3A_81 step %scan3A_82 iter_args(%scan3A_87 = %scan3A_78) -> (i32)  : i32 {
        %get3A = arith.index_cast %scan3A_86 : i32 to index
        %get3A_88 = arith.constant 0 : index
        %get3A_89 = tpu.vector_load %arg14[%get3A, %get3A_88] {strides = array<i32>} : memref<50x64xf32, #tpu.memory_space<vmem>>, vector<16xf32>,
        %mul3A_90 = arith.constant 2.000000e-01 : f32
        %mul3A_91 = vector.broadcast %mul3A_90 : f32 to vector<16xf32>
        %mul3A_92 = arith.mulf %mul3A_91, %get3A_89 : vector<16xf32>
        %get3A_93 = arith.index_cast %scan3A_86 : i32 to index
        %get3A_94 = arith.constant 0 : index
        %get3A_95 = tpu.vector_load %arg15[%get3A_93, %get3A_94] {strides = array<i32>} : memref<50x64xf32, #tpu.memory_space<vmem>>, vector<16xf32>,
        %mul3A_96 = arith.constant 8.000000e-01 : f32
        %mul3A_97 = vector.broadcast %mul3A_96 : f32 to vector<16xf32>
        %mul3A_98 = arith.mulf %mul3A_97, %get3A_95 : vector<16xf32>
        %add3A_99 = arith.addf %mul3A_92, %mul3A_98 : vector<16xf32>
        %swap3A = arith.index_cast %scan3A_86 : i32 to index
        %swap3A_100 = arith.constant 0 : index
        %swap3A_101 = tpu.vector_load %arg15[%swap3A, %swap3A_100] {strides = array<i32>} : memref<50x64xf32, #tpu.memory_space<vmem>>, vector<16xf32>,
        tpu.vector_store %arg15[%swap3A, %swap3A_100], %add3A_99 {strides = array<i32>} : memref<50x64xf32, #tpu.memory_space<vmem>>, vector<16xf32>,
        %get3A_102 = arith.index_cast %scan3A_86 : i32 to index
        %get3A_103 = arith.constant 16 : index
        %get3A_104 = tpu.vector_load %arg14[%get3A_102, %get3A_103] {strides = array<i32>} : memref<50x64xf32, #tpu.memory_space<vmem>>, vector<16xf32>,
        %mul3A_105 = arith.constant 2.000000e-01 : f32
        %mul3A_106 = vector.broadcast %mul3A_105 : f32 to vector<16xf32>
        %mul3A_107 = arith.mulf %mul3A_106, %get3A_104 : vector<16xf32>
        %get3A_108 = arith.index_cast %scan3A_86 : i32 to index
        %get3A_109 = arith.constant 16 : index
        %get3A_110 = tpu.vector_load %arg15[%get3A_108, %get3A_109] {strides = array<i32>} : memref<50x64xf32, #tpu.memory_space<vmem>>, vector<16xf32>,
        %mul3A_111 = arith.constant 8.000000e-01 : f32
        %mul3A_112 = vector.broadcast %mul3A_111 : f32 to vector<16xf32>
        %mul3A_113 = arith.mulf %mul3A_112, %get3A_110 : vector<16xf32>
        %add3A_114 = arith.addf %mul3A_107, %mul3A_113 : vector<16xf32>
        %swap3A_115 = arith.index_cast %scan3A_86 : i32 to index
        %swap3A_116 = arith.constant 16 : index
        %swap3A_117 = tpu.vector_load %arg15[%swap3A_115, %swap3A_116] {strides = array<i32>} : memref<50x64xf32, #tpu.memory_space<vmem>>, vector<16xf32>,
        tpu.vector_store %arg15[%swap3A_115, %swap3A_116], %add3A_114 {strides = array<i32>} : memref<50x64xf32, #tpu.memory_space<vmem>>, vector<16xf32>,
        %get3A_118 = arith.index_cast %scan3A_86 : i32 to index
        %get3A_119 = arith.constant 32 : index
        %get3A_120 = tpu.vector_load %arg14[%get3A_118, %get3A_119] {strides = array<i32>} : memref<50x64xf32, #tpu.memory_space<vmem>>, vector<16xf32>,
        %mul3A_121 = arith.constant 2.000000e-01 : f32
        %mul3A_122 = vector.broadcast %mul3A_121 : f32 to vector<16xf32>
        %mul3A_123 = arith.mulf %mul3A_122, %get3A_120 : vector<16xf32>
        %get3A_124 = arith.index_cast %scan3A_86 : i32 to index
        %get3A_125 = arith.constant 32 : index
        %get3A_126 = tpu.vector_load %arg15[%get3A_124, %get3A_125] {strides = array<i32>} : memref<50x64xf32, #tpu.memory_space<vmem>>, vector<16xf32>,
        %mul3A_127 = arith.constant 8.000000e-01 : f32
        %mul3A_128 = vector.broadcast %mul3A_127 : f32 to vector<16xf32>
        %mul3A_129 = arith.mulf %mul3A_128, %get3A_126 : vector<16xf32>
        %add3A_130 = arith.addf %mul3A_123, %mul3A_129 : vector<16xf32>
        %swap3A_131 = arith.index_cast %scan3A_86 : i32 to index
        %swap3A_132 = arith.constant 32 : index
        %swap3A_133 = tpu.vector_load %arg15[%swap3A_131, %swap3A_132] {strides = array<i32>} : memref<50x64xf32, #tpu.memory_space<vmem>>, vector<16xf32>,
        tpu.vector_store %arg15[%swap3A_131, %swap3A_132], %add3A_130 {strides = array<i32>} : memref<50x64xf32, #tpu.memory_space<vmem>>, vector<16xf32>,
        %get3A_134 = arith.index_cast %scan3A_86 : i32 to index
        %get3A_135 = arith.constant 48 : index
        %get3A_136 = tpu.vector_load %arg14[%get3A_134, %get3A_135] {strides = array<i32>} : memref<50x64xf32, #tpu.memory_space<vmem>>, vector<16xf32>,
        %mul3A_137 = arith.constant 2.000000e-01 : f32
        %mul3A_138 = vector.broadcast %mul3A_137 : f32 to vector<16xf32>
        %mul3A_139 = arith.mulf %mul3A_138, %get3A_136 : vector<16xf32>
        %get3A_140 = arith.index_cast %scan3A_86 : i32 to index
        %get3A_141 = arith.constant 48 : index
        %get3A_142 = tpu.vector_load %arg15[%get3A_140, %get3A_141] {strides = array<i32>} : memref<50x64xf32, #tpu.memory_space<vmem>>, vector<16xf32>,
        %mul3A_143 = arith.constant 8.000000e-01 : f32
        %mul3A_144 = vector.broadcast %mul3A_143 : f32 to vector<16xf32>
        %mul3A_145 = arith.mulf %mul3A_144, %get3A_142 : vector<16xf32>
        %add3A_146 = arith.addf %mul3A_139, %mul3A_145 : vector<16xf32>
        %swap3A_147 = arith.index_cast %scan3A_86 : i32 to index
        %swap3A_148 = arith.constant 48 : index
        %swap3A_149 = tpu.vector_load %arg15[%swap3A_147, %swap3A_148] {strides = array<i32>} : memref<50x64xf32, #tpu.memory_space<vmem>>, vector<16xf32>,
        tpu.vector_store %arg15[%swap3A_147, %swap3A_148], %add3A_146 {strides = array<i32>} : memref<50x64xf32, #tpu.memory_space<vmem>>, vector<16xf32>,
        %scan3A_150 = arith.constant 0 : i32
        scf.yield %scan3A_150 : i32
      }
      %scan3A_84 = arith.constant 50 : i32
      "tpu.region"() ({
        %run_scoped3A = tpu.sem_alloc : memref<!tpu.dma_semaphore, #tpu.memory_space<semaphore_mem>>
        %dma_start3A_86 = arith.constant 0 : i32
        %dma_start3A_87 = tpu.memref_slice %arg7[%add3A_77, %dma_start3A_86] : memref<50000x64xf32, #tpu.memory_space<hbm>> -> memref<50x64xf32, #tpu.memory_space<hbm>>
        %dma_start3A_88 = arith.constant 0 : i32
        %dma_start3A_89 = tpu.memref_slice %arg7[%add3A_77, %dma_start3A_88] : memref<50000x64xf32, #tpu.memory_space<hbm>> -> memref<50x64xf32, #tpu.memory_space<hbm>>
        tpu.enqueue_dma source(%arg15 : memref<50x64xf32, #tpu.memory_space<vmem>>) target(%dma_start3A_89 : memref<50x64xf32, #tpu.memory_space<hbm>>) target_semaphore(%run_scoped3A : memref<!tpu.dma_semaphore, #tpu.memory_space<semaphore_mem>>)
        %dma_wait3A_90 = arith.constant 0 : i32
        %dma_wait3A_91 = tpu.memref_slice %arg7[%add3A_77, %dma_wait3A_90] : memref<50000x64xf32, #tpu.memory_space<hbm>> -> memref<50x64xf32, #tpu.memory_space<hbm>>
        %dma_wait3A_92 = arith.constant 0 : i32
        %dma_wait3A_93 = tpu.memref_slice %arg7[%add3A_77, %dma_wait3A_92] : memref<50000x64xf32, #tpu.memory_space<hbm>> -> memref<50x64xf32, #tpu.memory_space<hbm>>
        tpu.wait_dma2 semaphore(%run_scoped3A : memref<!tpu.dma_semaphore, #tpu.memory_space<semaphore_mem>>) src(%arg15 : memref<50x64xf32, #tpu.memory_space<vmem>>) dst(%dma_wait3A_93 : memref<50x64xf32, #tpu.memory_space<hbm>>)
        tpu.yield
      }) : () -> ()
      %while3A_85 = arith.constant 0 : i32
      scf.yield %while3A_85 : i32
    }
    return
  }
}

</mosaic_0001>

<sc_bundles>
// kernel: kernel.12.cloned.1.call-start
scs
__scs_entry_jumppad:
0x0: {  	(pc) =	sbr.rel $0x88, $3  }
0x1: {  	(tag) =	ssettag $0x0;
	lr =	simm.s32 $0x1  }
0x2: {  	[smem:$0x3F9B] =	sst lr;
	_ =	strace $0xD0000000  }
0x3: {  	_ = 	snop  }
0x4: {  	_ = 	snop  }
0x5: {  	_ = 	snop  }
0x6: {  	_ = 	snop  }
0x7: {  	_ = 	snop  }
__scs_overlays_trampoline_lowered:
0x8: {  	[smem:$0x3FAA] =	sst s0  }
0x9: {  	[smem:$0x3FAB] =	sst s1  }
0xa: {  	[smem:$0x3FAC] =	sst s2  }
0xb: {  	[smem:$0x3FAD] =	sst s3  }
0xc: {  	[smem:$0x3FAE] =	sst s4  }
0xd: {  	[smem:$0x3FAF] =	sst s5  }
0xe: {  	[smem:$0x3FB0] =	sst s6  }
0xf: {  	[smem:$0x3FB1] =	sst s7  }
0x10: {  	[smem:$0x3FB2] =	sst s8  }
0x11: {  	[smem:$0x3FB3] =	sst s9;
	s0 =	simm.s32 @!p0 $0x0  }
0x12: {  	s1 =	sld [smem:$0x3F99];
	s0 =	simm.s32 @p0 $0x1  }
0x13: {  	[smem:$0x3FB4] =	sst s0;
	s0 =	simm.s32 @!p1 $0x0  }
0x14: {  	s2 =	sld [smem:$0x3F98];
	s0 =	simm.s32 @p1 $0x1  }
0x15: {  	[smem:$0x3FB5] =	sst s0;
	s0 =	simm.s32 @!p2 $0x0  }
0x16: {  	s3 =	sld [smem:$0x3FDB];
	s0 =	simm.s32 @p2 $0x1  }
0x17: {  	s4 =	simm.s32 $0x1BF5;
	[smem:$0x3FB7] =	sst s0  }
0x18: {  	s0 =	sld [smem:$0x3F9A];
	_ =	swait.ge [sflag:s4], $0x0  }
0x19: {  	s7 =	sld [smem:$0x3F9B]  }
0x1a: {  	s8 =	sadd.s32 $0xFFFFE003, lr  }
0x1b: {  	s9 =	sadd.s32 $0xFFFFFEF7, lr;
	s5 =	simm.s32 $0xFFFFFFFF;
	p2 =	slt.u32 s8, $0xFFFFF086  }
0x1c: {  	p1 =	slt.u32 s9, $0xF7A;
	s5 =	simm.s32 @!p2 $0x0  }
0x1d: {  	s5 =	simm.s32 @p1 $0x1;
	p0 =	seq.s32 s7, s2  }
0x1e: {  	s7 =	smul.u32 @!p0 $0xF7A, s2;
	p2 =	seq.s32 @!p0 s5, $0x0  }
0x1f: {  	s9 =	smul.u32 $0xF7A, s1;
	s8 =	simm.s32 @!p0 $0x1BF5;
	p2 =	por !p2, p0  }
0x20: {  	[sflag:s8] =	ssyncset.s32 @!p0 $0xFFFFF086;
	s6 =	sadd.s32 @!p0 s3, s7;
	s7 =	simm.s32 @!p0 $0x108  }
0x21: {  	s3 =	sadd.s32 s3, s9;
	s6 =	sadd.s32 @!p0 $0x88, s6;
	s7 =	simm.s32 @p2 $0x1082  }
0x22: {  	[simem:s7], [sflag:s8] =	dma.local @!p0 [hbm:s6], $0xF7A  }
0x23: {  	s9 =	sor.u32 $0xD0000000, s2;
	s6 =	simm.s32 $0x108;
	_ =	swait.ge @!p0 [sflag:s8], $0x0  }
0x24: {  	s3 =	sadd.s32 $0x88, s3;
	s6 =	simm.s32 @!p1 $0x1082;
	[sflag:s4] =	ssyncset.s32 $0xFFFFF086  }
0x25: {  	[simem:s6], [sflag:s4] =	dma.local [hbm:s3], $0xF7A  }
0x26: {  	[smem:$0x3F9B] =	sst s1;
	(tag) =	ssettag s2;
	_ =	strace s9  }
0x27: {  	s1 =	sld [smem:$0x3FAB]  }
0x28: {  	s2 =	sld [smem:$0x3FAC]  }
0x29: {  	s4 =	sld [smem:$0x3FAE]  }
0x2a: {  	p0 =	seq.s32 s5, $0x0;
	s5 =	sld [smem:$0x3FAF]  }
0x2b: {  	s6 =	sld [smem:$0x3FB0]  }
0x2c: {  	s7 =	sld [smem:$0x3FB1]  }
0x2d: {  	s3 =	simm.s32 $0x108;
	s8 =	sld [smem:$0x3FB2]  }
0x2e: {  	s3 =	simm.s32 @!p0 $0x1082;
	s9 =	sld [smem:$0x3FB3]  }
0x2f: {  	lr =	sadd.s32 s0, s3;
	s0 =	sld [smem:$0x3FAA]  }
0x30: {  	s3 =	sld [smem:$0x3FAD]  }
0x31: {  	[smem:$0x3FB6] =	sst s10  }
0x32: {  	s10 =	sld [smem:$0x3FB4];
	_ =	sdelay $0x3  }
0x33: {  	p0 =	seq.s32 s10, $0x1;
	s10 =	sld [smem:$0x3FB6];
	_ =	sdelay $0x3  }
0x34: {  	[smem:$0x3FB6] =	sst s10  }
0x35: {  	s10 =	sld [smem:$0x3FB5];
	_ =	sdelay $0x3  }
0x36: {  	p1 =	seq.s32 s10, $0x1;
	s10 =	sld [smem:$0x3FB6];
	_ =	sdelay $0x3  }
0x37: {  	[smem:$0x3FB6] =	sst s10  }
0x38: {  	s10 =	sld [smem:$0x3FB7]  }
0x39: {  	_ = 	snop;
	(pc) =	sbr.ind lr, $3  }
0x3a: {  	_ = 	snop  }
0x3b: {  	_ = 	snop  }
0x3c: {  	p2 =	seq.s32 s10, $0x1;
	s10 =	sld [smem:$0x3FB6]  }
0x3d: {  	_ =	shalt  }
0x3e: {  	_ =	shalt  }
0x3f: {  	_ =	shalt  }
0x40: {  	_ =	shalt  }
0x41: {  	_ =	shalt  }
0x42: {  	_ =	shalt  }
0x43: {  	_ =	shalt  }
0x44: {  	_ =	shalt  }
0x45: {  	_ =	shalt  }
0x46: {  	_ =	shalt  }
0x47: {  	_ =	shalt  }
0x48: {  	_ =	shalt  }
0x49: {  	_ =	shalt  }
0x4a: {  	_ =	shalt  }
0x4b: {  	_ =	shalt  }
0x4c: {  	_ =	shalt  }
0x4d: {  	_ =	shalt  }
0x4e: {  	_ =	shalt  }
0x4f: {  	_ =	shalt  }
0x50: {  	_ =	shalt  }
0x51: {  	_ =	shalt  }
0x52: {  	_ =	shalt  }
0x53: {  	_ =	shalt  }
0x54: {  	_ =	shalt  }
0x55: {  	_ =	shalt  }
0x56: {  	_ =	shalt  }
0x57: {  	_ =	shalt  }
0x58: {  	_ =	shalt  }
0x59: {  	_ =	shalt  }
0x5a: {  	_ =	shalt  }
0x5b: {  	_ =	shalt  }
0x5c: {  	_ =	shalt  }
0x5d: {  	_ =	shalt  }
0x5e: {  	_ =	shalt  }
0x5f: {  	_ =	shalt  }
0x60: {  	_ =	shalt  }
0x61: {  	_ =	shalt  }
0x62: {  	_ =	shalt  }
0x63: {  	_ =	shalt  }
0x64: {  	_ =	shalt  }
0x65: {  	_ =	shalt  }
0x66: {  	_ =	shalt  }
0x67: {  	_ =	shalt  }
0x68: {  	_ =	shalt  }
0x69: {  	_ =	shalt  }
0x6a: {  	_ =	shalt  }
0x6b: {  	_ =	shalt  }
0x6c: {  	_ =	shalt  }
0x6d: {  	_ =	shalt  }
0x6e: {  	_ =	shalt  }
0x6f: {  	_ =	shalt  }
0x70: {  	_ =	shalt  }
0x71: {  	_ =	shalt  }
0x72: {  	_ =	shalt  }
0x73: {  	_ =	shalt  }
0x74: {  	_ =	shalt  }
0x75: {  	_ =	shalt  }
0x76: {  	_ =	shalt  }
0x77: {  	_ =	shalt  }
0x78: {  	_ =	shalt  }
0x79: {  	_ =	shalt  }
0x7a: {  	_ =	shalt  }
0x7b: {  	_ =	shalt  }
0x7c: {  	_ =	shalt  }
0x7d: {  	_ =	shalt  }
0x7e: {  	_ =	shalt  }
0x7f: {  	_ =	shalt  }
0x80: {  	_ =	shalt  }
0x81: {  	_ =	shalt  }
0x82: {  	_ =	shalt  }
0x83: {  	_ =	shalt  }
0x84: {  	_ =	shalt  }
0x85: {  	_ =	shalt  }
0x86: {  	_ =	shalt  }
0x87: {  	_ =	shalt  }
.Lfunc_end0:
.L_simem_size_0:
called_computation.2_lowered:
.L_overlay_start_0:
0x88: {  	s2 =	sld [smem:$0x3FD9]  }
0x89: {  	s3 =	sld [smem:$0x3FFE];
	_ =	sdelay $0x1  }
0x8a: {  	s1 =	srdreg.scid  }
0x8b: {  	s0 =	sand.u32 $0x1, s1  }
0x8c: {  	s17 =	sshll.u32 s0, $0xA;
	s2 =	sadd.s32 s3, s2  }
0x8d: {  	s2 =	sadd.s32 s2, s17  }
0x8e: {  	[smem:$0x3FC2] =	sst s2  }
0x8f: {  	_ = 	snop  }
0x90: {  	s2 =	sld [smem:$0x3FC6];
	(tm) =	ssettm $0x1  }
0x91: {  	s18 =	sld [smem:$0x3FFB];
	_ =	sdelay $0x3  }
0x92: {  	_ =	strace s18  }
0x93: {  	s3 =	sld [smem:$0x3FFC];
	_ =	sdelay $0x3  }
0x94: {  	_ =	strace s3  }
0x95: {  	s3 =	sld [smem:$0x3FFD];
	_ =	sdelay $0x3  }
0x96: {  	_ =	strace s3  }
0x97: {  	_ =	strace $0x8FFFFFFF  }
0x98: {  	s19 =	sld [smem:$0x3FDB];
	_ =	sdelay $0x1  }
0x99: {  	s4 =	simm.s32 $_scs_section_size  }
0x9a: {  	s5 =	simm.s32 $_size__tile_overlayer_lowered;
	s6 =	simm.s32 $_tile_overlayer_lowered  }
0x9b: {  	s22 =	simm.s32 $0x1BFF;
	s21 =	sshll.u32 s6, $0x1;
	s3 =	sadd.s32 s4, s19  }
0x9c: {  	s7 =	simm.s32 $0x0;
	s20 =	sshll.u32 s5, $0x1;
	s5 =	sadd.s32 s21, s3  }
0x9d: {  	[timem:s7], [sflag:s22] =	dma.local [hbm:s5], s20  }
0x9e: {  	_ =	swait.ge [sflag:s22], s20  }
0x9f: {  	s4 =	ssub.s32 $0x0, s20;
	[sflag:s22] =	ssyncset.done $0x0  }
0xa0: {  	[sflag:s22] =	ssyncadd.s32 s4;
	_ =	sdelay $0x1  }
0xa1: {  	s23 =	simm.s32 $0x1B8B  }
0xa2: {  	_ =	swait.ge [sflag:s23], $0x1  }
0xa3: {  	[sflag:s23] =	ssyncset.done $0x0  }
0xa4: {  	s25 =	simm.s32 $0x1B8E;
	s24 =	sld [smem:$0x3FFE];
	[sflag:s23] =	ssyncadd.s32 $0xFFFFFFFF  }
0xa5: {  	s26 =	simm.s32 $execute0_lowered;
	[smem:$0x3FD2] =	sst s25  }
0xa6: {  	s5 =	sshll.u32 s26, $0x1;
	_ =	strace $0x8000004C;
	[dreg:$0x1] =	wrdreg $0xFFFFFFFF  }
0xa7: {  	s28 =	simm.s32 $_size_execute0_lowered;
	s3 =	sadd.s32 s3, s5;
	[dreg:$0x0] =	wrdreg $0x0  }
0xa8: {  	s5 =	sshll.u32 s28, $0x1;
	[dreg:$0x2] =	wrdreg s3  }
0xa9: {  	[dreg:$0x3] =	wrdreg s5  }
0xaa: {  	[dreg:$0x4] =	wrdreg $0xC0  }
0xab: {  	_ =	task [dreg:s7], $0x5FFFF  }
0xac: {  	[dreg:$0x1] =	wrdreg $0xFFFFFFFF  }
0xad: {  	[dreg:$0x0] =	wrdreg $0x60  }
0xae: {  	[dreg:$0x2] =	wrdreg s24  }
0xaf: {  	[dreg:$0x3] =	wrdreg s2  }
0xb0: {  	[dreg:$0x4] =	wrdreg $0x0  }
0xb1: {  	[dreg:$0x5] =	wrdreg $0x9  }
0xb2: {  	_ =	task.clear_ibuf [dreg:s7], $0x6FFFF;
	_ =	strace $0x9000004C  }
0xb3: {  	s29 =	simm.s32 $0x9;
	_ =	strace $0x8000004E  }
0xb4: {  	_ =	swait.ge [sflag:s29], $0x1  }
0xb5: {  	[sflag:s29] =	ssyncadd.s32 $0xFFFFFFFF  }
0xb6: {  	_ =	strace $0x9000004E  }
0xb7: {  	_ =	sfence  }
0xb8: {  	s30 =	sld [smem:$0x0];
	_ =	sdelay $0x2  }
0xb9: {  	s31 =	sshll.u32 s1, $0xD;
	s1 =	sshrl.u32 s1, $0x2  }
0xba: {  	s3 =	sand.u32 $0x4000, s31;
	s1 =	sadd.s32 s1, s30  }
0xbb: {  	s0 =	sor.u32 s3, s0;
	s1 =	sshll.u32 s1, $0x11  }
0xbc: {  	s0 =	sor.u32 s1, s0  }
0xbd: {  	s0 =	sadd.s32 $0x8F2B, s0  }
0xbe: {  	[sflag:s0] =	ssyncadd.remote.s32 $0x1  }
0xbf: {  	_ =	sfence.sel $0xFFFF  }
0xc0: {  	[dreg:$0x0] =	wrdreg $0xFFFFFFFF;
	(pc) =	sbr.abs _section_cstart, $3  }
0xc1: {  	[dreg:$0x1] =	wrdreg $0xFFFFFFFF  }
0xc2: {  	_ =	task.clear_ibuf [dreg:s7], $0x2FFFF;
	_ =	strace $0x9FFFFFFF  }
0xc3: {  	(tm) =	ssettm $0x7FFFFFFF  }
tec
execute0_lowered:
.L_overlay_start_1:
0x0: {  	(tag) =	ssettag $0x1  }
0x1: {  	s0 =	rddreg [dreg:$0x0]  }
0x2: {  	s1 =	rddreg [dreg:$0x1]  }
0x3: {  	s2 =	rddreg [dreg:$0x2];
	s3 =	simm.s32 $0x0  }
0x4: {  	s7 =	srdreg.scid;
	s4 =	stileid.u32;
	s28 =	simm.s32 $0x1C6D0  }
0x5: {  	s29 =	simm.s32 $0x1D350;
	s30 =	simm.s32 $0x0;
	[smem:$0x7FF] =	sst s3  }
0x6: {  	s5 =	sadd.s32 $0xF9200, s0;
	s6 =	sadd.s32 $0x1A000, s0;
	s8 =	sand.u32 $0x1, s7  }
0x7: {  	s7 =	sadd.s32 $0x1800, s0;
	s12 =	smul.u32 $0x61B00, s4;
	s9 =	sadd.s32 $0x94400, s0  }
0x8: {  	s10 =	sadd.s32 $0x15AE00, s0;
	s21 =	sshll.u32 s4, $0x6;
	s26 =	ssub.s32 $0x203, s4  }
0x9: {  	_ =	strace $0x8000004D;
	[dreg:$0x4] =	wrdreg s9;
	s9 =	smul.u32 $0xC350, s4  }
0xa: {  	s11 =	ssub.s32 $0x2, s8;
	s14 =	smul.u32 $0xFFFF9E58, s8;
	s15 =	sshrl.u32 s26, $0x4  }
0xb: {  	s20 =	sshrl.u32 s12, $0x2;
	s12 =	sor.u32 $0x1C03, s21;
	s22 =	sshrl.u32 s9, $0x3  }
0xc: {  	v1 =	vimm.s32 $0x0;
	v2 =	vimm.s32 $0x1;
	s16 =	smul.u32 $0x61A8, s8;
	[dreg:$0x5] =	wrdreg s12;
	s23 =	sadd.s32 s6, s22  }
0xd: {  	v3 =	vimm.s32 $0x2;
	v4 =	vimm.s32 $0x3;
	v5 =	vimm.s32 $0x4;
	s13 =	sshrl.u32 s11, $0x1;
	s24 =	sadd.s32 s7, s22;
	[dreg:$0x6] =	wrdreg s23  }
0xe: {  	v6 =	vimm.s32 $0x5;
	v7 =	vimm.s32 $0x6;
	v8 =	vimm.s32 $0x7;
	s19 =	ssub.s32 s11, s13;
	s25 =	sadd.s32 s1, s22;
	[dreg:$0x7] =	wrdreg s24  }
0xf: {  	v9 =	vimm.s32 $0x8;
	v10 =	vimm.s32 $0x9;
	v11 =	vimm.s32 $0xA;
	s11 =	sadd.s32 s20, s2;
	s0 =	smax.u32 s19, $0x1;
	[dreg:$0x8] =	wrdreg s25  }
0x10: {  	v12 =	vimm.s32 $0xB;
	v13 =	vimm.s32 $0xC;
	v14 =	vimm.s32 $0xD;
	s31 =	sshrl.u32 s11, $0x3;
	s19 =	simm.s32 $0x3;
	[dreg:$0x9] =	wrdreg s0  }
0x11: {  	v15 =	vimm.s32 $0xE;
	v16 =	vimm.s32 $0xF;
	v0 =	vmov s14;
	[dreg:$0xa] =	wrdreg s31;
	s23 =	simm.s32 $0x50;
	s25 =	simm.s32 $0x1  }
.LBB2_1:
0x12: {  	s0 =	rddreg [dreg:$0x4]  }
0x13: {  	s8 =	rddreg [dreg:$0x5]  }
0x14: {  	s11 =	rddreg [dreg:$0xa]  }
0x15: {  	[spmem:s11], [sflag:s8] =	dma.local [hbm:s0], $0x30D8  }
0x16: {  	_ =	swait.ge [sflag:s19], $0x30D8  }
0x17: {  	[sflag:s19] =	ssyncset.done $0x0  }
0x18: {  	[sflag:s19] =	ssyncadd.s32 $0xFFFFCF28  }
0x19: {  	[bflag:$0x0] =	sbarrier.arrive $0xFFFF  }
0x1a: {  	s18 =	simm.s32 $0x186C0;
	s17 =	rddreg [dreg:$0x6]  }
0x1b: {  	[tilespmem:s18], [sflag:$0x3] =	stream.linear.gather [hbm4b:s17+s3], $0x7D0, $0x38;
	[tilespmem:$0x1DFD0] =	vst v63  }
0x1c: {  	_ =	swait.ge [sflag:s19], $0x7D0  }
0x1d: {  	[sflag:s19] =	ssyncset.done $0x0  }
0x1e: {  	s21 =	simm.s32 $0x18E90;
	s20 =	rddreg [dreg:$0x7];
	[sflag:s19] =	ssyncadd.s32 $0xFFFFF830  }
0x1f: {  	[tilespmem:s21], [sflag:$0x3] =	stream.linear.gather [hbm4b:s20+s3], $0x7D0, $0x38;
	[tilespmem:$0x1DFD0] =	vst v63  }
0x20: {  	_ =	swait.ge [sflag:s19], $0x7D0  }
0x21: {  	[sflag:s19] =	ssyncset.done $0x0  }
0x22: {  	s24 =	simm.s32 $0x19660;
	s22 =	rddreg [dreg:$0x8];
	[sflag:s19] =	ssyncadd.s32 $0xFFFFF830  }
0x23: {  	[tilespmem:s24], [sflag:$0x3] =	stream.linear.gather [hbm4b:s22+s3], $0x7D0, $0x38;
	[tilespmem:$0x1DFD0] =	vst v63  }
0x24: {  	s26 =	simm.s32 $0x19ED0;
	_ =	swait.ge [sflag:s19], $0x7D0  }
0x25: {  	p0 =	por $0x0, $0x0;
	s31 =	simm.s32 $0x0;
	[sflag:s19] =	ssyncset.done $0x0  }
0x26: {  	s0 =	simm.s32 $0x0;
	s21 =	simm.s32 $0x0;
	[sflag:s19] =	ssyncadd.s32 $0xFFFFF830  }
0x27: {  	[tilespmem:s26], [sflag:$0x1] =	stream.indirect.gather [hbm4b:s5+s23], $0x40, s18, s23, $0xb8;
	[tilespmem:$0x1DFD0] =	vst v63  }
.LBB2_2:
0x28: {  	s22 =	sadd.s32 $0x1, s21  }
0x29: {  	s8 =	smul.u32 $0x47AF, s22;
	_ =	sdelay $0x1  }
0x2a: {  	s8 =	sshrl.u32 s8, $0x10  }
0x2b: {  	s11 =	ssub.s32 s22, s8  }
0x2c: {  	s11 =	sand.u32 $0xFFFE, s11  }
0x2d: {  	s11 =	sshrl.u32 s11, $0x1  }
0x2e: {  	s8 =	sadd.s32 s8, s11  }
0x2f: {  	s8 =	sand.u32 $0xFFF0, s8  }
0x30: {  	s8 =	sshrl.u32 s8, $0x4  }
0x31: {  	s8 =	smul.u32 $0x19, s8  }
0x32: {  	_ =	swait.ge [sflag:s25], $0x1400  }
0x33: {  	p1 =	seq.s32 s21, $0x0;
	[sflag:s25] =	ssyncset.done $0x0;
	s8 =	ssub.s32 s22, s8  }
0x34: {  	s12 =	simm.s32 @!p1 $0x2;
	[sflag:s25] =	ssyncadd.s32 $0xFFFFEC00;
	s11 =	sand.u32 @!p1 $0xFFFF, s8  }
0x35: {  	_ =	swait.ge @!p1 [sflag:s12], $0x1400;
	p2 =	seq.s32 @!p1 s11, $0x0  }
0x36: {  	s18 =	sand.u32 $0x1, s21;
	[sflag:s12] =	ssyncset.done @!p1 $0x0;
	p2 =	por p1, !p2  }
0x37: {  	s24 =	sxor.u32 $0x1, s18;
	[sflag:s12] =	ssyncadd.s32 @!p1 $0xFFFFEC00;
	s12 =	smul.u32 @p2 $0x140, s8  }
0x38: {  	s13 =	smul.u32 @p2 $0x5000, s24  }
0x39: {  	s12 =	sand.u32 @p2 $0xFFC0, s12  }
0x3a: {  	s13 =	sshrl.u32 @p2 s13, $0x2;
	s12 =	sshrl.u32 @p2 s12, $0x2  }
0x3b: {  	s20 =	sand.u32 $0xFFFF, s31;
	s13 =	sadd.s32 @p2 $0x19ED0, s13;
	s12 =	sadd.s32 @p2 $0x186C0, s12  }
0x3c: {  	[tilespmem:s13], [sflag:$0x1] =	stream.indirect.gather @p2 [hbm4b:s5+s23], $0x40, s12, s23, $0xb8;
	[tilespmem:$0x1DFD0] =	vst v63  }
0x3d: {  	s12 =	smul.u32 $0x47AF, s20;
	_ =	sdelay $0x1  }
0x3e: {  	s12 =	sshrl.u32 s12, $0x10  }
0x3f: {  	s26 =	ssub.s32 s31, s12  }
0x40: {  	s13 =	sand.u32 $0xFFFE, s26  }
0x41: {  	s13 =	sshrl.u32 s13, $0x1  }
0x42: {  	s12 =	sadd.s32 s12, s13  }
0x43: {  	s12 =	sshrl.u32 s12, $0x4  }
0x44: {  	s13 =	simm.s32 $0x1;
	s12 =	smul.u32 $0x7D0, s12  }
0x45: {  	s11 =	smul.u32 $0x5000, s18;
	s13 =	simm.s32 @!p0 $0x0  }
0x46: {  	s14 =	smul.u32 $0x140, s13;
	s12 =	ssub.s32 s0, s12  }
0x47: {  	s13 =	smul.u32 $0x5000, s13;
	s12 =	sand.u32 $0xFFFF, s12  }
0x48: {  	s20 =	smul.u32 $0x140, s18;
	s18 =	sadd.s32 $0x18E90, s12  }
0x49: {  	s14 =	sshrl.u32 s14, $0x2;
	s13 =	sshrl.u32 s13, $0x2;
	v17 =	vmov s18  }
0x4a: {  	s26 =	sadd.s32 $0x19E30, s14;
	s13 =	sor.u32 $0x1A0D0, s13  }
0x4b: {  	s14 =	sshrl.u32 s20, $0x2;
	s20 =	sshrl.u32 s11, $0x2;
	s17 =	sadd.s32 $0x19660, s12  }
0x4c: {  	s11 =	sadd.s32 $0x19E30, s14;
	s12 =	sadd.s32 $0x19ED0, s20;
	s14 =	simm.s32 $0x0;
	v18 =	vmov s26;
	v19 =	vmov s17  }
.LBB2_3:
0x4d: {  	s17 =	sshra.s32 s14, $0x2  }
0x4e: {  	v20 =	vld.idx.msk [tilespmem:v17+s17+$0x0 ss:$0x1], $0xffff;
	_ =	sdelay $0x4  }
0x4f: {  	v20 =	vadd.s32 v0, v20  }
0x50: {  	v20 =	vmin.u32 v20, $0x61A8  }
0x51: {  	[tilespmem:v18+s17+$0x0 ss:$0x1] =	vst.idx.msk $0xffff, v20  }
0x52: {  	v20 =	vld.idx.msk [tilespmem:v19+s17+$0x0 ss:$0x1], $0xffff;
	_ =	sdelay $0x1  }
0x53: {  	v21 =	vld [tilespmem:s13+$0xFFFFFE00];
	_ =	sdelay $0x1  }
0x54: {  	v27 =	vld [tilespmem:s13+$0xFFFFFE10]  }
0x55: {  	v22 =	vperm.xlane v20, v1  }
0x56: {  	v28 =	vld [tilespmem:s13+$0xFFFFFE20]  }
0x57: {  	v21 =	vmul.f32 v21, v22  }
0x58: {  	v29 =	vld [tilespmem:s13+$0xFFFFFE30]  }
0x59: {  	[tilespmem:s13+$0xFFFFFE00] =	vst v21;
	v21 =	vmul.f32 v27, v22  }
0x5a: {  	v30 =	vld [tilespmem:s13+$0xFFFFFE40]  }
0x5b: {  	[tilespmem:s13+$0xFFFFFE10] =	vst v21;
	v21 =	vmul.f32 v28, v22  }
0x5c: {  	v32 =	vld [tilespmem:s13+$0xFFFFFE50]  }
0x5d: {  	v31 =	vperm.xlane v20, v2;
	[tilespmem:s13+$0xFFFFFE20] =	vst v21;
	v21 =	vmul.f32 v29, v22  }
0x5e: {  	v33 =	vld [tilespmem:s13+$0xFFFFFE60]  }
0x5f: {  	[tilespmem:s13+$0xFFFFFE30] =	vst v21;
	v21 =	vmul.f32 v30, v31  }
0x60: {  	v34 =	vld [tilespmem:s13+$0xFFFFFE70]  }
0x61: {  	[tilespmem:s13+$0xFFFFFE40] =	vst v21;
	v21 =	vmul.f32 v32, v31  }
0x62: {  	v35 =	vld [tilespmem:s13+$0xFFFFFE80]  }
0x63: {  	[tilespmem:s13+$0xFFFFFE50] =	vst v21;
	v21 =	vmul.f32 v33, v31  }
0x64: {  	v37 =	vld [tilespmem:s13+$0xFFFFFE90]  }
0x65: {  	v36 =	vperm.xlane v20, v3;
	[tilespmem:s13+$0xFFFFFE60] =	vst v21;
	v21 =	vmul.f32 v34, v31  }
0x66: {  	v38 =	vld [tilespmem:s13+$0xFFFFFEA0]  }
0x67: {  	[tilespmem:s13+$0xFFFFFE70] =	vst v21;
	v21 =	vmul.f32 v35, v36  }
0x68: {  	v39 =	vld [tilespmem:s13+$0xFFFFFEB0]  }
0x69: {  	[tilespmem:s13+$0xFFFFFE80] =	vst v21;
	v21 =	vmul.f32 v37, v36  }
0x6a: {  	v40 =	vld [tilespmem:s13+$0xFFFFFEC0]  }
0x6b: {  	[tilespmem:s13+$0xFFFFFE90] =	vst v21;
	v21 =	vmul.f32 v38, v36  }
0x6c: {  	v42 =	vld [tilespmem:s13+$0xFFFFFED0]  }
0x6d: {  	v41 =	vperm.xlane v20, v4;
	[tilespmem:s13+$0xFFFFFEA0] =	vst v21;
	v21 =	vmul.f32 v39, v36  }
0x6e: {  	v43 =	vld [tilespmem:s13+$0xFFFFFEE0]  }
0x6f: {  	[tilespmem:s13+$0xFFFFFEB0] =	vst v21;
	v21 =	vmul.f32 v40, v41  }
0x70: {  	v44 =	vld [tilespmem:s13+$0xFFFFFEF0]  }
0x71: {  	[tilespmem:s13+$0xFFFFFEC0] =	vst v21;
	v21 =	vmul.f32 v42, v41  }
0x72: {  	v45 =	vld [tilespmem:s13+$0xFFFFFF00]  }
0x73: {  	[tilespmem:s13+$0xFFFFFED0] =	vst v21;
	v21 =	vmul.f32 v43, v41  }
0x74: {  	v47 =	vld [tilespmem:s13+$0xFFFFFF10]  }
0x75: {  	v46 =	vperm.xlane v20, v5;
	[tilespmem:s13+$0xFFFFFEE0] =	vst v21;
	v21 =	vmul.f32 v44, v41  }
0x76: {  	v48 =	vld [tilespmem:s13+$0xFFFFFF20]  }
0x77: {  	[tilespmem:s13+$0xFFFFFEF0] =	vst v21;
	v21 =	vmul.f32 v45, v46  }
0x78: {  	v49 =	vld [tilespmem:s13+$0xFFFFFF30]  }
0x79: {  	[tilespmem:s13+$0xFFFFFF00] =	vst v21;
	v21 =	vmul.f32 v47, v46  }
0x7a: {  	v50 =	vld [tilespmem:s13+$0xFFFFFF40]  }
0x7b: {  	[tilespmem:s13+$0xFFFFFF10] =	vst v21;
	v21 =	vmul.f32 v48, v46  }
0x7c: {  	v52 =	vld [tilespmem:s13+$0xFFFFFF50]  }
0x7d: {  	v51 =	vperm.xlane v20, v6;
	[tilespmem:s13+$0xFFFFFF20] =	vst v21;
	v21 =	vmul.f32 v49, v46  }
0x7e: {  	v53 =	vld [tilespmem:s13+$0xFFFFFF60]  }
0x7f: {  	[tilespmem:s13+$0xFFFFFF30] =	vst v21;
	v21 =	vmul.f32 v50, v51  }
0x80: {  	v54 =	vld [tilespmem:s13+$0xFFFFFF70]  }
0x81: {  	[tilespmem:s13+$0xFFFFFF40] =	vst v21;
	v21 =	vmul.f32 v52, v51  }
0x82: {  	v55 =	vld [tilespmem:s13+$0xFFFFFF80]  }
0x83: {  	[tilespmem:s13+$0xFFFFFF50] =	vst v21;
	v21 =	vmul.f32 v53, v51  }
0x84: {  	v57 =	vld [tilespmem:s13+$0xFFFFFF90]  }
0x85: {  	v56 =	vperm.xlane v20, v7;
	[tilespmem:s13+$0xFFFFFF60] =	vst v21;
	v21 =	vmul.f32 v54, v51  }
0x86: {  	v58 =	vld [tilespmem:s13+$0xFFFFFFA0]  }
0x87: {  	[tilespmem:s13+$0xFFFFFF70] =	vst v21;
	v21 =	vmul.f32 v55, v56  }
0x88: {  	v59 =	vld [tilespmem:s13+$0xFFFFFFB0]  }
0x89: {  	[tilespmem:s13+$0xFFFFFF80] =	vst v21;
	v21 =	vmul.f32 v57, v56  }
0x8a: {  	v60 =	vld [tilespmem:s13+$0xFFFFFFC0]  }
0x8b: {  	[tilespmem:s13+$0xFFFFFF90] =	vst v21;
	v21 =	vmul.f32 v58, v56  }
0x8c: {  	v62 =	vld [tilespmem:s13+$0xFFFFFFD0]  }
0x8d: {  	v61 =	vperm.xlane v20, v8;
	[tilespmem:s13+$0xFFFFFFA0] =	vst v21;
	v21 =	vmul.f32 v59, v56  }
0x8e: {  	v63 =	vld [tilespmem:s13+$0xFFFFFFE0]  }
0x8f: {  	[tilespmem:s13+$0xFFFFFFB0] =	vst v21;
	v21 =	vmul.f32 v60, v61  }
0x90: {  	v24 =	vld [tilespmem:s13+$0xFFFFFFF0]  }
0x91: {  	[tilespmem:s13+$0xFFFFFFC0] =	vst v21;
	v21 =	vmul.f32 v62, v61  }
0x92: {  	v25 =	vld [tilespmem:s13+$0x0]  }
0x93: {  	[tilespmem:s13+$0xFFFFFFD0] =	vst v21;
	v21 =	vmul.f32 v63, v61  }
0x94: {  	v27 =	vld [tilespmem:s13+$0x10]  }
0x95: {  	v26 =	vperm.xlane v20, v9;
	[tilespmem:s13+$0xFFFFFFE0] =	vst v21;
	v21 =	vmul.f32 v24, v61  }
0x96: {  	v28 =	vld [tilespmem:s13+$0x20]  }
0x97: {  	[tilespmem:s13+$0xFFFFFFF0] =	vst v21;
	v21 =	vmul.f32 v25, v26  }
0x98: {  	v29 =	vld [tilespmem:s13+$0x30]  }
0x99: {  	[tilespmem:s13+$0x0] =	vst v21;
	v21 =	vmul.f32 v27, v26  }
0x9a: {  	v30 =	vld [tilespmem:s13+$0x40]  }
0x9b: {  	[tilespmem:s13+$0x10] =	vst v21;
	v21 =	vmul.f32 v28, v26  }
0x9c: {  	v32 =	vld [tilespmem:s13+$0x50]  }
0x9d: {  	v31 =	vperm.xlane v20, v10;
	[tilespmem:s13+$0x20] =	vst v21;
	v21 =	vmul.f32 v29, v26  }
0x9e: {  	v33 =	vld [tilespmem:s13+$0x60]  }
0x9f: {  	[tilespmem:s13+$0x30] =	vst v21;
	v21 =	vmul.f32 v30, v31  }
0xa0: {  	v34 =	vld [tilespmem:s13+$0x70]  }
0xa1: {  	[tilespmem:s13+$0x40] =	vst v21;
	v21 =	vmul.f32 v32, v31  }
0xa2: {  	v35 =	vld [tilespmem:s13+$0x80]  }
0xa3: {  	[tilespmem:s13+$0x50] =	vst v21;
	v21 =	vmul.f32 v33, v31  }
0xa4: {  	v37 =	vld [tilespmem:s13+$0x90]  }
0xa5: {  	v36 =	vperm.xlane v20, v11;
	[tilespmem:s13+$0x60] =	vst v21;
	v21 =	vmul.f32 v34, v31  }
0xa6: {  	v38 =	vld [tilespmem:s13+$0xA0]  }
0xa7: {  	[tilespmem:s13+$0x70] =	vst v21;
	v21 =	vmul.f32 v35, v36  }
0xa8: {  	v39 =	vld [tilespmem:s13+$0xB0]  }
0xa9: {  	[tilespmem:s13+$0x80] =	vst v21;
	v21 =	vmul.f32 v37, v36  }
0xaa: {  	v40 =	vld [tilespmem:s13+$0xC0]  }
0xab: {  	[tilespmem:s13+$0x90] =	vst v21;
	v21 =	vmul.f32 v38, v36  }
0xac: {  	v42 =	vld [tilespmem:s13+$0xD0]  }
0xad: {  	v41 =	vperm.xlane v20, v12;
	[tilespmem:s13+$0xA0] =	vst v21;
	v21 =	vmul.f32 v39, v36  }
0xae: {  	v43 =	vld [tilespmem:s13+$0xE0]  }
0xaf: {  	[tilespmem:s13+$0xB0] =	vst v21;
	v21 =	vmul.f32 v40, v41  }
0xb0: {  	v44 =	vld [tilespmem:s13+$0xF0]  }
0xb1: {  	[tilespmem:s13+$0xC0] =	vst v21;
	v21 =	vmul.f32 v42, v41  }
0xb2: {  	v45 =	vld [tilespmem:s13+$0x100]  }
0xb3: {  	[tilespmem:s13+$0xD0] =	vst v21;
	v21 =	vmul.f32 v43, v41  }
0xb4: {  	v47 =	vld [tilespmem:s13+$0x110]  }
0xb5: {  	v46 =	vperm.xlane v20, v13;
	[tilespmem:s13+$0xE0] =	vst v21;
	v21 =	vmul.f32 v44, v41  }
0xb6: {  	v48 =	vld [tilespmem:s13+$0x120]  }
0xb7: {  	[tilespmem:s13+$0xF0] =	vst v21;
	v21 =	vmul.f32 v45, v46  }
0xb8: {  	v49 =	vld [tilespmem:s13+$0x130]  }
0xb9: {  	[tilespmem:s13+$0x100] =	vst v21;
	v21 =	vmul.f32 v47, v46  }
0xba: {  	v50 =	vld [tilespmem:s13+$0x140]  }
0xbb: {  	[tilespmem:s13+$0x110] =	vst v21;
	v21 =	vmul.f32 v48, v46  }
0xbc: {  	v52 =	vld [tilespmem:s13+$0x150]  }
0xbd: {  	v51 =	vperm.xlane v20, v14;
	[tilespmem:s13+$0x120] =	vst v21;
	v21 =	vmul.f32 v49, v46  }
0xbe: {  	v53 =	vld [tilespmem:s13+$0x160]  }
0xbf: {  	[tilespmem:s13+$0x130] =	vst v21;
	v21 =	vmul.f32 v50, v51  }
0xc0: {  	v54 =	vld [tilespmem:s13+$0x170]  }
0xc1: {  	[tilespmem:s13+$0x140] =	vst v21;
	v21 =	vmul.f32 v52, v51  }
0xc2: {  	v55 =	vld [tilespmem:s13+$0x180]  }
0xc3: {  	[tilespmem:s13+$0x150] =	vst v21;
	v21 =	vmul.f32 v53, v51  }
0xc4: {  	v57 =	vld [tilespmem:s13+$0x190]  }
0xc5: {  	v56 =	vperm.xlane v20, v15;
	[tilespmem:s13+$0x160] =	vst v21;
	v21 =	vmul.f32 v54, v51  }
0xc6: {  	v58 =	vld [tilespmem:s13+$0x1A0]  }
0xc7: {  	[tilespmem:s13+$0x170] =	vst v21;
	v21 =	vmul.f32 v55, v56  }
0xc8: {  	v59 =	vld [tilespmem:s13+$0x1B0]  }
0xc9: {  	[tilespmem:s13+$0x180] =	vst v21;
	v21 =	vmul.f32 v57, v56  }
0xca: {  	v60 =	vld [tilespmem:s13+$0x1C0]  }
0xcb: {  	[tilespmem:s13+$0x190] =	vst v21;
	v21 =	vmul.f32 v58, v56  }
0xcc: {  	v61 =	vld [tilespmem:s13+$0x1D0]  }
0xcd: {  	v20 =	vperm.xlane v20, v16;
	[tilespmem:s13+$0x1A0] =	vst v21;
	v21 =	vmul.f32 v59, v56  }
0xce: {  	v62 =	vld [tilespmem:s13+$0x1E0]  }
0xcf: {  	v63 =	vld [tilespmem:s13+$0x1F0];
	[tilespmem:s13+$0x1B0] =	vst v21;
	v21 =	vmul.f32 v60, v20;
	_ =	sdelay $0x1  }
0xd0: {  	p1 =	sne.s32 s14, $0x100;
	[tilespmem:s13+$0x1C0] =	vst v21;
	v21 =	vmul.f32 v61, v20  }
.Ltmp0:
0xd1: {  	_ = 	snop;
	(pc) =	sbr.rel @p1 .LBB2_3-.Ltmp0, $4  }
0xd2: {  	[tilespmem:s13+$0x1D0] =	vst v21;
	v21 =	vmul.f32 v62, v20  }
0xd3: {  	v20 =	vmul.f32 v63, v20  }
0xd4: {  	[tilespmem:s13+$0x1E0] =	vst v21  }
0xd5: {  	s14 =	sadd.s32 $0x40, s14;
	[tilespmem:s13+$0x1F0] =	vst v20;
	s13 =	sadd.s32 $0x400, s13  }
0xd6: {  	p1 =	seq.s32 s21, $0x270  }
0xd7: {  	s8 =	sand.u32 @!p1 $0xFFFF, s8  }
0xd8: {  	p2 =	sne.s32 @!p1 s8, $0x0  }
0xd9: {  	p1 =	por p2, p1  }
0xda: {  	s8 =	smulhi.u32 @!p1 $0x51EB851F, s22;
	_ =	sdelay $0x1  }
0xdb: {  	s8 =	sshrl.u32 @!p1 s8, $0x3  }
0xdc: {  	s8 =	smul.u32 @!p1 $0x7D0, s8;
	_ =	sdelay $0x1  }
0xdd: {  	s8 =	sadd.s32 @!p1 s9, s8  }
0xde: {  	s8 =	sshrl.u32 @!p1 s8, $0x3  }
0xdf: {  	s14 =	simm.s32 @!p1 $0x0;
	s17 =	simm.s32 @!p1 $0x186C0;
	s13 =	sadd.s32 @!p1 s6, s8  }
0xe0: {  	[tilespmem:s17], [sflag:$0x3] =	stream.linear.gather @!p1 [hbm4b:s13+s14], $0x7D0, $0x38;
	[tilespmem:$0x1DFD0] =	vst v63  }
0xe1: {  	s13 =	simm.s32 @!p1 $0x3  }
0xe2: {  	_ =	swait.ge @!p1 [sflag:s13], $0x7D0  }
0xe3: {  	[sflag:s13] =	ssyncset.done @!p1 $0x0  }
0xe4: {  	s20 =	simm.s32 @!p1 $0x18E90;
	s18 =	sadd.s32 @!p1 s7, s8;
	[sflag:s13] =	ssyncadd.s32 @!p1 $0xFFFFF830  }
0xe5: {  	[tilespmem:s20], [sflag:$0x3] =	stream.linear.gather @!p1 [hbm4b:s18+s14], $0x7D0, $0x38;
	[tilespmem:$0x1DFD0] =	vst v63  }
0xe6: {  	_ =	swait.ge @!p1 [sflag:s13], $0x7D0  }
0xe7: {  	[sflag:s13] =	ssyncset.done @!p1 $0x0  }
0xe8: {  	s8 =	sadd.s32 @!p1 s1, s8;
	s18 =	simm.s32 @!p1 $0x19660;
	[sflag:s13] =	ssyncadd.s32 @!p1 $0xFFFFF830  }
0xe9: {  	[tilespmem:s18], [sflag:$0x3] =	stream.linear.gather @!p1 [hbm4b:s8+s14], $0x7D0, $0x38;
	[tilespmem:$0x1DFD0] =	vst v63  }
0xea: {  	s8 =	smul.u32 @!p1 $0x5000, s24  }
0xeb: {  	_ =	swait.ge @!p1 [sflag:s13], $0x7D0  }
0xec: {  	[sflag:s13] =	ssyncset.done @!p1 $0x0;
	s8 =	sshrl.u32 @!p1 s8, $0x2  }
0xed: {  	[sflag:s13] =	ssyncadd.s32 @!p1 $0xFFFFF830;
	s8 =	sadd.s32 @!p1 $0x19ED0, s8;
	s13 =	simm.s32 @!p1 $0x50  }
0xee: {  	[tilespmem:s8], [sflag:$0x1] =	stream.indirect.gather @!p1 [hbm4b:s5+s13], $0x40, s17, s13, $0xb8;
	[tilespmem:$0x1DFD0] =	vst v63  }
0xef: {  	p1 =	sne.s32 s22, $0x271  }
.Ltmp1:
0xf0: {  	_ = 	snop;
	(pc) =	sbr.rel @p1 .LBB2_2-.Ltmp1, $4  }
0xf1: {  	_ = 	snop  }
0xf2: {  	s0 =	sadd.s32 $0x50, s0  }
0xf3: {  	s31 =	sadd.s32 $0x1, s31;
	p0 =	por !p0, !p0;
	s21 =	smov.u32 s22  }
0xf4: {  	[spmem:s2] =	stream.indirect.scatter.add.f32 [tilespmem:s12], [sflag:$0x2], $0x40, s11, s23, $0xb8;
	[tilespmem:$0x1DFD0] =	vst v63  }
0xf5: {  	s0 =	simm.s32 $0x2  }
0xf6: {  	_ =	swait.ge [sflag:s0], $0x1400  }
0xf7: {  	[sflag:s0] =	ssyncset.done $0x0  }
0xf8: {  	[sflag:s0] =	ssyncadd.s32 $0xFFFFEC00  }
0xf9: {  	s8 =	simm.s32 $0x0;
	s0 =	simm.s32 $0x0;
	[bflag:$0x0] =	sbarrier.arrive $0xFFFF  }
.LBB2_6:
0xfa: {  	s11 =	sshll.u32 s8, $0x4  }
0xfb: {  	s12 =	sor.u32 s4, s11  }
0xfc: {  	s11 =	smul.u32 $0x32, s12;
	_ =	sdelay $0x1  }
0xfd: {  	s11 =	sadd.s32 s16, s11  }
0xfe: {  	s11 =	sshll.u32 s11, $0x3  }
0xff: {  	s12 =	smul.u32 $0x3200, s12;
	s13 =	sadd.s32 s5, s11  }
0x100: {  	[tilespmem:s28], [sflag:$0x3] =	stream.linear.gather [hbm4b:s13+s0], $0xC80, $0x38;
	[tilespmem:$0x1DFD0] =	vst v63  }
0x101: {  	_ =	swait.ge [sflag:s19], $0xC80  }
0x102: {  	s12 =	sshra.s32 s12, $0x2;
	[sflag:s19] =	ssyncset.done $0x0  }
0x103: {  	s12 =	sadd.s32 s12, s2;
	[sflag:s19] =	ssyncadd.s32 $0xFFFFF380  }
0x104: {  	[tilespmem:s29], [sflag:$0x3] =	stream.linear.gather [spmem:s12], $0xC80, $0x38;
	[tilespmem:$0x1DFD0] =	vst v63  }
0x105: {  	_ =	swait.ge [sflag:s19], $0xC80  }
0x106: {  	[sflag:s19] =	ssyncset.done $0x0  }
0x107: {  	s12 =	simm.s32 $0x0;
	[sflag:s19] =	ssyncadd.s32 $0xFFFFF380  }
0x108: {  	v20 =	vld [tilespmem:s12+$0x1C6D0]  }
0x109: {  	v19 =	vld [tilespmem:s12+$0x1C6E0]  }
0x10a: {  	v18 =	vld [tilespmem:s12+$0x1C6F0]  }
0x10b: {  	v17 =	vld [tilespmem:s12+$0x1C700]  }
0x10c: {  	v23 =	vld [tilespmem:s12+$0x1D350]  }
0x10d: {  	v22 =	vld [tilespmem:s12+$0x1D360]  }
0x10e: {  	s13 =	simm.s32 $0x100;
	v21 =	vld [tilespmem:s12+$0x1D370]  }
.LBB2_7:
0x10f: {  	p0 =	sne.s32 s13, $0x3100;
	v24 =	vld [tilespmem:s12+$0x1D380];
	_ =	sdelay $0x1  }
0x110: {  	s14 =	sshra.s32 s13, $0x2;
	v25 =	vmul.f32 $2.000000030e-01, v20;
	v23 =	vmul.f32 $8.000000110e-01, v23  }
0x111: {  	v26 =	vmul.f32 $2.000000030e-01, v19;
	v20 =	vld [tilespmem:s14+$0x1C6D0];
	v22 =	vmul.f32 $8.000000110e-01, v22  }
0x112: {  	v19 =	vld [tilespmem:s14+$0x1C6E0];
	v23 =	vadd.f32 v23, v25;
	v25 =	vmul.f32 $2.000000030e-01, v18;
	v21 =	vmul.f32 $8.000000110e-01, v21  }
.Ltmp2:
0x113: {  	v18 =	vld [tilespmem:s14+$0x1C6F0];
	v22 =	vadd.f32 v22, v26;
	v26 =	vmul.f32 $2.000000030e-01, v17;
	v24 =	vmul.f32 $8.000000110e-01, v24;
	(pc) =	sbr.rel @p0 .LBB2_7-.Ltmp2, $4  }
0x114: {  	v17 =	vld [tilespmem:s14+$0x1C700];
	[tilespmem:s12+$0x1D350] =	vst v23;
	v21 =	vadd.f32 v21, v25  }
0x115: {  	v23 =	vld [tilespmem:s14+$0x1D350];
	[tilespmem:s12+$0x1D360] =	vst v22;
	v24 =	vadd.f32 v24, v26  }
0x116: {  	v22 =	vld [tilespmem:s14+$0x1D360];
	[tilespmem:s12+$0x1D370] =	vst v21  }
0x117: {  	s13 =	sadd.s32 $0x100, s13;
	v21 =	vld [tilespmem:s14+$0x1D370];
	[tilespmem:s12+$0x1D380] =	vst v24;
	s12 =	smov.u32 s14  }
0x118: {  	v24 =	vld [tilespmem:s12+$0x1D380];
	_ =	sdelay $0x1  }
0x119: {  	v20 =	vmul.f32 $2.000000030e-01, v20;
	v23 =	vmul.f32 $8.000000110e-01, v23  }
0x11a: {  	v19 =	vmul.f32 $2.000000030e-01, v19;
	v22 =	vmul.f32 $8.000000110e-01, v22  }
0x11b: {  	v18 =	vmul.f32 $2.000000030e-01, v18;
	v20 =	vadd.f32 v23, v20;
	v21 =	vmul.f32 $8.000000110e-01, v21  }
0x11c: {  	v17 =	vmul.f32 $2.000000030e-01, v17;
	v19 =	vadd.f32 v22, v19;
	v63 =	vmul.f32 $8.000000110e-01, v24  }
0x11d: {  	[tilespmem:s12+$0x1D350] =	vst v20;
	v18 =	vadd.f32 v21, v18  }
0x11e: {  	s8 =	sadd.s32 $0x1, s8;
	[tilespmem:s12+$0x1D360] =	vst v19;
	v17 =	vadd.f32 v63, v17  }
0x11f: {  	p0 =	sne.s32 s8, s15;
	[tilespmem:s12+$0x1D370] =	vst v18  }
.Ltmp3:
0x120: {  	s11 =	sadd.s32 s10, s11;
	[tilespmem:s12+$0x1D380] =	vst v17;
	(pc) =	sbr.rel @p0 .LBB2_6-.Ltmp3, $4  }
0x121: {  	[hbm4b:s11+s3] =	stream.linear.scatter [tilespmem:s29], [sflag:$0x3], $0xC80, $0x38;
	[tilespmem:$0x1DFD0] =	vst v63  }
0x122: {  	_ =	swait.ge [sflag:s19], $0xC80  }
0x123: {  	[sflag:s19] =	ssyncset.done $0x0  }
0x124: {  	[sflag:s19] =	ssyncadd.s32 $0xFFFFF380  }
0x125: {  	s30 =	sadd.s32 $0x1, s30;
	s0 =	rddreg [dreg:$0x9]  }
0x126: {  	p0 =	sne.s32 s30, s0  }
.Ltmp4:
0x127: {  	_ = 	snop;
	(pc) =	sbr.rel @p0 .LBB2_1-.Ltmp4, $1  }
0x128: {  	_ =	sdelay $0x3  }
0x129: {  	_ =	sfence.sel $0x180000  }
0x12a: {  	[bflag:$0x0] =	sbarrier.arrive $0xFFFF  }
0x12b: {  	_ =	strace $0x9000004D  }
0x12c: {  	[bflag:$0x2] =	sbarrier.arrive $0xFFFF  }
0x12d: {  	p0 =	sne.s32 s4, $0x0;
	s0 =	rddreg [dreg:$0x3]  }
0x12e: {  	s0 =	sadd.s32 @!p0 $0x100000, s0  }
0x12f: {  	[sflag:s0] =	ssyncadd.tile.s32 @!p0 $0x1;
	_ =	shalt  }
.Lfunc_end2:
_tile_overlayer_lowered:
.L_overlay_start_2:
0x130: {  	(tag) =	ssettag $0x2  }
0x131: {  	s0 =	rddreg [dreg:$0x0];
	s2 =	stileid.u32  }
0x132: {  	s1 =	rddreg [dreg:$0x1];
	p0 =	sne.s32 s2, $0x0  }
0x133: {  	s3 =	rddreg [dreg:$0x2];
	[bflag:$0x3] =	sbarrier.arrive $0xFFFF;
	s2 =	simm.s32 @!p0 $0x1C03  }
0x134: {  	[timem:s3], [sflag:s2] =	dma.local @!p0 [hbm:s0], s1  }
0x135: {  	s0 =	simm.s32 @!p0 $0x3  }
0x136: {  	_ =	swait.ge @!p0 [sflag:s0], s1  }
0x137: {  	s1 =	ssub.s32 @!p0 $0x0, s1;
	[sflag:s0] =	ssyncset.done @!p0 $0x0  }
0x138: {  	[sflag:s0] =	ssyncadd.s32 @!p0 s1  }
0x139: {  	[bflag:$0x3] =	sbarrier.arrive $0xFFFF  }
0x13a: {  	_ =	shalt  }

// kernel: kernel.15.cloned.1.call-start
scs
__scs_entry_jumppad:
0x0: {  	(pc) =	sbr.rel $0x88, $3  }
0x1: {  	(tag) =	ssettag $0x0;
	lr =	simm.s32 $0x1  }
0x2: {  	[smem:$0x3F9B] =	sst lr;
	_ =	strace $0xD0000000  }
0x3: {  	_ = 	snop  }
0x4: {  	_ = 	snop  }
0x5: {  	_ = 	snop  }
0x6: {  	_ = 	snop  }
0x7: {  	_ = 	snop  }
__scs_overlays_trampoline_lowered:
0x8: {  	[smem:$0x3FAA] =	sst s0  }
0x9: {  	[smem:$0x3FAB] =	sst s1  }
0xa: {  	[smem:$0x3FAC] =	sst s2  }
0xb: {  	[smem:$0x3FAD] =	sst s3  }
0xc: {  	[smem:$0x3FAE] =	sst s4  }
0xd: {  	[smem:$0x3FAF] =	sst s5  }
0xe: {  	[smem:$0x3FB0] =	sst s6  }
0xf: {  	[smem:$0x3FB1] =	sst s7  }
0x10: {  	[smem:$0x3FB2] =	sst s8  }
0x11: {  	[smem:$0x3FB3] =	sst s9;
	s0 =	simm.s32 @!p0 $0x0  }
0x12: {  	s1 =	sld [smem:$0x3F99];
	s0 =	simm.s32 @p0 $0x1  }
0x13: {  	[smem:$0x3FB4] =	sst s0;
	s0 =	simm.s32 @!p1 $0x0  }
0x14: {  	s2 =	sld [smem:$0x3F98];
	s0 =	simm.s32 @p1 $0x1  }
0x15: {  	[smem:$0x3FB5] =	sst s0;
	s0 =	simm.s32 @!p2 $0x0  }
0x16: {  	s3 =	sld [smem:$0x3FDB];
	s0 =	simm.s32 @p2 $0x1  }
0x17: {  	s4 =	simm.s32 $0x1BF5;
	[smem:$0x3FB7] =	sst s0  }
0x18: {  	s0 =	sld [smem:$0x3F9A];
	_ =	swait.ge [sflag:s4], $0x0  }
0x19: {  	s7 =	sld [smem:$0x3F9B]  }
0x1a: {  	s8 =	sadd.s32 $0xFFFFE003, lr  }
0x1b: {  	s9 =	sadd.s32 $0xFFFFFEF7, lr;
	s5 =	simm.s32 $0xFFFFFFFF;
	p2 =	slt.u32 s8, $0xFFFFF086  }
0x1c: {  	p1 =	slt.u32 s9, $0xF7A;
	s5 =	simm.s32 @!p2 $0x0  }
0x1d: {  	s5 =	simm.s32 @p1 $0x1;
	p0 =	seq.s32 s7, s2  }
0x1e: {  	s7 =	smul.u32 @!p0 $0xF7A, s2;
	p2 =	seq.s32 @!p0 s5, $0x0  }
0x1f: {  	s9 =	smul.u32 $0xF7A, s1;
	s8 =	simm.s32 @!p0 $0x1BF5;
	p2 =	por !p2, p0  }
0x20: {  	[sflag:s8] =	ssyncset.s32 @!p0 $0xFFFFF086;
	s6 =	sadd.s32 @!p0 s3, s7;
	s7 =	simm.s32 @!p0 $0x108  }
0x21: {  	s3 =	sadd.s32 s3, s9;
	s6 =	sadd.s32 @!p0 $0x88, s6;
	s7 =	simm.s32 @p2 $0x1082  }
0x22: {  	[simem:s7], [sflag:s8] =	dma.local @!p0 [hbm:s6], $0xF7A  }
0x23: {  	s9 =	sor.u32 $0xD0000000, s2;
	s6 =	simm.s32 $0x108;
	_ =	swait.ge @!p0 [sflag:s8], $0x0  }
0x24: {  	s3 =	sadd.s32 $0x88, s3;
	s6 =	simm.s32 @!p1 $0x1082;
	[sflag:s4] =	ssyncset.s32 $0xFFFFF086  }
0x25: {  	[simem:s6], [sflag:s4] =	dma.local [hbm:s3], $0xF7A  }
0x26: {  	[smem:$0x3F9B] =	sst s1;
	(tag) =	ssettag s2;
	_ =	strace s9  }
0x27: {  	s1 =	sld [smem:$0x3FAB]  }
0x28: {  	s2 =	sld [smem:$0x3FAC]  }
0x29: {  	s4 =	sld [smem:$0x3FAE]  }
0x2a: {  	p0 =	seq.s32 s5, $0x0;
	s5 =	sld [smem:$0x3FAF]  }
0x2b: {  	s6 =	sld [smem:$0x3FB0]  }
0x2c: {  	s7 =	sld [smem:$0x3FB1]  }
0x2d: {  	s3 =	simm.s32 $0x108;
	s8 =	sld [smem:$0x3FB2]  }
0x2e: {  	s3 =	simm.s32 @!p0 $0x1082;
	s9 =	sld [smem:$0x3FB3]  }
0x2f: {  	lr =	sadd.s32 s0, s3;
	s0 =	sld [smem:$0x3FAA]  }
0x30: {  	s3 =	sld [smem:$0x3FAD]  }
0x31: {  	[smem:$0x3FB6] =	sst s10  }
0x32: {  	s10 =	sld [smem:$0x3FB4];
	_ =	sdelay $0x3  }
0x33: {  	p0 =	seq.s32 s10, $0x1;
	s10 =	sld [smem:$0x3FB6];
	_ =	sdelay $0x3  }
0x34: {  	[smem:$0x3FB6] =	sst s10  }
0x35: {  	s10 =	sld [smem:$0x3FB5];
	_ =	sdelay $0x3  }
0x36: {  	p1 =	seq.s32 s10, $0x1;
	s10 =	sld [smem:$0x3FB6];
	_ =	sdelay $0x3  }
0x37: {  	[smem:$0x3FB6] =	sst s10  }
0x38: {  	s10 =	sld [smem:$0x3FB7]  }
0x39: {  	_ = 	snop;
	(pc) =	sbr.ind lr, $3  }
0x3a: {  	_ = 	snop  }
0x3b: {  	_ = 	snop  }
0x3c: {  	p2 =	seq.s32 s10, $0x1;
	s10 =	sld [smem:$0x3FB6]  }
0x3d: {  	_ =	shalt  }
0x3e: {  	_ =	shalt  }
0x3f: {  	_ =	shalt  }
0x40: {  	_ =	shalt  }
0x41: {  	_ =	shalt  }
0x42: {  	_ =	shalt  }
0x43: {  	_ =	shalt  }
0x44: {  	_ =	shalt  }
0x45: {  	_ =	shalt  }
0x46: {  	_ =	shalt  }
0x47: {  	_ =	shalt  }
0x48: {  	_ =	shalt  }
0x49: {  	_ =	shalt  }
0x4a: {  	_ =	shalt  }
0x4b: {  	_ =	shalt  }
0x4c: {  	_ =	shalt  }
0x4d: {  	_ =	shalt  }
0x4e: {  	_ =	shalt  }
0x4f: {  	_ =	shalt  }
0x50: {  	_ =	shalt  }
0x51: {  	_ =	shalt  }
0x52: {  	_ =	shalt  }
0x53: {  	_ =	shalt  }
0x54: {  	_ =	shalt  }
0x55: {  	_ =	shalt  }
0x56: {  	_ =	shalt  }
0x57: {  	_ =	shalt  }
0x58: {  	_ =	shalt  }
0x59: {  	_ =	shalt  }
0x5a: {  	_ =	shalt  }
0x5b: {  	_ =	shalt  }
0x5c: {  	_ =	shalt  }
0x5d: {  	_ =	shalt  }
0x5e: {  	_ =	shalt  }
0x5f: {  	_ =	shalt  }
0x60: {  	_ =	shalt  }
0x61: {  	_ =	shalt  }
0x62: {  	_ =	shalt  }
0x63: {  	_ =	shalt  }
0x64: {  	_ =	shalt  }
0x65: {  	_ =	shalt  }
0x66: {  	_ =	shalt  }
0x67: {  	_ =	shalt  }
0x68: {  	_ =	shalt  }
0x69: {  	_ =	shalt  }
0x6a: {  	_ =	shalt  }
0x6b: {  	_ =	shalt  }
0x6c: {  	_ =	shalt  }
0x6d: {  	_ =	shalt  }
0x6e: {  	_ =	shalt  }
0x6f: {  	_ =	shalt  }
0x70: {  	_ =	shalt  }
0x71: {  	_ =	shalt  }
0x72: {  	_ =	shalt  }
0x73: {  	_ =	shalt  }
0x74: {  	_ =	shalt  }
0x75: {  	_ =	shalt  }
0x76: {  	_ =	shalt  }
0x77: {  	_ =	shalt  }
0x78: {  	_ =	shalt  }
0x79: {  	_ =	shalt  }
0x7a: {  	_ =	shalt  }
0x7b: {  	_ =	shalt  }
0x7c: {  	_ =	shalt  }
0x7d: {  	_ =	shalt  }
0x7e: {  	_ =	shalt  }
0x7f: {  	_ =	shalt  }
0x80: {  	_ =	shalt  }
0x81: {  	_ =	shalt  }
0x82: {  	_ =	shalt  }
0x83: {  	_ =	shalt  }
0x84: {  	_ =	shalt  }
0x85: {  	_ =	shalt  }
0x86: {  	_ =	shalt  }
0x87: {  	_ =	shalt  }
.Lfunc_end0:
.L_simem_size_0:
called_computation.3_lowered:
.L_overlay_start_0:
0x88: {  	s2 =	sld [smem:$0x3FD9]  }
0x89: {  	s3 =	sld [smem:$0x3FFE];
	_ =	sdelay $0x1  }
0x8a: {  	s1 =	srdreg.scid  }
0x8b: {  	s0 =	sand.u32 $0x1, s1  }
0x8c: {  	s17 =	sshll.u32 s0, $0xA;
	s2 =	sadd.s32 s3, s2  }
0x8d: {  	s2 =	sadd.s32 s2, s17  }
0x8e: {  	[smem:$0x3FC2] =	sst s2  }
0x8f: {  	_ = 	snop  }
0x90: {  	s2 =	sld [smem:$0x3FC9]  }
0x91: {  	s18 =	sld [smem:$0x3FC8]  }
0x92: {  	s4 =	sld [smem:$0x3FD0];
	(tm) =	ssettm $0x1  }
0x93: {  	s5 =	sld [smem:$0x3FFB];
	_ =	sdelay $0x3  }
0x94: {  	_ =	strace s5  }
0x95: {  	s5 =	sld [smem:$0x3FFC];
	_ =	sdelay $0x3  }
0x96: {  	_ =	strace s5  }
0x97: {  	s5 =	sld [smem:$0x3FFD];
	_ =	sdelay $0x3  }
0x98: {  	_ =	strace s5  }
0x99: {  	_ =	strace $0x8FFFFFFF  }
0x9a: {  	s19 =	sld [smem:$0x3FDB];
	_ =	sdelay $0x1  }
0x9b: {  	s6 =	simm.s32 $_scs_section_size  }
0x9c: {  	s7 =	simm.s32 $_size__tile_overlayer_lowered;
	s8 =	simm.s32 $_tile_overlayer_lowered  }
0x9d: {  	s22 =	simm.s32 $0x1BFF;
	s21 =	sshll.u32 s8, $0x1;
	s5 =	sadd.s32 s6, s19  }
0x9e: {  	s9 =	simm.s32 $0x0;
	s20 =	sshll.u32 s7, $0x1;
	s7 =	sadd.s32 s21, s5  }
0x9f: {  	[timem:s9], [sflag:s22] =	dma.local [hbm:s7], s20  }
0xa0: {  	_ =	swait.ge [sflag:s22], s20  }
0xa1: {  	s6 =	ssub.s32 $0x0, s20;
	[sflag:s22] =	ssyncset.done $0x0  }
0xa2: {  	[sflag:s22] =	ssyncadd.s32 s6;
	_ =	sdelay $0x1  }
0xa3: {  	s23 =	simm.s32 $0x1B8B  }
0xa4: {  	_ =	swait.ge [sflag:s23], $0x1  }
0xa5: {  	[sflag:s23] =	ssyncset.done $0x0  }
0xa6: {  	s25 =	simm.s32 $0x1B8E;
	s24 =	sld [smem:$0x3FFE];
	[sflag:s23] =	ssyncadd.s32 $0xFFFFFFFF  }
0xa7: {  	s26 =	simm.s32 $execute0_lowered;
	[smem:$0x3FD2] =	sst s25  }
0xa8: {  	s7 =	sshll.u32 s26, $0x1;
	_ =	strace $0x8000004F;
	[dreg:$0x1] =	wrdreg $0xFFFFFFFF  }
0xa9: {  	s28 =	simm.s32 $_size_execute0_lowered;
	s5 =	sadd.s32 s5, s7;
	[dreg:$0x0] =	wrdreg $0x0  }
0xaa: {  	s7 =	sshll.u32 s28, $0x1;
	[dreg:$0x2] =	wrdreg s5  }
0xab: {  	[dreg:$0x3] =	wrdreg s7  }
0xac: {  	[dreg:$0x4] =	wrdreg $0xC0  }
0xad: {  	_ =	task [dreg:s9], $0x5FFFF  }
0xae: {  	[dreg:$0x1] =	wrdreg $0xFFFFFFFF  }
0xaf: {  	[dreg:$0x0] =	wrdreg $0x60  }
0xb0: {  	[dreg:$0x2] =	wrdreg s24  }
0xb1: {  	[dreg:$0x3] =	wrdreg s2  }
0xb2: {  	[dreg:$0x4] =	wrdreg s18  }
0xb3: {  	[dreg:$0x5] =	wrdreg s4  }
0xb4: {  	[dreg:$0x6] =	wrdreg $0x9  }
0xb5: {  	_ =	task.clear_ibuf [dreg:s9], $0x7FFFF;
	_ =	strace $0x9000004F  }
0xb6: {  	s29 =	simm.s32 $0x9;
	_ =	strace $0x80000051  }
0xb7: {  	_ =	swait.ge [sflag:s29], $0x1  }
0xb8: {  	[sflag:s29] =	ssyncadd.s32 $0xFFFFFFFF  }
0xb9: {  	_ =	strace $0x90000051  }
0xba: {  	_ =	sfence  }
0xbb: {  	s30 =	sld [smem:$0x0];
	_ =	sdelay $0x2  }
0xbc: {  	s31 =	sshll.u32 s1, $0xD;
	s1 =	sshrl.u32 s1, $0x2  }
0xbd: {  	s3 =	sand.u32 $0x4000, s31;
	s1 =	sadd.s32 s1, s30  }
0xbe: {  	s0 =	sor.u32 s3, s0;
	s1 =	sshll.u32 s1, $0x11  }
0xbf: {  	s0 =	sor.u32 s1, s0  }
0xc0: {  	s0 =	sadd.s32 $0x8F2B, s0  }
0xc1: {  	[sflag:s0] =	ssyncadd.remote.s32 $0x1  }
0xc2: {  	_ =	sfence.sel $0xFFFF  }
0xc3: {  	[dreg:$0x0] =	wrdreg $0xFFFFFFFF;
	(pc) =	sbr.abs _section_cstart, $3  }
0xc4: {  	[dreg:$0x1] =	wrdreg $0xFFFFFFFF  }
0xc5: {  	_ =	task.clear_ibuf [dreg:s9], $0x2FFFF;
	_ =	strace $0x9FFFFFFF  }
0xc6: {  	(tm) =	ssettm $0x7FFFFFFF  }
0xc7: {  	_ =	shalt  }
tec
execute0_lowered:
.L_overlay_start_1:
0x0: {  	(tag) =	ssettag $0x1  }
0x1: {  	s6 =	rddreg [dreg:$0x0]  }
0x2: {  	s7 =	rddreg [dreg:$0x1]  }
0x3: {  	s8 =	rddreg [dreg:$0x2]  }
0x4: {  	s9 =	rddreg [dreg:$0x3]  }
0x5: {  	s0 =	rddreg [dreg:$0x4]  }
0x6: {  	s1 =	simm.s32 $0x0;
	s10 =	srdreg.scid;
	s2 =	stileid.u32  }
0x7: {  	s14 =	simm.s32 $0x1;
	s15 =	simm.s32 $0x2100;
	s16 =	simm.s32 $0x4100  }
0x8: {  	s17 =	simm.s32 $0x0;
	[smem:$0x7FF] =	sst s1;
	s3 =	sadd.s32 $0x32800, s6  }
0x9: {  	s4 =	sadd.s32 $0x97600, s6;
	s5 =	sadd.s32 $0xF9200, s6;
	s10 =	sand.u32 $0x1, s10  }
0xa: {  	s12 =	sshll.u32 s2, $0x5;
	s6 =	sadd.s32 $0x15AE00, s6;
	s11 =	ssub.s32 $0x2, s10  }
0xb: {  	_ =	strace $0x80000050;
	s10 =	sshll.u32 s10, $0x4;
	s13 =	sshrl.u32 s11, $0x1  }
0xc: {  	s10 =	sor.u32 s10, s12;
	s12 =	simm.s32 $0x80;
	s11 =	ssub.s32 s11, s13  }
0xd: {  	v0 =	vlaneseq.u32;
	s7 =	sadd.s32 s7, s10;
	s8 =	sadd.s32 s8, s10;
	s9 =	sadd.s32 s9, s10  }
0xe: {  	v0 =	vmul.u32 $0x40, v0;
	s13 =	simm.s32 $0x100;
	s10 =	smax.u32 s11, $0x1;
	s11 =	simm.s32 $0x2  }
.LBB2_1:
0xf: {  	[tilespmem:s1], [sflag:$0x2] =	stream.linear.gather [hbm4b:s7+s1], $0x80, $0x38;
	[tilespmem:$0x4180] =	vst v63  }
0x10: {  	_ =	swait.ge [sflag:s11], $0x80  }
0x11: {  	[sflag:s11] =	ssyncset.done $0x0  }
0x12: {  	[sflag:s11] =	ssyncadd.s32 $0xFFFFFF80  }
0x13: {  	[tilespmem:s12], [sflag:$0x2] =	stream.linear.gather [hbm4b:s8+s1], $0x80, $0x38;
	[tilespmem:$0x4180] =	vst v63  }
0x14: {  	_ =	swait.ge [sflag:s11], $0x80  }
0x15: {  	[sflag:s11] =	ssyncset.done $0x0  }
0x16: {  	[sflag:s11] =	ssyncadd.s32 $0xFFFFFF80  }
0x17: {  	v1 =	vld [tilespmem:$0x80]  }
0x18: {  	v2 =	vld [tilespmem:$0x90]  }
0x19: {  	v3 =	vld [tilespmem:$0xA0]  }
0x1a: {  	v4 =	vld [tilespmem:$0xB0]  }
0x1b: {  	v5 =	vld [tilespmem:$0xC0]  }
0x1c: {  	v6 =	vld [tilespmem:$0xD0];
	v1 =	vadd.s32 $0x61A8, v1  }
0x1d: {  	[tilespmem:$0x80] =	vst v1;
	v1 =	vadd.s32 $0x61A8, v2;
	v2 =	vld [tilespmem:$0xE0]  }
0x1e: {  	[tilespmem:$0x90] =	vst v1;
	v1 =	vadd.s32 $0x61A8, v3;
	v3 =	vld [tilespmem:$0xF0]  }
0x1f: {  	[tilespmem:$0xA0] =	vst v1;
	v1 =	vadd.s32 $0x61A8, v4  }
0x20: {  	[tilespmem:$0xB0] =	vst v1;
	v1 =	vadd.s32 $0x61A8, v5  }
0x21: {  	[tilespmem:$0xC0] =	vst v1;
	v1 =	vadd.s32 $0x61A8, v6  }
0x22: {  	[tilespmem:$0xD0] =	vst v1;
	v1 =	vadd.s32 $0x61A8, v2  }
0x23: {  	[tilespmem:$0xE0] =	vst v1;
	v1 =	vadd.s32 $0x61A8, v3  }
0x24: {  	[tilespmem:$0xF0] =	vst v1  }
0x25: {  	[tilespmem:s13], [sflag:$0x1] =	stream.indirect.gather [hbm4b:s3+s12], $0x40, s1, s12, $0xb8;
	[tilespmem:$0x4180] =	vst v63  }
0x26: {  	_ =	swait.ge [sflag:s14], $0x2000  }
0x27: {  	[sflag:s14] =	ssyncset.done $0x0  }
0x28: {  	[sflag:s14] =	ssyncadd.s32 $0xFFFFE000  }
0x29: {  	[tilespmem:s13], [sflag:$0x1] =	stream.indirect.gather.add.f32 [hbm:s4], $0x40, s1, s12, $0xb8;
	[tilespmem:$0x4180] =	vst v63  }
0x2a: {  	_ =	swait.ge [sflag:s14], $0x2000  }
0x2b: {  	[sflag:s14] =	ssyncset.done $0x0  }
0x2c: {  	[sflag:s14] =	ssyncadd.s32 $0xFFFFE000  }
0x2d: {  	[tilespmem:s13], [sflag:$0x1] =	stream.indirect.gather.add.f32 [hbm:s5], $0x40, s1, s12, $0xb8;
	[tilespmem:$0x4180] =	vst v63  }
0x2e: {  	_ =	swait.ge [sflag:s14], $0x2000  }
0x2f: {  	[sflag:s14] =	ssyncset.done $0x0  }
0x30: {  	[sflag:s14] =	ssyncadd.s32 $0xFFFFE000  }
0x31: {  	[tilespmem:s13], [sflag:$0x1] =	stream.indirect.gather.add.f32 [hbm:s6], $0x40, s1, s12, $0xb8;
	[tilespmem:$0x4180] =	vst v63  }
0x32: {  	_ =	swait.ge [sflag:s14], $0x2000  }
0x33: {  	[sflag:s14] =	ssyncset.done $0x0  }
0x34: {  	[sflag:s14] =	ssyncadd.s32 $0xFFFFE000  }
0x35: {  	[tilespmem:s15], [sflag:$0x1] =	stream.indirect.gather [hbm4b:s3+s12], $0x40, s12, s12, $0xb8;
	[tilespmem:$0x4180] =	vst v63  }
0x36: {  	_ =	swait.ge [sflag:s14], $0x2000  }
0x37: {  	[sflag:s14] =	ssyncset.done $0x0  }
0x38: {  	[sflag:s14] =	ssyncadd.s32 $0xFFFFE000  }
0x39: {  	[tilespmem:s15], [sflag:$0x1] =	stream.indirect.gather.add.f32 [hbm:s4], $0x40, s12, s12, $0xb8;
	[tilespmem:$0x4180] =	vst v63  }
0x3a: {  	_ =	swait.ge [sflag:s14], $0x2000  }
0x3b: {  	[sflag:s14] =	ssyncset.done $0x0  }
0x3c: {  	[sflag:s14] =	ssyncadd.s32 $0xFFFFE000  }
0x3d: {  	[tilespmem:s15], [sflag:$0x1] =	stream.indirect.gather.add.f32 [hbm:s5], $0x40, s12, s12, $0xb8;
	[tilespmem:$0x4180] =	vst v63  }
0x3e: {  	_ =	swait.ge [sflag:s14], $0x2000  }
0x3f: {  	[sflag:s14] =	ssyncset.done $0x0  }
0x40: {  	[sflag:s14] =	ssyncadd.s32 $0xFFFFE000  }
0x41: {  	[tilespmem:s15], [sflag:$0x1] =	stream.indirect.gather.add.f32 [hbm:s6], $0x40, s12, s12, $0xb8;
	[tilespmem:$0x4180] =	vst v63  }
0x42: {  	_ =	swait.ge [sflag:s14], $0x2000  }
0x43: {  	[sflag:s14] =	ssyncset.done $0x0  }
0x44: {  	s18 =	simm.s32 $0x0;
	[sflag:s14] =	ssyncadd.s32 $0xFFFFE000  }
.LBB2_2:
0x45: {  	s20 =	simm.s32 $0x0  }
0x46: {  	s19 =	sshll.u32 s18, $0x4;
	v1 =	vmov s20  }
0x47: {  	v2 =	vmov s19;
	v1 =	vand.u32 $0x3F, v1  }
0x48: {  	v2 =	vshll.u32 v2, $0x6;
	v3 =	vbroadcast v1, $0x0  }
0x49: {  	v1 =	vor.u32 v0, v2  }
0x4a: {  	s30 =	simm.s32 $0x1;
	v2 =	vor.u32 v1, v3  }
0x4b: {  	v3 =	vmov s30  }
0x4c: {  	v3 =	vand.u32 $0x3F, v3  }
0x4d: {  	v3 =	vbroadcast v3, $0x0;
	_ =	sdelay $0x1  }
0x4e: {  	v4 =	vor.u32 v1, v3;
	v6 =	vld.idx.msk [tilespmem:v2+s13+$0x0], $0xffff  }
0x4f: {  	s31 =	simm.s32 $0x2;
	v7 =	vld.idx.msk [tilespmem:v2+s15+$0x0], $0xffff  }
0x50: {  	v2 =	vmov s31  }
0x51: {  	v2 =	vand.u32 $0x3F, v2  }
0x52: {  	v5 =	vbroadcast v2, $0x0  }
0x53: {  	v2 =	vld.idx.msk [tilespmem:v4+s13+$0x0], $0xffff  }
0x54: {  	s20 =	simm.s32 $0x3;
	v3 =	vimm.f32 $0.0e+00;
	v5 =	vor.u32 v1, v5;
	v4 =	vld.idx.msk [tilespmem:v4+s15+$0x0], $0xffff;
	v6 =	vmul.f32 v7, v6  }
.LBB2_3:
0x55: {  	p0 =	sne.s32 s20, $0x3F  }
.Ltmp0:
0x56: {  	v7 =	vmov s20;
	v3 =	vadd.f32 v6, v3;
	(pc) =	sbr.rel @p0 .LBB2_3-.Ltmp0, $4  }
0x57: {  	s20 =	sadd.s32 $0x1, s20;
	v8 =	vand.u32 $0x3F, v7  }
0x58: {  	v7 =	vbroadcast v8, $0x0  }
0x59: {  	v6 =	vmov v2;
	v2 =	vld.idx.msk [tilespmem:v5+s13+$0x0], $0xffff  }
0x5a: {  	v6 =	vmul.f32 v4, v6;
	v4 =	vld.idx.msk [tilespmem:v5+s15+$0x0], $0xffff;
	v5 =	vor.u32 v1, v7  }
0x5b: {  	_ =	sdelay $0x3  }
0x5c: {  	v1 =	vld.idx.msk [tilespmem:v5+s13+$0x0], $0xffff  }
0x5d: {  	v63 =	vld.idx.msk [tilespmem:v5+s15+$0x0], $0xffff;
	_ =	sdelay $0x2  }
0x5e: {  	v3 =	vadd.f32 v6, v3;
	v2 =	vmul.f32 v4, v2;
	_ =	sdelay $0x1  }
0x5f: {  	s18 =	sadd.s32 $0x1, s18;
	v1 =	vmul.f32 v63, v1;
	v2 =	vadd.f32 v2, v3  }
0x60: {  	p0 =	sne.s32 s18, $0x8  }
.Ltmp1:
0x61: {  	v1 =	vadd.f32 v1, v2;
	(pc) =	sbr.rel @p0 .LBB2_2-.Ltmp1, $3  }
0x62: {  	_ = 	snop  }
0x63: {  	v1 =	vmul.f32 $6.250000000e-02, v1;
	_ =	sdelay $0x1  }
0x64: {  	[tilespmem:s19+$0x4100] =	vst v1  }
0x65: {  	s17 =	sadd.s32 $0x1, s17  }
0x66: {  	p0 =	sne.s32 s17, s10  }
.Ltmp2:
0x67: {  	_ = 	snop;
	(pc) =	sbr.rel @p0 .LBB2_1-.Ltmp2, $4  }
0x68: {  	[hbm4b:s9+s1] =	stream.linear.scatter [tilespmem:s16], [sflag:$0x2], $0x80, $0x38;
	[tilespmem:$0x4180] =	vst v63  }
0x69: {  	_ =	swait.ge [sflag:s11], $0x80  }
0x6a: {  	[sflag:s11] =	ssyncset.done $0x0  }
0x6b: {  	[sflag:s11] =	ssyncadd.s32 $0xFFFFFF80  }
0x6c: {  	_ =	sfence.sel $0x180000  }
0x6d: {  	[bflag:$0x0] =	sbarrier.arrive $0xFFFF  }
0x6e: {  	p0 =	sne.s32 s2, $0x0;
	_ =	strace $0x90000050  }
0x6f: {  	s0 =	sadd.s32 @!p0 $0x100000, s0;
	[bflag:$0x2] =	sbarrier.arrive $0xFFFF  }
0x70: {  	[sflag:s0] =	ssyncadd.tile.s32 @!p0 $0x1;
	_ =	shalt  }
.Lfunc_end2:
_tile_overlayer_lowered:
.L_overlay_start_2:
0x71: {  	(tag) =	ssettag $0x2  }
0x72: {  	s0 =	rddreg [dreg:$0x0];
	s2 =	stileid.u32  }
0x73: {  	s1 =	rddreg [dreg:$0x1];
	p0 =	sne.s32 s2, $0x0  }
0x74: {  	s3 =	rddreg [dreg:$0x2];
	[bflag:$0x3] =	sbarrier.arrive $0xFFFF;
	s2 =	simm.s32 @!p0 $0x1C02  }
0x75: {  	[timem:s3], [sflag:s2] =	dma.local @!p0 [hbm:s0], s1  }
0x76: {  	s0 =	simm.s32 @!p0 $0x2  }
0x77: {  	_ =	swait.ge @!p0 [sflag:s0], s1  }
0x78: {  	s1 =	ssub.s32 @!p0 $0x0, s1;
	[sflag:s0] =	ssyncset.done @!p0 $0x0  }
0x79: {  	[sflag:s0] =	ssyncadd.s32 @!p0 s1  }
0x7a: {  	[bflag:$0x3] =	sbarrier.arrive $0xFFFF  }
0x7b: {  	_ =	shalt  }

// kernel: kernel.6.cloned.1.call-start
scs
__scs_entry_jumppad:
0x0: {  	(pc) =	sbr.rel $0x88, $3  }
0x1: {  	(tag) =	ssettag $0x0;
	lr =	simm.s32 $0x1  }
0x2: {  	[smem:$0x3F9B] =	sst lr;
	_ =	strace $0xD0000000  }
0x3: {  	_ = 	snop  }
0x4: {  	_ = 	snop  }
0x5: {  	_ = 	snop  }
0x6: {  	_ = 	snop  }
0x7: {  	_ = 	snop  }
__scs_overlays_trampoline_lowered:
0x8: {  	[smem:$0x3FAA] =	sst s0  }
0x9: {  	[smem:$0x3FAB] =	sst s1  }
0xa: {  	[smem:$0x3FAC] =	sst s2  }
0xb: {  	[smem:$0x3FAD] =	sst s3  }
0xc: {  	[smem:$0x3FAE] =	sst s4  }
0xd: {  	[smem:$0x3FAF] =	sst s5  }
0xe: {  	[smem:$0x3FB0] =	sst s6  }
0xf: {  	[smem:$0x3FB1] =	sst s7  }
0x10: {  	[smem:$0x3FB2] =	sst s8  }
0x11: {  	[smem:$0x3FB3] =	sst s9;
	s0 =	simm.s32 @!p0 $0x0  }
0x12: {  	s1 =	sld [smem:$0x3F99];
	s0 =	simm.s32 @p0 $0x1  }
0x13: {  	[smem:$0x3FB4] =	sst s0;
	s0 =	simm.s32 @!p1 $0x0  }
0x14: {  	s2 =	sld [smem:$0x3F98];
	s0 =	simm.s32 @p1 $0x1  }
0x15: {  	[smem:$0x3FB5] =	sst s0;
	s0 =	simm.s32 @!p2 $0x0  }
0x16: {  	s3 =	sld [smem:$0x3FDB];
	s0 =	simm.s32 @p2 $0x1  }
0x17: {  	s4 =	simm.s32 $0x1BF5;
	[smem:$0x3FB7] =	sst s0  }
0x18: {  	s0 =	sld [smem:$0x3F9A];
	_ =	swait.ge [sflag:s4], $0x0  }
0x19: {  	s7 =	sld [smem:$0x3F9B]  }
0x1a: {  	s8 =	sadd.s32 $0xFFFFE003, lr  }
0x1b: {  	s9 =	sadd.s32 $0xFFFFFEF7, lr;
	s5 =	simm.s32 $0xFFFFFFFF;
	p2 =	slt.u32 s8, $0xFFFFF086  }
0x1c: {  	p1 =	slt.u32 s9, $0xF7A;
	s5 =	simm.s32 @!p2 $0x0  }
0x1d: {  	s5 =	simm.s32 @p1 $0x1;
	p0 =	seq.s32 s7, s2  }
0x1e: {  	s7 =	smul.u32 @!p0 $0xF7A, s2;
	p2 =	seq.s32 @!p0 s5, $0x0  }
0x1f: {  	s9 =	smul.u32 $0xF7A, s1;
	s8 =	simm.s32 @!p0 $0x1BF5;
	p2 =	por !p2, p0  }
0x20: {  	[sflag:s8] =	ssyncset.s32 @!p0 $0xFFFFF086;
	s6 =	sadd.s32 @!p0 s3, s7;
	s7 =	simm.s32 @!p0 $0x108  }
0x21: {  	s3 =	sadd.s32 s3, s9;
	s6 =	sadd.s32 @!p0 $0x88, s6;
	s7 =	simm.s32 @p2 $0x1082  }
0x22: {  	[simem:s7], [sflag:s8] =	dma.local @!p0 [hbm:s6], $0xF7A  }
0x23: {  	s9 =	sor.u32 $0xD0000000, s2;
	s6 =	simm.s32 $0x108;
	_ =	swait.ge @!p0 [sflag:s8], $0x0  }
0x24: {  	s3 =	sadd.s32 $0x88, s3;
	s6 =	simm.s32 @!p1 $0x1082;
	[sflag:s4] =	ssyncset.s32 $0xFFFFF086  }
0x25: {  	[simem:s6], [sflag:s4] =	dma.local [hbm:s3], $0xF7A  }
0x26: {  	[smem:$0x3F9B] =	sst s1;
	(tag) =	ssettag s2;
	_ =	strace s9  }
0x27: {  	s1 =	sld [smem:$0x3FAB]  }
0x28: {  	s2 =	sld [smem:$0x3FAC]  }
0x29: {  	s4 =	sld [smem:$0x3FAE]  }
0x2a: {  	p0 =	seq.s32 s5, $0x0;
	s5 =	sld [smem:$0x3FAF]  }
0x2b: {  	s6 =	sld [smem:$0x3FB0]  }
0x2c: {  	s7 =	sld [smem:$0x3FB1]  }
0x2d: {  	s3 =	simm.s32 $0x108;
	s8 =	sld [smem:$0x3FB2]  }
0x2e: {  	s3 =	simm.s32 @!p0 $0x1082;
	s9 =	sld [smem:$0x3FB3]  }
0x2f: {  	lr =	sadd.s32 s0, s3;
	s0 =	sld [smem:$0x3FAA]  }
0x30: {  	s3 =	sld [smem:$0x3FAD]  }
0x31: {  	[smem:$0x3FB6] =	sst s10  }
0x32: {  	s10 =	sld [smem:$0x3FB4];
	_ =	sdelay $0x3  }
0x33: {  	p0 =	seq.s32 s10, $0x1;
	s10 =	sld [smem:$0x3FB6];
	_ =	sdelay $0x3  }
0x34: {  	[smem:$0x3FB6] =	sst s10  }
0x35: {  	s10 =	sld [smem:$0x3FB5];
	_ =	sdelay $0x3  }
0x36: {  	p1 =	seq.s32 s10, $0x1;
	s10 =	sld [smem:$0x3FB6];
	_ =	sdelay $0x3  }
0x37: {  	[smem:$0x3FB6] =	sst s10  }
0x38: {  	s10 =	sld [smem:$0x3FB7]  }
0x39: {  	_ = 	snop;
	(pc) =	sbr.ind lr, $3  }
0x3a: {  	_ = 	snop  }
0x3b: {  	_ = 	snop  }
0x3c: {  	p2 =	seq.s32 s10, $0x1;
	s10 =	sld [smem:$0x3FB6]  }
0x3d: {  	_ =	shalt  }
0x3e: {  	_ =	shalt  }
0x3f: {  	_ =	shalt  }
0x40: {  	_ =	shalt  }
0x41: {  	_ =	shalt  }
0x42: {  	_ =	shalt  }
0x43: {  	_ =	shalt  }
0x44: {  	_ =	shalt  }
0x45: {  	_ =	shalt  }
0x46: {  	_ =	shalt  }
0x47: {  	_ =	shalt  }
0x48: {  	_ =	shalt  }
0x49: {  	_ =	shalt  }
0x4a: {  	_ =	shalt  }
0x4b: {  	_ =	shalt  }
0x4c: {  	_ =	shalt  }
0x4d: {  	_ =	shalt  }
0x4e: {  	_ =	shalt  }
0x4f: {  	_ =	shalt  }
0x50: {  	_ =	shalt  }
0x51: {  	_ =	shalt  }
0x52: {  	_ =	shalt  }
0x53: {  	_ =	shalt  }
0x54: {  	_ =	shalt  }
0x55: {  	_ =	shalt  }
0x56: {  	_ =	shalt  }
0x57: {  	_ =	shalt  }
0x58: {  	_ =	shalt  }
0x59: {  	_ =	shalt  }
0x5a: {  	_ =	shalt  }
0x5b: {  	_ =	shalt  }
0x5c: {  	_ =	shalt  }
0x5d: {  	_ =	shalt  }
0x5e: {  	_ =	shalt  }
0x5f: {  	_ =	shalt  }
0x60: {  	_ =	shalt  }
0x61: {  	_ =	shalt  }
0x62: {  	_ =	shalt  }
0x63: {  	_ =	shalt  }
0x64: {  	_ =	shalt  }
0x65: {  	_ =	shalt  }
0x66: {  	_ =	shalt  }
0x67: {  	_ =	shalt  }
0x68: {  	_ =	shalt  }
0x69: {  	_ =	shalt  }
0x6a: {  	_ =	shalt  }
0x6b: {  	_ =	shalt  }
0x6c: {  	_ =	shalt  }
0x6d: {  	_ =	shalt  }
0x6e: {  	_ =	shalt  }
0x6f: {  	_ =	shalt  }
0x70: {  	_ =	shalt  }
0x71: {  	_ =	shalt  }
0x72: {  	_ =	shalt  }
0x73: {  	_ =	shalt  }
0x74: {  	_ =	shalt  }
0x75: {  	_ =	shalt  }
0x76: {  	_ =	shalt  }
0x77: {  	_ =	shalt  }
0x78: {  	_ =	shalt  }
0x79: {  	_ =	shalt  }
0x7a: {  	_ =	shalt  }
0x7b: {  	_ =	shalt  }
0x7c: {  	_ =	shalt  }
0x7d: {  	_ =	shalt  }
0x7e: {  	_ =	shalt  }
0x7f: {  	_ =	shalt  }
0x80: {  	_ =	shalt  }
0x81: {  	_ =	shalt  }
0x82: {  	_ =	shalt  }
0x83: {  	_ =	shalt  }
0x84: {  	_ =	shalt  }
0x85: {  	_ =	shalt  }
0x86: {  	_ =	shalt  }
0x87: {  	_ =	shalt  }
.Lfunc_end0:
.L_simem_size_0:
called_computation_lowered:
.L_overlay_start_0:
0x88: {  	s2 =	sld [smem:$0x3FD9]  }
0x89: {  	s3 =	sld [smem:$0x3FFE];
	_ =	sdelay $0x1  }
0x8a: {  	s1 =	srdreg.scid  }
0x8b: {  	s0 =	sand.u32 $0x1, s1  }
0x8c: {  	s17 =	sshll.u32 s0, $0xA;
	s2 =	sadd.s32 s3, s2  }
0x8d: {  	s2 =	sadd.s32 s2, s17  }
0x8e: {  	[smem:$0x3FC2] =	sst s2  }
0x8f: {  	_ = 	snop  }
0x90: {  	s2 =	sld [smem:$0x3FC6];
	(tm) =	ssettm $0x1  }
0x91: {  	s18 =	sld [smem:$0x3FFB];
	_ =	sdelay $0x3  }
0x92: {  	_ =	strace s18  }
0x93: {  	s3 =	sld [smem:$0x3FFC];
	_ =	sdelay $0x3  }
0x94: {  	_ =	strace s3  }
0x95: {  	s3 =	sld [smem:$0x3FFD];
	_ =	sdelay $0x3  }
0x96: {  	_ =	strace s3  }
0x97: {  	_ =	strace $0x8FFFFFFF  }
0x98: {  	s19 =	sld [smem:$0x3FDB];
	_ =	sdelay $0x1  }
0x99: {  	s4 =	simm.s32 $_scs_section_size  }
0x9a: {  	s5 =	simm.s32 $_size__tile_overlayer_lowered;
	s6 =	simm.s32 $_tile_overlayer_lowered  }
0x9b: {  	s22 =	simm.s32 $0x1BFF;
	s21 =	sshll.u32 s6, $0x1;
	s3 =	sadd.s32 s4, s19  }
0x9c: {  	s7 =	simm.s32 $0x0;
	s20 =	sshll.u32 s5, $0x1;
	s5 =	sadd.s32 s21, s3  }
0x9d: {  	[timem:s7], [sflag:s22] =	dma.local [hbm:s5], s20  }
0x9e: {  	_ =	swait.ge [sflag:s22], s20  }
0x9f: {  	s4 =	ssub.s32 $0x0, s20;
	[sflag:s22] =	ssyncset.done $0x0  }
0xa0: {  	[sflag:s22] =	ssyncadd.s32 s4;
	_ =	sdelay $0x1  }
0xa1: {  	s23 =	simm.s32 $0x1B8B  }
0xa2: {  	_ =	swait.ge [sflag:s23], $0x1  }
0xa3: {  	[sflag:s23] =	ssyncset.done $0x0  }
0xa4: {  	s25 =	simm.s32 $0x1B8E;
	s24 =	sld [smem:$0x3FFE];
	[sflag:s23] =	ssyncadd.s32 $0xFFFFFFFF  }
0xa5: {  	s26 =	simm.s32 $execute0_lowered;
	[smem:$0x3FD2] =	sst s25  }
0xa6: {  	s5 =	sshll.u32 s26, $0x1;
	_ =	strace $0x80000046;
	[dreg:$0x1] =	wrdreg $0xFFFFFFFF  }
0xa7: {  	s28 =	simm.s32 $_size_execute0_lowered;
	s3 =	sadd.s32 s3, s5;
	[dreg:$0x0] =	wrdreg $0x0  }
0xa8: {  	s5 =	sshll.u32 s28, $0x1;
	[dreg:$0x2] =	wrdreg s3  }
0xa9: {  	[dreg:$0x3] =	wrdreg s5  }
0xaa: {  	[dreg:$0x4] =	wrdreg $0xC0  }
0xab: {  	_ =	task [dreg:s7], $0x5FFFF  }
0xac: {  	[dreg:$0x1] =	wrdreg $0xFFFFFFFF  }
0xad: {  	[dreg:$0x0] =	wrdreg $0x60  }
0xae: {  	[dreg:$0x2] =	wrdreg s24  }
0xaf: {  	[dreg:$0x3] =	wrdreg s2  }
0xb0: {  	[dreg:$0x4] =	wrdreg $0x0  }
0xb1: {  	[dreg:$0x5] =	wrdreg $0x9  }
0xb2: {  	_ =	task.clear_ibuf [dreg:s7], $0x6FFFF;
	_ =	strace $0x90000046  }
0xb3: {  	s29 =	simm.s32 $0x9;
	_ =	strace $0x80000048  }
0xb4: {  	_ =	swait.ge [sflag:s29], $0x1  }
0xb5: {  	[sflag:s29] =	ssyncadd.s32 $0xFFFFFFFF  }
0xb6: {  	_ =	strace $0x90000048  }
0xb7: {  	_ =	sfence  }
0xb8: {  	s30 =	sld [smem:$0x0];
	_ =	sdelay $0x2  }
0xb9: {  	s31 =	sshll.u32 s1, $0xD;
	s1 =	sshrl.u32 s1, $0x2  }
0xba: {  	s3 =	sand.u32 $0x4000, s31;
	s1 =	sadd.s32 s1, s30  }
0xbb: {  	s0 =	sor.u32 s3, s0;
	s1 =	sshll.u32 s1, $0x11  }
0xbc: {  	s0 =	sor.u32 s1, s0  }
0xbd: {  	s0 =	sadd.s32 $0x8F2B, s0  }
0xbe: {  	[sflag:s0] =	ssyncadd.remote.s32 $0x1  }
0xbf: {  	_ =	sfence.sel $0xFFFF  }
0xc0: {  	[dreg:$0x0] =	wrdreg $0xFFFFFFFF;
	(pc) =	sbr.abs _section_cstart, $3  }
0xc1: {  	[dreg:$0x1] =	wrdreg $0xFFFFFFFF  }
0xc2: {  	_ =	task.clear_ibuf [dreg:s7], $0x2FFFF;
	_ =	strace $0x9FFFFFFF  }
0xc3: {  	(tm) =	ssettm $0x7FFFFFFF  }
tec
execute0_lowered:
.L_overlay_start_1:
0x0: {  	(tag) =	ssettag $0x1  }
0x1: {  	s0 =	rddreg [dreg:$0x0]  }
0x2: {  	s1 =	rddreg [dreg:$0x1]  }
0x3: {  	s2 =	rddreg [dreg:$0x2];
	s3 =	simm.s32 $0x0  }
0x4: {  	s7 =	srdreg.scid;
	s4 =	stileid.u32;
	s28 =	simm.s32 $0x1C6D0  }
0x5: {  	s29 =	simm.s32 $0x1D350;
	s30 =	simm.s32 $0x0;
	[smem:$0x7FF] =	sst s3  }
0x6: {  	s5 =	sadd.s32 $0x32800, s0;
	s6 =	sadd.s32 $0x1A000, s0;
	s8 =	sand.u32 $0x1, s7  }
0x7: {  	s7 =	sadd.s32 $0x1800, s0;
	s12 =	smul.u32 $0x61B00, s4;
	s9 =	sadd.s32 $0x94400, s0  }
0x8: {  	s10 =	sadd.s32 $0x97600, s0;
	s21 =	sshll.u32 s4, $0x6;
	s26 =	ssub.s32 $0x203, s4  }
0x9: {  	_ =	strace $0x80000047;
	[dreg:$0x4] =	wrdreg s9;
	s9 =	smul.u32 $0xC350, s4  }
0xa: {  	s11 =	ssub.s32 $0x2, s8;
	s14 =	smul.u32 $0xFFFF9E58, s8;
	s15 =	sshrl.u32 s26, $0x4  }
0xb: {  	s20 =	sshrl.u32 s12, $0x2;
	s12 =	sor.u32 $0x1C03, s21;
	s22 =	sshrl.u32 s9, $0x3  }
0xc: {  	v1 =	vimm.s32 $0x0;
	v2 =	vimm.s32 $0x1;
	s16 =	smul.u32 $0x61A8, s8;
	[dreg:$0x5] =	wrdreg s12;
	s23 =	sadd.s32 s6, s22  }
0xd: {  	v3 =	vimm.s32 $0x2;
	v4 =	vimm.s32 $0x3;
	v5 =	vimm.s32 $0x4;
	s13 =	sshrl.u32 s11, $0x1;
	s24 =	sadd.s32 s7, s22;
	[dreg:$0x6] =	wrdreg s23  }
0xe: {  	v6 =	vimm.s32 $0x5;
	v7 =	vimm.s32 $0x6;
	v8 =	vimm.s32 $0x7;
	s19 =	ssub.s32 s11, s13;
	s25 =	sadd.s32 s1, s22;
	[dreg:$0x7] =	wrdreg s24  }
0xf: {  	v9 =	vimm.s32 $0x8;
	v10 =	vimm.s32 $0x9;
	v11 =	vimm.s32 $0xA;
	s11 =	sadd.s32 s20, s2;
	s0 =	smax.u32 s19, $0x1;
	[dreg:$0x8] =	wrdreg s25  }
0x10: {  	v12 =	vimm.s32 $0xB;
	v13 =	vimm.s32 $0xC;
	v14 =	vimm.s32 $0xD;
	s31 =	sshrl.u32 s11, $0x3;
	s19 =	simm.s32 $0x3;
	[dreg:$0x9] =	wrdreg s0  }
0x11: {  	v15 =	vimm.s32 $0xE;
	v16 =	vimm.s32 $0xF;
	v0 =	vmov s14;
	[dreg:$0xa] =	wrdreg s31;
	s23 =	simm.s32 $0x50;
	s25 =	simm.s32 $0x1  }
.LBB2_1:
0x12: {  	s0 =	rddreg [dreg:$0x4]  }
0x13: {  	s8 =	rddreg [dreg:$0x5]  }
0x14: {  	s11 =	rddreg [dreg:$0xa]  }
0x15: {  	[spmem:s11], [sflag:s8] =	dma.local [hbm:s0], $0x30D8  }
0x16: {  	_ =	swait.ge [sflag:s19], $0x30D8  }
0x17: {  	[sflag:s19] =	ssyncset.done $0x0  }
0x18: {  	[sflag:s19] =	ssyncadd.s32 $0xFFFFCF28  }
0x19: {  	[bflag:$0x0] =	sbarrier.arrive $0xFFFF  }
0x1a: {  	s18 =	simm.s32 $0x186C0;
	s17 =	rddreg [dreg:$0x6]  }
0x1b: {  	[tilespmem:s18], [sflag:$0x3] =	stream.linear.gather [hbm4b:s17+s3], $0x7D0, $0x38;
	[tilespmem:$0x1DFD0] =	vst v63  }
0x1c: {  	_ =	swait.ge [sflag:s19], $0x7D0  }
0x1d: {  	[sflag:s19] =	ssyncset.done $0x0  }
0x1e: {  	s21 =	simm.s32 $0x18E90;
	s20 =	rddreg [dreg:$0x7];
	[sflag:s19] =	ssyncadd.s32 $0xFFFFF830  }
0x1f: {  	[tilespmem:s21], [sflag:$0x3] =	stream.linear.gather [hbm4b:s20+s3], $0x7D0, $0x38;
	[tilespmem:$0x1DFD0] =	vst v63  }
0x20: {  	_ =	swait.ge [sflag:s19], $0x7D0  }
0x21: {  	[sflag:s19] =	ssyncset.done $0x0  }
0x22: {  	s24 =	simm.s32 $0x19660;
	s22 =	rddreg [dreg:$0x8];
	[sflag:s19] =	ssyncadd.s32 $0xFFFFF830  }
0x23: {  	[tilespmem:s24], [sflag:$0x3] =	stream.linear.gather [hbm4b:s22+s3], $0x7D0, $0x38;
	[tilespmem:$0x1DFD0] =	vst v63  }
0x24: {  	s26 =	simm.s32 $0x19ED0;
	_ =	swait.ge [sflag:s19], $0x7D0  }
0x25: {  	p0 =	por $0x0, $0x0;
	s31 =	simm.s32 $0x0;
	[sflag:s19] =	ssyncset.done $0x0  }
0x26: {  	s0 =	simm.s32 $0x0;
	s21 =	simm.s32 $0x0;
	[sflag:s19] =	ssyncadd.s32 $0xFFFFF830  }
0x27: {  	[tilespmem:s26], [sflag:$0x1] =	stream.indirect.gather [hbm4b:s5+s23], $0x40, s18, s23, $0xb8;
	[tilespmem:$0x1DFD0] =	vst v63  }
.LBB2_2:
0x28: {  	s22 =	sadd.s32 $0x1, s21  }
0x29: {  	s8 =	smul.u32 $0x47AF, s22;
	_ =	sdelay $0x1  }
0x2a: {  	s8 =	sshrl.u32 s8, $0x10  }
0x2b: {  	s11 =	ssub.s32 s22, s8  }
0x2c: {  	s11 =	sand.u32 $0xFFFE, s11  }
0x2d: {  	s11 =	sshrl.u32 s11, $0x1  }
0x2e: {  	s8 =	sadd.s32 s8, s11  }
0x2f: {  	s8 =	sand.u32 $0xFFF0, s8  }
0x30: {  	s8 =	sshrl.u32 s8, $0x4  }
0x31: {  	s8 =	smul.u32 $0x19, s8  }
0x32: {  	_ =	swait.ge [sflag:s25], $0x1400  }
0x33: {  	p1 =	seq.s32 s21, $0x0;
	[sflag:s25] =	ssyncset.done $0x0;
	s8 =	ssub.s32 s22, s8  }
0x34: {  	s12 =	simm.s32 @!p1 $0x2;
	[sflag:s25] =	ssyncadd.s32 $0xFFFFEC00;
	s11 =	sand.u32 @!p1 $0xFFFF, s8  }
0x35: {  	_ =	swait.ge @!p1 [sflag:s12], $0x1400;
	p2 =	seq.s32 @!p1 s11, $0x0  }
0x36: {  	s18 =	sand.u32 $0x1, s21;
	[sflag:s12] =	ssyncset.done @!p1 $0x0;
	p2 =	por p1, !p2  }
0x37: {  	s24 =	sxor.u32 $0x1, s18;
	[sflag:s12] =	ssyncadd.s32 @!p1 $0xFFFFEC00;
	s12 =	smul.u32 @p2 $0x140, s8  }
0x38: {  	s13 =	smul.u32 @p2 $0x5000, s24  }
0x39: {  	s12 =	sand.u32 @p2 $0xFFC0, s12  }
0x3a: {  	s13 =	sshrl.u32 @p2 s13, $0x2;
	s12 =	sshrl.u32 @p2 s12, $0x2  }
0x3b: {  	s20 =	sand.u32 $0xFFFF, s31;
	s13 =	sadd.s32 @p2 $0x19ED0, s13;
	s12 =	sadd.s32 @p2 $0x186C0, s12  }
0x3c: {  	[tilespmem:s13], [sflag:$0x1] =	stream.indirect.gather @p2 [hbm4b:s5+s23], $0x40, s12, s23, $0xb8;
	[tilespmem:$0x1DFD0] =	vst v63  }
0x3d: {  	s12 =	smul.u32 $0x47AF, s20;
	_ =	sdelay $0x1  }
0x3e: {  	s12 =	sshrl.u32 s12, $0x10  }
0x3f: {  	s26 =	ssub.s32 s31, s12  }
0x40: {  	s13 =	sand.u32 $0xFFFE, s26  }
0x41: {  	s13 =	sshrl.u32 s13, $0x1  }
0x42: {  	s12 =	sadd.s32 s12, s13  }
0x43: {  	s12 =	sshrl.u32 s12, $0x4  }
0x44: {  	s13 =	simm.s32 $0x1;
	s12 =	smul.u32 $0x7D0, s12  }
0x45: {  	s11 =	smul.u32 $0x5000, s18;
	s13 =	simm.s32 @!p0 $0x0  }
0x46: {  	s14 =	smul.u32 $0x140, s13;
	s12 =	ssub.s32 s0, s12  }
0x47: {  	s13 =	smul.u32 $0x5000, s13;
	s12 =	sand.u32 $0xFFFF, s12  }
0x48: {  	s20 =	smul.u32 $0x140, s18;
	s18 =	sadd.s32 $0x18E90, s12  }
0x49: {  	s14 =	sshrl.u32 s14, $0x2;
	s13 =	sshrl.u32 s13, $0x2;
	v17 =	vmov s18  }
0x4a: {  	s26 =	sadd.s32 $0x19E30, s14;
	s13 =	sor.u32 $0x1A0D0, s13  }
0x4b: {  	s14 =	sshrl.u32 s20, $0x2;
	s20 =	sshrl.u32 s11, $0x2;
	s17 =	sadd.s32 $0x19660, s12  }
0x4c: {  	s11 =	sadd.s32 $0x19E30, s14;
	s12 =	sadd.s32 $0x19ED0, s20;
	s14 =	simm.s32 $0x0;
	v18 =	vmov s26;
	v19 =	vmov s17  }
.LBB2_3:
0x4d: {  	s17 =	sshra.s32 s14, $0x2  }
0x4e: {  	v20 =	vld.idx.msk [tilespmem:v17+s17+$0x0 ss:$0x1], $0xffff;
	_ =	sdelay $0x4  }
0x4f: {  	v20 =	vadd.s32 v0, v20  }
0x50: {  	v20 =	vmin.u32 v20, $0x61A8  }
0x51: {  	[tilespmem:v18+s17+$0x0 ss:$0x1] =	vst.idx.msk $0xffff, v20  }
0x52: {  	v20 =	vld.idx.msk [tilespmem:v19+s17+$0x0 ss:$0x1], $0xffff;
	_ =	sdelay $0x1  }
0x53: {  	v21 =	vld [tilespmem:s13+$0xFFFFFE00];
	_ =	sdelay $0x1  }
0x54: {  	v27 =	vld [tilespmem:s13+$0xFFFFFE10]  }
0x55: {  	v22 =	vperm.xlane v20, v1  }
0x56: {  	v28 =	vld [tilespmem:s13+$0xFFFFFE20]  }
0x57: {  	v21 =	vmul.f32 v21, v22  }
0x58: {  	v29 =	vld [tilespmem:s13+$0xFFFFFE30]  }
0x59: {  	[tilespmem:s13+$0xFFFFFE00] =	vst v21;
	v21 =	vmul.f32 v27, v22  }
0x5a: {  	v30 =	vld [tilespmem:s13+$0xFFFFFE40]  }
0x5b: {  	[tilespmem:s13+$0xFFFFFE10] =	vst v21;
	v21 =	vmul.f32 v28, v22  }
0x5c: {  	v32 =	vld [tilespmem:s13+$0xFFFFFE50]  }
0x5d: {  	v31 =	vperm.xlane v20, v2;
	[tilespmem:s13+$0xFFFFFE20] =	vst v21;
	v21 =	vmul.f32 v29, v22  }
0x5e: {  	v33 =	vld [tilespmem:s13+$0xFFFFFE60]  }
0x5f: {  	[tilespmem:s13+$0xFFFFFE30] =	vst v21;
	v21 =	vmul.f32 v30, v31  }
0x60: {  	v34 =	vld [tilespmem:s13+$0xFFFFFE70]  }
0x61: {  	[tilespmem:s13+$0xFFFFFE40] =	vst v21;
	v21 =	vmul.f32 v32, v31  }
0x62: {  	v35 =	vld [tilespmem:s13+$0xFFFFFE80]  }
0x63: {  	[tilespmem:s13+$0xFFFFFE50] =	vst v21;
	v21 =	vmul.f32 v33, v31  }
0x64: {  	v37 =	vld [tilespmem:s13+$0xFFFFFE90]  }
0x65: {  	v36 =	vperm.xlane v20, v3;
	[tilespmem:s13+$0xFFFFFE60] =	vst v21;
	v21 =	vmul.f32 v34, v31  }
0x66: {  	v38 =	vld [tilespmem:s13+$0xFFFFFEA0]  }
0x67: {  	[tilespmem:s13+$0xFFFFFE70] =	vst v21;
	v21 =	vmul.f32 v35, v36  }
0x68: {  	v39 =	vld [tilespmem:s13+$0xFFFFFEB0]  }
0x69: {  	[tilespmem:s13+$0xFFFFFE80] =	vst v21;
	v21 =	vmul.f32 v37, v36  }
0x6a: {  	v40 =	vld [tilespmem:s13+$0xFFFFFEC0]  }
0x6b: {  	[tilespmem:s13+$0xFFFFFE90] =	vst v21;
	v21 =	vmul.f32 v38, v36  }
0x6c: {  	v42 =	vld [tilespmem:s13+$0xFFFFFED0]  }
0x6d: {  	v41 =	vperm.xlane v20, v4;
	[tilespmem:s13+$0xFFFFFEA0] =	vst v21;
	v21 =	vmul.f32 v39, v36  }
0x6e: {  	v43 =	vld [tilespmem:s13+$0xFFFFFEE0]  }
0x6f: {  	[tilespmem:s13+$0xFFFFFEB0] =	vst v21;
	v21 =	vmul.f32 v40, v41  }
0x70: {  	v44 =	vld [tilespmem:s13+$0xFFFFFEF0]  }
0x71: {  	[tilespmem:s13+$0xFFFFFEC0] =	vst v21;
	v21 =	vmul.f32 v42, v41  }
0x72: {  	v45 =	vld [tilespmem:s13+$0xFFFFFF00]  }
0x73: {  	[tilespmem:s13+$0xFFFFFED0] =	vst v21;
	v21 =	vmul.f32 v43, v41  }
0x74: {  	v47 =	vld [tilespmem:s13+$0xFFFFFF10]  }
0x75: {  	v46 =	vperm.xlane v20, v5;
	[tilespmem:s13+$0xFFFFFEE0] =	vst v21;
	v21 =	vmul.f32 v44, v41  }
0x76: {  	v48 =	vld [tilespmem:s13+$0xFFFFFF20]  }
0x77: {  	[tilespmem:s13+$0xFFFFFEF0] =	vst v21;
	v21 =	vmul.f32 v45, v46  }
0x78: {  	v49 =	vld [tilespmem:s13+$0xFFFFFF30]  }
0x79: {  	[tilespmem:s13+$0xFFFFFF00] =	vst v21;
	v21 =	vmul.f32 v47, v46  }
0x7a: {  	v50 =	vld [tilespmem:s13+$0xFFFFFF40]  }
0x7b: {  	[tilespmem:s13+$0xFFFFFF10] =	vst v21;
	v21 =	vmul.f32 v48, v46  }
0x7c: {  	v52 =	vld [tilespmem:s13+$0xFFFFFF50]  }
0x7d: {  	v51 =	vperm.xlane v20, v6;
	[tilespmem:s13+$0xFFFFFF20] =	vst v21;
	v21 =	vmul.f32 v49, v46  }
0x7e: {  	v53 =	vld [tilespmem:s13+$0xFFFFFF60]  }
0x7f: {  	[tilespmem:s13+$0xFFFFFF30] =	vst v21;
	v21 =	vmul.f32 v50, v51  }
0x80: {  	v54 =	vld [tilespmem:s13+$0xFFFFFF70]  }
0x81: {  	[tilespmem:s13+$0xFFFFFF40] =	vst v21;
	v21 =	vmul.f32 v52, v51  }
0x82: {  	v55 =	vld [tilespmem:s13+$0xFFFFFF80]  }
0x83: {  	[tilespmem:s13+$0xFFFFFF50] =	vst v21;
	v21 =	vmul.f32 v53, v51  }
0x84: {  	v57 =	vld [tilespmem:s13+$0xFFFFFF90]  }
0x85: {  	v56 =	vperm.xlane v20, v7;
	[tilespmem:s13+$0xFFFFFF60] =	vst v21;
	v21 =	vmul.f32 v54, v51  }
0x86: {  	v58 =	vld [tilespmem:s13+$0xFFFFFFA0]  }
0x87: {  	[tilespmem:s13+$0xFFFFFF70] =	vst v21;
	v21 =	vmul.f32 v55, v56  }
0x88: {  	v59 =	vld [tilespmem:s13+$0xFFFFFFB0]  }
0x89: {  	[tilespmem:s13+$0xFFFFFF80] =	vst v21;
	v21 =	vmul.f32 v57, v56  }
0x8a: {  	v60 =	vld [tilespmem:s13+$0xFFFFFFC0]  }
0x8b: {  	[tilespmem:s13+$0xFFFFFF90] =	vst v21;
	v21 =	vmul.f32 v58, v56  }
0x8c: {  	v62 =	vld [tilespmem:s13+$0xFFFFFFD0]  }
0x8d: {  	v61 =	vperm.xlane v20, v8;
	[tilespmem:s13+$0xFFFFFFA0] =	vst v21;
	v21 =	vmul.f32 v59, v56  }
0x8e: {  	v63 =	vld [tilespmem:s13+$0xFFFFFFE0]  }
0x8f: {  	[tilespmem:s13+$0xFFFFFFB0] =	vst v21;
	v21 =	vmul.f32 v60, v61  }
0x90: {  	v24 =	vld [tilespmem:s13+$0xFFFFFFF0]  }
0x91: {  	[tilespmem:s13+$0xFFFFFFC0] =	vst v21;
	v21 =	vmul.f32 v62, v61  }
0x92: {  	v25 =	vld [tilespmem:s13+$0x0]  }
0x93: {  	[tilespmem:s13+$0xFFFFFFD0] =	vst v21;
	v21 =	vmul.f32 v63, v61  }
0x94: {  	v27 =	vld [tilespmem:s13+$0x10]  }
0x95: {  	v26 =	vperm.xlane v20, v9;
	[tilespmem:s13+$0xFFFFFFE0] =	vst v21;
	v21 =	vmul.f32 v24, v61  }
0x96: {  	v28 =	vld [tilespmem:s13+$0x20]  }
0x97: {  	[tilespmem:s13+$0xFFFFFFF0] =	vst v21;
	v21 =	vmul.f32 v25, v26  }
0x98: {  	v29 =	vld [tilespmem:s13+$0x30]  }
0x99: {  	[tilespmem:s13+$0x0] =	vst v21;
	v21 =	vmul.f32 v27, v26  }
0x9a: {  	v30 =	vld [tilespmem:s13+$0x40]  }
0x9b: {  	[tilespmem:s13+$0x10] =	vst v21;
	v21 =	vmul.f32 v28, v26  }
0x9c: {  	v32 =	vld [tilespmem:s13+$0x50]  }
0x9d: {  	v31 =	vperm.xlane v20, v10;
	[tilespmem:s13+$0x20] =	vst v21;
	v21 =	vmul.f32 v29, v26  }
0x9e: {  	v33 =	vld [tilespmem:s13+$0x60]  }
0x9f: {  	[tilespmem:s13+$0x30] =	vst v21;
	v21 =	vmul.f32 v30, v31  }
0xa0: {  	v34 =	vld [tilespmem:s13+$0x70]  }
0xa1: {  	[tilespmem:s13+$0x40] =	vst v21;
	v21 =	vmul.f32 v32, v31  }
0xa2: {  	v35 =	vld [tilespmem:s13+$0x80]  }
0xa3: {  	[tilespmem:s13+$0x50] =	vst v21;
	v21 =	vmul.f32 v33, v31  }
0xa4: {  	v37 =	vld [tilespmem:s13+$0x90]  }
0xa5: {  	v36 =	vperm.xlane v20, v11;
	[tilespmem:s13+$0x60] =	vst v21;
	v21 =	vmul.f32 v34, v31  }
0xa6: {  	v38 =	vld [tilespmem:s13+$0xA0]  }
0xa7: {  	[tilespmem:s13+$0x70] =	vst v21;
	v21 =	vmul.f32 v35, v36  }
0xa8: {  	v39 =	vld [tilespmem:s13+$0xB0]  }
0xa9: {  	[tilespmem:s13+$0x80] =	vst v21;
	v21 =	vmul.f32 v37, v36  }
0xaa: {  	v40 =	vld [tilespmem:s13+$0xC0]  }
0xab: {  	[tilespmem:s13+$0x90] =	vst v21;
	v21 =	vmul.f32 v38, v36  }
0xac: {  	v42 =	vld [tilespmem:s13+$0xD0]  }
0xad: {  	v41 =	vperm.xlane v20, v12;
	[tilespmem:s13+$0xA0] =	vst v21;
	v21 =	vmul.f32 v39, v36  }
0xae: {  	v43 =	vld [tilespmem:s13+$0xE0]  }
0xaf: {  	[tilespmem:s13+$0xB0] =	vst v21;
	v21 =	vmul.f32 v40, v41  }
0xb0: {  	v44 =	vld [tilespmem:s13+$0xF0]  }
0xb1: {  	[tilespmem:s13+$0xC0] =	vst v21;
	v21 =	vmul.f32 v42, v41  }
0xb2: {  	v45 =	vld [tilespmem:s13+$0x100]  }
0xb3: {  	[tilespmem:s13+$0xD0] =	vst v21;
	v21 =	vmul.f32 v43, v41  }
0xb4: {  	v47 =	vld [tilespmem:s13+$0x110]  }
0xb5: {  	v46 =	vperm.xlane v20, v13;
	[tilespmem:s13+$0xE0] =	vst v21;
	v21 =	vmul.f32 v44, v41  }
0xb6: {  	v48 =	vld [tilespmem:s13+$0x120]  }
0xb7: {  	[tilespmem:s13+$0xF0] =	vst v21;
	v21 =	vmul.f32 v45, v46  }
0xb8: {  	v49 =	vld [tilespmem:s13+$0x130]  }
0xb9: {  	[tilespmem:s13+$0x100] =	vst v21;
	v21 =	vmul.f32 v47, v46  }
0xba: {  	v50 =	vld [tilespmem:s13+$0x140]  }
0xbb: {  	[tilespmem:s13+$0x110] =	vst v21;
	v21 =	vmul.f32 v48, v46  }
0xbc: {  	v52 =	vld [tilespmem:s13+$0x150]  }
0xbd: {  	v51 =	vperm.xlane v20, v14;
	[tilespmem:s13+$0x120] =	vst v21;
	v21 =	vmul.f32 v49, v46  }
0xbe: {  	v53 =	vld [tilespmem:s13+$0x160]  }
0xbf: {  	[tilespmem:s13+$0x130] =	vst v21;
	v21 =	vmul.f32 v50, v51  }
0xc0: {  	v54 =	vld [tilespmem:s13+$0x170]  }
0xc1: {  	[tilespmem:s13+$0x140] =	vst v21;
	v21 =	vmul.f32 v52, v51  }
0xc2: {  	v55 =	vld [tilespmem:s13+$0x180]  }
0xc3: {  	[tilespmem:s13+$0x150] =	vst v21;
	v21 =	vmul.f32 v53, v51  }
0xc4: {  	v57 =	vld [tilespmem:s13+$0x190]  }
0xc5: {  	v56 =	vperm.xlane v20, v15;
	[tilespmem:s13+$0x160] =	vst v21;
	v21 =	vmul.f32 v54, v51  }
0xc6: {  	v58 =	vld [tilespmem:s13+$0x1A0]  }
0xc7: {  	[tilespmem:s13+$0x170] =	vst v21;
	v21 =	vmul.f32 v55, v56  }
0xc8: {  	v59 =	vld [tilespmem:s13+$0x1B0]  }
0xc9: {  	[tilespmem:s13+$0x180] =	vst v21;
	v21 =	vmul.f32 v57, v56  }
0xca: {  	v60 =	vld [tilespmem:s13+$0x1C0]  }
0xcb: {  	[tilespmem:s13+$0x190] =	vst v21;
	v21 =	vmul.f32 v58, v56  }
0xcc: {  	v61 =	vld [tilespmem:s13+$0x1D0]  }
0xcd: {  	v20 =	vperm.xlane v20, v16;
	[tilespmem:s13+$0x1A0] =	vst v21;
	v21 =	vmul.f32 v59, v56  }
0xce: {  	v62 =	vld [tilespmem:s13+$0x1E0]  }
0xcf: {  	v63 =	vld [tilespmem:s13+$0x1F0];
	[tilespmem:s13+$0x1B0] =	vst v21;
	v21 =	vmul.f32 v60, v20;
	_ =	sdelay $0x1  }
0xd0: {  	p1 =	sne.s32 s14, $0x100;
	[tilespmem:s13+$0x1C0] =	vst v21;
	v21 =	vmul.f32 v61, v20  }
.Ltmp0:
0xd1: {  	_ = 	snop;
	(pc) =	sbr.rel @p1 .LBB2_3-.Ltmp0, $4  }
0xd2: {  	[tilespmem:s13+$0x1D0] =	vst v21;
	v21 =	vmul.f32 v62, v20  }
0xd3: {  	v20 =	vmul.f32 v63, v20  }
0xd4: {  	[tilespmem:s13+$0x1E0] =	vst v21  }
0xd5: {  	s14 =	sadd.s32 $0x40, s14;
	[tilespmem:s13+$0x1F0] =	vst v20;
	s13 =	sadd.s32 $0x400, s13  }
0xd6: {  	p1 =	seq.s32 s21, $0x270  }
0xd7: {  	s8 =	sand.u32 @!p1 $0xFFFF, s8  }
0xd8: {  	p2 =	sne.s32 @!p1 s8, $0x0  }
0xd9: {  	p1 =	por p2, p1  }
0xda: {  	s8 =	smulhi.u32 @!p1 $0x51EB851F, s22;
	_ =	sdelay $0x1  }
0xdb: {  	s8 =	sshrl.u32 @!p1 s8, $0x3  }
0xdc: {  	s8 =	smul.u32 @!p1 $0x7D0, s8;
	_ =	sdelay $0x1  }
0xdd: {  	s8 =	sadd.s32 @!p1 s9, s8  }
0xde: {  	s8 =	sshrl.u32 @!p1 s8, $0x3  }
0xdf: {  	s14 =	simm.s32 @!p1 $0x0;
	s17 =	simm.s32 @!p1 $0x186C0;
	s13 =	sadd.s32 @!p1 s6, s8  }
0xe0: {  	[tilespmem:s17], [sflag:$0x3] =	stream.linear.gather @!p1 [hbm4b:s13+s14], $0x7D0, $0x38;
	[tilespmem:$0x1DFD0] =	vst v63  }
0xe1: {  	s13 =	simm.s32 @!p1 $0x3  }
0xe2: {  	_ =	swait.ge @!p1 [sflag:s13], $0x7D0  }
0xe3: {  	[sflag:s13] =	ssyncset.done @!p1 $0x0  }
0xe4: {  	s20 =	simm.s32 @!p1 $0x18E90;
	s18 =	sadd.s32 @!p1 s7, s8;
	[sflag:s13] =	ssyncadd.s32 @!p1 $0xFFFFF830  }
0xe5: {  	[tilespmem:s20], [sflag:$0x3] =	stream.linear.gather @!p1 [hbm4b:s18+s14], $0x7D0, $0x38;
	[tilespmem:$0x1DFD0] =	vst v63  }
0xe6: {  	_ =	swait.ge @!p1 [sflag:s13], $0x7D0  }
0xe7: {  	[sflag:s13] =	ssyncset.done @!p1 $0x0  }
0xe8: {  	s8 =	sadd.s32 @!p1 s1, s8;
	s18 =	simm.s32 @!p1 $0x19660;
	[sflag:s13] =	ssyncadd.s32 @!p1 $0xFFFFF830  }
0xe9: {  	[tilespmem:s18], [sflag:$0x3] =	stream.linear.gather @!p1 [hbm4b:s8+s14], $0x7D0, $0x38;
	[tilespmem:$0x1DFD0] =	vst v63  }
0xea: {  	s8 =	smul.u32 @!p1 $0x5000, s24  }
0xeb: {  	_ =	swait.ge @!p1 [sflag:s13], $0x7D0  }
0xec: {  	[sflag:s13] =	ssyncset.done @!p1 $0x0;
	s8 =	sshrl.u32 @!p1 s8, $0x2  }
0xed: {  	[sflag:s13] =	ssyncadd.s32 @!p1 $0xFFFFF830;
	s8 =	sadd.s32 @!p1 $0x19ED0, s8;
	s13 =	simm.s32 @!p1 $0x50  }
0xee: {  	[tilespmem:s8], [sflag:$0x1] =	stream.indirect.gather @!p1 [hbm4b:s5+s13], $0x40, s17, s13, $0xb8;
	[tilespmem:$0x1DFD0] =	vst v63  }
0xef: {  	p1 =	sne.s32 s22, $0x271  }
.Ltmp1:
0xf0: {  	_ = 	snop;
	(pc) =	sbr.rel @p1 .LBB2_2-.Ltmp1, $4  }
0xf1: {  	_ = 	snop  }
0xf2: {  	s0 =	sadd.s32 $0x50, s0  }
0xf3: {  	s31 =	sadd.s32 $0x1, s31;
	p0 =	por !p0, !p0;
	s21 =	smov.u32 s22  }
0xf4: {  	[spmem:s2] =	stream.indirect.scatter.add.f32 [tilespmem:s12], [sflag:$0x2], $0x40, s11, s23, $0xb8;
	[tilespmem:$0x1DFD0] =	vst v63  }
0xf5: {  	s0 =	simm.s32 $0x2  }
0xf6: {  	_ =	swait.ge [sflag:s0], $0x1400  }
0xf7: {  	[sflag:s0] =	ssyncset.done $0x0  }
0xf8: {  	[sflag:s0] =	ssyncadd.s32 $0xFFFFEC00  }
0xf9: {  	s8 =	simm.s32 $0x0;
	s0 =	simm.s32 $0x0;
	[bflag:$0x0] =	sbarrier.arrive $0xFFFF  }
.LBB2_6:
0xfa: {  	s11 =	sshll.u32 s8, $0x4  }
0xfb: {  	s12 =	sor.u32 s4, s11  }
0xfc: {  	s11 =	smul.u32 $0x32, s12;
	_ =	sdelay $0x1  }
0xfd: {  	s11 =	sadd.s32 s16, s11  }
0xfe: {  	s11 =	sshll.u32 s11, $0x3  }
0xff: {  	s12 =	smul.u32 $0x3200, s12;
	s13 =	sadd.s32 s5, s11  }
0x100: {  	[tilespmem:s28], [sflag:$0x3] =	stream.linear.gather [hbm4b:s13+s0], $0xC80, $0x38;
	[tilespmem:$0x1DFD0] =	vst v63  }
0x101: {  	_ =	swait.ge [sflag:s19], $0xC80  }
0x102: {  	s12 =	sshra.s32 s12, $0x2;
	[sflag:s19] =	ssyncset.done $0x0  }
0x103: {  	s12 =	sadd.s32 s12, s2;
	[sflag:s19] =	ssyncadd.s32 $0xFFFFF380  }
0x104: {  	[tilespmem:s29], [sflag:$0x3] =	stream.linear.gather [spmem:s12], $0xC80, $0x38;
	[tilespmem:$0x1DFD0] =	vst v63  }
0x105: {  	_ =	swait.ge [sflag:s19], $0xC80  }
0x106: {  	[sflag:s19] =	ssyncset.done $0x0  }
0x107: {  	s12 =	simm.s32 $0x0;
	[sflag:s19] =	ssyncadd.s32 $0xFFFFF380  }
0x108: {  	v20 =	vld [tilespmem:s12+$0x1C6D0]  }
0x109: {  	v19 =	vld [tilespmem:s12+$0x1C6E0]  }
0x10a: {  	v18 =	vld [tilespmem:s12+$0x1C6F0]  }
0x10b: {  	v17 =	vld [tilespmem:s12+$0x1C700]  }
0x10c: {  	v23 =	vld [tilespmem:s12+$0x1D350]  }
0x10d: {  	v22 =	vld [tilespmem:s12+$0x1D360]  }
0x10e: {  	s13 =	simm.s32 $0x100;
	v21 =	vld [tilespmem:s12+$0x1D370]  }
.LBB2_7:
0x10f: {  	p0 =	sne.s32 s13, $0x3100;
	v24 =	vld [tilespmem:s12+$0x1D380];
	_ =	sdelay $0x1  }
0x110: {  	s14 =	sshra.s32 s13, $0x2;
	v25 =	vmul.f32 $2.000000030e-01, v20;
	v23 =	vmul.f32 $8.000000110e-01, v23  }
0x111: {  	v26 =	vmul.f32 $2.000000030e-01, v19;
	v20 =	vld [tilespmem:s14+$0x1C6D0];
	v22 =	vmul.f32 $8.000000110e-01, v22  }
0x112: {  	v19 =	vld [tilespmem:s14+$0x1C6E0];
	v23 =	vadd.f32 v23, v25;
	v25 =	vmul.f32 $2.000000030e-01, v18;
	v21 =	vmul.f32 $8.000000110e-01, v21  }
.Ltmp2:
0x113: {  	v18 =	vld [tilespmem:s14+$0x1C6F0];
	v22 =	vadd.f32 v22, v26;
	v26 =	vmul.f32 $2.000000030e-01, v17;
	v24 =	vmul.f32 $8.000000110e-01, v24;
	(pc) =	sbr.rel @p0 .LBB2_7-.Ltmp2, $4  }
0x114: {  	v17 =	vld [tilespmem:s14+$0x1C700];
	[tilespmem:s12+$0x1D350] =	vst v23;
	v21 =	vadd.f32 v21, v25  }
0x115: {  	v23 =	vld [tilespmem:s14+$0x1D350];
	[tilespmem:s12+$0x1D360] =	vst v22;
	v24 =	vadd.f32 v24, v26  }
0x116: {  	v22 =	vld [tilespmem:s14+$0x1D360];
	[tilespmem:s12+$0x1D370] =	vst v21  }
0x117: {  	s13 =	sadd.s32 $0x100, s13;
	v21 =	vld [tilespmem:s14+$0x1D370];
	[tilespmem:s12+$0x1D380] =	vst v24;
	s12 =	smov.u32 s14  }
0x118: {  	v24 =	vld [tilespmem:s12+$0x1D380];
	_ =	sdelay $0x1  }
0x119: {  	v20 =	vmul.f32 $2.000000030e-01, v20;
	v23 =	vmul.f32 $8.000000110e-01, v23  }
0x11a: {  	v19 =	vmul.f32 $2.000000030e-01, v19;
	v22 =	vmul.f32 $8.000000110e-01, v22  }
0x11b: {  	v18 =	vmul.f32 $2.000000030e-01, v18;
	v20 =	vadd.f32 v23, v20;
	v21 =	vmul.f32 $8.000000110e-01, v21  }
0x11c: {  	v17 =	vmul.f32 $2.000000030e-01, v17;
	v19 =	vadd.f32 v22, v19;
	v63 =	vmul.f32 $8.000000110e-01, v24  }
0x11d: {  	[tilespmem:s12+$0x1D350] =	vst v20;
	v18 =	vadd.f32 v21, v18  }
0x11e: {  	s8 =	sadd.s32 $0x1, s8;
	[tilespmem:s12+$0x1D360] =	vst v19;
	v17 =	vadd.f32 v63, v17  }
0x11f: {  	p0 =	sne.s32 s8, s15;
	[tilespmem:s12+$0x1D370] =	vst v18  }
.Ltmp3:
0x120: {  	s11 =	sadd.s32 s10, s11;
	[tilespmem:s12+$0x1D380] =	vst v17;
	(pc) =	sbr.rel @p0 .LBB2_6-.Ltmp3, $4  }
0x121: {  	[hbm4b:s11+s3] =	stream.linear.scatter [tilespmem:s29], [sflag:$0x3], $0xC80, $0x38;
	[tilespmem:$0x1DFD0] =	vst v63  }
0x122: {  	_ =	swait.ge [sflag:s19], $0xC80  }
0x123: {  	[sflag:s19] =	ssyncset.done $0x0  }
0x124: {  	[sflag:s19] =	ssyncadd.s32 $0xFFFFF380  }
0x125: {  	s30 =	sadd.s32 $0x1, s30;
	s0 =	rddreg [dreg:$0x9]  }
0x126: {  	p0 =	sne.s32 s30, s0  }
.Ltmp4:
0x127: {  	_ = 	snop;
	(pc) =	sbr.rel @p0 .LBB2_1-.Ltmp4, $1  }
0x128: {  	_ =	sdelay $0x3  }
0x129: {  	_ =	sfence.sel $0x180000  }
0x12a: {  	[bflag:$0x0] =	sbarrier.arrive $0xFFFF  }
0x12b: {  	_ =	strace $0x90000047  }
0x12c: {  	[bflag:$0x2] =	sbarrier.arrive $0xFFFF  }
0x12d: {  	p0 =	sne.s32 s4, $0x0;
	s0 =	rddreg [dreg:$0x3]  }
0x12e: {  	s0 =	sadd.s32 @!p0 $0x100000, s0  }
0x12f: {  	[sflag:s0] =	ssyncadd.tile.s32 @!p0 $0x1;
	_ =	shalt  }
.Lfunc_end2:
_tile_overlayer_lowered:
.L_overlay_start_2:
0x130: {  	(tag) =	ssettag $0x2  }
0x131: {  	s0 =	rddreg [dreg:$0x0];
	s2 =	stileid.u32  }
0x132: {  	s1 =	rddreg [dreg:$0x1];
	p0 =	sne.s32 s2, $0x0  }
0x133: {  	s3 =	rddreg [dreg:$0x2];
	[bflag:$0x3] =	sbarrier.arrive $0xFFFF;
	s2 =	simm.s32 @!p0 $0x1C03  }
0x134: {  	[timem:s3], [sflag:s2] =	dma.local @!p0 [hbm:s0], s1  }
0x135: {  	s0 =	simm.s32 @!p0 $0x3  }
0x136: {  	_ =	swait.ge @!p0 [sflag:s0], s1  }
0x137: {  	s1 =	ssub.s32 @!p0 $0x0, s1;
	[sflag:s0] =	ssyncset.done @!p0 $0x0  }
0x138: {  	[sflag:s0] =	ssyncadd.s32 @!p0 s1  }
0x139: {  	[bflag:$0x3] =	sbarrier.arrive $0xFFFF  }
0x13a: {  	_ =	shalt  }

// kernel: kernel.9.cloned.1.call-start
scs
__scs_entry_jumppad:
0x0: {  	(pc) =	sbr.rel $0x88, $3  }
0x1: {  	(tag) =	ssettag $0x0;
	lr =	simm.s32 $0x1  }
0x2: {  	[smem:$0x3F9B] =	sst lr;
	_ =	strace $0xD0000000  }
0x3: {  	_ = 	snop  }
0x4: {  	_ = 	snop  }
0x5: {  	_ = 	snop  }
0x6: {  	_ = 	snop  }
0x7: {  	_ = 	snop  }
__scs_overlays_trampoline_lowered:
0x8: {  	[smem:$0x3FAA] =	sst s0  }
0x9: {  	[smem:$0x3FAB] =	sst s1  }
0xa: {  	[smem:$0x3FAC] =	sst s2  }
0xb: {  	[smem:$0x3FAD] =	sst s3  }
0xc: {  	[smem:$0x3FAE] =	sst s4  }
0xd: {  	[smem:$0x3FAF] =	sst s5  }
0xe: {  	[smem:$0x3FB0] =	sst s6  }
0xf: {  	[smem:$0x3FB1] =	sst s7  }
0x10: {  	[smem:$0x3FB2] =	sst s8  }
0x11: {  	[smem:$0x3FB3] =	sst s9;
	s0 =	simm.s32 @!p0 $0x0  }
0x12: {  	s1 =	sld [smem:$0x3F99];
	s0 =	simm.s32 @p0 $0x1  }
0x13: {  	[smem:$0x3FB4] =	sst s0;
	s0 =	simm.s32 @!p1 $0x0  }
0x14: {  	s2 =	sld [smem:$0x3F98];
	s0 =	simm.s32 @p1 $0x1  }
0x15: {  	[smem:$0x3FB5] =	sst s0;
	s0 =	simm.s32 @!p2 $0x0  }
0x16: {  	s3 =	sld [smem:$0x3FDB];
	s0 =	simm.s32 @p2 $0x1  }
0x17: {  	s4 =	simm.s32 $0x1BF5;
	[smem:$0x3FB7] =	sst s0  }
0x18: {  	s0 =	sld [smem:$0x3F9A];
	_ =	swait.ge [sflag:s4], $0x0  }
0x19: {  	s7 =	sld [smem:$0x3F9B]  }
0x1a: {  	s8 =	sadd.s32 $0xFFFFE003, lr  }
0x1b: {  	s9 =	sadd.s32 $0xFFFFFEF7, lr;
	s5 =	simm.s32 $0xFFFFFFFF;
	p2 =	slt.u32 s8, $0xFFFFF086  }
0x1c: {  	p1 =	slt.u32 s9, $0xF7A;
	s5 =	simm.s32 @!p2 $0x0  }
0x1d: {  	s5 =	simm.s32 @p1 $0x1;
	p0 =	seq.s32 s7, s2  }
0x1e: {  	s7 =	smul.u32 @!p0 $0xF7A, s2;
	p2 =	seq.s32 @!p0 s5, $0x0  }
0x1f: {  	s9 =	smul.u32 $0xF7A, s1;
	s8 =	simm.s32 @!p0 $0x1BF5;
	p2 =	por !p2, p0  }
0x20: {  	[sflag:s8] =	ssyncset.s32 @!p0 $0xFFFFF086;
	s6 =	sadd.s32 @!p0 s3, s7;
	s7 =	simm.s32 @!p0 $0x108  }
0x21: {  	s3 =	sadd.s32 s3, s9;
	s6 =	sadd.s32 @!p0 $0x88, s6;
	s7 =	simm.s32 @p2 $0x1082  }
0x22: {  	[simem:s7], [sflag:s8] =	dma.local @!p0 [hbm:s6], $0xF7A  }
0x23: {  	s9 =	sor.u32 $0xD0000000, s2;
	s6 =	simm.s32 $0x108;
	_ =	swait.ge @!p0 [sflag:s8], $0x0  }
0x24: {  	s3 =	sadd.s32 $0x88, s3;
	s6 =	simm.s32 @!p1 $0x1082;
	[sflag:s4] =	ssyncset.s32 $0xFFFFF086  }
0x25: {  	[simem:s6], [sflag:s4] =	dma.local [hbm:s3], $0xF7A  }
0x26: {  	[smem:$0x3F9B] =	sst s1;
	(tag) =	ssettag s2;
	_ =	strace s9  }
0x27: {  	s1 =	sld [smem:$0x3FAB]  }
0x28: {  	s2 =	sld [smem:$0x3FAC]  }
0x29: {  	s4 =	sld [smem:$0x3FAE]  }
0x2a: {  	p0 =	seq.s32 s5, $0x0;
	s5 =	sld [smem:$0x3FAF]  }
0x2b: {  	s6 =	sld [smem:$0x3FB0]  }
0x2c: {  	s7 =	sld [smem:$0x3FB1]  }
0x2d: {  	s3 =	simm.s32 $0x108;
	s8 =	sld [smem:$0x3FB2]  }
0x2e: {  	s3 =	simm.s32 @!p0 $0x1082;
	s9 =	sld [smem:$0x3FB3]  }
0x2f: {  	lr =	sadd.s32 s0, s3;
	s0 =	sld [smem:$0x3FAA]  }
0x30: {  	s3 =	sld [smem:$0x3FAD]  }
0x31: {  	[smem:$0x3FB6] =	sst s10  }
0x32: {  	s10 =	sld [smem:$0x3FB4];
	_ =	sdelay $0x3  }
0x33: {  	p0 =	seq.s32 s10, $0x1;
	s10 =	sld [smem:$0x3FB6];
	_ =	sdelay $0x3  }
0x34: {  	[smem:$0x3FB6] =	sst s10  }
0x35: {  	s10 =	sld [smem:$0x3FB5];
	_ =	sdelay $0x3  }
0x36: {  	p1 =	seq.s32 s10, $0x1;
	s10 =	sld [smem:$0x3FB6];
	_ =	sdelay $0x3  }
0x37: {  	[smem:$0x3FB6] =	sst s10  }
0x38: {  	s10 =	sld [smem:$0x3FB7]  }
0x39: {  	_ = 	snop;
	(pc) =	sbr.ind lr, $3  }
0x3a: {  	_ = 	snop  }
0x3b: {  	_ = 	snop  }
0x3c: {  	p2 =	seq.s32 s10, $0x1;
	s10 =	sld [smem:$0x3FB6]  }
0x3d: {  	_ =	shalt  }
0x3e: {  	_ =	shalt  }
0x3f: {  	_ =	shalt  }
0x40: {  	_ =	shalt  }
0x41: {  	_ =	shalt  }
0x42: {  	_ =	shalt  }
0x43: {  	_ =	shalt  }
0x44: {  	_ =	shalt  }
0x45: {  	_ =	shalt  }
0x46: {  	_ =	shalt  }
0x47: {  	_ =	shalt  }
0x48: {  	_ =	shalt  }
0x49: {  	_ =	shalt  }
0x4a: {  	_ =	shalt  }
0x4b: {  	_ =	shalt  }
0x4c: {  	_ =	shalt  }
0x4d: {  	_ =	shalt  }
0x4e: {  	_ =	shalt  }
0x4f: {  	_ =	shalt  }
0x50: {  	_ =	shalt  }
0x51: {  	_ =	shalt  }
0x52: {  	_ =	shalt  }
0x53: {  	_ =	shalt  }
0x54: {  	_ =	shalt  }
0x55: {  	_ =	shalt  }
0x56: {  	_ =	shalt  }
0x57: {  	_ =	shalt  }
0x58: {  	_ =	shalt  }
0x59: {  	_ =	shalt  }
0x5a: {  	_ =	shalt  }
0x5b: {  	_ =	shalt  }
0x5c: {  	_ =	shalt  }
0x5d: {  	_ =	shalt  }
0x5e: {  	_ =	shalt  }
0x5f: {  	_ =	shalt  }
0x60: {  	_ =	shalt  }
0x61: {  	_ =	shalt  }
0x62: {  	_ =	shalt  }
0x63: {  	_ =	shalt  }
0x64: {  	_ =	shalt  }
0x65: {  	_ =	shalt  }
0x66: {  	_ =	shalt  }
0x67: {  	_ =	shalt  }
0x68: {  	_ =	shalt  }
0x69: {  	_ =	shalt  }
0x6a: {  	_ =	shalt  }
0x6b: {  	_ =	shalt  }
0x6c: {  	_ =	shalt  }
0x6d: {  	_ =	shalt  }
0x6e: {  	_ =	shalt  }
0x6f: {  	_ =	shalt  }
0x70: {  	_ =	shalt  }
0x71: {  	_ =	shalt  }
0x72: {  	_ =	shalt  }
0x73: {  	_ =	shalt  }
0x74: {  	_ =	shalt  }
0x75: {  	_ =	shalt  }
0x76: {  	_ =	shalt  }
0x77: {  	_ =	shalt  }
0x78: {  	_ =	shalt  }
0x79: {  	_ =	shalt  }
0x7a: {  	_ =	shalt  }
0x7b: {  	_ =	shalt  }
0x7c: {  	_ =	shalt  }
0x7d: {  	_ =	shalt  }
0x7e: {  	_ =	shalt  }
0x7f: {  	_ =	shalt  }
0x80: {  	_ =	shalt  }
0x81: {  	_ =	shalt  }
0x82: {  	_ =	shalt  }
0x83: {  	_ =	shalt  }
0x84: {  	_ =	shalt  }
0x85: {  	_ =	shalt  }
0x86: {  	_ =	shalt  }
0x87: {  	_ =	shalt  }
.Lfunc_end0:
.L_simem_size_0:
called_computation.1_lowered:
.L_overlay_start_0:
0x88: {  	s2 =	sld [smem:$0x3FD9]  }
0x89: {  	s3 =	sld [smem:$0x3FFE];
	_ =	sdelay $0x1  }
0x8a: {  	s1 =	srdreg.scid  }
0x8b: {  	s0 =	sand.u32 $0x1, s1  }
0x8c: {  	s17 =	sshll.u32 s0, $0xA;
	s2 =	sadd.s32 s3, s2  }
0x8d: {  	s2 =	sadd.s32 s2, s17  }
0x8e: {  	[smem:$0x3FC2] =	sst s2  }
0x8f: {  	_ = 	snop  }
0x90: {  	s2 =	sld [smem:$0x3FC6];
	(tm) =	ssettm $0x1  }
0x91: {  	s18 =	sld [smem:$0x3FFB];
	_ =	sdelay $0x3  }
0x92: {  	_ =	strace s18  }
0x93: {  	s3 =	sld [smem:$0x3FFC];
	_ =	sdelay $0x3  }
0x94: {  	_ =	strace s3  }
0x95: {  	s3 =	sld [smem:$0x3FFD];
	_ =	sdelay $0x3  }
0x96: {  	_ =	strace s3  }
0x97: {  	_ =	strace $0x8FFFFFFF  }
0x98: {  	s19 =	sld [smem:$0x3FDB];
	_ =	sdelay $0x1  }
0x99: {  	s4 =	simm.s32 $_scs_section_size  }
0x9a: {  	s5 =	simm.s32 $_size__tile_overlayer_lowered;
	s6 =	simm.s32 $_tile_overlayer_lowered  }
0x9b: {  	s22 =	simm.s32 $0x1BFF;
	s21 =	sshll.u32 s6, $0x1;
	s3 =	sadd.s32 s4, s19  }
0x9c: {  	s7 =	simm.s32 $0x0;
	s20 =	sshll.u32 s5, $0x1;
	s5 =	sadd.s32 s21, s3  }
0x9d: {  	[timem:s7], [sflag:s22] =	dma.local [hbm:s5], s20  }
0x9e: {  	_ =	swait.ge [sflag:s22], s20  }
0x9f: {  	s4 =	ssub.s32 $0x0, s20;
	[sflag:s22] =	ssyncset.done $0x0  }
0xa0: {  	[sflag:s22] =	ssyncadd.s32 s4;
	_ =	sdelay $0x1  }
0xa1: {  	s23 =	simm.s32 $0x1B8B  }
0xa2: {  	_ =	swait.ge [sflag:s23], $0x1  }
0xa3: {  	[sflag:s23] =	ssyncset.done $0x0  }
0xa4: {  	s25 =	simm.s32 $0x1B8E;
	s24 =	sld [smem:$0x3FFE];
	[sflag:s23] =	ssyncadd.s32 $0xFFFFFFFF  }
0xa5: {  	s26 =	simm.s32 $execute0_lowered;
	[smem:$0x3FD2] =	sst s25  }
0xa6: {  	s5 =	sshll.u32 s26, $0x1;
	_ =	strace $0x80000049;
	[dreg:$0x1] =	wrdreg $0xFFFFFFFF  }
0xa7: {  	s28 =	simm.s32 $_size_execute0_lowered;
	s3 =	sadd.s32 s3, s5;
	[dreg:$0x0] =	wrdreg $0x0  }
0xa8: {  	s5 =	sshll.u32 s28, $0x1;
	[dreg:$0x2] =	wrdreg s3  }
0xa9: {  	[dreg:$0x3] =	wrdreg s5  }
0xaa: {  	[dreg:$0x4] =	wrdreg $0xC0  }
0xab: {  	_ =	task [dreg:s7], $0x5FFFF  }
0xac: {  	[dreg:$0x1] =	wrdreg $0xFFFFFFFF  }
0xad: {  	[dreg:$0x0] =	wrdreg $0x60  }
0xae: {  	[dreg:$0x2] =	wrdreg s24  }
0xaf: {  	[dreg:$0x3] =	wrdreg s2  }
0xb0: {  	[dreg:$0x4] =	wrdreg $0x0  }
0xb1: {  	[dreg:$0x5] =	wrdreg $0x9  }
0xb2: {  	_ =	task.clear_ibuf [dreg:s7], $0x6FFFF;
	_ =	strace $0x90000049  }
0xb3: {  	s29 =	simm.s32 $0x9;
	_ =	strace $0x8000004B  }
0xb4: {  	_ =	swait.ge [sflag:s29], $0x1  }
0xb5: {  	[sflag:s29] =	ssyncadd.s32 $0xFFFFFFFF  }
0xb6: {  	_ =	strace $0x9000004B  }
0xb7: {  	_ =	sfence  }
0xb8: {  	s30 =	sld [smem:$0x0];
	_ =	sdelay $0x2  }
0xb9: {  	s31 =	sshll.u32 s1, $0xD;
	s1 =	sshrl.u32 s1, $0x2  }
0xba: {  	s3 =	sand.u32 $0x4000, s31;
	s1 =	sadd.s32 s1, s30  }
0xbb: {  	s0 =	sor.u32 s3, s0;
	s1 =	sshll.u32 s1, $0x11  }
0xbc: {  	s0 =	sor.u32 s1, s0  }
0xbd: {  	s0 =	sadd.s32 $0x8F2B, s0  }
0xbe: {  	[sflag:s0] =	ssyncadd.remote.s32 $0x1  }
0xbf: {  	_ =	sfence.sel $0xFFFF  }
0xc0: {  	[dreg:$0x0] =	wrdreg $0xFFFFFFFF;
	(pc) =	sbr.abs _section_cstart, $3  }
0xc1: {  	[dreg:$0x1] =	wrdreg $0xFFFFFFFF  }
0xc2: {  	_ =	task.clear_ibuf [dreg:s7], $0x2FFFF;
	_ =	strace $0x9FFFFFFF  }
0xc3: {  	(tm) =	ssettm $0x7FFFFFFF  }
tec
execute0_lowered:
.L_overlay_start_1:
0x0: {  	(tag) =	ssettag $0x1  }
0x1: {  	s0 =	rddreg [dreg:$0x0]  }
0x2: {  	s1 =	rddreg [dreg:$0x1]  }
0x3: {  	s2 =	rddreg [dreg:$0x2];
	s3 =	simm.s32 $0x0  }
0x4: {  	s7 =	srdreg.scid;
	s4 =	stileid.u32;
	s28 =	simm.s32 $0x1C6D0  }
0x5: {  	s29 =	simm.s32 $0x1D350;
	s30 =	simm.s32 $0x0;
	[smem:$0x7FF] =	sst s3  }
0x6: {  	s5 =	sadd.s32 $0x97600, s0;
	s6 =	sadd.s32 $0x1A000, s0;
	s8 =	sand.u32 $0x1, s7  }
0x7: {  	s7 =	sadd.s32 $0x1800, s0;
	s12 =	smul.u32 $0x61B00, s4;
	s9 =	sadd.s32 $0x94400, s0  }
0x8: {  	s10 =	sadd.s32 $0xF9200, s0;
	s21 =	sshll.u32 s4, $0x6;
	s26 =	ssub.s32 $0x203, s4  }
0x9: {  	_ =	strace $0x8000004A;
	[dreg:$0x4] =	wrdreg s9;
	s9 =	smul.u32 $0xC350, s4  }
0xa: {  	s11 =	ssub.s32 $0x2, s8;
	s14 =	smul.u32 $0xFFFF9E58, s8;
	s15 =	sshrl.u32 s26, $0x4  }
0xb: {  	s20 =	sshrl.u32 s12, $0x2;
	s12 =	sor.u32 $0x1C03, s21;
	s22 =	sshrl.u32 s9, $0x3  }
0xc: {  	v1 =	vimm.s32 $0x0;
	v2 =	vimm.s32 $0x1;
	s16 =	smul.u32 $0x61A8, s8;
	[dreg:$0x5] =	wrdreg s12;
	s23 =	sadd.s32 s6, s22  }
0xd: {  	v3 =	vimm.s32 $0x2;
	v4 =	vimm.s32 $0x3;
	v5 =	vimm.s32 $0x4;
	s13 =	sshrl.u32 s11, $0x1;
	s24 =	sadd.s32 s7, s22;
	[dreg:$0x6] =	wrdreg s23  }
0xe: {  	v6 =	vimm.s32 $0x5;
	v7 =	vimm.s32 $0x6;
	v8 =	vimm.s32 $0x7;
	s19 =	ssub.s32 s11, s13;
	s25 =	sadd.s32 s1, s22;
	[dreg:$0x7] =	wrdreg s24  }
0xf: {  	v9 =	vimm.s32 $0x8;
	v10 =	vimm.s32 $0x9;
	v11 =	vimm.s32 $0xA;
	s11 =	sadd.s32 s20, s2;
	s0 =	smax.u32 s19, $0x1;
	[dreg:$0x8] =	wrdreg s25  }
0x10: {  	v12 =	vimm.s32 $0xB;
	v13 =	vimm.s32 $0xC;
	v14 =	vimm.s32 $0xD;
	s31 =	sshrl.u32 s11, $0x3;
	s19 =	simm.s32 $0x3;
	[dreg:$0x9] =	wrdreg s0  }
0x11: {  	v15 =	vimm.s32 $0xE;
	v16 =	vimm.s32 $0xF;
	v0 =	vmov s14;
	[dreg:$0xa] =	wrdreg s31;
	s23 =	simm.s32 $0x50;
	s25 =	simm.s32 $0x1  }
.LBB2_1:
0x12: {  	s0 =	rddreg [dreg:$0x4]  }
0x13: {  	s8 =	rddreg [dreg:$0x5]  }
0x14: {  	s11 =	rddreg [dreg:$0xa]  }
0x15: {  	[spmem:s11], [sflag:s8] =	dma.local [hbm:s0], $0x30D8  }
0x16: {  	_ =	swait.ge [sflag:s19], $0x30D8  }
0x17: {  	[sflag:s19] =	ssyncset.done $0x0  }
0x18: {  	[sflag:s19] =	ssyncadd.s32 $0xFFFFCF28  }
0x19: {  	[bflag:$0x0] =	sbarrier.arrive $0xFFFF  }
0x1a: {  	s18 =	simm.s32 $0x186C0;
	s17 =	rddreg [dreg:$0x6]  }
0x1b: {  	[tilespmem:s18], [sflag:$0x3] =	stream.linear.gather [hbm4b:s17+s3], $0x7D0, $0x38;
	[tilespmem:$0x1DFD0] =	vst v63  }
0x1c: {  	_ =	swait.ge [sflag:s19], $0x7D0  }
0x1d: {  	[sflag:s19] =	ssyncset.done $0x0  }
0x1e: {  	s21 =	simm.s32 $0x18E90;
	s20 =	rddreg [dreg:$0x7];
	[sflag:s19] =	ssyncadd.s32 $0xFFFFF830  }
0x1f: {  	[tilespmem:s21], [sflag:$0x3] =	stream.linear.gather [hbm4b:s20+s3], $0x7D0, $0x38;
	[tilespmem:$0x1DFD0] =	vst v63  }
0x20: {  	_ =	swait.ge [sflag:s19], $0x7D0  }
0x21: {  	[sflag:s19] =	ssyncset.done $0x0  }
0x22: {  	s24 =	simm.s32 $0x19660;
	s22 =	rddreg [dreg:$0x8];
	[sflag:s19] =	ssyncadd.s32 $0xFFFFF830  }
0x23: {  	[tilespmem:s24], [sflag:$0x3] =	stream.linear.gather [hbm4b:s22+s3], $0x7D0, $0x38;
	[tilespmem:$0x1DFD0] =	vst v63  }
0x24: {  	s26 =	simm.s32 $0x19ED0;
	_ =	swait.ge [sflag:s19], $0x7D0  }
0x25: {  	p0 =	por $0x0, $0x0;
	s31 =	simm.s32 $0x0;
	[sflag:s19] =	ssyncset.done $0x0  }
0x26: {  	s0 =	simm.s32 $0x0;
	s21 =	simm.s32 $0x0;
	[sflag:s19] =	ssyncadd.s32 $0xFFFFF830  }
0x27: {  	[tilespmem:s26], [sflag:$0x1] =	stream.indirect.gather [hbm4b:s5+s23], $0x40, s18, s23, $0xb8;
	[tilespmem:$0x1DFD0] =	vst v63  }
.LBB2_2:
0x28: {  	s22 =	sadd.s32 $0x1, s21  }
0x29: {  	s8 =	smul.u32 $0x47AF, s22;
	_ =	sdelay $0x1  }
0x2a: {  	s8 =	sshrl.u32 s8, $0x10  }
0x2b: {  	s11 =	ssub.s32 s22, s8  }
0x2c: {  	s11 =	sand.u32 $0xFFFE, s11  }
0x2d: {  	s11 =	sshrl.u32 s11, $0x1  }
0x2e: {  	s8 =	sadd.s32 s8, s11  }
0x2f: {  	s8 =	sand.u32 $0xFFF0, s8  }
0x30: {  	s8 =	sshrl.u32 s8, $0x4  }
0x31: {  	s8 =	smul.u32 $0x19, s8  }
0x32: {  	_ =	swait.ge [sflag:s25], $0x1400  }
0x33: {  	p1 =	seq.s32 s21, $0x0;
	[sflag:s25] =	ssyncset.done $0x0;
	s8 =	ssub.s32 s22, s8  }
0x34: {  	s12 =	simm.s32 @!p1 $0x2;
	[sflag:s25] =	ssyncadd.s32 $0xFFFFEC00;
	s11 =	sand.u32 @!p1 $0xFFFF, s8  }
0x35: {  	_ =	swait.ge @!p1 [sflag:s12], $0x1400;
	p2 =	seq.s32 @!p1 s11, $0x0  }
0x36: {  	s18 =	sand.u32 $0x1, s21;
	[sflag:s12] =	ssyncset.done @!p1 $0x0;
	p2 =	por p1, !p2  }
0x37: {  	s24 =	sxor.u32 $0x1, s18;
	[sflag:s12] =	ssyncadd.s32 @!p1 $0xFFFFEC00;
	s12 =	smul.u32 @p2 $0x140, s8  }
0x38: {  	s13 =	smul.u32 @p2 $0x5000, s24  }
0x39: {  	s12 =	sand.u32 @p2 $0xFFC0, s12  }
0x3a: {  	s13 =	sshrl.u32 @p2 s13, $0x2;
	s12 =	sshrl.u32 @p2 s12, $0x2  }
0x3b: {  	s20 =	sand.u32 $0xFFFF, s31;
	s13 =	sadd.s32 @p2 $0x19ED0, s13;
	s12 =	sadd.s32 @p2 $0x186C0, s12  }
0x3c: {  	[tilespmem:s13], [sflag:$0x1] =	stream.indirect.gather @p2 [hbm4b:s5+s23], $0x40, s12, s23, $0xb8;
	[tilespmem:$0x1DFD0] =	vst v63  }
0x3d: {  	s12 =	smul.u32 $0x47AF, s20;
	_ =	sdelay $0x1  }
0x3e: {  	s12 =	sshrl.u32 s12, $0x10  }
0x3f: {  	s26 =	ssub.s32 s31, s12  }
0x40: {  	s13 =	sand.u32 $0xFFFE, s26  }
0x41: {  	s13 =	sshrl.u32 s13, $0x1  }
0x42: {  	s12 =	sadd.s32 s12, s13  }
0x43: {  	s12 =	sshrl.u32 s12, $0x4  }
0x44: {  	s13 =	simm.s32 $0x1;
	s12 =	smul.u32 $0x7D0, s12  }
0x45: {  	s11 =	smul.u32 $0x5000, s18;
	s13 =	simm.s32 @!p0 $0x0  }
0x46: {  	s14 =	smul.u32 $0x140, s13;
	s12 =	ssub.s32 s0, s12  }
0x47: {  	s13 =	smul.u32 $0x5000, s13;
	s12 =	sand.u32 $0xFFFF, s12  }
0x48: {  	s20 =	smul.u32 $0x140, s18;
	s18 =	sadd.s32 $0x18E90, s12  }
0x49: {  	s14 =	sshrl.u32 s14, $0x2;
	s13 =	sshrl.u32 s13, $0x2;
	v17 =	vmov s18  }
0x4a: {  	s26 =	sadd.s32 $0x19E30, s14;
	s13 =	sor.u32 $0x1A0D0, s13  }
0x4b: {  	s14 =	sshrl.u32 s20, $0x2;
	s20 =	sshrl.u32 s11, $0x2;
	s17 =	sadd.s32 $0x19660, s12  }
0x4c: {  	s11 =	sadd.s32 $0x19E30, s14;
	s12 =	sadd.s32 $0x19ED0, s20;
	s14 =	simm.s32 $0x0;
	v18 =	vmov s26;
	v19 =	vmov s17  }
.LBB2_3:
0x4d: {  	s17 =	sshra.s32 s14, $0x2  }
0x4e: {  	v20 =	vld.idx.msk [tilespmem:v17+s17+$0x0 ss:$0x1], $0xffff;
	_ =	sdelay $0x4  }
0x4f: {  	v20 =	vadd.s32 v0, v20  }
0x50: {  	v20 =	vmin.u32 v20, $0x61A8  }
0x51: {  	[tilespmem:v18+s17+$0x0 ss:$0x1] =	vst.idx.msk $0xffff, v20  }
0x52: {  	v20 =	vld.idx.msk [tilespmem:v19+s17+$0x0 ss:$0x1], $0xffff;
	_ =	sdelay $0x1  }
0x53: {  	v21 =	vld [tilespmem:s13+$0xFFFFFE00];
	_ =	sdelay $0x1  }
0x54: {  	v27 =	vld [tilespmem:s13+$0xFFFFFE10]  }
0x55: {  	v22 =	vperm.xlane v20, v1  }
0x56: {  	v28 =	vld [tilespmem:s13+$0xFFFFFE20]  }
0x57: {  	v21 =	vmul.f32 v21, v22  }
0x58: {  	v29 =	vld [tilespmem:s13+$0xFFFFFE30]  }
0x59: {  	[tilespmem:s13+$0xFFFFFE00] =	vst v21;
	v21 =	vmul.f32 v27, v22  }
0x5a: {  	v30 =	vld [tilespmem:s13+$0xFFFFFE40]  }
0x5b: {  	[tilespmem:s13+$0xFFFFFE10] =	vst v21;
	v21 =	vmul.f32 v28, v22  }
0x5c: {  	v32 =	vld [tilespmem:s13+$0xFFFFFE50]  }
0x5d: {  	v31 =	vperm.xlane v20, v2;
	[tilespmem:s13+$0xFFFFFE20] =	vst v21;
	v21 =	vmul.f32 v29, v22  }
0x5e: {  	v33 =	vld [tilespmem:s13+$0xFFFFFE60]  }
0x5f: {  	[tilespmem:s13+$0xFFFFFE30] =	vst v21;
	v21 =	vmul.f32 v30, v31  }
0x60: {  	v34 =	vld [tilespmem:s13+$0xFFFFFE70]  }
0x61: {  	[tilespmem:s13+$0xFFFFFE40] =	vst v21;
	v21 =	vmul.f32 v32, v31  }
0x62: {  	v35 =	vld [tilespmem:s13+$0xFFFFFE80]  }
0x63: {  	[tilespmem:s13+$0xFFFFFE50] =	vst v21;
	v21 =	vmul.f32 v33, v31  }
0x64: {  	v37 =	vld [tilespmem:s13+$0xFFFFFE90]  }
0x65: {  	v36 =	vperm.xlane v20, v3;
	[tilespmem:s13+$0xFFFFFE60] =	vst v21;
	v21 =	vmul.f32 v34, v31  }
0x66: {  	v38 =	vld [tilespmem:s13+$0xFFFFFEA0]  }
0x67: {  	[tilespmem:s13+$0xFFFFFE70] =	vst v21;
	v21 =	vmul.f32 v35, v36  }
0x68: {  	v39 =	vld [tilespmem:s13+$0xFFFFFEB0]  }
0x69: {  	[tilespmem:s13+$0xFFFFFE80] =	vst v21;
	v21 =	vmul.f32 v37, v36  }
0x6a: {  	v40 =	vld [tilespmem:s13+$0xFFFFFEC0]  }
0x6b: {  	[tilespmem:s13+$0xFFFFFE90] =	vst v21;
	v21 =	vmul.f32 v38, v36  }
0x6c: {  	v42 =	vld [tilespmem:s13+$0xFFFFFED0]  }
0x6d: {  	v41 =	vperm.xlane v20, v4;
	[tilespmem:s13+$0xFFFFFEA0] =	vst v21;
	v21 =	vmul.f32 v39, v36  }
0x6e: {  	v43 =	vld [tilespmem:s13+$0xFFFFFEE0]  }
0x6f: {  	[tilespmem:s13+$0xFFFFFEB0] =	vst v21;
	v21 =	vmul.f32 v40, v41  }
0x70: {  	v44 =	vld [tilespmem:s13+$0xFFFFFEF0]  }
0x71: {  	[tilespmem:s13+$0xFFFFFEC0] =	vst v21;
	v21 =	vmul.f32 v42, v41  }
0x72: {  	v45 =	vld [tilespmem:s13+$0xFFFFFF00]  }
0x73: {  	[tilespmem:s13+$0xFFFFFED0] =	vst v21;
	v21 =	vmul.f32 v43, v41  }
0x74: {  	v47 =	vld [tilespmem:s13+$0xFFFFFF10]  }
0x75: {  	v46 =	vperm.xlane v20, v5;
	[tilespmem:s13+$0xFFFFFEE0] =	vst v21;
	v21 =	vmul.f32 v44, v41  }
0x76: {  	v48 =	vld [tilespmem:s13+$0xFFFFFF20]  }
0x77: {  	[tilespmem:s13+$0xFFFFFEF0] =	vst v21;
	v21 =	vmul.f32 v45, v46  }
0x78: {  	v49 =	vld [tilespmem:s13+$0xFFFFFF30]  }
0x79: {  	[tilespmem:s13+$0xFFFFFF00] =	vst v21;
	v21 =	vmul.f32 v47, v46  }
0x7a: {  	v50 =	vld [tilespmem:s13+$0xFFFFFF40]  }
0x7b: {  	[tilespmem:s13+$0xFFFFFF10] =	vst v21;
	v21 =	vmul.f32 v48, v46  }
0x7c: {  	v52 =	vld [tilespmem:s13+$0xFFFFFF50]  }
0x7d: {  	v51 =	vperm.xlane v20, v6;
	[tilespmem:s13+$0xFFFFFF20] =	vst v21;
	v21 =	vmul.f32 v49, v46  }
0x7e: {  	v53 =	vld [tilespmem:s13+$0xFFFFFF60]  }
0x7f: {  	[tilespmem:s13+$0xFFFFFF30] =	vst v21;
	v21 =	vmul.f32 v50, v51  }
0x80: {  	v54 =	vld [tilespmem:s13+$0xFFFFFF70]  }
0x81: {  	[tilespmem:s13+$0xFFFFFF40] =	vst v21;
	v21 =	vmul.f32 v52, v51  }
0x82: {  	v55 =	vld [tilespmem:s13+$0xFFFFFF80]  }
0x83: {  	[tilespmem:s13+$0xFFFFFF50] =	vst v21;
	v21 =	vmul.f32 v53, v51  }
0x84: {  	v57 =	vld [tilespmem:s13+$0xFFFFFF90]  }
0x85: {  	v56 =	vperm.xlane v20, v7;
	[tilespmem:s13+$0xFFFFFF60] =	vst v21;
	v21 =	vmul.f32 v54, v51  }
0x86: {  	v58 =	vld [tilespmem:s13+$0xFFFFFFA0]  }
0x87: {  	[tilespmem:s13+$0xFFFFFF70] =	vst v21;
	v21 =	vmul.f32 v55, v56  }
0x88: {  	v59 =	vld [tilespmem:s13+$0xFFFFFFB0]  }
0x89: {  	[tilespmem:s13+$0xFFFFFF80] =	vst v21;
	v21 =	vmul.f32 v57, v56  }
0x8a: {  	v60 =	vld [tilespmem:s13+$0xFFFFFFC0]  }
0x8b: {  	[tilespmem:s13+$0xFFFFFF90] =	vst v21;
	v21 =	vmul.f32 v58, v56  }
0x8c: {  	v62 =	vld [tilespmem:s13+$0xFFFFFFD0]  }
0x8d: {  	v61 =	vperm.xlane v20, v8;
	[tilespmem:s13+$0xFFFFFFA0] =	vst v21;
	v21 =	vmul.f32 v59, v56  }
0x8e: {  	v63 =	vld [tilespmem:s13+$0xFFFFFFE0]  }
0x8f: {  	[tilespmem:s13+$0xFFFFFFB0] =	vst v21;
	v21 =	vmul.f32 v60, v61  }
0x90: {  	v24 =	vld [tilespmem:s13+$0xFFFFFFF0]  }
0x91: {  	[tilespmem:s13+$0xFFFFFFC0] =	vst v21;
	v21 =	vmul.f32 v62, v61  }
0x92: {  	v25 =	vld [tilespmem:s13+$0x0]  }
0x93: {  	[tilespmem:s13+$0xFFFFFFD0] =	vst v21;
	v21 =	vmul.f32 v63, v61  }
0x94: {  	v27 =	vld [tilespmem:s13+$0x10]  }
0x95: {  	v26 =	vperm.xlane v20, v9;
	[tilespmem:s13+$0xFFFFFFE0] =	vst v21;
	v21 =	vmul.f32 v24, v61  }
0x96: {  	v28 =	vld [tilespmem:s13+$0x20]  }
0x97: {  	[tilespmem:s13+$0xFFFFFFF0] =	vst v21;
	v21 =	vmul.f32 v25, v26  }
0x98: {  	v29 =	vld [tilespmem:s13+$0x30]  }
0x99: {  	[tilespmem:s13+$0x0] =	vst v21;
	v21 =	vmul.f32 v27, v26  }
0x9a: {  	v30 =	vld [tilespmem:s13+$0x40]  }
0x9b: {  	[tilespmem:s13+$0x10] =	vst v21;
	v21 =	vmul.f32 v28, v26  }
0x9c: {  	v32 =	vld [tilespmem:s13+$0x50]  }
0x9d: {  	v31 =	vperm.xlane v20, v10;
	[tilespmem:s13+$0x20] =	vst v21;
	v21 =	vmul.f32 v29, v26  }
0x9e: {  	v33 =	vld [tilespmem:s13+$0x60]  }
0x9f: {  	[tilespmem:s13+$0x30] =	vst v21;
	v21 =	vmul.f32 v30, v31  }
0xa0: {  	v34 =	vld [tilespmem:s13+$0x70]  }
0xa1: {  	[tilespmem:s13+$0x40] =	vst v21;
	v21 =	vmul.f32 v32, v31  }
0xa2: {  	v35 =	vld [tilespmem:s13+$0x80]  }
0xa3: {  	[tilespmem:s13+$0x50] =	vst v21;
	v21 =	vmul.f32 v33, v31  }
0xa4: {  	v37 =	vld [tilespmem:s13+$0x90]  }
0xa5: {  	v36 =	vperm.xlane v20, v11;
	[tilespmem:s13+$0x60] =	vst v21;
	v21 =	vmul.f32 v34, v31  }
0xa6: {  	v38 =	vld [tilespmem:s13+$0xA0]  }
0xa7: {  	[tilespmem:s13+$0x70] =	vst v21;
	v21 =	vmul.f32 v35, v36  }
0xa8: {  	v39 =	vld [tilespmem:s13+$0xB0]  }
0xa9: {  	[tilespmem:s13+$0x80] =	vst v21;
	v21 =	vmul.f32 v37, v36  }
0xaa: {  	v40 =	vld [tilespmem:s13+$0xC0]  }
0xab: {  	[tilespmem:s13+$0x90] =	vst v21;
	v21 =	vmul.f32 v38, v36  }
0xac: {  	v42 =	vld [tilespmem:s13+$0xD0]  }
0xad: {  	v41 =	vperm.xlane v20, v12;
	[tilespmem:s13+$0xA0] =	vst v21;
	v21 =	vmul.f32 v39, v36  }
0xae: {  	v43 =	vld [tilespmem:s13+$0xE0]  }
0xaf: {  	[tilespmem:s13+$0xB0] =	vst v21;
	v21 =	vmul.f32 v40, v41  }
0xb0: {  	v44 =	vld [tilespmem:s13+$0xF0]  }
0xb1: {  	[tilespmem:s13+$0xC0] =	vst v21;
	v21 =	vmul.f32 v42, v41  }
0xb2: {  	v45 =	vld [tilespmem:s13+$0x100]  }
0xb3: {  	[tilespmem:s13+$0xD0] =	vst v21;
	v21 =	vmul.f32 v43, v41  }
0xb4: {  	v47 =	vld [tilespmem:s13+$0x110]  }
0xb5: {  	v46 =	vperm.xlane v20, v13;
	[tilespmem:s13+$0xE0] =	vst v21;
	v21 =	vmul.f32 v44, v41  }
0xb6: {  	v48 =	vld [tilespmem:s13+$0x120]  }
0xb7: {  	[tilespmem:s13+$0xF0] =	vst v21;
	v21 =	vmul.f32 v45, v46  }
0xb8: {  	v49 =	vld [tilespmem:s13+$0x130]  }
0xb9: {  	[tilespmem:s13+$0x100] =	vst v21;
	v21 =	vmul.f32 v47, v46  }
0xba: {  	v50 =	vld [tilespmem:s13+$0x140]  }
0xbb: {  	[tilespmem:s13+$0x110] =	vst v21;
	v21 =	vmul.f32 v48, v46  }
0xbc: {  	v52 =	vld [tilespmem:s13+$0x150]  }
0xbd: {  	v51 =	vperm.xlane v20, v14;
	[tilespmem:s13+$0x120] =	vst v21;
	v21 =	vmul.f32 v49, v46  }
0xbe: {  	v53 =	vld [tilespmem:s13+$0x160]  }
0xbf: {  	[tilespmem:s13+$0x130] =	vst v21;
	v21 =	vmul.f32 v50, v51  }
0xc0: {  	v54 =	vld [tilespmem:s13+$0x170]  }
0xc1: {  	[tilespmem:s13+$0x140] =	vst v21;
	v21 =	vmul.f32 v52, v51  }
0xc2: {  	v55 =	vld [tilespmem:s13+$0x180]  }
0xc3: {  	[tilespmem:s13+$0x150] =	vst v21;
	v21 =	vmul.f32 v53, v51  }
0xc4: {  	v57 =	vld [tilespmem:s13+$0x190]  }
0xc5: {  	v56 =	vperm.xlane v20, v15;
	[tilespmem:s13+$0x160] =	vst v21;
	v21 =	vmul.f32 v54, v51  }
0xc6: {  	v58 =	vld [tilespmem:s13+$0x1A0]  }
0xc7: {  	[tilespmem:s13+$0x170] =	vst v21;
	v21 =	vmul.f32 v55, v56  }
0xc8: {  	v59 =	vld [tilespmem:s13+$0x1B0]  }
0xc9: {  	[tilespmem:s13+$0x180] =	vst v21;
	v21 =	vmul.f32 v57, v56  }
0xca: {  	v60 =	vld [tilespmem:s13+$0x1C0]  }
0xcb: {  	[tilespmem:s13+$0x190] =	vst v21;
	v21 =	vmul.f32 v58, v56  }
0xcc: {  	v61 =	vld [tilespmem:s13+$0x1D0]  }
0xcd: {  	v20 =	vperm.xlane v20, v16;
	[tilespmem:s13+$0x1A0] =	vst v21;
	v21 =	vmul.f32 v59, v56  }
0xce: {  	v62 =	vld [tilespmem:s13+$0x1E0]  }
0xcf: {  	v63 =	vld [tilespmem:s13+$0x1F0];
	[tilespmem:s13+$0x1B0] =	vst v21;
	v21 =	vmul.f32 v60, v20;
	_ =	sdelay $0x1  }
0xd0: {  	p1 =	sne.s32 s14, $0x100;
	[tilespmem:s13+$0x1C0] =	vst v21;
	v21 =	vmul.f32 v61, v20  }
.Ltmp0:
0xd1: {  	_ = 	snop;
	(pc) =	sbr.rel @p1 .LBB2_3-.Ltmp0, $4  }
0xd2: {  	[tilespmem:s13+$0x1D0] =	vst v21;
	v21 =	vmul.f32 v62, v20  }
0xd3: {  	v20 =	vmul.f32 v63, v20  }
0xd4: {  	[tilespmem:s13+$0x1E0] =	vst v21  }
0xd5: {  	s14 =	sadd.s32 $0x40, s14;
	[tilespmem:s13+$0x1F0] =	vst v20;
	s13 =	sadd.s32 $0x400, s13  }
0xd6: {  	p1 =	seq.s32 s21, $0x270  }
0xd7: {  	s8 =	sand.u32 @!p1 $0xFFFF, s8  }
0xd8: {  	p2 =	sne.s32 @!p1 s8, $0x0  }
0xd9: {  	p1 =	por p2, p1  }
0xda: {  	s8 =	smulhi.u32 @!p1 $0x51EB851F, s22;
	_ =	sdelay $0x1  }
0xdb: {  	s8 =	sshrl.u32 @!p1 s8, $0x3  }
0xdc: {  	s8 =	smul.u32 @!p1 $0x7D0, s8;
	_ =	sdelay $0x1  }
0xdd: {  	s8 =	sadd.s32 @!p1 s9, s8  }
0xde: {  	s8 =	sshrl.u32 @!p1 s8, $0x3  }
0xdf: {  	s14 =	simm.s32 @!p1 $0x0;
	s17 =	simm.s32 @!p1 $0x186C0;
	s13 =	sadd.s32 @!p1 s6, s8  }
0xe0: {  	[tilespmem:s17], [sflag:$0x3] =	stream.linear.gather @!p1 [hbm4b:s13+s14], $0x7D0, $0x38;
	[tilespmem:$0x1DFD0] =	vst v63  }
0xe1: {  	s13 =	simm.s32 @!p1 $0x3  }
0xe2: {  	_ =	swait.ge @!p1 [sflag:s13], $0x7D0  }
0xe3: {  	[sflag:s13] =	ssyncset.done @!p1 $0x0  }
0xe4: {  	s20 =	simm.s32 @!p1 $0x18E90;
	s18 =	sadd.s32 @!p1 s7, s8;
	[sflag:s13] =	ssyncadd.s32 @!p1 $0xFFFFF830  }
0xe5: {  	[tilespmem:s20], [sflag:$0x3] =	stream.linear.gather @!p1 [hbm4b:s18+s14], $0x7D0, $0x38;
	[tilespmem:$0x1DFD0] =	vst v63  }
0xe6: {  	_ =	swait.ge @!p1 [sflag:s13], $0x7D0  }
0xe7: {  	[sflag:s13] =	ssyncset.done @!p1 $0x0  }
0xe8: {  	s8 =	sadd.s32 @!p1 s1, s8;
	s18 =	simm.s32 @!p1 $0x19660;
	[sflag:s13] =	ssyncadd.s32 @!p1 $0xFFFFF830  }
0xe9: {  	[tilespmem:s18], [sflag:$0x3] =	stream.linear.gather @!p1 [hbm4b:s8+s14], $0x7D0, $0x38;
	[tilespmem:$0x1DFD0] =	vst v63  }
0xea: {  	s8 =	smul.u32 @!p1 $0x5000, s24  }
0xeb: {  	_ =	swait.ge @!p1 [sflag:s13], $0x7D0  }
0xec: {  	[sflag:s13] =	ssyncset.done @!p1 $0x0;
	s8 =	sshrl.u32 @!p1 s8, $0x2  }
0xed: {  	[sflag:s13] =	ssyncadd.s32 @!p1 $0xFFFFF830;
	s8 =	sadd.s32 @!p1 $0x19ED0, s8;
	s13 =	simm.s32 @!p1 $0x50  }
0xee: {  	[tilespmem:s8], [sflag:$0x1] =	stream.indirect.gather @!p1 [hbm4b:s5+s13], $0x40, s17, s13, $0xb8;
	[tilespmem:$0x1DFD0] =	vst v63  }
0xef: {  	p1 =	sne.s32 s22, $0x271  }
.Ltmp1:
0xf0: {  	_ = 	snop;
	(pc) =	sbr.rel @p1 .LBB2_2-.Ltmp1, $4  }
0xf1: {  	_ = 	snop  }
0xf2: {  	s0 =	sadd.s32 $0x50, s0  }
0xf3: {  	s31 =	sadd.s32 $0x1, s31;
	p0 =	por !p0, !p0;
	s21 =	smov.u32 s22  }
0xf4: {  	[spmem:s2] =	stream.indirect.scatter.add.f32 [tilespmem:s12], [sflag:$0x2], $0x40, s11, s23, $0xb8;
	[tilespmem:$0x1DFD0] =	vst v63  }
0xf5: {  	s0 =	simm.s32 $0x2  }
0xf6: {  	_ =	swait.ge [sflag:s0], $0x1400  }
0xf7: {  	[sflag:s0] =	ssyncset.done $0x0  }
0xf8: {  	[sflag:s0] =	ssyncadd.s32 $0xFFFFEC00  }
0xf9: {  	s8 =	simm.s32 $0x0;
	s0 =	simm.s32 $0x0;
	[bflag:$0x0] =	sbarrier.arrive $0xFFFF  }
.LBB2_6:
0xfa: {  	s11 =	sshll.u32 s8, $0x4  }
0xfb: {  	s12 =	sor.u32 s4, s11  }
0xfc: {  	s11 =	smul.u32 $0x32, s12;
	_ =	sdelay $0x1  }
0xfd: {  	s11 =	sadd.s32 s16, s11  }
0xfe: {  	s11 =	sshll.u32 s11, $0x3  }
0xff: {  	s12 =	smul.u32 $0x3200, s12;
	s13 =	sadd.s32 s5, s11  }
0x100: {  	[tilespmem:s28], [sflag:$0x3] =	stream.linear.gather [hbm4b:s13+s0], $0xC80, $0x38;
	[tilespmem:$0x1DFD0] =	vst v63  }
0x101: {  	_ =	swait.ge [sflag:s19], $0xC80  }
0x102: {  	s12 =	sshra.s32 s12, $0x2;
	[sflag:s19] =	ssyncset.done $0x0  }
0x103: {  	s12 =	sadd.s32 s12, s2;
	[sflag:s19] =	ssyncadd.s32 $0xFFFFF380  }
0x104: {  	[tilespmem:s29], [sflag:$0x3] =	stream.linear.gather [spmem:s12], $0xC80, $0x38;
	[tilespmem:$0x1DFD0] =	vst v63  }
0x105: {  	_ =	swait.ge [sflag:s19], $0xC80  }
0x106: {  	[sflag:s19] =	ssyncset.done $0x0  }
0x107: {  	s12 =	simm.s32 $0x0;
	[sflag:s19] =	ssyncadd.s32 $0xFFFFF380  }
0x108: {  	v20 =	vld [tilespmem:s12+$0x1C6D0]  }
0x109: {  	v19 =	vld [tilespmem:s12+$0x1C6E0]  }
0x10a: {  	v18 =	vld [tilespmem:s12+$0x1C6F0]  }
0x10b: {  	v17 =	vld [tilespmem:s12+$0x1C700]  }
0x10c: {  	v23 =	vld [tilespmem:s12+$0x1D350]  }
0x10d: {  	v22 =	vld [tilespmem:s12+$0x1D360]  }
0x10e: {  	s13 =	simm.s32 $0x100;
	v21 =	vld [tilespmem:s12+$0x1D370]  }
.LBB2_7:
0x10f: {  	p0 =	sne.s32 s13, $0x3100;
	v24 =	vld [tilespmem:s12+$0x1D380];
	_ =	sdelay $0x1  }
0x110: {  	s14 =	sshra.s32 s13, $0x2;
	v25 =	vmul.f32 $2.000000030e-01, v20;
	v23 =	vmul.f32 $8.000000110e-01, v23  }
0x111: {  	v26 =	vmul.f32 $2.000000030e-01, v19;
	v20 =	vld [tilespmem:s14+$0x1C6D0];
	v22 =	vmul.f32 $8.000000110e-01, v22  }
0x112: {  	v19 =	vld [tilespmem:s14+$0x1C6E0];
	v23 =	vadd.f32 v23, v25;
	v25 =	vmul.f32 $2.000000030e-01, v18;
	v21 =	vmul.f32 $8.000000110e-01, v21  }
.Ltmp2:
0x113: {  	v18 =	vld [tilespmem:s14+$0x1C6F0];
	v22 =	vadd.f32 v22, v26;
	v26 =	vmul.f32 $2.000000030e-01, v17;
	v24 =	vmul.f32 $8.000000110e-01, v24;
	(pc) =	sbr.rel @p0 .LBB2_7-.Ltmp2, $4  }
0x114: {  	v17 =	vld [tilespmem:s14+$0x1C700];
	[tilespmem:s12+$0x1D350] =	vst v23;
	v21 =	vadd.f32 v21, v25  }
0x115: {  	v23 =	vld [tilespmem:s14+$0x1D350];
	[tilespmem:s12+$0x1D360] =	vst v22;
	v24 =	vadd.f32 v24, v26  }
0x116: {  	v22 =	vld [tilespmem:s14+$0x1D360];
	[tilespmem:s12+$0x1D370] =	vst v21  }
0x117: {  	s13 =	sadd.s32 $0x100, s13;
	v21 =	vld [tilespmem:s14+$0x1D370];
	[tilespmem:s12+$0x1D380] =	vst v24;
	s12 =	smov.u32 s14  }
0x118: {  	v24 =	vld [tilespmem:s12+$0x1D380];
	_ =	sdelay $0x1  }
0x119: {  	v20 =	vmul.f32 $2.000000030e-01, v20;
	v23 =	vmul.f32 $8.000000110e-01, v23  }
0x11a: {  	v19 =	vmul.f32 $2.000000030e-01, v19;
	v22 =	vmul.f32 $8.000000110e-01, v22  }
0x11b: {  	v18 =	vmul.f32 $2.000000030e-01, v18;
	v20 =	vadd.f32 v23, v20;
	v21 =	vmul.f32 $8.000000110e-01, v21  }
0x11c: {  	v17 =	vmul.f32 $2.000000030e-01, v17;
	v19 =	vadd.f32 v22, v19;
	v63 =	vmul.f32 $8.000000110e-01, v24  }
0x11d: {  	[tilespmem:s12+$0x1D350] =	vst v20;
	v18 =	vadd.f32 v21, v18  }
0x11e: {  	s8 =	sadd.s32 $0x1, s8;
	[tilespmem:s12+$0x1D360] =	vst v19;
	v17 =	vadd.f32 v63, v17  }
0x11f: {  	p0 =	sne.s32 s8, s15;
	[tilespmem:s12+$0x1D370] =	vst v18  }
.Ltmp3:
0x120: {  	s11 =	sadd.s32 s10, s11;
	[tilespmem:s12+$0x1D380] =	vst v17;
	(pc) =	sbr.rel @p0 .LBB2_6-.Ltmp3, $4  }
0x121: {  	[hbm4b:s11+s3] =	stream.linear.scatter [tilespmem:s29], [sflag:$0x3], $0xC80, $0x38;
	[tilespmem:$0x1DFD0] =	vst v63  }
0x122: {  	_ =	swait.ge [sflag:s19], $0xC80  }
0x123: {  	[sflag:s19] =	ssyncset.done $0x0  }
0x124: {  	[sflag:s19] =	ssyncadd.s32 $0xFFFFF380  }
0x125: {  	s30 =	sadd.s32 $0x1, s30;
	s0 =	rddreg [dreg:$0x9]  }
0x126: {  	p0 =	sne.s32 s30, s0  }
.Ltmp4:
0x127: {  	_ = 	snop;
	(pc) =	sbr.rel @p0 .LBB2_1-.Ltmp4, $1  }
0x128: {  	_ =	sdelay $0x3  }
0x129: {  	_ =	sfence.sel $0x180000  }
0x12a: {  	[bflag:$0x0] =	sbarrier.arrive $0xFFFF  }
0x12b: {  	_ =	strace $0x9000004A  }
0x12c: {  	[bflag:$0x2] =	sbarrier.arrive $0xFFFF  }
0x12d: {  	p0 =	sne.s32 s4, $0x0;
	s0 =	rddreg [dreg:$0x3]  }
0x12e: {  	s0 =	sadd.s32 @!p0 $0x100000, s0  }
0x12f: {  	[sflag:s0] =	ssyncadd.tile.s32 @!p0 $0x1;
	_ =	shalt  }
.Lfunc_end2:
_tile_overlayer_lowered:
.L_overlay_start_2:
0x130: {  	(tag) =	ssettag $0x2  }
0x131: {  	s0 =	rddreg [dreg:$0x0];
	s2 =	stileid.u32  }
0x132: {  	s1 =	rddreg [dreg:$0x1];
	p0 =	sne.s32 s2, $0x0  }
0x133: {  	s3 =	rddreg [dreg:$0x2];
	[bflag:$0x3] =	sbarrier.arrive $0xFFFF;
	s2 =	simm.s32 @!p0 $0x1C03  }
0x134: {  	[timem:s3], [sflag:s2] =	dma.local @!p0 [hbm:s0], s1  }
0x135: {  	s0 =	simm.s32 @!p0 $0x3  }
0x136: {  	_ =	swait.ge @!p0 [sflag:s0], s1  }
0x137: {  	s1 =	ssub.s32 @!p0 $0x0, s1;
	[sflag:s0] =	ssyncset.done @!p0 $0x0  }
0x138: {  	[sflag:s0] =	ssyncadd.s32 @!p0 s1  }
0x139: {  	[bflag:$0x3] =	sbarrier.arrive $0xFFFF  }
0x13a: {  	_ =	shalt  }

</sc_bundles>
